<compile_context>
chip_gen: v7x
topology: tpu7x:2x2x1
jax: 0.10.2.dev20260603
libtpu: 0.0.44.dev20260713+nightly
codegen_flags: <defaults>
</compile_context>

<pallas_src>
import functools

import jax
import jax.numpy as jnp
from jax import lax
from jax.experimental import pallas as pl
from jax.experimental.pallas import tpu as pltpu
from jax.experimental.pallas import tpu_sc as plsc

N = 10000
E = 320000
D = 128

NC = 2
NS = 16
NW = NC * NS
CHUNK = 128
NCHUNK = 80
GCH = 8
NGRP = NCHUNK // GCH
EPW = CHUNK * NCHUNK
EPAD = EPW * NW
NCHUNK0 = 144
NCHUNK1 = 2 * NCHUNK - NCHUNK0
NGRP0 = NCHUNK0 // GCH
NGRP1 = NCHUNK1 // GCH
NPAD = 10112
RPS = NPAD // NS
DW = 16

_BLK = (0, 128, 256, 384, 504)

_MESH = plsc.VectorSubcoreMesh(core_axis_name="c", subcore_axis_name="s")


def _make_sc_agg(W):

    @functools.partial(
        pl.kernel,
        mesh=_MESH,
        out_type=jax.ShapeDtypeStruct((NC * NPAD, W), jnp.float32),
        scratch_types=[
            pltpu.VMEM((GCH, CHUNK), jnp.int32),
            pltpu.VMEM((GCH, CHUNK), jnp.int32),
            pltpu.VMEM((CHUNK, W), jnp.float32),
            pltpu.VMEM((CHUNK, W), jnp.float32),
            pltpu.VMEM_SHARED((NPAD, W), jnp.float32),
            pltpu.SemaphoreType.DMA,
            pltpu.SemaphoreType.DMA,
        ],
    )
    def agg(h_hbm, srcp, dstp, zrow, agg_out,
            src_v, dst_v, rows_a, rows_b, acc_sh, sem_a, sem_b):
        c = lax.axis_index("c")
        s = lax.axis_index("s")
        wid = c * NS + s
        bufs = ((rows_a, sem_a), (rows_b, sem_b))

        row0 = s * RPS
        pltpu.sync_copy(zrow, rows_a)
        for off in _BLK:
            pltpu.sync_copy(rows_a, acc_sh.at[pl.ds(row0 + off, CHUNK)])
        plsc.subcore_barrier()

        base_chunk = c * (NS * NCHUNK0) + s * jnp.where(c == 0, NCHUNK0, NCHUNK1)
        ngrp = jnp.where(c == 0, NGRP0, NGRP1)

        def group(g, carry):
            base = base_chunk + g * GCH
            pltpu.sync_copy(srcp.at[pl.ds(base, GCH)], src_v)
            pltpu.sync_copy(dstp.at[pl.ds(base, GCH)], dst_v)
            cp = pltpu.async_copy(h_hbm.at[src_v.at[0]], rows_a, sem_a)
            for b in range(GCH):
                buf, _ = bufs[b % 2]
                cp.wait()
                if b < GCH - 1:
                    nbuf, nsem = bufs[(b + 1) % 2]
                    cp = pltpu.async_copy(h_hbm.at[src_v.at[b + 1]], nbuf, nsem)
                pltpu.sync_copy(buf, acc_sh.at[dst_v.at[b]], add=True)
            return carry

        lax.fori_loop(0, ngrp, group, 0)
        plsc.subcore_barrier()

        out0 = wid * RPS
        for off in _BLK:
            pltpu.sync_copy(acc_sh.at[pl.ds(row0 + off, CHUNK)], rows_a)
            pltpu.sync_copy(rows_a, agg_out.at[pl.ds(out0 + off, CHUNK)])

    return agg


_sc_agg = _make_sc_agg(D)


@functools.partial(
    pl.kernel,
    mesh=_MESH,
    out_type=jax.ShapeDtypeStruct((NC * NPAD, D), jnp.float32),
    scratch_types=[
        pltpu.VMEM((GCH, CHUNK), jnp.int32),
        pltpu.VMEM((CHUNK, D), jnp.float32),
        pltpu.VMEM_SHARED((NPAD, D), jnp.float32),
    ],
)
def _sc_deg(onesrow, dstp, zrow, deg_out, dst_v, rows_v, acc_sh):
    c = lax.axis_index("c")
    s = lax.axis_index("s")
    wid = c * NS + s

    row0 = s * RPS
    pltpu.sync_copy(zrow, rows_v)
    for off in _BLK:
        pltpu.sync_copy(rows_v, acc_sh.at[pl.ds(row0 + off, CHUNK)])
    plsc.subcore_barrier()

    pltpu.sync_copy(onesrow, rows_v)

    def group(g, carry):
        base = wid * NCHUNK + g * GCH
        pltpu.sync_copy(dstp.at[pl.ds(base, GCH)], dst_v)
        for b in range(GCH):
            pltpu.sync_copy(rows_v, acc_sh.at[dst_v.at[b]], add=True)
        return carry

    lax.fori_loop(0, NGRP, group, 0)
    plsc.subcore_barrier()

    out0 = wid * RPS
    for off in _BLK:
        pltpu.sync_copy(acc_sh.at[pl.ds(row0 + off, CHUNK)], rows_v)
        pltpu.sync_copy(rows_v, deg_out.at[pl.ds(out0 + off, CHUNK)])



RB = 400
GRID = N // RB


def _tc_combine_body(aggp, degp, h, wl, b, wr, o):
    agg = aggp[0] + aggp[1]
    deg = degp[0][:, 0:1] + degp[1][:, 0:1]
    mean = agg * (1.0 / jnp.maximum(deg, 1.0))
    y = (lax.dot_general(mean, wl[...], (((1,), (1,)), ((), ())),
                         preferred_element_type=jnp.float32)
         + lax.dot_general(h[...], wr[...], (((1,), (1,)), ((), ())),
                           preferred_element_type=jnp.float32)
         + b[...])
    o[...] = jnp.maximum(y, 0.0)


def _tc_combine_fc_body(aggp, degp, h, wl, b, wr, wfc, bfc, o):
    agg = aggp[0] + aggp[1]
    deg = degp[0][:, 0:1] + degp[1][:, 0:1]
    mean = agg * (1.0 / jnp.maximum(deg, 1.0))
    y = (lax.dot_general(mean, wl[...], (((1,), (1,)), ((), ())),
                         preferred_element_type=jnp.float32)
         + lax.dot_general(h[...], wr[...], (((1,), (1,)), ((), ())),
                           preferred_element_type=jnp.float32)
         + b[...])
    y = jnp.maximum(y, 0.0)
    o[...] = lax.dot_general(y, wfc[...], (((1,), (1,)), ((), ())),
                             preferred_element_type=jnp.float32) + bfc[...]


_AGG_SPEC = pl.BlockSpec((2, RB, D), lambda i: (0, i, 0))
_DEG_SPEC = pl.BlockSpec((2, RB, DW), lambda i: (0, i, 0))
_ROW_SPEC = pl.BlockSpec((RB, D), lambda i: (i, 0))
_W_SPEC = pl.BlockSpec((D, D), lambda i: (0, 0))
_B_SPEC = pl.BlockSpec((1, D), lambda i: (0, 0))

_tc_combine = pl.pallas_call(
    _tc_combine_body,
    grid=(GRID,),
    in_specs=[_AGG_SPEC, _DEG_SPEC, _ROW_SPEC, _W_SPEC, _B_SPEC, _W_SPEC],
    out_specs=_ROW_SPEC,
    out_shape=jax.ShapeDtypeStruct((N, D), jnp.float32),
)

_tc_combine_fc = pl.pallas_call(
    _tc_combine_fc_body,
    grid=(GRID,),
    in_specs=[_AGG_SPEC, _DEG_SPEC, _ROW_SPEC, _W_SPEC, _B_SPEC, _W_SPEC,
              _W_SPEC, _B_SPEC],
    out_specs=_ROW_SPEC,
    out_shape=jax.ShapeDtypeStruct((N, D), jnp.float32),
)


def kernel(x, edge_index, W1l, b1, W1r, W2l, b2, W2r, W3l, b3, W3r, Wfc, bfc):
    src = edge_index[0].astype(jnp.int32)
    dst = edge_index[1].astype(jnp.int32)
    npad = EPAD - E
    srcp = jnp.concatenate([src, jnp.zeros((npad,), jnp.int32)]
                           ).reshape(NW * NCHUNK, CHUNK)
    dstp = jnp.concatenate([dst, jnp.full((npad,), N, jnp.int32)]
                           ).reshape(NW * NCHUNK, CHUNK)
    zrow = jnp.zeros((CHUNK, D), jnp.float32)
    onesrow = jnp.ones((CHUNK, D), jnp.float32)

    degp = _sc_deg(onesrow, dstp, zrow).reshape(NC, NPAD, D)[:, :, :DW]
    aggp1 = _sc_agg(x, srcp, dstp, zrow).reshape(NC, NPAD, D)
    h1 = _tc_combine(aggp1, degp, x, W1l, b1.reshape(1, D), W1r)
    aggp2 = _sc_agg(h1, srcp, dstp, zrow).reshape(NC, NPAD, D)
    h2 = _tc_combine(aggp2, degp, h1, W2l, b2.reshape(1, D), W2r)
    aggp3 = _sc_agg(h2, srcp, dstp, zrow).reshape(NC, NPAD, D)
    out = _tc_combine_fc(aggp3, degp, h2, W3l, b3.reshape(1, D), W3r,
                         Wfc, bfc.reshape(1, D))
    return out

# --- scband reference (transcript-rebuilt; emitter-appended) ---
"""Pipeline reference for scband-graph-sage-19086834663641 (READ-ONLY COPY).

The authoritative reference and input builder live on the scoring server;
editing this copy changes nothing except your own understanding.
"""

import jax, jax.numpy as jnp
import numpy as np

N = 10000
E = 320000
D_IN = 128
D_H = 128
D_OUT = 128


def _glorot(key, shape):
    fan_in, fan_out = shape[1], shape[0]
    limit = np.sqrt(6.0 / (fan_in + fan_out))
    return jax.random.uniform(key, shape, dtype=jnp.float32, minval=-limit, maxval=limit)


def setup_inputs(seed: int = 0) -> dict:
    key = jax.random.key(seed)
    ks = jax.random.split(key, 14)
    x = jax.random.normal(ks[0], (N, D_IN), dtype=jnp.float32)
    edge_index = jax.random.randint(ks[1], (2, E), 0, N, dtype=jnp.int64)
    return {
        "x": x,
        "edge_index": edge_index,
        "W1l": _glorot(ks[2], (D_H, D_IN)),
        "b1": jnp.zeros((D_H,), dtype=jnp.float32),
        "W1r": _glorot(ks[3], (D_H, D_IN)),
        "W2l": _glorot(ks[4], (D_H, D_H)),
        "b2": jnp.zeros((D_H,), dtype=jnp.float32),
        "W2r": _glorot(ks[5], (D_H, D_H)),
        "W3l": _glorot(ks[6], (D_H, D_H)),
        "b3": jnp.zeros((D_H,), dtype=jnp.float32),
        "W3r": _glorot(ks[7], (D_H, D_H)),
        "Wfc": _glorot(ks[8], (D_OUT, D_H)),
        "bfc": jnp.zeros((D_OUT,), dtype=jnp.float32),
    }


def _sage_conv(x, src, dst, Wl, bl, Wr):
    # PyG SAGEConv with mean aggregation:
    # out = lin_l(mean_{j in N(i)} x_j) + lin_r(x_i)
    msgs = jnp.take(x, src, axis=0)                        # gather [E, d]
    agg = jax.ops.segment_sum(msgs, dst, num_segments=N)   # scatter-add
    deg = jax.ops.segment_sum(jnp.ones((src.shape[0],), dtype=x.dtype), dst, num_segments=N)
    mean = agg / jnp.clip(deg, 1.0, None)[:, None]
    return mean @ Wl.T + bl + x @ Wr.T


def reference(x, edge_index, W1l, b1, W1r, W2l, b2, W2r, W3l, b3, W3r, Wfc, bfc):
    src = edge_index[0]
    dst = edge_index[1]
    h = _sage_conv(x, src, dst, W1l, b1, W1r)
    h = jax.nn.relu(h)
    # dropout p=0.5 is identity in eval mode
    h = _sage_conv(h, src, dst, W2l, b2, W2r)
    h = jax.nn.relu(h)
    h = _sage_conv(h, src, dst, W3l, b3, W3r)
    h = jax.nn.relu(h)
    out = h @ Wfc.T + bfc
    return out

if __name__ == "__main__":
    import jax
    _d = setup_inputs()
    print(jax.jit(kernel)(*tuple(_d.values())))

</pallas_src>

<mosaic_0001>
#map = affine_map<(d0, d1) -> (0, 0)>
module attributes {stable_mosaic.version = 14 : i64} {
  func.func @agg(%arg0: i32, %arg1: i32, %arg2: memref<10000x128xf32, #tpu.memory_space<hbm>>, %arg3: memref<2560x128xi32, #tpu.memory_space<hbm>>, %arg4: memref<2560x128xi32, #tpu.memory_space<hbm>>, %arg5: memref<128x128xf32, #tpu.memory_space<hbm>>, %arg6: memref<20224x128xf32, #tpu.memory_space<hbm>>, %arg7: memref<8x128xi32, #tpu.memory_space<vmem>>, %arg8: memref<8x128xi32, #tpu.memory_space<vmem>>, %arg9: memref<128x128xf32, #tpu.memory_space<vmem>>, %arg10: memref<128x128xf32, #tpu.memory_space<vmem>>, %arg11: memref<10112x128xf32, #tpu.memory_space<vmem_shared>>, %arg12: memref<!tpu.dma_semaphore, #tpu.memory_space<semaphore_mem>>, %arg13: memref<!tpu.dma_semaphore, #tpu.memory_space<semaphore_mem>>) attributes {dimension_semantics = [#tpu.dimension_semantics<core_parallel>, #tpu.dimension_semantics<subcore_parallel>], iteration_bounds = array<i64: 2, 16>, scalar_prefetch = 0 : i64, scratch_operands = 7 : i64, tpu.core_type = #tpu.core_type<sc_vector_subcore>, window_params = [{transform_indices = #map}, {transform_indices = #map}, {transform_indices = #map}, {transform_indices = #map}, {transform_indices = #map}]} {
    %mul3A = arith.constant 16 : i32
    %mul3A_0 = arith.muli %arg0, %mul3A : i32
    %add3A = arith.addi %mul3A_0, %arg1 : i32
    %mul3A_1 = arith.constant 632 : i32
    %mul3A_2 = arith.muli %arg1, %mul3A_1 : i32
    "tpu.region"() ({
      %run_scoped3A = tpu.sem_alloc : memref<!tpu.dma_semaphore, #tpu.memory_space<semaphore_mem>>
      tpu.enqueue_dma source(%arg5 : memref<128x128xf32, #tpu.memory_space<hbm>>) target(%arg9 : memref<128x128xf32, #tpu.memory_space<vmem>>) target_semaphore(%run_scoped3A : memref<!tpu.dma_semaphore, #tpu.memory_space<semaphore_mem>>)
      tpu.wait_dma2 semaphore(%run_scoped3A : memref<!tpu.dma_semaphore, #tpu.memory_space<semaphore_mem>>) src(%arg5 : memref<128x128xf32, #tpu.memory_space<hbm>>) dst(%arg9 : memref<128x128xf32, #tpu.memory_space<vmem>>)
      tpu.yield
    }) : () -> ()
    %add3A_3 = arith.constant 0 : i32
    %add3A_4 = arith.addi %mul3A_2, %add3A_3 : i32
    "tpu.region"() ({
      %run_scoped3A = tpu.sem_alloc : memref<!tpu.dma_semaphore, #tpu.memory_space<semaphore_mem>>
      %dma_start3A = arith.constant 0 : i32
      %dma_start3A_56 = tpu.memref_slice %arg11[%add3A_4, %dma_start3A] : memref<10112x128xf32, #tpu.memory_space<vmem_shared>> -> memref<128x128xf32, #tpu.memory_space<vmem_shared>>
      %dma_start3A_57 = arith.constant 0 : i32
      %dma_start3A_58 = tpu.memref_slice %arg11[%add3A_4, %dma_start3A_57] : memref<10112x128xf32, #tpu.memory_space<vmem_shared>> -> memref<128x128xf32, #tpu.memory_space<vmem_shared>>
      tpu.enqueue_dma source(%arg9 : memref<128x128xf32, #tpu.memory_space<vmem>>) target(%dma_start3A_58 : memref<128x128xf32, #tpu.memory_space<vmem_shared>>) target_semaphore(%run_scoped3A : memref<!tpu.dma_semaphore, #tpu.memory_space<semaphore_mem>>)
      %dma_wait3A = arith.constant 0 : i32
      %dma_wait3A_59 = tpu.memref_slice %arg11[%add3A_4, %dma_wait3A] : memref<10112x128xf32, #tpu.memory_space<vmem_shared>> -> memref<128x128xf32, #tpu.memory_space<vmem_shared>>
      %dma_wait3A_60 = arith.constant 0 : i32
      %dma_wait3A_61 = tpu.memref_slice %arg11[%add3A_4, %dma_wait3A_60] : memref<10112x128xf32, #tpu.memory_space<vmem_shared>> -> memref<128x128xf32, #tpu.memory_space<vmem_shared>>
      tpu.wait_dma2 semaphore(%run_scoped3A : memref<!tpu.dma_semaphore, #tpu.memory_space<semaphore_mem>>) src(%arg9 : memref<128x128xf32, #tpu.memory_space<vmem>>) dst(%dma_wait3A_61 : memref<128x128xf32, #tpu.memory_space<vmem_shared>>)
      tpu.yield
    }) : () -> ()
    %add3A_5 = arith.constant 128 : i32
    %add3A_6 = arith.addi %mul3A_2, %add3A_5 : i32
    "tpu.region"() ({
      %run_scoped3A = tpu.sem_alloc : memref<!tpu.dma_semaphore, #tpu.memory_space<semaphore_mem>>
      %dma_start3A = arith.constant 0 : i32
      %dma_start3A_56 = tpu.memref_slice %arg11[%add3A_6, %dma_start3A] : memref<10112x128xf32, #tpu.memory_space<vmem_shared>> -> memref<128x128xf32, #tpu.memory_space<vmem_shared>>
      %dma_start3A_57 = arith.constant 0 : i32
      %dma_start3A_58 = tpu.memref_slice %arg11[%add3A_6, %dma_start3A_57] : memref<10112x128xf32, #tpu.memory_space<vmem_shared>> -> memref<128x128xf32, #tpu.memory_space<vmem_shared>>
      tpu.enqueue_dma source(%arg9 : memref<128x128xf32, #tpu.memory_space<vmem>>) target(%dma_start3A_58 : memref<128x128xf32, #tpu.memory_space<vmem_shared>>) target_semaphore(%run_scoped3A : memref<!tpu.dma_semaphore, #tpu.memory_space<semaphore_mem>>)
      %dma_wait3A = arith.constant 0 : i32
      %dma_wait3A_59 = tpu.memref_slice %arg11[%add3A_6, %dma_wait3A] : memref<10112x128xf32, #tpu.memory_space<vmem_shared>> -> memref<128x128xf32, #tpu.memory_space<vmem_shared>>
      %dma_wait3A_60 = arith.constant 0 : i32
      %dma_wait3A_61 = tpu.memref_slice %arg11[%add3A_6, %dma_wait3A_60] : memref<10112x128xf32, #tpu.memory_space<vmem_shared>> -> memref<128x128xf32, #tpu.memory_space<vmem_shared>>
      tpu.wait_dma2 semaphore(%run_scoped3A : memref<!tpu.dma_semaphore, #tpu.memory_space<semaphore_mem>>) src(%arg9 : memref<128x128xf32, #tpu.memory_space<vmem>>) dst(%dma_wait3A_61 : memref<128x128xf32, #tpu.memory_space<vmem_shared>>)
      tpu.yield
    }) : () -> ()
    %add3A_7 = arith.constant 256 : i32
    %add3A_8 = arith.addi %mul3A_2, %add3A_7 : i32
    "tpu.region"() ({
      %run_scoped3A = tpu.sem_alloc : memref<!tpu.dma_semaphore, #tpu.memory_space<semaphore_mem>>
      %dma_start3A = arith.constant 0 : i32
      %dma_start3A_56 = tpu.memref_slice %arg11[%add3A_8, %dma_start3A] : memref<10112x128xf32, #tpu.memory_space<vmem_shared>> -> memref<128x128xf32, #tpu.memory_space<vmem_shared>>
      %dma_start3A_57 = arith.constant 0 : i32
      %dma_start3A_58 = tpu.memref_slice %arg11[%add3A_8, %dma_start3A_57] : memref<10112x128xf32, #tpu.memory_space<vmem_shared>> -> memref<128x128xf32, #tpu.memory_space<vmem_shared>>
      tpu.enqueue_dma source(%arg9 : memref<128x128xf32, #tpu.memory_space<vmem>>) target(%dma_start3A_58 : memref<128x128xf32, #tpu.memory_space<vmem_shared>>) target_semaphore(%run_scoped3A : memref<!tpu.dma_semaphore, #tpu.memory_space<semaphore_mem>>)
      %dma_wait3A = arith.constant 0 : i32
      %dma_wait3A_59 = tpu.memref_slice %arg11[%add3A_8, %dma_wait3A] : memref<10112x128xf32, #tpu.memory_space<vmem_shared>> -> memref<128x128xf32, #tpu.memory_space<vmem_shared>>
      %dma_wait3A_60 = arith.constant 0 : i32
      %dma_wait3A_61 = tpu.memref_slice %arg11[%add3A_8, %dma_wait3A_60] : memref<10112x128xf32, #tpu.memory_space<vmem_shared>> -> memref<128x128xf32, #tpu.memory_space<vmem_shared>>
      tpu.wait_dma2 semaphore(%run_scoped3A : memref<!tpu.dma_semaphore, #tpu.memory_space<semaphore_mem>>) src(%arg9 : memref<128x128xf32, #tpu.memory_space<vmem>>) dst(%dma_wait3A_61 : memref<128x128xf32, #tpu.memory_space<vmem_shared>>)
      tpu.yield
    }) : () -> ()
    %add3A_9 = arith.constant 384 : i32
    %add3A_10 = arith.addi %mul3A_2, %add3A_9 : i32
    "tpu.region"() ({
      %run_scoped3A = tpu.sem_alloc : memref<!tpu.dma_semaphore, #tpu.memory_space<semaphore_mem>>
      %dma_start3A = arith.constant 0 : i32
      %dma_start3A_56 = tpu.memref_slice %arg11[%add3A_10, %dma_start3A] : memref<10112x128xf32, #tpu.memory_space<vmem_shared>> -> memref<128x128xf32, #tpu.memory_space<vmem_shared>>
      %dma_start3A_57 = arith.constant 0 : i32
      %dma_start3A_58 = tpu.memref_slice %arg11[%add3A_10, %dma_start3A_57] : memref<10112x128xf32, #tpu.memory_space<vmem_shared>> -> memref<128x128xf32, #tpu.memory_space<vmem_shared>>
      tpu.enqueue_dma source(%arg9 : memref<128x128xf32, #tpu.memory_space<vmem>>) target(%dma_start3A_58 : memref<128x128xf32, #tpu.memory_space<vmem_shared>>) target_semaphore(%run_scoped3A : memref<!tpu.dma_semaphore, #tpu.memory_space<semaphore_mem>>)
      %dma_wait3A = arith.constant 0 : i32
      %dma_wait3A_59 = tpu.memref_slice %arg11[%add3A_10, %dma_wait3A] : memref<10112x128xf32, #tpu.memory_space<vmem_shared>> -> memref<128x128xf32, #tpu.memory_space<vmem_shared>>
      %dma_wait3A_60 = arith.constant 0 : i32
      %dma_wait3A_61 = tpu.memref_slice %arg11[%add3A_10, %dma_wait3A_60] : memref<10112x128xf32, #tpu.memory_space<vmem_shared>> -> memref<128x128xf32, #tpu.memory_space<vmem_shared>>
      tpu.wait_dma2 semaphore(%run_scoped3A : memref<!tpu.dma_semaphore, #tpu.memory_space<semaphore_mem>>) src(%arg9 : memref<128x128xf32, #tpu.memory_space<vmem>>) dst(%dma_wait3A_61 : memref<128x128xf32, #tpu.memory_space<vmem_shared>>)
      tpu.yield
    }) : () -> ()
    %add3A_11 = arith.constant 504 : i32
    %add3A_12 = arith.addi %mul3A_2, %add3A_11 : i32
    "tpu.region"() ({
      %run_scoped3A = tpu.sem_alloc : memref<!tpu.dma_semaphore, #tpu.memory_space<semaphore_mem>>
      %dma_start3A = arith.constant 0 : i32
      %dma_start3A_56 = tpu.memref_slice %arg11[%add3A_12, %dma_start3A] : memref<10112x128xf32, #tpu.memory_space<vmem_shared>> -> memref<128x128xf32, #tpu.memory_space<vmem_shared>>
      %dma_start3A_57 = arith.constant 0 : i32
      %dma_start3A_58 = tpu.memref_slice %arg11[%add3A_12, %dma_start3A_57] : memref<10112x128xf32, #tpu.memory_space<vmem_shared>> -> memref<128x128xf32, #tpu.memory_space<vmem_shared>>
      tpu.enqueue_dma source(%arg9 : memref<128x128xf32, #tpu.memory_space<vmem>>) target(%dma_start3A_58 : memref<128x128xf32, #tpu.memory_space<vmem_shared>>) target_semaphore(%run_scoped3A : memref<!tpu.dma_semaphore, #tpu.memory_space<semaphore_mem>>)
      %dma_wait3A = arith.constant 0 : i32
      %dma_wait3A_59 = tpu.memref_slice %arg11[%add3A_12, %dma_wait3A] : memref<10112x128xf32, #tpu.memory_space<vmem_shared>> -> memref<128x128xf32, #tpu.memory_space<vmem_shared>>
      %dma_wait3A_60 = arith.constant 0 : i32
      %dma_wait3A_61 = tpu.memref_slice %arg11[%add3A_12, %dma_wait3A_60] : memref<10112x128xf32, #tpu.memory_space<vmem_shared>> -> memref<128x128xf32, #tpu.memory_space<vmem_shared>>
      tpu.wait_dma2 semaphore(%run_scoped3A : memref<!tpu.dma_semaphore, #tpu.memory_space<semaphore_mem>>) src(%arg9 : memref<128x128xf32, #tpu.memory_space<vmem>>) dst(%dma_wait3A_61 : memref<128x128xf32, #tpu.memory_space<vmem_shared>>)
      tpu.yield
    }) : () -> ()
    %barrier3A = arith.constant 0 : index
    tpu.barrier barrier_id(%barrier3A)
    %mul3A_13 = arith.constant 2304 : i32
    %mul3A_14 = arith.muli %arg0, %mul3A_13 : i32
    %eq3A = arith.constant 0 : i32
    %eq3A_15 = arith.cmpi eq, %arg0, %eq3A : i32
    %jit3A = arith.constant 144 : i32
    %jit3A_16 = arith.constant 16 : i32
    %select_n3A = arith.select %eq3A_15, %jit3A, %jit3A_16 : i32
    %mul3A_17 = arith.muli %arg1, %select_n3A : i32
    %add3A_18 = arith.addi %mul3A_14, %mul3A_17 : i32
    %eq3A_19 = arith.constant 0 : i32
    %eq3A_20 = arith.cmpi eq, %arg0, %eq3A_19 : i32
    %jit3A_21 = arith.constant 18 : i32
    %jit3A_22 = arith.constant 2 : i32
    %select_n3A_23 = arith.select %eq3A_20, %jit3A_21, %jit3A_22 : i32
    %while3A = arith.constant 0 : i32
    %while3A_24 = arith.constant 0 : i32
    %while3A_25 = arith.subi %select_n3A_23, %while3A_24 : i32
    %while3A_26 = arith.addi %while3A_24, %while3A_25 : i32
    %while3A_27 = arith.constant 1 : i32
    %while3A_28 = arith.divsi %while3A_25, %while3A_27 : i32
    %while3A_29 = arith.muli %while3A_28, %while3A_27 : i32
    %while3A_30 = arith.addi %while3A_24, %while3A_29 : i32
    %while3A_31 = arith.constant 1 : i32
    scf.for %while3A_56 = %while3A_24 to %while3A_30 step %while3A_31  : i32 {
      %mul3A_57 = arith.constant 8 : i32
      %mul3A_58 = arith.muli %while3A_56, %mul3A_57 : i32
      %add3A_59 = arith.addi %add3A_18, %mul3A_58 : i32
      "tpu.region"() ({
        %run_scoped3A_177 = tpu.sem_alloc : memref<!tpu.dma_semaphore, #tpu.memory_space<semaphore_mem>>
        %dma_start3A_178 = arith.constant 0 : i32
        %dma_start3A_179 = tpu.memref_slice %arg3[%add3A_59, %dma_start3A_178] : memref<2560x128xi32, #tpu.memory_space<hbm>> -> memref<8x128xi32, #tpu.memory_space<hbm>>
        %dma_start3A_180 = arith.constant 0 : i32
        %dma_start3A_181 = tpu.memref_slice %arg3[%add3A_59, %dma_start3A_180] : memref<2560x128xi32, #tpu.memory_space<hbm>> -> memref<8x128xi32, #tpu.memory_space<hbm>>
        tpu.enqueue_dma source(%dma_start3A_181 : memref<8x128xi32, #tpu.memory_space<hbm>>) target(%arg7 : memref<8x128xi32, #tpu.memory_space<vmem>>) target_semaphore(%run_scoped3A_177 : memref<!tpu.dma_semaphore, #tpu.memory_space<semaphore_mem>>)
        %dma_wait3A_182 = arith.constant 0 : i32
        %dma_wait3A_183 = tpu.memref_slice %arg3[%add3A_59, %dma_wait3A_182] : memref<2560x128xi32, #tpu.memory_space<hbm>> -> memref<8x128xi32, #tpu.memory_space<hbm>>
        %dma_wait3A_184 = arith.constant 0 : i32
        %dma_wait3A_185 = tpu.memref_slice %arg3[%add3A_59, %dma_wait3A_184] : memref<2560x128xi32, #tpu.memory_space<hbm>> -> memref<8x128xi32, #tpu.memory_space<hbm>>
        tpu.wait_dma2 semaphore(%run_scoped3A_177 : memref<!tpu.dma_semaphore, #tpu.memory_space<semaphore_mem>>) src(%dma_wait3A_185 : memref<8x128xi32, #tpu.memory_space<hbm>>) dst(%arg7 : memref<8x128xi32, #tpu.memory_space<vmem>>)
        tpu.yield
      }) : () -> ()
      "tpu.region"() ({
        %run_scoped3A_177 = tpu.sem_alloc : memref<!tpu.dma_semaphore, #tpu.memory_space<semaphore_mem>>
        %dma_start3A_178 = arith.constant 0 : i32
        %dma_start3A_179 = tpu.memref_slice %arg4[%add3A_59, %dma_start3A_178] : memref<2560x128xi32, #tpu.memory_space<hbm>> -> memref<8x128xi32, #tpu.memory_space<hbm>>
        %dma_start3A_180 = arith.constant 0 : i32
        %dma_start3A_181 = tpu.memref_slice %arg4[%add3A_59, %dma_start3A_180] : memref<2560x128xi32, #tpu.memory_space<hbm>> -> memref<8x128xi32, #tpu.memory_space<hbm>>
        tpu.enqueue_dma source(%dma_start3A_181 : memref<8x128xi32, #tpu.memory_space<hbm>>) target(%arg8 : memref<8x128xi32, #tpu.memory_space<vmem>>) target_semaphore(%run_scoped3A_177 : memref<!tpu.dma_semaphore, #tpu.memory_space<semaphore_mem>>)
        %dma_wait3A_182 = arith.constant 0 : i32
        %dma_wait3A_183 = tpu.memref_slice %arg4[%add3A_59, %dma_wait3A_182] : memref<2560x128xi32, #tpu.memory_space<hbm>> -> memref<8x128xi32, #tpu.memory_space<hbm>>
        %dma_wait3A_184 = arith.constant 0 : i32
        %dma_wait3A_185 = tpu.memref_slice %arg4[%add3A_59, %dma_wait3A_184] : memref<2560x128xi32, #tpu.memory_space<hbm>> -> memref<8x128xi32, #tpu.memory_space<hbm>>
        tpu.wait_dma2 semaphore(%run_scoped3A_177 : memref<!tpu.dma_semaphore, #tpu.memory_space<semaphore_mem>>) src(%dma_wait3A_185 : memref<8x128xi32, #tpu.memory_space<hbm>>) dst(%arg8 : memref<8x128xi32, #tpu.memory_space<vmem>>)
        tpu.yield
      }) : () -> ()
      %dma_start3A = arith.constant 0 : i32
      %dma_start3A_60 = arith.constant 0 : i32
      %dma_start3A_61 = tpu.memref_slice %arg7[%dma_start3A, %dma_start3A_60] : memref<8x128xi32, #tpu.memory_space<vmem>> -> memref<1x128xi32, #tpu.memory_space<vmem>>
      %dma_start3A_62 = tpu.memref_squeeze %dma_start3A_61 : memref<1x128xi32, #tpu.memory_space<vmem>> -> memref<128xi32, #tpu.memory_space<vmem>>
      %dma_start3A_63 = arith.constant 0 : i32
      %dma_start3A_64 = arith.constant 0 : i32
      %dma_start3A_65 = tpu.memref_slice %arg2[%dma_start3A_63, %dma_start3A_64] : memref<10000x128xf32, #tpu.memory_space<hbm>> -> memref<10000x128xf32, #tpu.memory_space<hbm>>
      tpu.enqueue_indirect_dma source(%dma_start3A_65 : memref<10000x128xf32, #tpu.memory_space<hbm>>) target(%arg9 : memref<128x128xf32, #tpu.memory_space<vmem>>) offsets(%dma_start3A_62 : memref<128xi32, #tpu.memory_space<vmem>>) semaphore(%arg12 : memref<!tpu.dma_semaphore, #tpu.memory_space<semaphore_mem>>)
      %dma_wait3A = arith.constant 0 : i32
      %dma_wait3A_66 = arith.constant 0 : i32
      %dma_wait3A_67 = tpu.memref_slice %arg7[%dma_wait3A, %dma_wait3A_66] : memref<8x128xi32, #tpu.memory_space<vmem>> -> memref<1x128xi32, #tpu.memory_space<vmem>>
      %dma_wait3A_68 = tpu.memref_squeeze %dma_wait3A_67 : memref<1x128xi32, #tpu.memory_space<vmem>> -> memref<128xi32, #tpu.memory_space<vmem>>
      %dma_wait3A_69 = arith.constant 0 : i32
      %dma_wait3A_70 = arith.constant 0 : i32
      %dma_wait3A_71 = tpu.memref_slice %arg2[%dma_wait3A_69, %dma_wait3A_70] : memref<10000x128xf32, #tpu.memory_space<hbm>> -> memref<10000x128xf32, #tpu.memory_space<hbm>>
      tpu.wait_indirect_dma semaphore(%arg12 : memref<!tpu.dma_semaphore, #tpu.memory_space<semaphore_mem>>) src(%dma_wait3A_71 : memref<10000x128xf32, #tpu.memory_space<hbm>>) dst(%arg9 : memref<128x128xf32, #tpu.memory_space<vmem>>)
      %dma_start3A_72 = arith.constant 1 : i32
      %dma_start3A_73 = arith.constant 0 : i32
      %dma_start3A_74 = tpu.memref_slice %arg7[%dma_start3A_72, %dma_start3A_73] : memref<8x128xi32, #tpu.memory_space<vmem>> -> memref<1x128xi32, #tpu.memory_space<vmem>>
      %dma_start3A_75 = tpu.memref_squeeze %dma_start3A_74 : memref<1x128xi32, #tpu.memory_space<vmem>> -> memref<128xi32, #tpu.memory_space<vmem>>
      %dma_start3A_76 = arith.constant 0 : i32
      %dma_start3A_77 = arith.constant 0 : i32
      %dma_start3A_78 = tpu.memref_slice %arg2[%dma_start3A_76, %dma_start3A_77] : memref<10000x128xf32, #tpu.memory_space<hbm>> -> memref<10000x128xf32, #tpu.memory_space<hbm>>
      tpu.enqueue_indirect_dma source(%dma_start3A_78 : memref<10000x128xf32, #tpu.memory_space<hbm>>) target(%arg10 : memref<128x128xf32, #tpu.memory_space<vmem>>) offsets(%dma_start3A_75 : memref<128xi32, #tpu.memory_space<vmem>>) semaphore(%arg13 : memref<!tpu.dma_semaphore, #tpu.memory_space<semaphore_mem>>)
      %run_scoped3A = arith.constant 0 : i32
      "tpu.region"() ({
        %run_scoped3A_177 = tpu.sem_alloc : memref<!tpu.dma_semaphore, #tpu.memory_space<semaphore_mem>>
        %dma_start3A_178 = arith.constant 0 : i32
        %dma_start3A_179 = tpu.memref_slice %arg8[%run_scoped3A, %dma_start3A_178] : memref<8x128xi32, #tpu.memory_space<vmem>> -> memref<1x128xi32, #tpu.memory_space<vmem>>
        %dma_start3A_180 = tpu.memref_squeeze %dma_start3A_179 : memref<1x128xi32, #tpu.memory_space<vmem>> -> memref<128xi32, #tpu.memory_space<vmem>>
        %dma_start3A_181 = arith.constant 0 : i32
        %dma_start3A_182 = arith.constant 0 : i32
        %dma_start3A_183 = tpu.memref_slice %arg11[%dma_start3A_181, %dma_start3A_182] : memref<10112x128xf32, #tpu.memory_space<vmem_shared>> -> memref<10112x128xf32, #tpu.memory_space<vmem_shared>>
        tpu.enqueue_indirect_dma source(%arg9 : memref<128x128xf32, #tpu.memory_space<vmem>>) target(%dma_start3A_183 : memref<10112x128xf32, #tpu.memory_space<vmem_shared>>) offsets(%dma_start3A_180 : memref<128xi32, #tpu.memory_space<vmem>>) semaphore(%run_scoped3A_177 : memref<!tpu.dma_semaphore, #tpu.memory_space<semaphore_mem>>) {add = true}
        %dma_wait3A_184 = arith.constant 0 : i32
        %dma_wait3A_185 = tpu.memref_slice %arg8[%run_scoped3A, %dma_wait3A_184] : memref<8x128xi32, #tpu.memory_space<vmem>> -> memref<1x128xi32, #tpu.memory_space<vmem>>
        %dma_wait3A_186 = tpu.memref_squeeze %dma_wait3A_185 : memref<1x128xi32, #tpu.memory_space<vmem>> -> memref<128xi32, #tpu.memory_space<vmem>>
        %dma_wait3A_187 = arith.constant 0 : i32
        %dma_wait3A_188 = arith.constant 0 : i32
        %dma_wait3A_189 = tpu.memref_slice %arg11[%dma_wait3A_187, %dma_wait3A_188] : memref<10112x128xf32, #tpu.memory_space<vmem_shared>> -> memref<10112x128xf32, #tpu.memory_space<vmem_shared>>
        tpu.wait_indirect_dma semaphore(%run_scoped3A_177 : memref<!tpu.dma_semaphore, #tpu.memory_space<semaphore_mem>>) src(%arg9 : memref<128x128xf32, #tpu.memory_space<vmem>>) dst(%dma_wait3A_189 : memref<10112x128xf32, #tpu.memory_space<vmem_shared>>)
        tpu.yield
      }) : () -> ()
      %dma_wait3A_79 = arith.constant 1 : i32
      %dma_wait3A_80 = arith.constant 0 : i32
      %dma_wait3A_81 = tpu.memref_slice %arg7[%dma_wait3A_79, %dma_wait3A_80] : memref<8x128xi32, #tpu.memory_space<vmem>> -> memref<1x128xi32, #tpu.memory_space<vmem>>
      %dma_wait3A_82 = tpu.memref_squeeze %dma_wait3A_81 : memref<1x128xi32, #tpu.memory_space<vmem>> -> memref<128xi32, #tpu.memory_space<vmem>>
      %dma_wait3A_83 = arith.constant 0 : i32
      %dma_wait3A_84 = arith.constant 0 : i32
      %dma_wait3A_85 = tpu.memref_slice %arg2[%dma_wait3A_83, %dma_wait3A_84] : memref<10000x128xf32, #tpu.memory_space<hbm>> -> memref<10000x128xf32, #tpu.memory_space<hbm>>
      tpu.wait_indirect_dma semaphore(%arg13 : memref<!tpu.dma_semaphore, #tpu.memory_space<semaphore_mem>>) src(%dma_wait3A_85 : memref<10000x128xf32, #tpu.memory_space<hbm>>) dst(%arg10 : memref<128x128xf32, #tpu.memory_space<vmem>>)
      %dma_start3A_86 = arith.constant 2 : i32
      %dma_start3A_87 = arith.constant 0 : i32
      %dma_start3A_88 = tpu.memref_slice %arg7[%dma_start3A_86, %dma_start3A_87] : memref<8x128xi32, #tpu.memory_space<vmem>> -> memref<1x128xi32, #tpu.memory_space<vmem>>
      %dma_start3A_89 = tpu.memref_squeeze %dma_start3A_88 : memref<1x128xi32, #tpu.memory_space<vmem>> -> memref<128xi32, #tpu.memory_space<vmem>>
      %dma_start3A_90 = arith.constant 0 : i32
      %dma_start3A_91 = arith.constant 0 : i32
      %dma_start3A_92 = tpu.memref_slice %arg2[%dma_start3A_90, %dma_start3A_91] : memref<10000x128xf32, #tpu.memory_space<hbm>> -> memref<10000x128xf32, #tpu.memory_space<hbm>>
      tpu.enqueue_indirect_dma source(%dma_start3A_92 : memref<10000x128xf32, #tpu.memory_space<hbm>>) target(%arg9 : memref<128x128xf32, #tpu.memory_space<vmem>>) offsets(%dma_start3A_89 : memref<128xi32, #tpu.memory_space<vmem>>) semaphore(%arg12 : memref<!tpu.dma_semaphore, #tpu.memory_space<semaphore_mem>>)
      %run_scoped3A_93 = arith.constant 1 : i32
      "tpu.region"() ({
        %run_scoped3A_177 = tpu.sem_alloc : memref<!tpu.dma_semaphore, #tpu.memory_space<semaphore_mem>>
        %dma_start3A_178 = arith.constant 0 : i32
        %dma_start3A_179 = tpu.memref_slice %arg8[%run_scoped3A_93, %dma_start3A_178] : memref<8x128xi32, #tpu.memory_space<vmem>> -> memref<1x128xi32, #tpu.memory_space<vmem>>
        %dma_start3A_180 = tpu.memref_squeeze %dma_start3A_179 : memref<1x128xi32, #tpu.memory_space<vmem>> -> memref<128xi32, #tpu.memory_space<vmem>>
        %dma_start3A_181 = arith.constant 0 : i32
        %dma_start3A_182 = arith.constant 0 : i32
        %dma_start3A_183 = tpu.memref_slice %arg11[%dma_start3A_181, %dma_start3A_182] : memref<10112x128xf32, #tpu.memory_space<vmem_shared>> -> memref<10112x128xf32, #tpu.memory_space<vmem_shared>>
        tpu.enqueue_indirect_dma source(%arg10 : memref<128x128xf32, #tpu.memory_space<vmem>>) target(%dma_start3A_183 : memref<10112x128xf32, #tpu.memory_space<vmem_shared>>) offsets(%dma_start3A_180 : memref<128xi32, #tpu.memory_space<vmem>>) semaphore(%run_scoped3A_177 : memref<!tpu.dma_semaphore, #tpu.memory_space<semaphore_mem>>) {add = true}
        %dma_wait3A_184 = arith.constant 0 : i32
        %dma_wait3A_185 = tpu.memref_slice %arg8[%run_scoped3A_93, %dma_wait3A_184] : memref<8x128xi32, #tpu.memory_space<vmem>> -> memref<1x128xi32, #tpu.memory_space<vmem>>
        %dma_wait3A_186 = tpu.memref_squeeze %dma_wait3A_185 : memref<1x128xi32, #tpu.memory_space<vmem>> -> memref<128xi32, #tpu.memory_space<vmem>>
        %dma_wait3A_187 = arith.constant 0 : i32
        %dma_wait3A_188 = arith.constant 0 : i32
        %dma_wait3A_189 = tpu.memref_slice %arg11[%dma_wait3A_187, %dma_wait3A_188] : memref<10112x128xf32, #tpu.memory_space<vmem_shared>> -> memref<10112x128xf32, #tpu.memory_space<vmem_shared>>
        tpu.wait_indirect_dma semaphore(%run_scoped3A_177 : memref<!tpu.dma_semaphore, #tpu.memory_space<semaphore_mem>>) src(%arg10 : memref<128x128xf32, #tpu.memory_space<vmem>>) dst(%dma_wait3A_189 : memref<10112x128xf32, #tpu.memory_space<vmem_shared>>)
        tpu.yield
      }) : () -> ()
      %dma_wait3A_94 = arith.constant 2 : i32
      %dma_wait3A_95 = arith.constant 0 : i32
      %dma_wait3A_96 = tpu.memref_slice %arg7[%dma_wait3A_94, %dma_wait3A_95] : memref<8x128xi32, #tpu.memory_space<vmem>> -> memref<1x128xi32, #tpu.memory_space<vmem>>
      %dma_wait3A_97 = tpu.memref_squeeze %dma_wait3A_96 : memref<1x128xi32, #tpu.memory_space<vmem>> -> memref<128xi32, #tpu.memory_space<vmem>>
      %dma_wait3A_98 = arith.constant 0 : i32
      %dma_wait3A_99 = arith.constant 0 : i32
      %dma_wait3A_100 = tpu.memref_slice %arg2[%dma_wait3A_98, %dma_wait3A_99] : memref<10000x128xf32, #tpu.memory_space<hbm>> -> memref<10000x128xf32, #tpu.memory_space<hbm>>
      tpu.wait_indirect_dma semaphore(%arg12 : memref<!tpu.dma_semaphore, #tpu.memory_space<semaphore_mem>>) src(%dma_wait3A_100 : memref<10000x128xf32, #tpu.memory_space<hbm>>) dst(%arg9 : memref<128x128xf32, #tpu.memory_space<vmem>>)
      %dma_start3A_101 = arith.constant 3 : i32
      %dma_start3A_102 = arith.constant 0 : i32
      %dma_start3A_103 = tpu.memref_slice %arg7[%dma_start3A_101, %dma_start3A_102] : memref<8x128xi32, #tpu.memory_space<vmem>> -> memref<1x128xi32, #tpu.memory_space<vmem>>
      %dma_start3A_104 = tpu.memref_squeeze %dma_start3A_103 : memref<1x128xi32, #tpu.memory_space<vmem>> -> memref<128xi32, #tpu.memory_space<vmem>>
      %dma_start3A_105 = arith.constant 0 : i32
      %dma_start3A_106 = arith.constant 0 : i32
      %dma_start3A_107 = tpu.memref_slice %arg2[%dma_start3A_105, %dma_start3A_106] : memref<10000x128xf32, #tpu.memory_space<hbm>> -> memref<10000x128xf32, #tpu.memory_space<hbm>>
      tpu.enqueue_indirect_dma source(%dma_start3A_107 : memref<10000x128xf32, #tpu.memory_space<hbm>>) target(%arg10 : memref<128x128xf32, #tpu.memory_space<vmem>>) offsets(%dma_start3A_104 : memref<128xi32, #tpu.memory_space<vmem>>) semaphore(%arg13 : memref<!tpu.dma_semaphore, #tpu.memory_space<semaphore_mem>>)
      %run_scoped3A_108 = arith.constant 2 : i32
      "tpu.region"() ({
        %run_scoped3A_177 = tpu.sem_alloc : memref<!tpu.dma_semaphore, #tpu.memory_space<semaphore_mem>>
        %dma_start3A_178 = arith.constant 0 : i32
        %dma_start3A_179 = tpu.memref_slice %arg8[%run_scoped3A_108, %dma_start3A_178] : memref<8x128xi32, #tpu.memory_space<vmem>> -> memref<1x128xi32, #tpu.memory_space<vmem>>
        %dma_start3A_180 = tpu.memref_squeeze %dma_start3A_179 : memref<1x128xi32, #tpu.memory_space<vmem>> -> memref<128xi32, #tpu.memory_space<vmem>>
        %dma_start3A_181 = arith.constant 0 : i32
        %dma_start3A_182 = arith.constant 0 : i32
        %dma_start3A_183 = tpu.memref_slice %arg11[%dma_start3A_181, %dma_start3A_182] : memref<10112x128xf32, #tpu.memory_space<vmem_shared>> -> memref<10112x128xf32, #tpu.memory_space<vmem_shared>>
        tpu.enqueue_indirect_dma source(%arg9 : memref<128x128xf32, #tpu.memory_space<vmem>>) target(%dma_start3A_183 : memref<10112x128xf32, #tpu.memory_space<vmem_shared>>) offsets(%dma_start3A_180 : memref<128xi32, #tpu.memory_space<vmem>>) semaphore(%run_scoped3A_177 : memref<!tpu.dma_semaphore, #tpu.memory_space<semaphore_mem>>) {add = true}
        %dma_wait3A_184 = arith.constant 0 : i32
        %dma_wait3A_185 = tpu.memref_slice %arg8[%run_scoped3A_108, %dma_wait3A_184] : memref<8x128xi32, #tpu.memory_space<vmem>> -> memref<1x128xi32, #tpu.memory_space<vmem>>
        %dma_wait3A_186 = tpu.memref_squeeze %dma_wait3A_185 : memref<1x128xi32, #tpu.memory_space<vmem>> -> memref<128xi32, #tpu.memory_space<vmem>>
        %dma_wait3A_187 = arith.constant 0 : i32
        %dma_wait3A_188 = arith.constant 0 : i32
        %dma_wait3A_189 = tpu.memref_slice %arg11[%dma_wait3A_187, %dma_wait3A_188] : memref<10112x128xf32, #tpu.memory_space<vmem_shared>> -> memref<10112x128xf32, #tpu.memory_space<vmem_shared>>
        tpu.wait_indirect_dma semaphore(%run_scoped3A_177 : memref<!tpu.dma_semaphore, #tpu.memory_space<semaphore_mem>>) src(%arg9 : memref<128x128xf32, #tpu.memory_space<vmem>>) dst(%dma_wait3A_189 : memref<10112x128xf32, #tpu.memory_space<vmem_shared>>)
        tpu.yield
      }) : () -> ()
      %dma_wait3A_109 = arith.constant 3 : i32
      %dma_wait3A_110 = arith.constant 0 : i32
      %dma_wait3A_111 = tpu.memref_slice %arg7[%dma_wait3A_109, %dma_wait3A_110] : memref<8x128xi32, #tpu.memory_space<vmem>> -> memref<1x128xi32, #tpu.memory_space<vmem>>
      %dma_wait3A_112 = tpu.memref_squeeze %dma_wait3A_111 : memref<1x128xi32, #tpu.memory_space<vmem>> -> memref<128xi32, #tpu.memory_space<vmem>>
      %dma_wait3A_113 = arith.constant 0 : i32
      %dma_wait3A_114 = arith.constant 0 : i32
      %dma_wait3A_115 = tpu.memref_slice %arg2[%dma_wait3A_113, %dma_wait3A_114] : memref<10000x128xf32, #tpu.memory_space<hbm>> -> memref<10000x128xf32, #tpu.memory_space<hbm>>
      tpu.wait_indirect_dma semaphore(%arg13 : memref<!tpu.dma_semaphore, #tpu.memory_space<semaphore_mem>>) src(%dma_wait3A_115 : memref<10000x128xf32, #tpu.memory_space<hbm>>) dst(%arg10 : memref<128x128xf32, #tpu.memory_space<vmem>>)
      %dma_start3A_116 = arith.constant 4 : i32
      %dma_start3A_117 = arith.constant 0 : i32
      %dma_start3A_118 = tpu.memref_slice %arg7[%dma_start3A_116, %dma_start3A_117] : memref<8x128xi32, #tpu.memory_space<vmem>> -> memref<1x128xi32, #tpu.memory_space<vmem>>
      %dma_start3A_119 = tpu.memref_squeeze %dma_start3A_118 : memref<1x128xi32, #tpu.memory_space<vmem>> -> memref<128xi32, #tpu.memory_space<vmem>>
      %dma_start3A_120 = arith.constant 0 : i32
      %dma_start3A_121 = arith.constant 0 : i32
      %dma_start3A_122 = tpu.memref_slice %arg2[%dma_start3A_120, %dma_start3A_121] : memref<10000x128xf32, #tpu.memory_space<hbm>> -> memref<10000x128xf32, #tpu.memory_space<hbm>>
      tpu.enqueue_indirect_dma source(%dma_start3A_122 : memref<10000x128xf32, #tpu.memory_space<hbm>>) target(%arg9 : memref<128x128xf32, #tpu.memory_space<vmem>>) offsets(%dma_start3A_119 : memref<128xi32, #tpu.memory_space<vmem>>) semaphore(%arg12 : memref<!tpu.dma_semaphore, #tpu.memory_space<semaphore_mem>>)
      %run_scoped3A_123 = arith.constant 3 : i32
      "tpu.region"() ({
        %run_scoped3A_177 = tpu.sem_alloc : memref<!tpu.dma_semaphore, #tpu.memory_space<semaphore_mem>>
        %dma_start3A_178 = arith.constant 0 : i32
        %dma_start3A_179 = tpu.memref_slice %arg8[%run_scoped3A_123, %dma_start3A_178] : memref<8x128xi32, #tpu.memory_space<vmem>> -> memref<1x128xi32, #tpu.memory_space<vmem>>
        %dma_start3A_180 = tpu.memref_squeeze %dma_start3A_179 : memref<1x128xi32, #tpu.memory_space<vmem>> -> memref<128xi32, #tpu.memory_space<vmem>>
        %dma_start3A_181 = arith.constant 0 : i32
        %dma_start3A_182 = arith.constant 0 : i32
        %dma_start3A_183 = tpu.memref_slice %arg11[%dma_start3A_181, %dma_start3A_182] : memref<10112x128xf32, #tpu.memory_space<vmem_shared>> -> memref<10112x128xf32, #tpu.memory_space<vmem_shared>>
        tpu.enqueue_indirect_dma source(%arg10 : memref<128x128xf32, #tpu.memory_space<vmem>>) target(%dma_start3A_183 : memref<10112x128xf32, #tpu.memory_space<vmem_shared>>) offsets(%dma_start3A_180 : memref<128xi32, #tpu.memory_space<vmem>>) semaphore(%run_scoped3A_177 : memref<!tpu.dma_semaphore, #tpu.memory_space<semaphore_mem>>) {add = true}
        %dma_wait3A_184 = arith.constant 0 : i32
        %dma_wait3A_185 = tpu.memref_slice %arg8[%run_scoped3A_123, %dma_wait3A_184] : memref<8x128xi32, #tpu.memory_space<vmem>> -> memref<1x128xi32, #tpu.memory_space<vmem>>
        %dma_wait3A_186 = tpu.memref_squeeze %dma_wait3A_185 : memref<1x128xi32, #tpu.memory_space<vmem>> -> memref<128xi32, #tpu.memory_space<vmem>>
        %dma_wait3A_187 = arith.constant 0 : i32
        %dma_wait3A_188 = arith.constant 0 : i32
        %dma_wait3A_189 = tpu.memref_slice %arg11[%dma_wait3A_187, %dma_wait3A_188] : memref<10112x128xf32, #tpu.memory_space<vmem_shared>> -> memref<10112x128xf32, #tpu.memory_space<vmem_shared>>
        tpu.wait_indirect_dma semaphore(%run_scoped3A_177 : memref<!tpu.dma_semaphore, #tpu.memory_space<semaphore_mem>>) src(%arg10 : memref<128x128xf32, #tpu.memory_space<vmem>>) dst(%dma_wait3A_189 : memref<10112x128xf32, #tpu.memory_space<vmem_shared>>)
        tpu.yield
      }) : () -> ()
      %dma_wait3A_124 = arith.constant 4 : i32
      %dma_wait3A_125 = arith.constant 0 : i32
      %dma_wait3A_126 = tpu.memref_slice %arg7[%dma_wait3A_124, %dma_wait3A_125] : memref<8x128xi32, #tpu.memory_space<vmem>> -> memref<1x128xi32, #tpu.memory_space<vmem>>
      %dma_wait3A_127 = tpu.memref_squeeze %dma_wait3A_126 : memref<1x128xi32, #tpu.memory_space<vmem>> -> memref<128xi32, #tpu.memory_space<vmem>>
      %dma_wait3A_128 = arith.constant 0 : i32
      %dma_wait3A_129 = arith.constant 0 : i32
      %dma_wait3A_130 = tpu.memref_slice %arg2[%dma_wait3A_128, %dma_wait3A_129] : memref<10000x128xf32, #tpu.memory_space<hbm>> -> memref<10000x128xf32, #tpu.memory_space<hbm>>
      tpu.wait_indirect_dma semaphore(%arg12 : memref<!tpu.dma_semaphore, #tpu.memory_space<semaphore_mem>>) src(%dma_wait3A_130 : memref<10000x128xf32, #tpu.memory_space<hbm>>) dst(%arg9 : memref<128x128xf32, #tpu.memory_space<vmem>>)
      %dma_start3A_131 = arith.constant 5 : i32
      %dma_start3A_132 = arith.constant 0 : i32
      %dma_start3A_133 = tpu.memref_slice %arg7[%dma_start3A_131, %dma_start3A_132] : memref<8x128xi32, #tpu.memory_space<vmem>> -> memref<1x128xi32, #tpu.memory_space<vmem>>
      %dma_start3A_134 = tpu.memref_squeeze %dma_start3A_133 : memref<1x128xi32, #tpu.memory_space<vmem>> -> memref<128xi32, #tpu.memory_space<vmem>>
      %dma_start3A_135 = arith.constant 0 : i32
      %dma_start3A_136 = arith.constant 0 : i32
      %dma_start3A_137 = tpu.memref_slice %arg2[%dma_start3A_135, %dma_start3A_136] : memref<10000x128xf32, #tpu.memory_space<hbm>> -> memref<10000x128xf32, #tpu.memory_space<hbm>>
      tpu.enqueue_indirect_dma source(%dma_start3A_137 : memref<10000x128xf32, #tpu.memory_space<hbm>>) target(%arg10 : memref<128x128xf32, #tpu.memory_space<vmem>>) offsets(%dma_start3A_134 : memref<128xi32, #tpu.memory_space<vmem>>) semaphore(%arg13 : memref<!tpu.dma_semaphore, #tpu.memory_space<semaphore_mem>>)
      %run_scoped3A_138 = arith.constant 4 : i32
      "tpu.region"() ({
        %run_scoped3A_177 = tpu.sem_alloc : memref<!tpu.dma_semaphore, #tpu.memory_space<semaphore_mem>>
        %dma_start3A_178 = arith.constant 0 : i32
        %dma_start3A_179 = tpu.memref_slice %arg8[%run_scoped3A_138, %dma_start3A_178] : memref<8x128xi32, #tpu.memory_space<vmem>> -> memref<1x128xi32, #tpu.memory_space<vmem>>
        %dma_start3A_180 = tpu.memref_squeeze %dma_start3A_179 : memref<1x128xi32, #tpu.memory_space<vmem>> -> memref<128xi32, #tpu.memory_space<vmem>>
        %dma_start3A_181 = arith.constant 0 : i32
        %dma_start3A_182 = arith.constant 0 : i32
        %dma_start3A_183 = tpu.memref_slice %arg11[%dma_start3A_181, %dma_start3A_182] : memref<10112x128xf32, #tpu.memory_space<vmem_shared>> -> memref<10112x128xf32, #tpu.memory_space<vmem_shared>>
        tpu.enqueue_indirect_dma source(%arg9 : memref<128x128xf32, #tpu.memory_space<vmem>>) target(%dma_start3A_183 : memref<10112x128xf32, #tpu.memory_space<vmem_shared>>) offsets(%dma_start3A_180 : memref<128xi32, #tpu.memory_space<vmem>>) semaphore(%run_scoped3A_177 : memref<!tpu.dma_semaphore, #tpu.memory_space<semaphore_mem>>) {add = true}
        %dma_wait3A_184 = arith.constant 0 : i32
        %dma_wait3A_185 = tpu.memref_slice %arg8[%run_scoped3A_138, %dma_wait3A_184] : memref<8x128xi32, #tpu.memory_space<vmem>> -> memref<1x128xi32, #tpu.memory_space<vmem>>
        %dma_wait3A_186 = tpu.memref_squeeze %dma_wait3A_185 : memref<1x128xi32, #tpu.memory_space<vmem>> -> memref<128xi32, #tpu.memory_space<vmem>>
        %dma_wait3A_187 = arith.constant 0 : i32
        %dma_wait3A_188 = arith.constant 0 : i32
        %dma_wait3A_189 = tpu.memref_slice %arg11[%dma_wait3A_187, %dma_wait3A_188] : memref<10112x128xf32, #tpu.memory_space<vmem_shared>> -> memref<10112x128xf32, #tpu.memory_space<vmem_shared>>
        tpu.wait_indirect_dma semaphore(%run_scoped3A_177 : memref<!tpu.dma_semaphore, #tpu.memory_space<semaphore_mem>>) src(%arg9 : memref<128x128xf32, #tpu.memory_space<vmem>>) dst(%dma_wait3A_189 : memref<10112x128xf32, #tpu.memory_space<vmem_shared>>)
        tpu.yield
      }) : () -> ()
      %dma_wait3A_139 = arith.constant 5 : i32
      %dma_wait3A_140 = arith.constant 0 : i32
      %dma_wait3A_141 = tpu.memref_slice %arg7[%dma_wait3A_139, %dma_wait3A_140] : memref<8x128xi32, #tpu.memory_space<vmem>> -> memref<1x128xi32, #tpu.memory_space<vmem>>
      %dma_wait3A_142 = tpu.memref_squeeze %dma_wait3A_141 : memref<1x128xi32, #tpu.memory_space<vmem>> -> memref<128xi32, #tpu.memory_space<vmem>>
      %dma_wait3A_143 = arith.constant 0 : i32
      %dma_wait3A_144 = arith.constant 0 : i32
      %dma_wait3A_145 = tpu.memref_slice %arg2[%dma_wait3A_143, %dma_wait3A_144] : memref<10000x128xf32, #tpu.memory_space<hbm>> -> memref<10000x128xf32, #tpu.memory_space<hbm>>
      tpu.wait_indirect_dma semaphore(%arg13 : memref<!tpu.dma_semaphore, #tpu.memory_space<semaphore_mem>>) src(%dma_wait3A_145 : memref<10000x128xf32, #tpu.memory_space<hbm>>) dst(%arg10 : memref<128x128xf32, #tpu.memory_space<vmem>>)
      %dma_start3A_146 = arith.constant 6 : i32
      %dma_start3A_147 = arith.constant 0 : i32
      %dma_start3A_148 = tpu.memref_slice %arg7[%dma_start3A_146, %dma_start3A_147] : memref<8x128xi32, #tpu.memory_space<vmem>> -> memref<1x128xi32, #tpu.memory_space<vmem>>
      %dma_start3A_149 = tpu.memref_squeeze %dma_start3A_148 : memref<1x128xi32, #tpu.memory_space<vmem>> -> memref<128xi32, #tpu.memory_space<vmem>>
      %dma_start3A_150 = arith.constant 0 : i32
      %dma_start3A_151 = arith.constant 0 : i32
      %dma_start3A_152 = tpu.memref_slice %arg2[%dma_start3A_150, %dma_start3A_151] : memref<10000x128xf32, #tpu.memory_space<hbm>> -> memref<10000x128xf32, #tpu.memory_space<hbm>>
      tpu.enqueue_indirect_dma source(%dma_start3A_152 : memref<10000x128xf32, #tpu.memory_space<hbm>>) target(%arg9 : memref<128x128xf32, #tpu.memory_space<vmem>>) offsets(%dma_start3A_149 : memref<128xi32, #tpu.memory_space<vmem>>) semaphore(%arg12 : memref<!tpu.dma_semaphore, #tpu.memory_space<semaphore_mem>>)
      %run_scoped3A_153 = arith.constant 5 : i32
      "tpu.region"() ({
        %run_scoped3A_177 = tpu.sem_alloc : memref<!tpu.dma_semaphore, #tpu.memory_space<semaphore_mem>>
        %dma_start3A_178 = arith.constant 0 : i32
        %dma_start3A_179 = tpu.memref_slice %arg8[%run_scoped3A_153, %dma_start3A_178] : memref<8x128xi32, #tpu.memory_space<vmem>> -> memref<1x128xi32, #tpu.memory_space<vmem>>
        %dma_start3A_180 = tpu.memref_squeeze %dma_start3A_179 : memref<1x128xi32, #tpu.memory_space<vmem>> -> memref<128xi32, #tpu.memory_space<vmem>>
        %dma_start3A_181 = arith.constant 0 : i32
        %dma_start3A_182 = arith.constant 0 : i32
        %dma_start3A_183 = tpu.memref_slice %arg11[%dma_start3A_181, %dma_start3A_182] : memref<10112x128xf32, #tpu.memory_space<vmem_shared>> -> memref<10112x128xf32, #tpu.memory_space<vmem_shared>>
        tpu.enqueue_indirect_dma source(%arg10 : memref<128x128xf32, #tpu.memory_space<vmem>>) target(%dma_start3A_183 : memref<10112x128xf32, #tpu.memory_space<vmem_shared>>) offsets(%dma_start3A_180 : memref<128xi32, #tpu.memory_space<vmem>>) semaphore(%run_scoped3A_177 : memref<!tpu.dma_semaphore, #tpu.memory_space<semaphore_mem>>) {add = true}
        %dma_wait3A_184 = arith.constant 0 : i32
        %dma_wait3A_185 = tpu.memref_slice %arg8[%run_scoped3A_153, %dma_wait3A_184] : memref<8x128xi32, #tpu.memory_space<vmem>> -> memref<1x128xi32, #tpu.memory_space<vmem>>
        %dma_wait3A_186 = tpu.memref_squeeze %dma_wait3A_185 : memref<1x128xi32, #tpu.memory_space<vmem>> -> memref<128xi32, #tpu.memory_space<vmem>>
        %dma_wait3A_187 = arith.constant 0 : i32
        %dma_wait3A_188 = arith.constant 0 : i32
        %dma_wait3A_189 = tpu.memref_slice %arg11[%dma_wait3A_187, %dma_wait3A_188] : memref<10112x128xf32, #tpu.memory_space<vmem_shared>> -> memref<10112x128xf32, #tpu.memory_space<vmem_shared>>
        tpu.wait_indirect_dma semaphore(%run_scoped3A_177 : memref<!tpu.dma_semaphore, #tpu.memory_space<semaphore_mem>>) src(%arg10 : memref<128x128xf32, #tpu.memory_space<vmem>>) dst(%dma_wait3A_189 : memref<10112x128xf32, #tpu.memory_space<vmem_shared>>)
        tpu.yield
      }) : () -> ()
      %dma_wait3A_154 = arith.constant 6 : i32
      %dma_wait3A_155 = arith.constant 0 : i32
      %dma_wait3A_156 = tpu.memref_slice %arg7[%dma_wait3A_154, %dma_wait3A_155] : memref<8x128xi32, #tpu.memory_space<vmem>> -> memref<1x128xi32, #tpu.memory_space<vmem>>
      %dma_wait3A_157 = tpu.memref_squeeze %dma_wait3A_156 : memref<1x128xi32, #tpu.memory_space<vmem>> -> memref<128xi32, #tpu.memory_space<vmem>>
      %dma_wait3A_158 = arith.constant 0 : i32
      %dma_wait3A_159 = arith.constant 0 : i32
      %dma_wait3A_160 = tpu.memref_slice %arg2[%dma_wait3A_158, %dma_wait3A_159] : memref<10000x128xf32, #tpu.memory_space<hbm>> -> memref<10000x128xf32, #tpu.memory_space<hbm>>
      tpu.wait_indirect_dma semaphore(%arg12 : memref<!tpu.dma_semaphore, #tpu.memory_space<semaphore_mem>>) src(%dma_wait3A_160 : memref<10000x128xf32, #tpu.memory_space<hbm>>) dst(%arg9 : memref<128x128xf32, #tpu.memory_space<vmem>>)
      %dma_start3A_161 = arith.constant 7 : i32
      %dma_start3A_162 = arith.constant 0 : i32
      %dma_start3A_163 = tpu.memref_slice %arg7[%dma_start3A_161, %dma_start3A_162] : memref<8x128xi32, #tpu.memory_space<vmem>> -> memref<1x128xi32, #tpu.memory_space<vmem>>
      %dma_start3A_164 = tpu.memref_squeeze %dma_start3A_163 : memref<1x128xi32, #tpu.memory_space<vmem>> -> memref<128xi32, #tpu.memory_space<vmem>>
      %dma_start3A_165 = arith.constant 0 : i32
      %dma_start3A_166 = arith.constant 0 : i32
      %dma_start3A_167 = tpu.memref_slice %arg2[%dma_start3A_165, %dma_start3A_166] : memref<10000x128xf32, #tpu.memory_space<hbm>> -> memref<10000x128xf32, #tpu.memory_space<hbm>>
      tpu.enqueue_indirect_dma source(%dma_start3A_167 : memref<10000x128xf32, #tpu.memory_space<hbm>>) target(%arg10 : memref<128x128xf32, #tpu.memory_space<vmem>>) offsets(%dma_start3A_164 : memref<128xi32, #tpu.memory_space<vmem>>) semaphore(%arg13 : memref<!tpu.dma_semaphore, #tpu.memory_space<semaphore_mem>>)
      %run_scoped3A_168 = arith.constant 6 : i32
      "tpu.region"() ({
        %run_scoped3A_177 = tpu.sem_alloc : memref<!tpu.dma_semaphore, #tpu.memory_space<semaphore_mem>>
        %dma_start3A_178 = arith.constant 0 : i32
        %dma_start3A_179 = tpu.memref_slice %arg8[%run_scoped3A_168, %dma_start3A_178] : memref<8x128xi32, #tpu.memory_space<vmem>> -> memref<1x128xi32, #tpu.memory_space<vmem>>
        %dma_start3A_180 = tpu.memref_squeeze %dma_start3A_179 : memref<1x128xi32, #tpu.memory_space<vmem>> -> memref<128xi32, #tpu.memory_space<vmem>>
        %dma_start3A_181 = arith.constant 0 : i32
        %dma_start3A_182 = arith.constant 0 : i32
        %dma_start3A_183 = tpu.memref_slice %arg11[%dma_start3A_181, %dma_start3A_182] : memref<10112x128xf32, #tpu.memory_space<vmem_shared>> -> memref<10112x128xf32, #tpu.memory_space<vmem_shared>>
        tpu.enqueue_indirect_dma source(%arg9 : memref<128x128xf32, #tpu.memory_space<vmem>>) target(%dma_start3A_183 : memref<10112x128xf32, #tpu.memory_space<vmem_shared>>) offsets(%dma_start3A_180 : memref<128xi32, #tpu.memory_space<vmem>>) semaphore(%run_scoped3A_177 : memref<!tpu.dma_semaphore, #tpu.memory_space<semaphore_mem>>) {add = true}
        %dma_wait3A_184 = arith.constant 0 : i32
        %dma_wait3A_185 = tpu.memref_slice %arg8[%run_scoped3A_168, %dma_wait3A_184] : memref<8x128xi32, #tpu.memory_space<vmem>> -> memref<1x128xi32, #tpu.memory_space<vmem>>
        %dma_wait3A_186 = tpu.memref_squeeze %dma_wait3A_185 : memref<1x128xi32, #tpu.memory_space<vmem>> -> memref<128xi32, #tpu.memory_space<vmem>>
        %dma_wait3A_187 = arith.constant 0 : i32
        %dma_wait3A_188 = arith.constant 0 : i32
        %dma_wait3A_189 = tpu.memref_slice %arg11[%dma_wait3A_187, %dma_wait3A_188] : memref<10112x128xf32, #tpu.memory_space<vmem_shared>> -> memref<10112x128xf32, #tpu.memory_space<vmem_shared>>
        tpu.wait_indirect_dma semaphore(%run_scoped3A_177 : memref<!tpu.dma_semaphore, #tpu.memory_space<semaphore_mem>>) src(%arg9 : memref<128x128xf32, #tpu.memory_space<vmem>>) dst(%dma_wait3A_189 : memref<10112x128xf32, #tpu.memory_space<vmem_shared>>)
        tpu.yield
      }) : () -> ()
      %dma_wait3A_169 = arith.constant 7 : i32
      %dma_wait3A_170 = arith.constant 0 : i32
      %dma_wait3A_171 = tpu.memref_slice %arg7[%dma_wait3A_169, %dma_wait3A_170] : memref<8x128xi32, #tpu.memory_space<vmem>> -> memref<1x128xi32, #tpu.memory_space<vmem>>
      %dma_wait3A_172 = tpu.memref_squeeze %dma_wait3A_171 : memref<1x128xi32, #tpu.memory_space<vmem>> -> memref<128xi32, #tpu.memory_space<vmem>>
      %dma_wait3A_173 = arith.constant 0 : i32
      %dma_wait3A_174 = arith.constant 0 : i32
      %dma_wait3A_175 = tpu.memref_slice %arg2[%dma_wait3A_173, %dma_wait3A_174] : memref<10000x128xf32, #tpu.memory_space<hbm>> -> memref<10000x128xf32, #tpu.memory_space<hbm>>
      tpu.wait_indirect_dma semaphore(%arg13 : memref<!tpu.dma_semaphore, #tpu.memory_space<semaphore_mem>>) src(%dma_wait3A_175 : memref<10000x128xf32, #tpu.memory_space<hbm>>) dst(%arg10 : memref<128x128xf32, #tpu.memory_space<vmem>>)
      %run_scoped3A_176 = arith.constant 7 : i32
      "tpu.region"() ({
        %run_scoped3A_177 = tpu.sem_alloc : memref<!tpu.dma_semaphore, #tpu.memory_space<semaphore_mem>>
        %dma_start3A_178 = arith.constant 0 : i32
        %dma_start3A_179 = tpu.memref_slice %arg8[%run_scoped3A_176, %dma_start3A_178] : memref<8x128xi32, #tpu.memory_space<vmem>> -> memref<1x128xi32, #tpu.memory_space<vmem>>
        %dma_start3A_180 = tpu.memref_squeeze %dma_start3A_179 : memref<1x128xi32, #tpu.memory_space<vmem>> -> memref<128xi32, #tpu.memory_space<vmem>>
        %dma_start3A_181 = arith.constant 0 : i32
        %dma_start3A_182 = arith.constant 0 : i32
        %dma_start3A_183 = tpu.memref_slice %arg11[%dma_start3A_181, %dma_start3A_182] : memref<10112x128xf32, #tpu.memory_space<vmem_shared>> -> memref<10112x128xf32, #tpu.memory_space<vmem_shared>>
        tpu.enqueue_indirect_dma source(%arg10 : memref<128x128xf32, #tpu.memory_space<vmem>>) target(%dma_start3A_183 : memref<10112x128xf32, #tpu.memory_space<vmem_shared>>) offsets(%dma_start3A_180 : memref<128xi32, #tpu.memory_space<vmem>>) semaphore(%run_scoped3A_177 : memref<!tpu.dma_semaphore, #tpu.memory_space<semaphore_mem>>) {add = true}
        %dma_wait3A_184 = arith.constant 0 : i32
        %dma_wait3A_185 = tpu.memref_slice %arg8[%run_scoped3A_176, %dma_wait3A_184] : memref<8x128xi32, #tpu.memory_space<vmem>> -> memref<1x128xi32, #tpu.memory_space<vmem>>
        %dma_wait3A_186 = tpu.memref_squeeze %dma_wait3A_185 : memref<1x128xi32, #tpu.memory_space<vmem>> -> memref<128xi32, #tpu.memory_space<vmem>>
        %dma_wait3A_187 = arith.constant 0 : i32
        %dma_wait3A_188 = arith.constant 0 : i32
        %dma_wait3A_189 = tpu.memref_slice %arg11[%dma_wait3A_187, %dma_wait3A_188] : memref<10112x128xf32, #tpu.memory_space<vmem_shared>> -> memref<10112x128xf32, #tpu.memory_space<vmem_shared>>
        tpu.wait_indirect_dma semaphore(%run_scoped3A_177 : memref<!tpu.dma_semaphore, #tpu.memory_space<semaphore_mem>>) src(%arg10 : memref<128x128xf32, #tpu.memory_space<vmem>>) dst(%dma_wait3A_189 : memref<10112x128xf32, #tpu.memory_space<vmem_shared>>)
        tpu.yield
      }) : () -> ()
    }
    %while3A_32 = arith.constant 1 : i32
    scf.for %while3A_56 = %while3A_30 to %while3A_26 step %while3A_32  : i32 {
      %mul3A_57 = arith.constant 8 : i32
      %mul3A_58 = arith.muli %while3A_56, %mul3A_57 : i32
      %add3A_59 = arith.addi %add3A_18, %mul3A_58 : i32
      "tpu.region"() ({
        %run_scoped3A_177 = tpu.sem_alloc : memref<!tpu.dma_semaphore, #tpu.memory_space<semaphore_mem>>
        %dma_start3A_178 = arith.constant 0 : i32
        %dma_start3A_179 = tpu.memref_slice %arg3[%add3A_59, %dma_start3A_178] : memref<2560x128xi32, #tpu.memory_space<hbm>> -> memref<8x128xi32, #tpu.memory_space<hbm>>
        %dma_start3A_180 = arith.constant 0 : i32
        %dma_start3A_181 = tpu.memref_slice %arg3[%add3A_59, %dma_start3A_180] : memref<2560x128xi32, #tpu.memory_space<hbm>> -> memref<8x128xi32, #tpu.memory_space<hbm>>
        tpu.enqueue_dma source(%dma_start3A_181 : memref<8x128xi32, #tpu.memory_space<hbm>>) target(%arg7 : memref<8x128xi32, #tpu.memory_space<vmem>>) target_semaphore(%run_scoped3A_177 : memref<!tpu.dma_semaphore, #tpu.memory_space<semaphore_mem>>)
        %dma_wait3A_182 = arith.constant 0 : i32
        %dma_wait3A_183 = tpu.memref_slice %arg3[%add3A_59, %dma_wait3A_182] : memref<2560x128xi32, #tpu.memory_space<hbm>> -> memref<8x128xi32, #tpu.memory_space<hbm>>
        %dma_wait3A_184 = arith.constant 0 : i32
        %dma_wait3A_185 = tpu.memref_slice %arg3[%add3A_59, %dma_wait3A_184] : memref<2560x128xi32, #tpu.memory_space<hbm>> -> memref<8x128xi32, #tpu.memory_space<hbm>>
        tpu.wait_dma2 semaphore(%run_scoped3A_177 : memref<!tpu.dma_semaphore, #tpu.memory_space<semaphore_mem>>) src(%dma_wait3A_185 : memref<8x128xi32, #tpu.memory_space<hbm>>) dst(%arg7 : memref<8x128xi32, #tpu.memory_space<vmem>>)
        tpu.yield
      }) : () -> ()
      "tpu.region"() ({
        %run_scoped3A_177 = tpu.sem_alloc : memref<!tpu.dma_semaphore, #tpu.memory_space<semaphore_mem>>
        %dma_start3A_178 = arith.constant 0 : i32
        %dma_start3A_179 = tpu.memref_slice %arg4[%add3A_59, %dma_start3A_178] : memref<2560x128xi32, #tpu.memory_space<hbm>> -> memref<8x128xi32, #tpu.memory_space<hbm>>
        %dma_start3A_180 = arith.constant 0 : i32
        %dma_start3A_181 = tpu.memref_slice %arg4[%add3A_59, %dma_start3A_180] : memref<2560x128xi32, #tpu.memory_space<hbm>> -> memref<8x128xi32, #tpu.memory_space<hbm>>
        tpu.enqueue_dma source(%dma_start3A_181 : memref<8x128xi32, #tpu.memory_space<hbm>>) target(%arg8 : memref<8x128xi32, #tpu.memory_space<vmem>>) target_semaphore(%run_scoped3A_177 : memref<!tpu.dma_semaphore, #tpu.memory_space<semaphore_mem>>)
        %dma_wait3A_182 = arith.constant 0 : i32
        %dma_wait3A_183 = tpu.memref_slice %arg4[%add3A_59, %dma_wait3A_182] : memref<2560x128xi32, #tpu.memory_space<hbm>> -> memref<8x128xi32, #tpu.memory_space<hbm>>
        %dma_wait3A_184 = arith.constant 0 : i32
        %dma_wait3A_185 = tpu.memref_slice %arg4[%add3A_59, %dma_wait3A_184] : memref<2560x128xi32, #tpu.memory_space<hbm>> -> memref<8x128xi32, #tpu.memory_space<hbm>>
        tpu.wait_dma2 semaphore(%run_scoped3A_177 : memref<!tpu.dma_semaphore, #tpu.memory_space<semaphore_mem>>) src(%dma_wait3A_185 : memref<8x128xi32, #tpu.memory_space<hbm>>) dst(%arg8 : memref<8x128xi32, #tpu.memory_space<vmem>>)
        tpu.yield
      }) : () -> ()
      %dma_start3A = arith.constant 0 : i32
      %dma_start3A_60 = arith.constant 0 : i32
      %dma_start3A_61 = tpu.memref_slice %arg7[%dma_start3A, %dma_start3A_60] : memref<8x128xi32, #tpu.memory_space<vmem>> -> memref<1x128xi32, #tpu.memory_space<vmem>>
      %dma_start3A_62 = tpu.memref_squeeze %dma_start3A_61 : memref<1x128xi32, #tpu.memory_space<vmem>> -> memref<128xi32, #tpu.memory_space<vmem>>
      %dma_start3A_63 = arith.constant 0 : i32
      %dma_start3A_64 = arith.constant 0 : i32
      %dma_start3A_65 = tpu.memref_slice %arg2[%dma_start3A_63, %dma_start3A_64] : memref<10000x128xf32, #tpu.memory_space<hbm>> -> memref<10000x128xf32, #tpu.memory_space<hbm>>
      tpu.enqueue_indirect_dma source(%dma_start3A_65 : memref<10000x128xf32, #tpu.memory_space<hbm>>) target(%arg9 : memref<128x128xf32, #tpu.memory_space<vmem>>) offsets(%dma_start3A_62 : memref<128xi32, #tpu.memory_space<vmem>>) semaphore(%arg12 : memref<!tpu.dma_semaphore, #tpu.memory_space<semaphore_mem>>)
      %dma_wait3A = arith.constant 0 : i32
      %dma_wait3A_66 = arith.constant 0 : i32
      %dma_wait3A_67 = tpu.memref_slice %arg7[%dma_wait3A, %dma_wait3A_66] : memref<8x128xi32, #tpu.memory_space<vmem>> -> memref<1x128xi32, #tpu.memory_space<vmem>>
      %dma_wait3A_68 = tpu.memref_squeeze %dma_wait3A_67 : memref<1x128xi32, #tpu.memory_space<vmem>> -> memref<128xi32, #tpu.memory_space<vmem>>
      %dma_wait3A_69 = arith.constant 0 : i32
      %dma_wait3A_70 = arith.constant 0 : i32
      %dma_wait3A_71 = tpu.memref_slice %arg2[%dma_wait3A_69, %dma_wait3A_70] : memref<10000x128xf32, #tpu.memory_space<hbm>> -> memref<10000x128xf32, #tpu.memory_space<hbm>>
      tpu.wait_indirect_dma semaphore(%arg12 : memref<!tpu.dma_semaphore, #tpu.memory_space<semaphore_mem>>) src(%dma_wait3A_71 : memref<10000x128xf32, #tpu.memory_space<hbm>>) dst(%arg9 : memref<128x128xf32, #tpu.memory_space<vmem>>)
      %dma_start3A_72 = arith.constant 1 : i32
      %dma_start3A_73 = arith.constant 0 : i32
      %dma_start3A_74 = tpu.memref_slice %arg7[%dma_start3A_72, %dma_start3A_73] : memref<8x128xi32, #tpu.memory_space<vmem>> -> memref<1x128xi32, #tpu.memory_space<vmem>>
      %dma_start3A_75 = tpu.memref_squeeze %dma_start3A_74 : memref<1x128xi32, #tpu.memory_space<vmem>> -> memref<128xi32, #tpu.memory_space<vmem>>
      %dma_start3A_76 = arith.constant 0 : i32
      %dma_start3A_77 = arith.constant 0 : i32
      %dma_start3A_78 = tpu.memref_slice %arg2[%dma_start3A_76, %dma_start3A_77] : memref<10000x128xf32, #tpu.memory_space<hbm>> -> memref<10000x128xf32, #tpu.memory_space<hbm>>
      tpu.enqueue_indirect_dma source(%dma_start3A_78 : memref<10000x128xf32, #tpu.memory_space<hbm>>) target(%arg10 : memref<128x128xf32, #tpu.memory_space<vmem>>) offsets(%dma_start3A_75 : memref<128xi32, #tpu.memory_space<vmem>>) semaphore(%arg13 : memref<!tpu.dma_semaphore, #tpu.memory_space<semaphore_mem>>)
      %run_scoped3A = arith.constant 0 : i32
      "tpu.region"() ({
        %run_scoped3A_177 = tpu.sem_alloc : memref<!tpu.dma_semaphore, #tpu.memory_space<semaphore_mem>>
        %dma_start3A_178 = arith.constant 0 : i32
        %dma_start3A_179 = tpu.memref_slice %arg8[%run_scoped3A, %dma_start3A_178] : memref<8x128xi32, #tpu.memory_space<vmem>> -> memref<1x128xi32, #tpu.memory_space<vmem>>
        %dma_start3A_180 = tpu.memref_squeeze %dma_start3A_179 : memref<1x128xi32, #tpu.memory_space<vmem>> -> memref<128xi32, #tpu.memory_space<vmem>>
        %dma_start3A_181 = arith.constant 0 : i32
        %dma_start3A_182 = arith.constant 0 : i32
        %dma_start3A_183 = tpu.memref_slice %arg11[%dma_start3A_181, %dma_start3A_182] : memref<10112x128xf32, #tpu.memory_space<vmem_shared>> -> memref<10112x128xf32, #tpu.memory_space<vmem_shared>>
        tpu.enqueue_indirect_dma source(%arg9 : memref<128x128xf32, #tpu.memory_space<vmem>>) target(%dma_start3A_183 : memref<10112x128xf32, #tpu.memory_space<vmem_shared>>) offsets(%dma_start3A_180 : memref<128xi32, #tpu.memory_space<vmem>>) semaphore(%run_scoped3A_177 : memref<!tpu.dma_semaphore, #tpu.memory_space<semaphore_mem>>) {add = true}
        %dma_wait3A_184 = arith.constant 0 : i32
        %dma_wait3A_185 = tpu.memref_slice %arg8[%run_scoped3A, %dma_wait3A_184] : memref<8x128xi32, #tpu.memory_space<vmem>> -> memref<1x128xi32, #tpu.memory_space<vmem>>
        %dma_wait3A_186 = tpu.memref_squeeze %dma_wait3A_185 : memref<1x128xi32, #tpu.memory_space<vmem>> -> memref<128xi32, #tpu.memory_space<vmem>>
        %dma_wait3A_187 = arith.constant 0 : i32
        %dma_wait3A_188 = arith.constant 0 : i32
        %dma_wait3A_189 = tpu.memref_slice %arg11[%dma_wait3A_187, %dma_wait3A_188] : memref<10112x128xf32, #tpu.memory_space<vmem_shared>> -> memref<10112x128xf32, #tpu.memory_space<vmem_shared>>
        tpu.wait_indirect_dma semaphore(%run_scoped3A_177 : memref<!tpu.dma_semaphore, #tpu.memory_space<semaphore_mem>>) src(%arg9 : memref<128x128xf32, #tpu.memory_space<vmem>>) dst(%dma_wait3A_189 : memref<10112x128xf32, #tpu.memory_space<vmem_shared>>)
        tpu.yield
      }) : () -> ()
      %dma_wait3A_79 = arith.constant 1 : i32
      %dma_wait3A_80 = arith.constant 0 : i32
      %dma_wait3A_81 = tpu.memref_slice %arg7[%dma_wait3A_79, %dma_wait3A_80] : memref<8x128xi32, #tpu.memory_space<vmem>> -> memref<1x128xi32, #tpu.memory_space<vmem>>
      %dma_wait3A_82 = tpu.memref_squeeze %dma_wait3A_81 : memref<1x128xi32, #tpu.memory_space<vmem>> -> memref<128xi32, #tpu.memory_space<vmem>>
      %dma_wait3A_83 = arith.constant 0 : i32
      %dma_wait3A_84 = arith.constant 0 : i32
      %dma_wait3A_85 = tpu.memref_slice %arg2[%dma_wait3A_83, %dma_wait3A_84] : memref<10000x128xf32, #tpu.memory_space<hbm>> -> memref<10000x128xf32, #tpu.memory_space<hbm>>
      tpu.wait_indirect_dma semaphore(%arg13 : memref<!tpu.dma_semaphore, #tpu.memory_space<semaphore_mem>>) src(%dma_wait3A_85 : memref<10000x128xf32, #tpu.memory_space<hbm>>) dst(%arg10 : memref<128x128xf32, #tpu.memory_space<vmem>>)
      %dma_start3A_86 = arith.constant 2 : i32
      %dma_start3A_87 = arith.constant 0 : i32
      %dma_start3A_88 = tpu.memref_slice %arg7[%dma_start3A_86, %dma_start3A_87] : memref<8x128xi32, #tpu.memory_space<vmem>> -> memref<1x128xi32, #tpu.memory_space<vmem>>
      %dma_start3A_89 = tpu.memref_squeeze %dma_start3A_88 : memref<1x128xi32, #tpu.memory_space<vmem>> -> memref<128xi32, #tpu.memory_space<vmem>>
      %dma_start3A_90 = arith.constant 0 : i32
      %dma_start3A_91 = arith.constant 0 : i32
      %dma_start3A_92 = tpu.memref_slice %arg2[%dma_start3A_90, %dma_start3A_91] : memref<10000x128xf32, #tpu.memory_space<hbm>> -> memref<10000x128xf32, #tpu.memory_space<hbm>>
      tpu.enqueue_indirect_dma source(%dma_start3A_92 : memref<10000x128xf32, #tpu.memory_space<hbm>>) target(%arg9 : memref<128x128xf32, #tpu.memory_space<vmem>>) offsets(%dma_start3A_89 : memref<128xi32, #tpu.memory_space<vmem>>) semaphore(%arg12 : memref<!tpu.dma_semaphore, #tpu.memory_space<semaphore_mem>>)
      %run_scoped3A_93 = arith.constant 1 : i32
      "tpu.region"() ({
        %run_scoped3A_177 = tpu.sem_alloc : memref<!tpu.dma_semaphore, #tpu.memory_space<semaphore_mem>>
        %dma_start3A_178 = arith.constant 0 : i32
        %dma_start3A_179 = tpu.memref_slice %arg8[%run_scoped3A_93, %dma_start3A_178] : memref<8x128xi32, #tpu.memory_space<vmem>> -> memref<1x128xi32, #tpu.memory_space<vmem>>
        %dma_start3A_180 = tpu.memref_squeeze %dma_start3A_179 : memref<1x128xi32, #tpu.memory_space<vmem>> -> memref<128xi32, #tpu.memory_space<vmem>>
        %dma_start3A_181 = arith.constant 0 : i32
        %dma_start3A_182 = arith.constant 0 : i32
        %dma_start3A_183 = tpu.memref_slice %arg11[%dma_start3A_181, %dma_start3A_182] : memref<10112x128xf32, #tpu.memory_space<vmem_shared>> -> memref<10112x128xf32, #tpu.memory_space<vmem_shared>>
        tpu.enqueue_indirect_dma source(%arg10 : memref<128x128xf32, #tpu.memory_space<vmem>>) target(%dma_start3A_183 : memref<10112x128xf32, #tpu.memory_space<vmem_shared>>) offsets(%dma_start3A_180 : memref<128xi32, #tpu.memory_space<vmem>>) semaphore(%run_scoped3A_177 : memref<!tpu.dma_semaphore, #tpu.memory_space<semaphore_mem>>) {add = true}
        %dma_wait3A_184 = arith.constant 0 : i32
        %dma_wait3A_185 = tpu.memref_slice %arg8[%run_scoped3A_93, %dma_wait3A_184] : memref<8x128xi32, #tpu.memory_space<vmem>> -> memref<1x128xi32, #tpu.memory_space<vmem>>
        %dma_wait3A_186 = tpu.memref_squeeze %dma_wait3A_185 : memref<1x128xi32, #tpu.memory_space<vmem>> -> memref<128xi32, #tpu.memory_space<vmem>>
        %dma_wait3A_187 = arith.constant 0 : i32
        %dma_wait3A_188 = arith.constant 0 : i32
        %dma_wait3A_189 = tpu.memref_slice %arg11[%dma_wait3A_187, %dma_wait3A_188] : memref<10112x128xf32, #tpu.memory_space<vmem_shared>> -> memref<10112x128xf32, #tpu.memory_space<vmem_shared>>
        tpu.wait_indirect_dma semaphore(%run_scoped3A_177 : memref<!tpu.dma_semaphore, #tpu.memory_space<semaphore_mem>>) src(%arg10 : memref<128x128xf32, #tpu.memory_space<vmem>>) dst(%dma_wait3A_189 : memref<10112x128xf32, #tpu.memory_space<vmem_shared>>)
        tpu.yield
      }) : () -> ()
      %dma_wait3A_94 = arith.constant 2 : i32
      %dma_wait3A_95 = arith.constant 0 : i32
      %dma_wait3A_96 = tpu.memref_slice %arg7[%dma_wait3A_94, %dma_wait3A_95] : memref<8x128xi32, #tpu.memory_space<vmem>> -> memref<1x128xi32, #tpu.memory_space<vmem>>
      %dma_wait3A_97 = tpu.memref_squeeze %dma_wait3A_96 : memref<1x128xi32, #tpu.memory_space<vmem>> -> memref<128xi32, #tpu.memory_space<vmem>>
      %dma_wait3A_98 = arith.constant 0 : i32
      %dma_wait3A_99 = arith.constant 0 : i32
      %dma_wait3A_100 = tpu.memref_slice %arg2[%dma_wait3A_98, %dma_wait3A_99] : memref<10000x128xf32, #tpu.memory_space<hbm>> -> memref<10000x128xf32, #tpu.memory_space<hbm>>
      tpu.wait_indirect_dma semaphore(%arg12 : memref<!tpu.dma_semaphore, #tpu.memory_space<semaphore_mem>>) src(%dma_wait3A_100 : memref<10000x128xf32, #tpu.memory_space<hbm>>) dst(%arg9 : memref<128x128xf32, #tpu.memory_space<vmem>>)
      %dma_start3A_101 = arith.constant 3 : i32
      %dma_start3A_102 = arith.constant 0 : i32
      %dma_start3A_103 = tpu.memref_slice %arg7[%dma_start3A_101, %dma_start3A_102] : memref<8x128xi32, #tpu.memory_space<vmem>> -> memref<1x128xi32, #tpu.memory_space<vmem>>
      %dma_start3A_104 = tpu.memref_squeeze %dma_start3A_103 : memref<1x128xi32, #tpu.memory_space<vmem>> -> memref<128xi32, #tpu.memory_space<vmem>>
      %dma_start3A_105 = arith.constant 0 : i32
      %dma_start3A_106 = arith.constant 0 : i32
      %dma_start3A_107 = tpu.memref_slice %arg2[%dma_start3A_105, %dma_start3A_106] : memref<10000x128xf32, #tpu.memory_space<hbm>> -> memref<10000x128xf32, #tpu.memory_space<hbm>>
      tpu.enqueue_indirect_dma source(%dma_start3A_107 : memref<10000x128xf32, #tpu.memory_space<hbm>>) target(%arg10 : memref<128x128xf32, #tpu.memory_space<vmem>>) offsets(%dma_start3A_104 : memref<128xi32, #tpu.memory_space<vmem>>) semaphore(%arg13 : memref<!tpu.dma_semaphore, #tpu.memory_space<semaphore_mem>>)
      %run_scoped3A_108 = arith.constant 2 : i32
      "tpu.region"() ({
        %run_scoped3A_177 = tpu.sem_alloc : memref<!tpu.dma_semaphore, #tpu.memory_space<semaphore_mem>>
        %dma_start3A_178 = arith.constant 0 : i32
        %dma_start3A_179 = tpu.memref_slice %arg8[%run_scoped3A_108, %dma_start3A_178] : memref<8x128xi32, #tpu.memory_space<vmem>> -> memref<1x128xi32, #tpu.memory_space<vmem>>
        %dma_start3A_180 = tpu.memref_squeeze %dma_start3A_179 : memref<1x128xi32, #tpu.memory_space<vmem>> -> memref<128xi32, #tpu.memory_space<vmem>>
        %dma_start3A_181 = arith.constant 0 : i32
        %dma_start3A_182 = arith.constant 0 : i32
        %dma_start3A_183 = tpu.memref_slice %arg11[%dma_start3A_181, %dma_start3A_182] : memref<10112x128xf32, #tpu.memory_space<vmem_shared>> -> memref<10112x128xf32, #tpu.memory_space<vmem_shared>>
        tpu.enqueue_indirect_dma source(%arg9 : memref<128x128xf32, #tpu.memory_space<vmem>>) target(%dma_start3A_183 : memref<10112x128xf32, #tpu.memory_space<vmem_shared>>) offsets(%dma_start3A_180 : memref<128xi32, #tpu.memory_space<vmem>>) semaphore(%run_scoped3A_177 : memref<!tpu.dma_semaphore, #tpu.memory_space<semaphore_mem>>) {add = true}
        %dma_wait3A_184 = arith.constant 0 : i32
        %dma_wait3A_185 = tpu.memref_slice %arg8[%run_scoped3A_108, %dma_wait3A_184] : memref<8x128xi32, #tpu.memory_space<vmem>> -> memref<1x128xi32, #tpu.memory_space<vmem>>
        %dma_wait3A_186 = tpu.memref_squeeze %dma_wait3A_185 : memref<1x128xi32, #tpu.memory_space<vmem>> -> memref<128xi32, #tpu.memory_space<vmem>>
        %dma_wait3A_187 = arith.constant 0 : i32
        %dma_wait3A_188 = arith.constant 0 : i32
        %dma_wait3A_189 = tpu.memref_slice %arg11[%dma_wait3A_187, %dma_wait3A_188] : memref<10112x128xf32, #tpu.memory_space<vmem_shared>> -> memref<10112x128xf32, #tpu.memory_space<vmem_shared>>
        tpu.wait_indirect_dma semaphore(%run_scoped3A_177 : memref<!tpu.dma_semaphore, #tpu.memory_space<semaphore_mem>>) src(%arg9 : memref<128x128xf32, #tpu.memory_space<vmem>>) dst(%dma_wait3A_189 : memref<10112x128xf32, #tpu.memory_space<vmem_shared>>)
        tpu.yield
      }) : () -> ()
      %dma_wait3A_109 = arith.constant 3 : i32
      %dma_wait3A_110 = arith.constant 0 : i32
      %dma_wait3A_111 = tpu.memref_slice %arg7[%dma_wait3A_109, %dma_wait3A_110] : memref<8x128xi32, #tpu.memory_space<vmem>> -> memref<1x128xi32, #tpu.memory_space<vmem>>
      %dma_wait3A_112 = tpu.memref_squeeze %dma_wait3A_111 : memref<1x128xi32, #tpu.memory_space<vmem>> -> memref<128xi32, #tpu.memory_space<vmem>>
      %dma_wait3A_113 = arith.constant 0 : i32
      %dma_wait3A_114 = arith.constant 0 : i32
      %dma_wait3A_115 = tpu.memref_slice %arg2[%dma_wait3A_113, %dma_wait3A_114] : memref<10000x128xf32, #tpu.memory_space<hbm>> -> memref<10000x128xf32, #tpu.memory_space<hbm>>
      tpu.wait_indirect_dma semaphore(%arg13 : memref<!tpu.dma_semaphore, #tpu.memory_space<semaphore_mem>>) src(%dma_wait3A_115 : memref<10000x128xf32, #tpu.memory_space<hbm>>) dst(%arg10 : memref<128x128xf32, #tpu.memory_space<vmem>>)
      %dma_start3A_116 = arith.constant 4 : i32
      %dma_start3A_117 = arith.constant 0 : i32
      %dma_start3A_118 = tpu.memref_slice %arg7[%dma_start3A_116, %dma_start3A_117] : memref<8x128xi32, #tpu.memory_space<vmem>> -> memref<1x128xi32, #tpu.memory_space<vmem>>
      %dma_start3A_119 = tpu.memref_squeeze %dma_start3A_118 : memref<1x128xi32, #tpu.memory_space<vmem>> -> memref<128xi32, #tpu.memory_space<vmem>>
      %dma_start3A_120 = arith.constant 0 : i32
      %dma_start3A_121 = arith.constant 0 : i32
      %dma_start3A_122 = tpu.memref_slice %arg2[%dma_start3A_120, %dma_start3A_121] : memref<10000x128xf32, #tpu.memory_space<hbm>> -> memref<10000x128xf32, #tpu.memory_space<hbm>>
      tpu.enqueue_indirect_dma source(%dma_start3A_122 : memref<10000x128xf32, #tpu.memory_space<hbm>>) target(%arg9 : memref<128x128xf32, #tpu.memory_space<vmem>>) offsets(%dma_start3A_119 : memref<128xi32, #tpu.memory_space<vmem>>) semaphore(%arg12 : memref<!tpu.dma_semaphore, #tpu.memory_space<semaphore_mem>>)
      %run_scoped3A_123 = arith.constant 3 : i32
      "tpu.region"() ({
        %run_scoped3A_177 = tpu.sem_alloc : memref<!tpu.dma_semaphore, #tpu.memory_space<semaphore_mem>>
        %dma_start3A_178 = arith.constant 0 : i32
        %dma_start3A_179 = tpu.memref_slice %arg8[%run_scoped3A_123, %dma_start3A_178] : memref<8x128xi32, #tpu.memory_space<vmem>> -> memref<1x128xi32, #tpu.memory_space<vmem>>
        %dma_start3A_180 = tpu.memref_squeeze %dma_start3A_179 : memref<1x128xi32, #tpu.memory_space<vmem>> -> memref<128xi32, #tpu.memory_space<vmem>>
        %dma_start3A_181 = arith.constant 0 : i32
        %dma_start3A_182 = arith.constant 0 : i32
        %dma_start3A_183 = tpu.memref_slice %arg11[%dma_start3A_181, %dma_start3A_182] : memref<10112x128xf32, #tpu.memory_space<vmem_shared>> -> memref<10112x128xf32, #tpu.memory_space<vmem_shared>>
        tpu.enqueue_indirect_dma source(%arg10 : memref<128x128xf32, #tpu.memory_space<vmem>>) target(%dma_start3A_183 : memref<10112x128xf32, #tpu.memory_space<vmem_shared>>) offsets(%dma_start3A_180 : memref<128xi32, #tpu.memory_space<vmem>>) semaphore(%run_scoped3A_177 : memref<!tpu.dma_semaphore, #tpu.memory_space<semaphore_mem>>) {add = true}
        %dma_wait3A_184 = arith.constant 0 : i32
        %dma_wait3A_185 = tpu.memref_slice %arg8[%run_scoped3A_123, %dma_wait3A_184] : memref<8x128xi32, #tpu.memory_space<vmem>> -> memref<1x128xi32, #tpu.memory_space<vmem>>
        %dma_wait3A_186 = tpu.memref_squeeze %dma_wait3A_185 : memref<1x128xi32, #tpu.memory_space<vmem>> -> memref<128xi32, #tpu.memory_space<vmem>>
        %dma_wait3A_187 = arith.constant 0 : i32
        %dma_wait3A_188 = arith.constant 0 : i32
        %dma_wait3A_189 = tpu.memref_slice %arg11[%dma_wait3A_187, %dma_wait3A_188] : memref<10112x128xf32, #tpu.memory_space<vmem_shared>> -> memref<10112x128xf32, #tpu.memory_space<vmem_shared>>
        tpu.wait_indirect_dma semaphore(%run_scoped3A_177 : memref<!tpu.dma_semaphore, #tpu.memory_space<semaphore_mem>>) src(%arg10 : memref<128x128xf32, #tpu.memory_space<vmem>>) dst(%dma_wait3A_189 : memref<10112x128xf32, #tpu.memory_space<vmem_shared>>)
        tpu.yield
      }) : () -> ()
      %dma_wait3A_124 = arith.constant 4 : i32
      %dma_wait3A_125 = arith.constant 0 : i32
      %dma_wait3A_126 = tpu.memref_slice %arg7[%dma_wait3A_124, %dma_wait3A_125] : memref<8x128xi32, #tpu.memory_space<vmem>> -> memref<1x128xi32, #tpu.memory_space<vmem>>
      %dma_wait3A_127 = tpu.memref_squeeze %dma_wait3A_126 : memref<1x128xi32, #tpu.memory_space<vmem>> -> memref<128xi32, #tpu.memory_space<vmem>>
      %dma_wait3A_128 = arith.constant 0 : i32
      %dma_wait3A_129 = arith.constant 0 : i32
      %dma_wait3A_130 = tpu.memref_slice %arg2[%dma_wait3A_128, %dma_wait3A_129] : memref<10000x128xf32, #tpu.memory_space<hbm>> -> memref<10000x128xf32, #tpu.memory_space<hbm>>
      tpu.wait_indirect_dma semaphore(%arg12 : memref<!tpu.dma_semaphore, #tpu.memory_space<semaphore_mem>>) src(%dma_wait3A_130 : memref<10000x128xf32, #tpu.memory_space<hbm>>) dst(%arg9 : memref<128x128xf32, #tpu.memory_space<vmem>>)
      %dma_start3A_131 = arith.constant 5 : i32
      %dma_start3A_132 = arith.constant 0 : i32
      %dma_start3A_133 = tpu.memref_slice %arg7[%dma_start3A_131, %dma_start3A_132] : memref<8x128xi32, #tpu.memory_space<vmem>> -> memref<1x128xi32, #tpu.memory_space<vmem>>
      %dma_start3A_134 = tpu.memref_squeeze %dma_start3A_133 : memref<1x128xi32, #tpu.memory_space<vmem>> -> memref<128xi32, #tpu.memory_space<vmem>>
      %dma_start3A_135 = arith.constant 0 : i32
      %dma_start3A_136 = arith.constant 0 : i32
      %dma_start3A_137 = tpu.memref_slice %arg2[%dma_start3A_135, %dma_start3A_136] : memref<10000x128xf32, #tpu.memory_space<hbm>> -> memref<10000x128xf32, #tpu.memory_space<hbm>>
      tpu.enqueue_indirect_dma source(%dma_start3A_137 : memref<10000x128xf32, #tpu.memory_space<hbm>>) target(%arg10 : memref<128x128xf32, #tpu.memory_space<vmem>>) offsets(%dma_start3A_134 : memref<128xi32, #tpu.memory_space<vmem>>) semaphore(%arg13 : memref<!tpu.dma_semaphore, #tpu.memory_space<semaphore_mem>>)
      %run_scoped3A_138 = arith.constant 4 : i32
      "tpu.region"() ({
        %run_scoped3A_177 = tpu.sem_alloc : memref<!tpu.dma_semaphore, #tpu.memory_space<semaphore_mem>>
        %dma_start3A_178 = arith.constant 0 : i32
        %dma_start3A_179 = tpu.memref_slice %arg8[%run_scoped3A_138, %dma_start3A_178] : memref<8x128xi32, #tpu.memory_space<vmem>> -> memref<1x128xi32, #tpu.memory_space<vmem>>
        %dma_start3A_180 = tpu.memref_squeeze %dma_start3A_179 : memref<1x128xi32, #tpu.memory_space<vmem>> -> memref<128xi32, #tpu.memory_space<vmem>>
        %dma_start3A_181 = arith.constant 0 : i32
        %dma_start3A_182 = arith.constant 0 : i32
        %dma_start3A_183 = tpu.memref_slice %arg11[%dma_start3A_181, %dma_start3A_182] : memref<10112x128xf32, #tpu.memory_space<vmem_shared>> -> memref<10112x128xf32, #tpu.memory_space<vmem_shared>>
        tpu.enqueue_indirect_dma source(%arg9 : memref<128x128xf32, #tpu.memory_space<vmem>>) target(%dma_start3A_183 : memref<10112x128xf32, #tpu.memory_space<vmem_shared>>) offsets(%dma_start3A_180 : memref<128xi32, #tpu.memory_space<vmem>>) semaphore(%run_scoped3A_177 : memref<!tpu.dma_semaphore, #tpu.memory_space<semaphore_mem>>) {add = true}
        %dma_wait3A_184 = arith.constant 0 : i32
        %dma_wait3A_185 = tpu.memref_slice %arg8[%run_scoped3A_138, %dma_wait3A_184] : memref<8x128xi32, #tpu.memory_space<vmem>> -> memref<1x128xi32, #tpu.memory_space<vmem>>
        %dma_wait3A_186 = tpu.memref_squeeze %dma_wait3A_185 : memref<1x128xi32, #tpu.memory_space<vmem>> -> memref<128xi32, #tpu.memory_space<vmem>>
        %dma_wait3A_187 = arith.constant 0 : i32
        %dma_wait3A_188 = arith.constant 0 : i32
        %dma_wait3A_189 = tpu.memref_slice %arg11[%dma_wait3A_187, %dma_wait3A_188] : memref<10112x128xf32, #tpu.memory_space<vmem_shared>> -> memref<10112x128xf32, #tpu.memory_space<vmem_shared>>
        tpu.wait_indirect_dma semaphore(%run_scoped3A_177 : memref<!tpu.dma_semaphore, #tpu.memory_space<semaphore_mem>>) src(%arg9 : memref<128x128xf32, #tpu.memory_space<vmem>>) dst(%dma_wait3A_189 : memref<10112x128xf32, #tpu.memory_space<vmem_shared>>)
        tpu.yield
      }) : () -> ()
      %dma_wait3A_139 = arith.constant 5 : i32
      %dma_wait3A_140 = arith.constant 0 : i32
      %dma_wait3A_141 = tpu.memref_slice %arg7[%dma_wait3A_139, %dma_wait3A_140] : memref<8x128xi32, #tpu.memory_space<vmem>> -> memref<1x128xi32, #tpu.memory_space<vmem>>
      %dma_wait3A_142 = tpu.memref_squeeze %dma_wait3A_141 : memref<1x128xi32, #tpu.memory_space<vmem>> -> memref<128xi32, #tpu.memory_space<vmem>>
      %dma_wait3A_143 = arith.constant 0 : i32
      %dma_wait3A_144 = arith.constant 0 : i32
      %dma_wait3A_145 = tpu.memref_slice %arg2[%dma_wait3A_143, %dma_wait3A_144] : memref<10000x128xf32, #tpu.memory_space<hbm>> -> memref<10000x128xf32, #tpu.memory_space<hbm>>
      tpu.wait_indirect_dma semaphore(%arg13 : memref<!tpu.dma_semaphore, #tpu.memory_space<semaphore_mem>>) src(%dma_wait3A_145 : memref<10000x128xf32, #tpu.memory_space<hbm>>) dst(%arg10 : memref<128x128xf32, #tpu.memory_space<vmem>>)
      %dma_start3A_146 = arith.constant 6 : i32
      %dma_start3A_147 = arith.constant 0 : i32
      %dma_start3A_148 = tpu.memref_slice %arg7[%dma_start3A_146, %dma_start3A_147] : memref<8x128xi32, #tpu.memory_space<vmem>> -> memref<1x128xi32, #tpu.memory_space<vmem>>
      %dma_start3A_149 = tpu.memref_squeeze %dma_start3A_148 : memref<1x128xi32, #tpu.memory_space<vmem>> -> memref<128xi32, #tpu.memory_space<vmem>>
      %dma_start3A_150 = arith.constant 0 : i32
      %dma_start3A_151 = arith.constant 0 : i32
      %dma_start3A_152 = tpu.memref_slice %arg2[%dma_start3A_150, %dma_start3A_151] : memref<10000x128xf32, #tpu.memory_space<hbm>> -> memref<10000x128xf32, #tpu.memory_space<hbm>>
      tpu.enqueue_indirect_dma source(%dma_start3A_152 : memref<10000x128xf32, #tpu.memory_space<hbm>>) target(%arg9 : memref<128x128xf32, #tpu.memory_space<vmem>>) offsets(%dma_start3A_149 : memref<128xi32, #tpu.memory_space<vmem>>) semaphore(%arg12 : memref<!tpu.dma_semaphore, #tpu.memory_space<semaphore_mem>>)
      %run_scoped3A_153 = arith.constant 5 : i32
      "tpu.region"() ({
        %run_scoped3A_177 = tpu.sem_alloc : memref<!tpu.dma_semaphore, #tpu.memory_space<semaphore_mem>>
        %dma_start3A_178 = arith.constant 0 : i32
        %dma_start3A_179 = tpu.memref_slice %arg8[%run_scoped3A_153, %dma_start3A_178] : memref<8x128xi32, #tpu.memory_space<vmem>> -> memref<1x128xi32, #tpu.memory_space<vmem>>
        %dma_start3A_180 = tpu.memref_squeeze %dma_start3A_179 : memref<1x128xi32, #tpu.memory_space<vmem>> -> memref<128xi32, #tpu.memory_space<vmem>>
        %dma_start3A_181 = arith.constant 0 : i32
        %dma_start3A_182 = arith.constant 0 : i32
        %dma_start3A_183 = tpu.memref_slice %arg11[%dma_start3A_181, %dma_start3A_182] : memref<10112x128xf32, #tpu.memory_space<vmem_shared>> -> memref<10112x128xf32, #tpu.memory_space<vmem_shared>>
        tpu.enqueue_indirect_dma source(%arg10 : memref<128x128xf32, #tpu.memory_space<vmem>>) target(%dma_start3A_183 : memref<10112x128xf32, #tpu.memory_space<vmem_shared>>) offsets(%dma_start3A_180 : memref<128xi32, #tpu.memory_space<vmem>>) semaphore(%run_scoped3A_177 : memref<!tpu.dma_semaphore, #tpu.memory_space<semaphore_mem>>) {add = true}
        %dma_wait3A_184 = arith.constant 0 : i32
        %dma_wait3A_185 = tpu.memref_slice %arg8[%run_scoped3A_153, %dma_wait3A_184] : memref<8x128xi32, #tpu.memory_space<vmem>> -> memref<1x128xi32, #tpu.memory_space<vmem>>
        %dma_wait3A_186 = tpu.memref_squeeze %dma_wait3A_185 : memref<1x128xi32, #tpu.memory_space<vmem>> -> memref<128xi32, #tpu.memory_space<vmem>>
        %dma_wait3A_187 = arith.constant 0 : i32
        %dma_wait3A_188 = arith.constant 0 : i32
        %dma_wait3A_189 = tpu.memref_slice %arg11[%dma_wait3A_187, %dma_wait3A_188] : memref<10112x128xf32, #tpu.memory_space<vmem_shared>> -> memref<10112x128xf32, #tpu.memory_space<vmem_shared>>
        tpu.wait_indirect_dma semaphore(%run_scoped3A_177 : memref<!tpu.dma_semaphore, #tpu.memory_space<semaphore_mem>>) src(%arg10 : memref<128x128xf32, #tpu.memory_space<vmem>>) dst(%dma_wait3A_189 : memref<10112x128xf32, #tpu.memory_space<vmem_shared>>)
        tpu.yield
      }) : () -> ()
      %dma_wait3A_154 = arith.constant 6 : i32
      %dma_wait3A_155 = arith.constant 0 : i32
      %dma_wait3A_156 = tpu.memref_slice %arg7[%dma_wait3A_154, %dma_wait3A_155] : memref<8x128xi32, #tpu.memory_space<vmem>> -> memref<1x128xi32, #tpu.memory_space<vmem>>
      %dma_wait3A_157 = tpu.memref_squeeze %dma_wait3A_156 : memref<1x128xi32, #tpu.memory_space<vmem>> -> memref<128xi32, #tpu.memory_space<vmem>>
      %dma_wait3A_158 = arith.constant 0 : i32
      %dma_wait3A_159 = arith.constant 0 : i32
      %dma_wait3A_160 = tpu.memref_slice %arg2[%dma_wait3A_158, %dma_wait3A_159] : memref<10000x128xf32, #tpu.memory_space<hbm>> -> memref<10000x128xf32, #tpu.memory_space<hbm>>
      tpu.wait_indirect_dma semaphore(%arg12 : memref<!tpu.dma_semaphore, #tpu.memory_space<semaphore_mem>>) src(%dma_wait3A_160 : memref<10000x128xf32, #tpu.memory_space<hbm>>) dst(%arg9 : memref<128x128xf32, #tpu.memory_space<vmem>>)
      %dma_start3A_161 = arith.constant 7 : i32
      %dma_start3A_162 = arith.constant 0 : i32
      %dma_start3A_163 = tpu.memref_slice %arg7[%dma_start3A_161, %dma_start3A_162] : memref<8x128xi32, #tpu.memory_space<vmem>> -> memref<1x128xi32, #tpu.memory_space<vmem>>
      %dma_start3A_164 = tpu.memref_squeeze %dma_start3A_163 : memref<1x128xi32, #tpu.memory_space<vmem>> -> memref<128xi32, #tpu.memory_space<vmem>>
      %dma_start3A_165 = arith.constant 0 : i32
      %dma_start3A_166 = arith.constant 0 : i32
      %dma_start3A_167 = tpu.memref_slice %arg2[%dma_start3A_165, %dma_start3A_166] : memref<10000x128xf32, #tpu.memory_space<hbm>> -> memref<10000x128xf32, #tpu.memory_space<hbm>>
      tpu.enqueue_indirect_dma source(%dma_start3A_167 : memref<10000x128xf32, #tpu.memory_space<hbm>>) target(%arg10 : memref<128x128xf32, #tpu.memory_space<vmem>>) offsets(%dma_start3A_164 : memref<128xi32, #tpu.memory_space<vmem>>) semaphore(%arg13 : memref<!tpu.dma_semaphore, #tpu.memory_space<semaphore_mem>>)
      %run_scoped3A_168 = arith.constant 6 : i32
      "tpu.region"() ({
        %run_scoped3A_177 = tpu.sem_alloc : memref<!tpu.dma_semaphore, #tpu.memory_space<semaphore_mem>>
        %dma_start3A_178 = arith.constant 0 : i32
        %dma_start3A_179 = tpu.memref_slice %arg8[%run_scoped3A_168, %dma_start3A_178] : memref<8x128xi32, #tpu.memory_space<vmem>> -> memref<1x128xi32, #tpu.memory_space<vmem>>
        %dma_start3A_180 = tpu.memref_squeeze %dma_start3A_179 : memref<1x128xi32, #tpu.memory_space<vmem>> -> memref<128xi32, #tpu.memory_space<vmem>>
        %dma_start3A_181 = arith.constant 0 : i32
        %dma_start3A_182 = arith.constant 0 : i32
        %dma_start3A_183 = tpu.memref_slice %arg11[%dma_start3A_181, %dma_start3A_182] : memref<10112x128xf32, #tpu.memory_space<vmem_shared>> -> memref<10112x128xf32, #tpu.memory_space<vmem_shared>>
        tpu.enqueue_indirect_dma source(%arg9 : memref<128x128xf32, #tpu.memory_space<vmem>>) target(%dma_start3A_183 : memref<10112x128xf32, #tpu.memory_space<vmem_shared>>) offsets(%dma_start3A_180 : memref<128xi32, #tpu.memory_space<vmem>>) semaphore(%run_scoped3A_177 : memref<!tpu.dma_semaphore, #tpu.memory_space<semaphore_mem>>) {add = true}
        %dma_wait3A_184 = arith.constant 0 : i32
        %dma_wait3A_185 = tpu.memref_slice %arg8[%run_scoped3A_168, %dma_wait3A_184] : memref<8x128xi32, #tpu.memory_space<vmem>> -> memref<1x128xi32, #tpu.memory_space<vmem>>
        %dma_wait3A_186 = tpu.memref_squeeze %dma_wait3A_185 : memref<1x128xi32, #tpu.memory_space<vmem>> -> memref<128xi32, #tpu.memory_space<vmem>>
        %dma_wait3A_187 = arith.constant 0 : i32
        %dma_wait3A_188 = arith.constant 0 : i32
        %dma_wait3A_189 = tpu.memref_slice %arg11[%dma_wait3A_187, %dma_wait3A_188] : memref<10112x128xf32, #tpu.memory_space<vmem_shared>> -> memref<10112x128xf32, #tpu.memory_space<vmem_shared>>
        tpu.wait_indirect_dma semaphore(%run_scoped3A_177 : memref<!tpu.dma_semaphore, #tpu.memory_space<semaphore_mem>>) src(%arg9 : memref<128x128xf32, #tpu.memory_space<vmem>>) dst(%dma_wait3A_189 : memref<10112x128xf32, #tpu.memory_space<vmem_shared>>)
        tpu.yield
      }) : () -> ()
      %dma_wait3A_169 = arith.constant 7 : i32
      %dma_wait3A_170 = arith.constant 0 : i32
      %dma_wait3A_171 = tpu.memref_slice %arg7[%dma_wait3A_169, %dma_wait3A_170] : memref<8x128xi32, #tpu.memory_space<vmem>> -> memref<1x128xi32, #tpu.memory_space<vmem>>
      %dma_wait3A_172 = tpu.memref_squeeze %dma_wait3A_171 : memref<1x128xi32, #tpu.memory_space<vmem>> -> memref<128xi32, #tpu.memory_space<vmem>>
      %dma_wait3A_173 = arith.constant 0 : i32
      %dma_wait3A_174 = arith.constant 0 : i32
      %dma_wait3A_175 = tpu.memref_slice %arg2[%dma_wait3A_173, %dma_wait3A_174] : memref<10000x128xf32, #tpu.memory_space<hbm>> -> memref<10000x128xf32, #tpu.memory_space<hbm>>
      tpu.wait_indirect_dma semaphore(%arg13 : memref<!tpu.dma_semaphore, #tpu.memory_space<semaphore_mem>>) src(%dma_wait3A_175 : memref<10000x128xf32, #tpu.memory_space<hbm>>) dst(%arg10 : memref<128x128xf32, #tpu.memory_space<vmem>>)
      %run_scoped3A_176 = arith.constant 7 : i32
      "tpu.region"() ({
        %run_scoped3A_177 = tpu.sem_alloc : memref<!tpu.dma_semaphore, #tpu.memory_space<semaphore_mem>>
        %dma_start3A_178 = arith.constant 0 : i32
        %dma_start3A_179 = tpu.memref_slice %arg8[%run_scoped3A_176, %dma_start3A_178] : memref<8x128xi32, #tpu.memory_space<vmem>> -> memref<1x128xi32, #tpu.memory_space<vmem>>
        %dma_start3A_180 = tpu.memref_squeeze %dma_start3A_179 : memref<1x128xi32, #tpu.memory_space<vmem>> -> memref<128xi32, #tpu.memory_space<vmem>>
        %dma_start3A_181 = arith.constant 0 : i32
        %dma_start3A_182 = arith.constant 0 : i32
        %dma_start3A_183 = tpu.memref_slice %arg11[%dma_start3A_181, %dma_start3A_182] : memref<10112x128xf32, #tpu.memory_space<vmem_shared>> -> memref<10112x128xf32, #tpu.memory_space<vmem_shared>>
        tpu.enqueue_indirect_dma source(%arg10 : memref<128x128xf32, #tpu.memory_space<vmem>>) target(%dma_start3A_183 : memref<10112x128xf32, #tpu.memory_space<vmem_shared>>) offsets(%dma_start3A_180 : memref<128xi32, #tpu.memory_space<vmem>>) semaphore(%run_scoped3A_177 : memref<!tpu.dma_semaphore, #tpu.memory_space<semaphore_mem>>) {add = true}
        %dma_wait3A_184 = arith.constant 0 : i32
        %dma_wait3A_185 = tpu.memref_slice %arg8[%run_scoped3A_176, %dma_wait3A_184] : memref<8x128xi32, #tpu.memory_space<vmem>> -> memref<1x128xi32, #tpu.memory_space<vmem>>
        %dma_wait3A_186 = tpu.memref_squeeze %dma_wait3A_185 : memref<1x128xi32, #tpu.memory_space<vmem>> -> memref<128xi32, #tpu.memory_space<vmem>>
        %dma_wait3A_187 = arith.constant 0 : i32
        %dma_wait3A_188 = arith.constant 0 : i32
        %dma_wait3A_189 = tpu.memref_slice %arg11[%dma_wait3A_187, %dma_wait3A_188] : memref<10112x128xf32, #tpu.memory_space<vmem_shared>> -> memref<10112x128xf32, #tpu.memory_space<vmem_shared>>
        tpu.wait_indirect_dma semaphore(%run_scoped3A_177 : memref<!tpu.dma_semaphore, #tpu.memory_space<semaphore_mem>>) src(%arg10 : memref<128x128xf32, #tpu.memory_space<vmem>>) dst(%dma_wait3A_189 : memref<10112x128xf32, #tpu.memory_space<vmem_shared>>)
        tpu.yield
      }) : () -> ()
    }
    %barrier3A_33 = arith.constant 0 : index
    tpu.barrier barrier_id(%barrier3A_33)
    %mul3A_34 = arith.constant 632 : i32
    %mul3A_35 = arith.muli %add3A, %mul3A_34 : i32
    %add3A_36 = arith.constant 0 : i32
    %add3A_37 = arith.addi %mul3A_2, %add3A_36 : i32
    "tpu.region"() ({
      %run_scoped3A = tpu.sem_alloc : memref<!tpu.dma_semaphore, #tpu.memory_space<semaphore_mem>>
      %dma_start3A = arith.constant 0 : i32
      %dma_start3A_56 = tpu.memref_slice %arg11[%add3A_37, %dma_start3A] : memref<10112x128xf32, #tpu.memory_space<vmem_shared>> -> memref<128x128xf32, #tpu.memory_space<vmem_shared>>
      %dma_start3A_57 = arith.constant 0 : i32
      %dma_start3A_58 = tpu.memref_slice %arg11[%add3A_37, %dma_start3A_57] : memref<10112x128xf32, #tpu.memory_space<vmem_shared>> -> memref<128x128xf32, #tpu.memory_space<vmem_shared>>
      tpu.enqueue_dma source(%dma_start3A_58 : memref<128x128xf32, #tpu.memory_space<vmem_shared>>) target(%arg9 : memref<128x128xf32, #tpu.memory_space<vmem>>) target_semaphore(%run_scoped3A : memref<!tpu.dma_semaphore, #tpu.memory_space<semaphore_mem>>)
      %dma_wait3A = arith.constant 0 : i32
      %dma_wait3A_59 = tpu.memref_slice %arg11[%add3A_37, %dma_wait3A] : memref<10112x128xf32, #tpu.memory_space<vmem_shared>> -> memref<128x128xf32, #tpu.memory_space<vmem_shared>>
      %dma_wait3A_60 = arith.constant 0 : i32
      %dma_wait3A_61 = tpu.memref_slice %arg11[%add3A_37, %dma_wait3A_60] : memref<10112x128xf32, #tpu.memory_space<vmem_shared>> -> memref<128x128xf32, #tpu.memory_space<vmem_shared>>
      tpu.wait_dma2 semaphore(%run_scoped3A : memref<!tpu.dma_semaphore, #tpu.memory_space<semaphore_mem>>) src(%dma_wait3A_61 : memref<128x128xf32, #tpu.memory_space<vmem_shared>>) dst(%arg9 : memref<128x128xf32, #tpu.memory_space<vmem>>)
      tpu.yield
    }) : () -> ()
    %add3A_38 = arith.constant 0 : i32
    %add3A_39 = arith.addi %mul3A_35, %add3A_38 : i32
    "tpu.region"() ({
      %run_scoped3A = tpu.sem_alloc : memref<!tpu.dma_semaphore, #tpu.memory_space<semaphore_mem>>
      %dma_start3A = arith.constant 0 : i32
      %dma_start3A_56 = tpu.memref_slice %arg6[%add3A_39, %dma_start3A] : memref<20224x128xf32, #tpu.memory_space<hbm>> -> memref<128x128xf32, #tpu.memory_space<hbm>>
      %dma_start3A_57 = arith.constant 0 : i32
      %dma_start3A_58 = tpu.memref_slice %arg6[%add3A_39, %dma_start3A_57] : memref<20224x128xf32, #tpu.memory_space<hbm>> -> memref<128x128xf32, #tpu.memory_space<hbm>>
      tpu.enqueue_dma source(%arg9 : memref<128x128xf32, #tpu.memory_space<vmem>>) target(%dma_start3A_58 : memref<128x128xf32, #tpu.memory_space<hbm>>) target_semaphore(%run_scoped3A : memref<!tpu.dma_semaphore, #tpu.memory_space<semaphore_mem>>)
      %dma_wait3A = arith.constant 0 : i32
      %dma_wait3A_59 = tpu.memref_slice %arg6[%add3A_39, %dma_wait3A] : memref<20224x128xf32, #tpu.memory_space<hbm>> -> memref<128x128xf32, #tpu.memory_space<hbm>>
      %dma_wait3A_60 = arith.constant 0 : i32
      %dma_wait3A_61 = tpu.memref_slice %arg6[%add3A_39, %dma_wait3A_60] : memref<20224x128xf32, #tpu.memory_space<hbm>> -> memref<128x128xf32, #tpu.memory_space<hbm>>
      tpu.wait_dma2 semaphore(%run_scoped3A : memref<!tpu.dma_semaphore, #tpu.memory_space<semaphore_mem>>) src(%arg9 : memref<128x128xf32, #tpu.memory_space<vmem>>) dst(%dma_wait3A_61 : memref<128x128xf32, #tpu.memory_space<hbm>>)
      tpu.yield
    }) : () -> ()
    %add3A_40 = arith.constant 128 : i32
    %add3A_41 = arith.addi %mul3A_2, %add3A_40 : i32
    "tpu.region"() ({
      %run_scoped3A = tpu.sem_alloc : memref<!tpu.dma_semaphore, #tpu.memory_space<semaphore_mem>>
      %dma_start3A = arith.constant 0 : i32
      %dma_start3A_56 = tpu.memref_slice %arg11[%add3A_41, %dma_start3A] : memref<10112x128xf32, #tpu.memory_space<vmem_shared>> -> memref<128x128xf32, #tpu.memory_space<vmem_shared>>
      %dma_start3A_57 = arith.constant 0 : i32
      %dma_start3A_58 = tpu.memref_slice %arg11[%add3A_41, %dma_start3A_57] : memref<10112x128xf32, #tpu.memory_space<vmem_shared>> -> memref<128x128xf32, #tpu.memory_space<vmem_shared>>
      tpu.enqueue_dma source(%dma_start3A_58 : memref<128x128xf32, #tpu.memory_space<vmem_shared>>) target(%arg9 : memref<128x128xf32, #tpu.memory_space<vmem>>) target_semaphore(%run_scoped3A : memref<!tpu.dma_semaphore, #tpu.memory_space<semaphore_mem>>)
      %dma_wait3A = arith.constant 0 : i32
      %dma_wait3A_59 = tpu.memref_slice %arg11[%add3A_41, %dma_wait3A] : memref<10112x128xf32, #tpu.memory_space<vmem_shared>> -> memref<128x128xf32, #tpu.memory_space<vmem_shared>>
      %dma_wait3A_60 = arith.constant 0 : i32
      %dma_wait3A_61 = tpu.memref_slice %arg11[%add3A_41, %dma_wait3A_60] : memref<10112x128xf32, #tpu.memory_space<vmem_shared>> -> memref<128x128xf32, #tpu.memory_space<vmem_shared>>
      tpu.wait_dma2 semaphore(%run_scoped3A : memref<!tpu.dma_semaphore, #tpu.memory_space<semaphore_mem>>) src(%dma_wait3A_61 : memref<128x128xf32, #tpu.memory_space<vmem_shared>>) dst(%arg9 : memref<128x128xf32, #tpu.memory_space<vmem>>)
      tpu.yield
    }) : () -> ()
    %add3A_42 = arith.constant 128 : i32
    %add3A_43 = arith.addi %mul3A_35, %add3A_42 : i32
    "tpu.region"() ({
      %run_scoped3A = tpu.sem_alloc : memref<!tpu.dma_semaphore, #tpu.memory_space<semaphore_mem>>
      %dma_start3A = arith.constant 0 : i32
      %dma_start3A_56 = tpu.memref_slice %arg6[%add3A_43, %dma_start3A] : memref<20224x128xf32, #tpu.memory_space<hbm>> -> memref<128x128xf32, #tpu.memory_space<hbm>>
      %dma_start3A_57 = arith.constant 0 : i32
      %dma_start3A_58 = tpu.memref_slice %arg6[%add3A_43, %dma_start3A_57] : memref<20224x128xf32, #tpu.memory_space<hbm>> -> memref<128x128xf32, #tpu.memory_space<hbm>>
      tpu.enqueue_dma source(%arg9 : memref<128x128xf32, #tpu.memory_space<vmem>>) target(%dma_start3A_58 : memref<128x128xf32, #tpu.memory_space<hbm>>) target_semaphore(%run_scoped3A : memref<!tpu.dma_semaphore, #tpu.memory_space<semaphore_mem>>)
      %dma_wait3A = arith.constant 0 : i32
      %dma_wait3A_59 = tpu.memref_slice %arg6[%add3A_43, %dma_wait3A] : memref<20224x128xf32, #tpu.memory_space<hbm>> -> memref<128x128xf32, #tpu.memory_space<hbm>>
      %dma_wait3A_60 = arith.constant 0 : i32
      %dma_wait3A_61 = tpu.memref_slice %arg6[%add3A_43, %dma_wait3A_60] : memref<20224x128xf32, #tpu.memory_space<hbm>> -> memref<128x128xf32, #tpu.memory_space<hbm>>
      tpu.wait_dma2 semaphore(%run_scoped3A : memref<!tpu.dma_semaphore, #tpu.memory_space<semaphore_mem>>) src(%arg9 : memref<128x128xf32, #tpu.memory_space<vmem>>) dst(%dma_wait3A_61 : memref<128x128xf32, #tpu.memory_space<hbm>>)
      tpu.yield
    }) : () -> ()
    %add3A_44 = arith.constant 256 : i32
    %add3A_45 = arith.addi %mul3A_2, %add3A_44 : i32
    "tpu.region"() ({
      %run_scoped3A = tpu.sem_alloc : memref<!tpu.dma_semaphore, #tpu.memory_space<semaphore_mem>>
      %dma_start3A = arith.constant 0 : i32
      %dma_start3A_56 = tpu.memref_slice %arg11[%add3A_45, %dma_start3A] : memref<10112x128xf32, #tpu.memory_space<vmem_shared>> -> memref<128x128xf32, #tpu.memory_space<vmem_shared>>
      %dma_start3A_57 = arith.constant 0 : i32
      %dma_start3A_58 = tpu.memref_slice %arg11[%add3A_45, %dma_start3A_57] : memref<10112x128xf32, #tpu.memory_space<vmem_shared>> -> memref<128x128xf32, #tpu.memory_space<vmem_shared>>
      tpu.enqueue_dma source(%dma_start3A_58 : memref<128x128xf32, #tpu.memory_space<vmem_shared>>) target(%arg9 : memref<128x128xf32, #tpu.memory_space<vmem>>) target_semaphore(%run_scoped3A : memref<!tpu.dma_semaphore, #tpu.memory_space<semaphore_mem>>)
      %dma_wait3A = arith.constant 0 : i32
      %dma_wait3A_59 = tpu.memref_slice %arg11[%add3A_45, %dma_wait3A] : memref<10112x128xf32, #tpu.memory_space<vmem_shared>> -> memref<128x128xf32, #tpu.memory_space<vmem_shared>>
      %dma_wait3A_60 = arith.constant 0 : i32
      %dma_wait3A_61 = tpu.memref_slice %arg11[%add3A_45, %dma_wait3A_60] : memref<10112x128xf32, #tpu.memory_space<vmem_shared>> -> memref<128x128xf32, #tpu.memory_space<vmem_shared>>
      tpu.wait_dma2 semaphore(%run_scoped3A : memref<!tpu.dma_semaphore, #tpu.memory_space<semaphore_mem>>) src(%dma_wait3A_61 : memref<128x128xf32, #tpu.memory_space<vmem_shared>>) dst(%arg9 : memref<128x128xf32, #tpu.memory_space<vmem>>)
      tpu.yield
    }) : () -> ()
    %add3A_46 = arith.constant 256 : i32
    %add3A_47 = arith.addi %mul3A_35, %add3A_46 : i32
    "tpu.region"() ({
      %run_scoped3A = tpu.sem_alloc : memref<!tpu.dma_semaphore, #tpu.memory_space<semaphore_mem>>
      %dma_start3A = arith.constant 0 : i32
      %dma_start3A_56 = tpu.memref_slice %arg6[%add3A_47, %dma_start3A] : memref<20224x128xf32, #tpu.memory_space<hbm>> -> memref<128x128xf32, #tpu.memory_space<hbm>>
      %dma_start3A_57 = arith.constant 0 : i32
      %dma_start3A_58 = tpu.memref_slice %arg6[%add3A_47, %dma_start3A_57] : memref<20224x128xf32, #tpu.memory_space<hbm>> -> memref<128x128xf32, #tpu.memory_space<hbm>>
      tpu.enqueue_dma source(%arg9 : memref<128x128xf32, #tpu.memory_space<vmem>>) target(%dma_start3A_58 : memref<128x128xf32, #tpu.memory_space<hbm>>) target_semaphore(%run_scoped3A : memref<!tpu.dma_semaphore, #tpu.memory_space<semaphore_mem>>)
      %dma_wait3A = arith.constant 0 : i32
      %dma_wait3A_59 = tpu.memref_slice %arg6[%add3A_47, %dma_wait3A] : memref<20224x128xf32, #tpu.memory_space<hbm>> -> memref<128x128xf32, #tpu.memory_space<hbm>>
      %dma_wait3A_60 = arith.constant 0 : i32
      %dma_wait3A_61 = tpu.memref_slice %arg6[%add3A_47, %dma_wait3A_60] : memref<20224x128xf32, #tpu.memory_space<hbm>> -> memref<128x128xf32, #tpu.memory_space<hbm>>
      tpu.wait_dma2 semaphore(%run_scoped3A : memref<!tpu.dma_semaphore, #tpu.memory_space<semaphore_mem>>) src(%arg9 : memref<128x128xf32, #tpu.memory_space<vmem>>) dst(%dma_wait3A_61 : memref<128x128xf32, #tpu.memory_space<hbm>>)
      tpu.yield
    }) : () -> ()
    %add3A_48 = arith.constant 384 : i32
    %add3A_49 = arith.addi %mul3A_2, %add3A_48 : i32
    "tpu.region"() ({
      %run_scoped3A = tpu.sem_alloc : memref<!tpu.dma_semaphore, #tpu.memory_space<semaphore_mem>>
      %dma_start3A = arith.constant 0 : i32
      %dma_start3A_56 = tpu.memref_slice %arg11[%add3A_49, %dma_start3A] : memref<10112x128xf32, #tpu.memory_space<vmem_shared>> -> memref<128x128xf32, #tpu.memory_space<vmem_shared>>
      %dma_start3A_57 = arith.constant 0 : i32
      %dma_start3A_58 = tpu.memref_slice %arg11[%add3A_49, %dma_start3A_57] : memref<10112x128xf32, #tpu.memory_space<vmem_shared>> -> memref<128x128xf32, #tpu.memory_space<vmem_shared>>
      tpu.enqueue_dma source(%dma_start3A_58 : memref<128x128xf32, #tpu.memory_space<vmem_shared>>) target(%arg9 : memref<128x128xf32, #tpu.memory_space<vmem>>) target_semaphore(%run_scoped3A : memref<!tpu.dma_semaphore, #tpu.memory_space<semaphore_mem>>)
      %dma_wait3A = arith.constant 0 : i32
      %dma_wait3A_59 = tpu.memref_slice %arg11[%add3A_49, %dma_wait3A] : memref<10112x128xf32, #tpu.memory_space<vmem_shared>> -> memref<128x128xf32, #tpu.memory_space<vmem_shared>>
      %dma_wait3A_60 = arith.constant 0 : i32
      %dma_wait3A_61 = tpu.memref_slice %arg11[%add3A_49, %dma_wait3A_60] : memref<10112x128xf32, #tpu.memory_space<vmem_shared>> -> memref<128x128xf32, #tpu.memory_space<vmem_shared>>
      tpu.wait_dma2 semaphore(%run_scoped3A : memref<!tpu.dma_semaphore, #tpu.memory_space<semaphore_mem>>) src(%dma_wait3A_61 : memref<128x128xf32, #tpu.memory_space<vmem_shared>>) dst(%arg9 : memref<128x128xf32, #tpu.memory_space<vmem>>)
      tpu.yield
    }) : () -> ()
    %add3A_50 = arith.constant 384 : i32
    %add3A_51 = arith.addi %mul3A_35, %add3A_50 : i32
    "tpu.region"() ({
      %run_scoped3A = tpu.sem_alloc : memref<!tpu.dma_semaphore, #tpu.memory_space<semaphore_mem>>
      %dma_start3A = arith.constant 0 : i32
      %dma_start3A_56 = tpu.memref_slice %arg6[%add3A_51, %dma_start3A] : memref<20224x128xf32, #tpu.memory_space<hbm>> -> memref<128x128xf32, #tpu.memory_space<hbm>>
      %dma_start3A_57 = arith.constant 0 : i32
      %dma_start3A_58 = tpu.memref_slice %arg6[%add3A_51, %dma_start3A_57] : memref<20224x128xf32, #tpu.memory_space<hbm>> -> memref<128x128xf32, #tpu.memory_space<hbm>>
      tpu.enqueue_dma source(%arg9 : memref<128x128xf32, #tpu.memory_space<vmem>>) target(%dma_start3A_58 : memref<128x128xf32, #tpu.memory_space<hbm>>) target_semaphore(%run_scoped3A : memref<!tpu.dma_semaphore, #tpu.memory_space<semaphore_mem>>)
      %dma_wait3A = arith.constant 0 : i32
      %dma_wait3A_59 = tpu.memref_slice %arg6[%add3A_51, %dma_wait3A] : memref<20224x128xf32, #tpu.memory_space<hbm>> -> memref<128x128xf32, #tpu.memory_space<hbm>>
      %dma_wait3A_60 = arith.constant 0 : i32
      %dma_wait3A_61 = tpu.memref_slice %arg6[%add3A_51, %dma_wait3A_60] : memref<20224x128xf32, #tpu.memory_space<hbm>> -> memref<128x128xf32, #tpu.memory_space<hbm>>
      tpu.wait_dma2 semaphore(%run_scoped3A : memref<!tpu.dma_semaphore, #tpu.memory_space<semaphore_mem>>) src(%arg9 : memref<128x128xf32, #tpu.memory_space<vmem>>) dst(%dma_wait3A_61 : memref<128x128xf32, #tpu.memory_space<hbm>>)
      tpu.yield
    }) : () -> ()
    %add3A_52 = arith.constant 504 : i32
    %add3A_53 = arith.addi %mul3A_2, %add3A_52 : i32
    "tpu.region"() ({
      %run_scoped3A = tpu.sem_alloc : memref<!tpu.dma_semaphore, #tpu.memory_space<semaphore_mem>>
      %dma_start3A = arith.constant 0 : i32
      %dma_start3A_56 = tpu.memref_slice %arg11[%add3A_53, %dma_start3A] : memref<10112x128xf32, #tpu.memory_space<vmem_shared>> -> memref<128x128xf32, #tpu.memory_space<vmem_shared>>
      %dma_start3A_57 = arith.constant 0 : i32
      %dma_start3A_58 = tpu.memref_slice %arg11[%add3A_53, %dma_start3A_57] : memref<10112x128xf32, #tpu.memory_space<vmem_shared>> -> memref<128x128xf32, #tpu.memory_space<vmem_shared>>
      tpu.enqueue_dma source(%dma_start3A_58 : memref<128x128xf32, #tpu.memory_space<vmem_shared>>) target(%arg9 : memref<128x128xf32, #tpu.memory_space<vmem>>) target_semaphore(%run_scoped3A : memref<!tpu.dma_semaphore, #tpu.memory_space<semaphore_mem>>)
      %dma_wait3A = arith.constant 0 : i32
      %dma_wait3A_59 = tpu.memref_slice %arg11[%add3A_53, %dma_wait3A] : memref<10112x128xf32, #tpu.memory_space<vmem_shared>> -> memref<128x128xf32, #tpu.memory_space<vmem_shared>>
      %dma_wait3A_60 = arith.constant 0 : i32
      %dma_wait3A_61 = tpu.memref_slice %arg11[%add3A_53, %dma_wait3A_60] : memref<10112x128xf32, #tpu.memory_space<vmem_shared>> -> memref<128x128xf32, #tpu.memory_space<vmem_shared>>
      tpu.wait_dma2 semaphore(%run_scoped3A : memref<!tpu.dma_semaphore, #tpu.memory_space<semaphore_mem>>) src(%dma_wait3A_61 : memref<128x128xf32, #tpu.memory_space<vmem_shared>>) dst(%arg9 : memref<128x128xf32, #tpu.memory_space<vmem>>)
      tpu.yield
    }) : () -> ()
    %add3A_54 = arith.constant 504 : i32
    %add3A_55 = arith.addi %mul3A_35, %add3A_54 : i32
    "tpu.region"() ({
      %run_scoped3A = tpu.sem_alloc : memref<!tpu.dma_semaphore, #tpu.memory_space<semaphore_mem>>
      %dma_start3A = arith.constant 0 : i32
      %dma_start3A_56 = tpu.memref_slice %arg6[%add3A_55, %dma_start3A] : memref<20224x128xf32, #tpu.memory_space<hbm>> -> memref<128x128xf32, #tpu.memory_space<hbm>>
      %dma_start3A_57 = arith.constant 0 : i32
      %dma_start3A_58 = tpu.memref_slice %arg6[%add3A_55, %dma_start3A_57] : memref<20224x128xf32, #tpu.memory_space<hbm>> -> memref<128x128xf32, #tpu.memory_space<hbm>>
      tpu.enqueue_dma source(%arg9 : memref<128x128xf32, #tpu.memory_space<vmem>>) target(%dma_start3A_58 : memref<128x128xf32, #tpu.memory_space<hbm>>) target_semaphore(%run_scoped3A : memref<!tpu.dma_semaphore, #tpu.memory_space<semaphore_mem>>)
      %dma_wait3A = arith.constant 0 : i32
      %dma_wait3A_59 = tpu.memref_slice %arg6[%add3A_55, %dma_wait3A] : memref<20224x128xf32, #tpu.memory_space<hbm>> -> memref<128x128xf32, #tpu.memory_space<hbm>>
      %dma_wait3A_60 = arith.constant 0 : i32
      %dma_wait3A_61 = tpu.memref_slice %arg6[%add3A_55, %dma_wait3A_60] : memref<20224x128xf32, #tpu.memory_space<hbm>> -> memref<128x128xf32, #tpu.memory_space<hbm>>
      tpu.wait_dma2 semaphore(%run_scoped3A : memref<!tpu.dma_semaphore, #tpu.memory_space<semaphore_mem>>) src(%arg9 : memref<128x128xf32, #tpu.memory_space<vmem>>) dst(%dma_wait3A_61 : memref<128x128xf32, #tpu.memory_space<hbm>>)
      tpu.yield
    }) : () -> ()
    return
  }
}

#map = affine_map<(d0, d1) -> (0, 0)>
module attributes {stable_mosaic.version = 14 : i64} {
  func.func @agg(%arg0: i32, %arg1: i32, %arg2: memref<10000x128xf32, #tpu.memory_space<hbm>>, %arg3: memref<2560x128xi32, #tpu.memory_space<hbm>>, %arg4: memref<2560x128xi32, #tpu.memory_space<hbm>>, %arg5: memref<128x128xf32, #tpu.memory_space<hbm>>, %arg6: memref<20224x128xf32, #tpu.memory_space<hbm>>, %arg7: memref<8x128xi32, #tpu.memory_space<vmem>>, %arg8: memref<8x128xi32, #tpu.memory_space<vmem>>, %arg9: memref<128x128xf32, #tpu.memory_space<vmem>>, %arg10: memref<128x128xf32, #tpu.memory_space<vmem>>, %arg11: memref<10112x128xf32, #tpu.memory_space<vmem_shared>>, %arg12: memref<!tpu.dma_semaphore, #tpu.memory_space<semaphore_mem>>, %arg13: memref<!tpu.dma_semaphore, #tpu.memory_space<semaphore_mem>>) attributes {dimension_semantics = [#tpu.dimension_semantics<core_parallel>, #tpu.dimension_semantics<subcore_parallel>], iteration_bounds = array<i64: 2, 16>, scalar_prefetch = 0 : i64, scratch_operands = 7 : i64, tpu.core_type = #tpu.core_type<sc_vector_subcore>, window_params = [{transform_indices = #map}, {transform_indices = #map}, {transform_indices = #map}, {transform_indices = #map}, {transform_indices = #map}]} {
    %mul3A = arith.constant 16 : i32
    %mul3A_0 = arith.muli %arg0, %mul3A : i32
    %add3A = arith.addi %mul3A_0, %arg1 : i32
    %mul3A_1 = arith.constant 632 : i32
    %mul3A_2 = arith.muli %arg1, %mul3A_1 : i32
    "tpu.region"() ({
      %run_scoped3A = tpu.sem_alloc : memref<!tpu.dma_semaphore, #tpu.memory_space<semaphore_mem>>
      tpu.enqueue_dma source(%arg5 : memref<128x128xf32, #tpu.memory_space<hbm>>) target(%arg9 : memref<128x128xf32, #tpu.memory_space<vmem>>) target_semaphore(%run_scoped3A : memref<!tpu.dma_semaphore, #tpu.memory_space<semaphore_mem>>)
      tpu.wait_dma2 semaphore(%run_scoped3A : memref<!tpu.dma_semaphore, #tpu.memory_space<semaphore_mem>>) src(%arg5 : memref<128x128xf32, #tpu.memory_space<hbm>>) dst(%arg9 : memref<128x128xf32, #tpu.memory_space<vmem>>)
      tpu.yield
    }) : () -> ()
    %add3A_3 = arith.constant 0 : i32
    %add3A_4 = arith.addi %mul3A_2, %add3A_3 : i32
    "tpu.region"() ({
      %run_scoped3A = tpu.sem_alloc : memref<!tpu.dma_semaphore, #tpu.memory_space<semaphore_mem>>
      %dma_start3A = arith.constant 0 : i32
      %dma_start3A_56 = tpu.memref_slice %arg11[%add3A_4, %dma_start3A] : memref<10112x128xf32, #tpu.memory_space<vmem_shared>> -> memref<128x128xf32, #tpu.memory_space<vmem_shared>>
      %dma_start3A_57 = arith.constant 0 : i32
      %dma_start3A_58 = tpu.memref_slice %arg11[%add3A_4, %dma_start3A_57] : memref<10112x128xf32, #tpu.memory_space<vmem_shared>> -> memref<128x128xf32, #tpu.memory_space<vmem_shared>>
      tpu.enqueue_dma source(%arg9 : memref<128x128xf32, #tpu.memory_space<vmem>>) target(%dma_start3A_58 : memref<128x128xf32, #tpu.memory_space<vmem_shared>>) target_semaphore(%run_scoped3A : memref<!tpu.dma_semaphore, #tpu.memory_space<semaphore_mem>>)
      %dma_wait3A = arith.constant 0 : i32
      %dma_wait3A_59 = tpu.memref_slice %arg11[%add3A_4, %dma_wait3A] : memref<10112x128xf32, #tpu.memory_space<vmem_shared>> -> memref<128x128xf32, #tpu.memory_space<vmem_shared>>
      %dma_wait3A_60 = arith.constant 0 : i32
      %dma_wait3A_61 = tpu.memref_slice %arg11[%add3A_4, %dma_wait3A_60] : memref<10112x128xf32, #tpu.memory_space<vmem_shared>> -> memref<128x128xf32, #tpu.memory_space<vmem_shared>>
      tpu.wait_dma2 semaphore(%run_scoped3A : memref<!tpu.dma_semaphore, #tpu.memory_space<semaphore_mem>>) src(%arg9 : memref<128x128xf32, #tpu.memory_space<vmem>>) dst(%dma_wait3A_61 : memref<128x128xf32, #tpu.memory_space<vmem_shared>>)
      tpu.yield
    }) : () -> ()
    %add3A_5 = arith.constant 128 : i32
    %add3A_6 = arith.addi %mul3A_2, %add3A_5 : i32
    "tpu.region"() ({
      %run_scoped3A = tpu.sem_alloc : memref<!tpu.dma_semaphore, #tpu.memory_space<semaphore_mem>>
      %dma_start3A = arith.constant 0 : i32
      %dma_start3A_56 = tpu.memref_slice %arg11[%add3A_6, %dma_start3A] : memref<10112x128xf32, #tpu.memory_space<vmem_shared>> -> memref<128x128xf32, #tpu.memory_space<vmem_shared>>
      %dma_start3A_57 = arith.constant 0 : i32
      %dma_start3A_58 = tpu.memref_slice %arg11[%add3A_6, %dma_start3A_57] : memref<10112x128xf32, #tpu.memory_space<vmem_shared>> -> memref<128x128xf32, #tpu.memory_space<vmem_shared>>
      tpu.enqueue_dma source(%arg9 : memref<128x128xf32, #tpu.memory_space<vmem>>) target(%dma_start3A_58 : memref<128x128xf32, #tpu.memory_space<vmem_shared>>) target_semaphore(%run_scoped3A : memref<!tpu.dma_semaphore, #tpu.memory_space<semaphore_mem>>)
      %dma_wait3A = arith.constant 0 : i32
      %dma_wait3A_59 = tpu.memref_slice %arg11[%add3A_6, %dma_wait3A] : memref<10112x128xf32, #tpu.memory_space<vmem_shared>> -> memref<128x128xf32, #tpu.memory_space<vmem_shared>>
      %dma_wait3A_60 = arith.constant 0 : i32
      %dma_wait3A_61 = tpu.memref_slice %arg11[%add3A_6, %dma_wait3A_60] : memref<10112x128xf32, #tpu.memory_space<vmem_shared>> -> memref<128x128xf32, #tpu.memory_space<vmem_shared>>
      tpu.wait_dma2 semaphore(%run_scoped3A : memref<!tpu.dma_semaphore, #tpu.memory_space<semaphore_mem>>) src(%arg9 : memref<128x128xf32, #tpu.memory_space<vmem>>) dst(%dma_wait3A_61 : memref<128x128xf32, #tpu.memory_space<vmem_shared>>)
      tpu.yield
    }) : () -> ()
    %add3A_7 = arith.constant 256 : i32
    %add3A_8 = arith.addi %mul3A_2, %add3A_7 : i32
    "tpu.region"() ({
      %run_scoped3A = tpu.sem_alloc : memref<!tpu.dma_semaphore, #tpu.memory_space<semaphore_mem>>
      %dma_start3A = arith.constant 0 : i32
      %dma_start3A_56 = tpu.memref_slice %arg11[%add3A_8, %dma_start3A] : memref<10112x128xf32, #tpu.memory_space<vmem_shared>> -> memref<128x128xf32, #tpu.memory_space<vmem_shared>>
      %dma_start3A_57 = arith.constant 0 : i32
      %dma_start3A_58 = tpu.memref_slice %arg11[%add3A_8, %dma_start3A_57] : memref<10112x128xf32, #tpu.memory_space<vmem_shared>> -> memref<128x128xf32, #tpu.memory_space<vmem_shared>>
      tpu.enqueue_dma source(%arg9 : memref<128x128xf32, #tpu.memory_space<vmem>>) target(%dma_start3A_58 : memref<128x128xf32, #tpu.memory_space<vmem_shared>>) target_semaphore(%run_scoped3A : memref<!tpu.dma_semaphore, #tpu.memory_space<semaphore_mem>>)
      %dma_wait3A = arith.constant 0 : i32
      %dma_wait3A_59 = tpu.memref_slice %arg11[%add3A_8, %dma_wait3A] : memref<10112x128xf32, #tpu.memory_space<vmem_shared>> -> memref<128x128xf32, #tpu.memory_space<vmem_shared>>
      %dma_wait3A_60 = arith.constant 0 : i32
      %dma_wait3A_61 = tpu.memref_slice %arg11[%add3A_8, %dma_wait3A_60] : memref<10112x128xf32, #tpu.memory_space<vmem_shared>> -> memref<128x128xf32, #tpu.memory_space<vmem_shared>>
      tpu.wait_dma2 semaphore(%run_scoped3A : memref<!tpu.dma_semaphore, #tpu.memory_space<semaphore_mem>>) src(%arg9 : memref<128x128xf32, #tpu.memory_space<vmem>>) dst(%dma_wait3A_61 : memref<128x128xf32, #tpu.memory_space<vmem_shared>>)
      tpu.yield
    }) : () -> ()
    %add3A_9 = arith.constant 384 : i32
    %add3A_10 = arith.addi %mul3A_2, %add3A_9 : i32
    "tpu.region"() ({
      %run_scoped3A = tpu.sem_alloc : memref<!tpu.dma_semaphore, #tpu.memory_space<semaphore_mem>>
      %dma_start3A = arith.constant 0 : i32
      %dma_start3A_56 = tpu.memref_slice %arg11[%add3A_10, %dma_start3A] : memref<10112x128xf32, #tpu.memory_space<vmem_shared>> -> memref<128x128xf32, #tpu.memory_space<vmem_shared>>
      %dma_start3A_57 = arith.constant 0 : i32
      %dma_start3A_58 = tpu.memref_slice %arg11[%add3A_10, %dma_start3A_57] : memref<10112x128xf32, #tpu.memory_space<vmem_shared>> -> memref<128x128xf32, #tpu.memory_space<vmem_shared>>
      tpu.enqueue_dma source(%arg9 : memref<128x128xf32, #tpu.memory_space<vmem>>) target(%dma_start3A_58 : memref<128x128xf32, #tpu.memory_space<vmem_shared>>) target_semaphore(%run_scoped3A : memref<!tpu.dma_semaphore, #tpu.memory_space<semaphore_mem>>)
      %dma_wait3A = arith.constant 0 : i32
      %dma_wait3A_59 = tpu.memref_slice %arg11[%add3A_10, %dma_wait3A] : memref<10112x128xf32, #tpu.memory_space<vmem_shared>> -> memref<128x128xf32, #tpu.memory_space<vmem_shared>>
      %dma_wait3A_60 = arith.constant 0 : i32
      %dma_wait3A_61 = tpu.memref_slice %arg11[%add3A_10, %dma_wait3A_60] : memref<10112x128xf32, #tpu.memory_space<vmem_shared>> -> memref<128x128xf32, #tpu.memory_space<vmem_shared>>
      tpu.wait_dma2 semaphore(%run_scoped3A : memref<!tpu.dma_semaphore, #tpu.memory_space<semaphore_mem>>) src(%arg9 : memref<128x128xf32, #tpu.memory_space<vmem>>) dst(%dma_wait3A_61 : memref<128x128xf32, #tpu.memory_space<vmem_shared>>)
      tpu.yield
    }) : () -> ()
    %add3A_11 = arith.constant 504 : i32
    %add3A_12 = arith.addi %mul3A_2, %add3A_11 : i32
    "tpu.region"() ({
      %run_scoped3A = tpu.sem_alloc : memref<!tpu.dma_semaphore, #tpu.memory_space<semaphore_mem>>
      %dma_start3A = arith.constant 0 : i32
      %dma_start3A_56 = tpu.memref_slice %arg11[%add3A_12, %dma_start3A] : memref<10112x128xf32, #tpu.memory_space<vmem_shared>> -> memref<128x128xf32, #tpu.memory_space<vmem_shared>>
      %dma_start3A_57 = arith.constant 0 : i32
      %dma_start3A_58 = tpu.memref_slice %arg11[%add3A_12, %dma_start3A_57] : memref<10112x128xf32, #tpu.memory_space<vmem_shared>> -> memref<128x128xf32, #tpu.memory_space<vmem_shared>>
      tpu.enqueue_dma source(%arg9 : memref<128x128xf32, #tpu.memory_space<vmem>>) target(%dma_start3A_58 : memref<128x128xf32, #tpu.memory_space<vmem_shared>>) target_semaphore(%run_scoped3A : memref<!tpu.dma_semaphore, #tpu.memory_space<semaphore_mem>>)
      %dma_wait3A = arith.constant 0 : i32
      %dma_wait3A_59 = tpu.memref_slice %arg11[%add3A_12, %dma_wait3A] : memref<10112x128xf32, #tpu.memory_space<vmem_shared>> -> memref<128x128xf32, #tpu.memory_space<vmem_shared>>
      %dma_wait3A_60 = arith.constant 0 : i32
      %dma_wait3A_61 = tpu.memref_slice %arg11[%add3A_12, %dma_wait3A_60] : memref<10112x128xf32, #tpu.memory_space<vmem_shared>> -> memref<128x128xf32, #tpu.memory_space<vmem_shared>>
      tpu.wait_dma2 semaphore(%run_scoped3A : memref<!tpu.dma_semaphore, #tpu.memory_space<semaphore_mem>>) src(%arg9 : memref<128x128xf32, #tpu.memory_space<vmem>>) dst(%dma_wait3A_61 : memref<128x128xf32, #tpu.memory_space<vmem_shared>>)
      tpu.yield
    }) : () -> ()
    %barrier3A = arith.constant 0 : index
    tpu.barrier barrier_id(%barrier3A)
    %mul3A_13 = arith.constant 2304 : i32
    %mul3A_14 = arith.muli %arg0, %mul3A_13 : i32
    %eq3A = arith.constant 0 : i32
    %eq3A_15 = arith.cmpi eq, %arg0, %eq3A : i32
    %jit3A = arith.constant 144 : i32
    %jit3A_16 = arith.constant 16 : i32
    %select_n3A = arith.select %eq3A_15, %jit3A, %jit3A_16 : i32
    %mul3A_17 = arith.muli %arg1, %select_n3A : i32
    %add3A_18 = arith.addi %mul3A_14, %mul3A_17 : i32
    %eq3A_19 = arith.constant 0 : i32
    %eq3A_20 = arith.cmpi eq, %arg0, %eq3A_19 : i32
    %jit3A_21 = arith.constant 18 : i32
    %jit3A_22 = arith.constant 2 : i32
    %select_n3A_23 = arith.select %eq3A_20, %jit3A_21, %jit3A_22 : i32
    %while3A = arith.constant 0 : i32
    %while3A_24 = arith.constant 0 : i32
    %while3A_25 = arith.subi %select_n3A_23, %while3A_24 : i32
    %while3A_26 = arith.addi %while3A_24, %while3A_25 : i32
    %while3A_27 = arith.constant 1 : i32
    %while3A_28 = arith.divsi %while3A_25, %while3A_27 : i32
    %while3A_29 = arith.muli %while3A_28, %while3A_27 : i32
    %while3A_30 = arith.addi %while3A_24, %while3A_29 : i32
    %while3A_31 = arith.constant 1 : i32
    scf.for %while3A_56 = %while3A_24 to %while3A_30 step %while3A_31  : i32 {
      %mul3A_57 = arith.constant 8 : i32
      %mul3A_58 = arith.muli %while3A_56, %mul3A_57 : i32
      %add3A_59 = arith.addi %add3A_18, %mul3A_58 : i32
      "tpu.region"() ({
        %run_scoped3A_177 = tpu.sem_alloc : memref<!tpu.dma_semaphore, #tpu.memory_space<semaphore_mem>>
        %dma_start3A_178 = arith.constant 0 : i32
        %dma_start3A_179 = tpu.memref_slice %arg3[%add3A_59, %dma_start3A_178] : memref<2560x128xi32, #tpu.memory_space<hbm>> -> memref<8x128xi32, #tpu.memory_space<hbm>>
        %dma_start3A_180 = arith.constant 0 : i32
        %dma_start3A_181 = tpu.memref_slice %arg3[%add3A_59, %dma_start3A_180] : memref<2560x128xi32, #tpu.memory_space<hbm>> -> memref<8x128xi32, #tpu.memory_space<hbm>>
        tpu.enqueue_dma source(%dma_start3A_181 : memref<8x128xi32, #tpu.memory_space<hbm>>) target(%arg7 : memref<8x128xi32, #tpu.memory_space<vmem>>) target_semaphore(%run_scoped3A_177 : memref<!tpu.dma_semaphore, #tpu.memory_space<semaphore_mem>>)
        %dma_wait3A_182 = arith.constant 0 : i32
        %dma_wait3A_183 = tpu.memref_slice %arg3[%add3A_59, %dma_wait3A_182] : memref<2560x128xi32, #tpu.memory_space<hbm>> -> memref<8x128xi32, #tpu.memory_space<hbm>>
        %dma_wait3A_184 = arith.constant 0 : i32
        %dma_wait3A_185 = tpu.memref_slice %arg3[%add3A_59, %dma_wait3A_184] : memref<2560x128xi32, #tpu.memory_space<hbm>> -> memref<8x128xi32, #tpu.memory_space<hbm>>
        tpu.wait_dma2 semaphore(%run_scoped3A_177 : memref<!tpu.dma_semaphore, #tpu.memory_space<semaphore_mem>>) src(%dma_wait3A_185 : memref<8x128xi32, #tpu.memory_space<hbm>>) dst(%arg7 : memref<8x128xi32, #tpu.memory_space<vmem>>)
        tpu.yield
      }) : () -> ()
      "tpu.region"() ({
        %run_scoped3A_177 = tpu.sem_alloc : memref<!tpu.dma_semaphore, #tpu.memory_space<semaphore_mem>>
        %dma_start3A_178 = arith.constant 0 : i32
        %dma_start3A_179 = tpu.memref_slice %arg4[%add3A_59, %dma_start3A_178] : memref<2560x128xi32, #tpu.memory_space<hbm>> -> memref<8x128xi32, #tpu.memory_space<hbm>>
        %dma_start3A_180 = arith.constant 0 : i32
        %dma_start3A_181 = tpu.memref_slice %arg4[%add3A_59, %dma_start3A_180] : memref<2560x128xi32, #tpu.memory_space<hbm>> -> memref<8x128xi32, #tpu.memory_space<hbm>>
        tpu.enqueue_dma source(%dma_start3A_181 : memref<8x128xi32, #tpu.memory_space<hbm>>) target(%arg8 : memref<8x128xi32, #tpu.memory_space<vmem>>) target_semaphore(%run_scoped3A_177 : memref<!tpu.dma_semaphore, #tpu.memory_space<semaphore_mem>>)
        %dma_wait3A_182 = arith.constant 0 : i32
        %dma_wait3A_183 = tpu.memref_slice %arg4[%add3A_59, %dma_wait3A_182] : memref<2560x128xi32, #tpu.memory_space<hbm>> -> memref<8x128xi32, #tpu.memory_space<hbm>>
        %dma_wait3A_184 = arith.constant 0 : i32
        %dma_wait3A_185 = tpu.memref_slice %arg4[%add3A_59, %dma_wait3A_184] : memref<2560x128xi32, #tpu.memory_space<hbm>> -> memref<8x128xi32, #tpu.memory_space<hbm>>
        tpu.wait_dma2 semaphore(%run_scoped3A_177 : memref<!tpu.dma_semaphore, #tpu.memory_space<semaphore_mem>>) src(%dma_wait3A_185 : memref<8x128xi32, #tpu.memory_space<hbm>>) dst(%arg8 : memref<8x128xi32, #tpu.memory_space<vmem>>)
        tpu.yield
      }) : () -> ()
      %dma_start3A = arith.constant 0 : i32
      %dma_start3A_60 = arith.constant 0 : i32
      %dma_start3A_61 = tpu.memref_slice %arg7[%dma_start3A, %dma_start3A_60] : memref<8x128xi32, #tpu.memory_space<vmem>> -> memref<1x128xi32, #tpu.memory_space<vmem>>
      %dma_start3A_62 = tpu.memref_squeeze %dma_start3A_61 : memref<1x128xi32, #tpu.memory_space<vmem>> -> memref<128xi32, #tpu.memory_space<vmem>>
      %dma_start3A_63 = arith.constant 0 : i32
      %dma_start3A_64 = arith.constant 0 : i32
      %dma_start3A_65 = tpu.memref_slice %arg2[%dma_start3A_63, %dma_start3A_64] : memref<10000x128xf32, #tpu.memory_space<hbm>> -> memref<10000x128xf32, #tpu.memory_space<hbm>>
      tpu.enqueue_indirect_dma source(%dma_start3A_65 : memref<10000x128xf32, #tpu.memory_space<hbm>>) target(%arg9 : memref<128x128xf32, #tpu.memory_space<vmem>>) offsets(%dma_start3A_62 : memref<128xi32, #tpu.memory_space<vmem>>) semaphore(%arg12 : memref<!tpu.dma_semaphore, #tpu.memory_space<semaphore_mem>>)
      %dma_wait3A = arith.constant 0 : i32
      %dma_wait3A_66 = arith.constant 0 : i32
      %dma_wait3A_67 = tpu.memref_slice %arg7[%dma_wait3A, %dma_wait3A_66] : memref<8x128xi32, #tpu.memory_space<vmem>> -> memref<1x128xi32, #tpu.memory_space<vmem>>
      %dma_wait3A_68 = tpu.memref_squeeze %dma_wait3A_67 : memref<1x128xi32, #tpu.memory_space<vmem>> -> memref<128xi32, #tpu.memory_space<vmem>>
      %dma_wait3A_69 = arith.constant 0 : i32
      %dma_wait3A_70 = arith.constant 0 : i32
      %dma_wait3A_71 = tpu.memref_slice %arg2[%dma_wait3A_69, %dma_wait3A_70] : memref<10000x128xf32, #tpu.memory_space<hbm>> -> memref<10000x128xf32, #tpu.memory_space<hbm>>
      tpu.wait_indirect_dma semaphore(%arg12 : memref<!tpu.dma_semaphore, #tpu.memory_space<semaphore_mem>>) src(%dma_wait3A_71 : memref<10000x128xf32, #tpu.memory_space<hbm>>) dst(%arg9 : memref<128x128xf32, #tpu.memory_space<vmem>>)
      %dma_start3A_72 = arith.constant 1 : i32
      %dma_start3A_73 = arith.constant 0 : i32
      %dma_start3A_74 = tpu.memref_slice %arg7[%dma_start3A_72, %dma_start3A_73] : memref<8x128xi32, #tpu.memory_space<vmem>> -> memref<1x128xi32, #tpu.memory_space<vmem>>
      %dma_start3A_75 = tpu.memref_squeeze %dma_start3A_74 : memref<1x128xi32, #tpu.memory_space<vmem>> -> memref<128xi32, #tpu.memory_space<vmem>>
      %dma_start3A_76 = arith.constant 0 : i32
      %dma_start3A_77 = arith.constant 0 : i32
      %dma_start3A_78 = tpu.memref_slice %arg2[%dma_start3A_76, %dma_start3A_77] : memref<10000x128xf32, #tpu.memory_space<hbm>> -> memref<10000x128xf32, #tpu.memory_space<hbm>>
      tpu.enqueue_indirect_dma source(%dma_start3A_78 : memref<10000x128xf32, #tpu.memory_space<hbm>>) target(%arg10 : memref<128x128xf32, #tpu.memory_space<vmem>>) offsets(%dma_start3A_75 : memref<128xi32, #tpu.memory_space<vmem>>) semaphore(%arg13 : memref<!tpu.dma_semaphore, #tpu.memory_space<semaphore_mem>>)
      %run_scoped3A = arith.constant 0 : i32
      "tpu.region"() ({
        %run_scoped3A_177 = tpu.sem_alloc : memref<!tpu.dma_semaphore, #tpu.memory_space<semaphore_mem>>
        %dma_start3A_178 = arith.constant 0 : i32
        %dma_start3A_179 = tpu.memref_slice %arg8[%run_scoped3A, %dma_start3A_178] : memref<8x128xi32, #tpu.memory_space<vmem>> -> memref<1x128xi32, #tpu.memory_space<vmem>>
        %dma_start3A_180 = tpu.memref_squeeze %dma_start3A_179 : memref<1x128xi32, #tpu.memory_space<vmem>> -> memref<128xi32, #tpu.memory_space<vmem>>
        %dma_start3A_181 = arith.constant 0 : i32
        %dma_start3A_182 = arith.constant 0 : i32
        %dma_start3A_183 = tpu.memref_slice %arg11[%dma_start3A_181, %dma_start3A_182] : memref<10112x128xf32, #tpu.memory_space<vmem_shared>> -> memref<10112x128xf32, #tpu.memory_space<vmem_shared>>
        tpu.enqueue_indirect_dma source(%arg9 : memref<128x128xf32, #tpu.memory_space<vmem>>) target(%dma_start3A_183 : memref<10112x128xf32, #tpu.memory_space<vmem_shared>>) offsets(%dma_start3A_180 : memref<128xi32, #tpu.memory_space<vmem>>) semaphore(%run_scoped3A_177 : memref<!tpu.dma_semaphore, #tpu.memory_space<semaphore_mem>>) {add = true}
        %dma_wait3A_184 = arith.constant 0 : i32
        %dma_wait3A_185 = tpu.memref_slice %arg8[%run_scoped3A, %dma_wait3A_184] : memref<8x128xi32, #tpu.memory_space<vmem>> -> memref<1x128xi32, #tpu.memory_space<vmem>>
        %dma_wait3A_186 = tpu.memref_squeeze %dma_wait3A_185 : memref<1x128xi32, #tpu.memory_space<vmem>> -> memref<128xi32, #tpu.memory_space<vmem>>
        %dma_wait3A_187 = arith.constant 0 : i32
        %dma_wait3A_188 = arith.constant 0 : i32
        %dma_wait3A_189 = tpu.memref_slice %arg11[%dma_wait3A_187, %dma_wait3A_188] : memref<10112x128xf32, #tpu.memory_space<vmem_shared>> -> memref<10112x128xf32, #tpu.memory_space<vmem_shared>>
        tpu.wait_indirect_dma semaphore(%run_scoped3A_177 : memref<!tpu.dma_semaphore, #tpu.memory_space<semaphore_mem>>) src(%arg9 : memref<128x128xf32, #tpu.memory_space<vmem>>) dst(%dma_wait3A_189 : memref<10112x128xf32, #tpu.memory_space<vmem_shared>>)
        tpu.yield
      }) : () -> ()
      %dma_wait3A_79 = arith.constant 1 : i32
      %dma_wait3A_80 = arith.constant 0 : i32
      %dma_wait3A_81 = tpu.memref_slice %arg7[%dma_wait3A_79, %dma_wait3A_80] : memref<8x128xi32, #tpu.memory_space<vmem>> -> memref<1x128xi32, #tpu.memory_space<vmem>>
      %dma_wait3A_82 = tpu.memref_squeeze %dma_wait3A_81 : memref<1x128xi32, #tpu.memory_space<vmem>> -> memref<128xi32, #tpu.memory_space<vmem>>
      %dma_wait3A_83 = arith.constant 0 : i32
      %dma_wait3A_84 = arith.constant 0 : i32
      %dma_wait3A_85 = tpu.memref_slice %arg2[%dma_wait3A_83, %dma_wait3A_84] : memref<10000x128xf32, #tpu.memory_space<hbm>> -> memref<10000x128xf32, #tpu.memory_space<hbm>>
      tpu.wait_indirect_dma semaphore(%arg13 : memref<!tpu.dma_semaphore, #tpu.memory_space<semaphore_mem>>) src(%dma_wait3A_85 : memref<10000x128xf32, #tpu.memory_space<hbm>>) dst(%arg10 : memref<128x128xf32, #tpu.memory_space<vmem>>)
      %dma_start3A_86 = arith.constant 2 : i32
      %dma_start3A_87 = arith.constant 0 : i32
      %dma_start3A_88 = tpu.memref_slice %arg7[%dma_start3A_86, %dma_start3A_87] : memref<8x128xi32, #tpu.memory_space<vmem>> -> memref<1x128xi32, #tpu.memory_space<vmem>>
      %dma_start3A_89 = tpu.memref_squeeze %dma_start3A_88 : memref<1x128xi32, #tpu.memory_space<vmem>> -> memref<128xi32, #tpu.memory_space<vmem>>
      %dma_start3A_90 = arith.constant 0 : i32
      %dma_start3A_91 = arith.constant 0 : i32
      %dma_start3A_92 = tpu.memref_slice %arg2[%dma_start3A_90, %dma_start3A_91] : memref<10000x128xf32, #tpu.memory_space<hbm>> -> memref<10000x128xf32, #tpu.memory_space<hbm>>
      tpu.enqueue_indirect_dma source(%dma_start3A_92 : memref<10000x128xf32, #tpu.memory_space<hbm>>) target(%arg9 : memref<128x128xf32, #tpu.memory_space<vmem>>) offsets(%dma_start3A_89 : memref<128xi32, #tpu.memory_space<vmem>>) semaphore(%arg12 : memref<!tpu.dma_semaphore, #tpu.memory_space<semaphore_mem>>)
      %run_scoped3A_93 = arith.constant 1 : i32
      "tpu.region"() ({
        %run_scoped3A_177 = tpu.sem_alloc : memref<!tpu.dma_semaphore, #tpu.memory_space<semaphore_mem>>
        %dma_start3A_178 = arith.constant 0 : i32
        %dma_start3A_179 = tpu.memref_slice %arg8[%run_scoped3A_93, %dma_start3A_178] : memref<8x128xi32, #tpu.memory_space<vmem>> -> memref<1x128xi32, #tpu.memory_space<vmem>>
        %dma_start3A_180 = tpu.memref_squeeze %dma_start3A_179 : memref<1x128xi32, #tpu.memory_space<vmem>> -> memref<128xi32, #tpu.memory_space<vmem>>
        %dma_start3A_181 = arith.constant 0 : i32
        %dma_start3A_182 = arith.constant 0 : i32
        %dma_start3A_183 = tpu.memref_slice %arg11[%dma_start3A_181, %dma_start3A_182] : memref<10112x128xf32, #tpu.memory_space<vmem_shared>> -> memref<10112x128xf32, #tpu.memory_space<vmem_shared>>
        tpu.enqueue_indirect_dma source(%arg10 : memref<128x128xf32, #tpu.memory_space<vmem>>) target(%dma_start3A_183 : memref<10112x128xf32, #tpu.memory_space<vmem_shared>>) offsets(%dma_start3A_180 : memref<128xi32, #tpu.memory_space<vmem>>) semaphore(%run_scoped3A_177 : memref<!tpu.dma_semaphore, #tpu.memory_space<semaphore_mem>>) {add = true}
        %dma_wait3A_184 = arith.constant 0 : i32
        %dma_wait3A_185 = tpu.memref_slice %arg8[%run_scoped3A_93, %dma_wait3A_184] : memref<8x128xi32, #tpu.memory_space<vmem>> -> memref<1x128xi32, #tpu.memory_space<vmem>>
        %dma_wait3A_186 = tpu.memref_squeeze %dma_wait3A_185 : memref<1x128xi32, #tpu.memory_space<vmem>> -> memref<128xi32, #tpu.memory_space<vmem>>
        %dma_wait3A_187 = arith.constant 0 : i32
        %dma_wait3A_188 = arith.constant 0 : i32
        %dma_wait3A_189 = tpu.memref_slice %arg11[%dma_wait3A_187, %dma_wait3A_188] : memref<10112x128xf32, #tpu.memory_space<vmem_shared>> -> memref<10112x128xf32, #tpu.memory_space<vmem_shared>>
        tpu.wait_indirect_dma semaphore(%run_scoped3A_177 : memref<!tpu.dma_semaphore, #tpu.memory_space<semaphore_mem>>) src(%arg10 : memref<128x128xf32, #tpu.memory_space<vmem>>) dst(%dma_wait3A_189 : memref<10112x128xf32, #tpu.memory_space<vmem_shared>>)
        tpu.yield
      }) : () -> ()
      %dma_wait3A_94 = arith.constant 2 : i32
      %dma_wait3A_95 = arith.constant 0 : i32
      %dma_wait3A_96 = tpu.memref_slice %arg7[%dma_wait3A_94, %dma_wait3A_95] : memref<8x128xi32, #tpu.memory_space<vmem>> -> memref<1x128xi32, #tpu.memory_space<vmem>>
      %dma_wait3A_97 = tpu.memref_squeeze %dma_wait3A_96 : memref<1x128xi32, #tpu.memory_space<vmem>> -> memref<128xi32, #tpu.memory_space<vmem>>
      %dma_wait3A_98 = arith.constant 0 : i32
      %dma_wait3A_99 = arith.constant 0 : i32
      %dma_wait3A_100 = tpu.memref_slice %arg2[%dma_wait3A_98, %dma_wait3A_99] : memref<10000x128xf32, #tpu.memory_space<hbm>> -> memref<10000x128xf32, #tpu.memory_space<hbm>>
      tpu.wait_indirect_dma semaphore(%arg12 : memref<!tpu.dma_semaphore, #tpu.memory_space<semaphore_mem>>) src(%dma_wait3A_100 : memref<10000x128xf32, #tpu.memory_space<hbm>>) dst(%arg9 : memref<128x128xf32, #tpu.memory_space<vmem>>)
      %dma_start3A_101 = arith.constant 3 : i32
      %dma_start3A_102 = arith.constant 0 : i32
      %dma_start3A_103 = tpu.memref_slice %arg7[%dma_start3A_101, %dma_start3A_102] : memref<8x128xi32, #tpu.memory_space<vmem>> -> memref<1x128xi32, #tpu.memory_space<vmem>>
      %dma_start3A_104 = tpu.memref_squeeze %dma_start3A_103 : memref<1x128xi32, #tpu.memory_space<vmem>> -> memref<128xi32, #tpu.memory_space<vmem>>
      %dma_start3A_105 = arith.constant 0 : i32
      %dma_start3A_106 = arith.constant 0 : i32
      %dma_start3A_107 = tpu.memref_slice %arg2[%dma_start3A_105, %dma_start3A_106] : memref<10000x128xf32, #tpu.memory_space<hbm>> -> memref<10000x128xf32, #tpu.memory_space<hbm>>
      tpu.enqueue_indirect_dma source(%dma_start3A_107 : memref<10000x128xf32, #tpu.memory_space<hbm>>) target(%arg10 : memref<128x128xf32, #tpu.memory_space<vmem>>) offsets(%dma_start3A_104 : memref<128xi32, #tpu.memory_space<vmem>>) semaphore(%arg13 : memref<!tpu.dma_semaphore, #tpu.memory_space<semaphore_mem>>)
      %run_scoped3A_108 = arith.constant 2 : i32
      "tpu.region"() ({
        %run_scoped3A_177 = tpu.sem_alloc : memref<!tpu.dma_semaphore, #tpu.memory_space<semaphore_mem>>
        %dma_start3A_178 = arith.constant 0 : i32
        %dma_start3A_179 = tpu.memref_slice %arg8[%run_scoped3A_108, %dma_start3A_178] : memref<8x128xi32, #tpu.memory_space<vmem>> -> memref<1x128xi32, #tpu.memory_space<vmem>>
        %dma_start3A_180 = tpu.memref_squeeze %dma_start3A_179 : memref<1x128xi32, #tpu.memory_space<vmem>> -> memref<128xi32, #tpu.memory_space<vmem>>
        %dma_start3A_181 = arith.constant 0 : i32
        %dma_start3A_182 = arith.constant 0 : i32
        %dma_start3A_183 = tpu.memref_slice %arg11[%dma_start3A_181, %dma_start3A_182] : memref<10112x128xf32, #tpu.memory_space<vmem_shared>> -> memref<10112x128xf32, #tpu.memory_space<vmem_shared>>
        tpu.enqueue_indirect_dma source(%arg9 : memref<128x128xf32, #tpu.memory_space<vmem>>) target(%dma_start3A_183 : memref<10112x128xf32, #tpu.memory_space<vmem_shared>>) offsets(%dma_start3A_180 : memref<128xi32, #tpu.memory_space<vmem>>) semaphore(%run_scoped3A_177 : memref<!tpu.dma_semaphore, #tpu.memory_space<semaphore_mem>>) {add = true}
        %dma_wait3A_184 = arith.constant 0 : i32
        %dma_wait3A_185 = tpu.memref_slice %arg8[%run_scoped3A_108, %dma_wait3A_184] : memref<8x128xi32, #tpu.memory_space<vmem>> -> memref<1x128xi32, #tpu.memory_space<vmem>>
        %dma_wait3A_186 = tpu.memref_squeeze %dma_wait3A_185 : memref<1x128xi32, #tpu.memory_space<vmem>> -> memref<128xi32, #tpu.memory_space<vmem>>
        %dma_wait3A_187 = arith.constant 0 : i32
        %dma_wait3A_188 = arith.constant 0 : i32
        %dma_wait3A_189 = tpu.memref_slice %arg11[%dma_wait3A_187, %dma_wait3A_188] : memref<10112x128xf32, #tpu.memory_space<vmem_shared>> -> memref<10112x128xf32, #tpu.memory_space<vmem_shared>>
        tpu.wait_indirect_dma semaphore(%run_scoped3A_177 : memref<!tpu.dma_semaphore, #tpu.memory_space<semaphore_mem>>) src(%arg9 : memref<128x128xf32, #tpu.memory_space<vmem>>) dst(%dma_wait3A_189 : memref<10112x128xf32, #tpu.memory_space<vmem_shared>>)
        tpu.yield
      }) : () -> ()
      %dma_wait3A_109 = arith.constant 3 : i32
      %dma_wait3A_110 = arith.constant 0 : i32
      %dma_wait3A_111 = tpu.memref_slice %arg7[%dma_wait3A_109, %dma_wait3A_110] : memref<8x128xi32, #tpu.memory_space<vmem>> -> memref<1x128xi32, #tpu.memory_space<vmem>>
      %dma_wait3A_112 = tpu.memref_squeeze %dma_wait3A_111 : memref<1x128xi32, #tpu.memory_space<vmem>> -> memref<128xi32, #tpu.memory_space<vmem>>
      %dma_wait3A_113 = arith.constant 0 : i32
      %dma_wait3A_114 = arith.constant 0 : i32
      %dma_wait3A_115 = tpu.memref_slice %arg2[%dma_wait3A_113, %dma_wait3A_114] : memref<10000x128xf32, #tpu.memory_space<hbm>> -> memref<10000x128xf32, #tpu.memory_space<hbm>>
      tpu.wait_indirect_dma semaphore(%arg13 : memref<!tpu.dma_semaphore, #tpu.memory_space<semaphore_mem>>) src(%dma_wait3A_115 : memref<10000x128xf32, #tpu.memory_space<hbm>>) dst(%arg10 : memref<128x128xf32, #tpu.memory_space<vmem>>)
      %dma_start3A_116 = arith.constant 4 : i32
      %dma_start3A_117 = arith.constant 0 : i32
      %dma_start3A_118 = tpu.memref_slice %arg7[%dma_start3A_116, %dma_start3A_117] : memref<8x128xi32, #tpu.memory_space<vmem>> -> memref<1x128xi32, #tpu.memory_space<vmem>>
      %dma_start3A_119 = tpu.memref_squeeze %dma_start3A_118 : memref<1x128xi32, #tpu.memory_space<vmem>> -> memref<128xi32, #tpu.memory_space<vmem>>
      %dma_start3A_120 = arith.constant 0 : i32
      %dma_start3A_121 = arith.constant 0 : i32
      %dma_start3A_122 = tpu.memref_slice %arg2[%dma_start3A_120, %dma_start3A_121] : memref<10000x128xf32, #tpu.memory_space<hbm>> -> memref<10000x128xf32, #tpu.memory_space<hbm>>
      tpu.enqueue_indirect_dma source(%dma_start3A_122 : memref<10000x128xf32, #tpu.memory_space<hbm>>) target(%arg9 : memref<128x128xf32, #tpu.memory_space<vmem>>) offsets(%dma_start3A_119 : memref<128xi32, #tpu.memory_space<vmem>>) semaphore(%arg12 : memref<!tpu.dma_semaphore, #tpu.memory_space<semaphore_mem>>)
      %run_scoped3A_123 = arith.constant 3 : i32
      "tpu.region"() ({
        %run_scoped3A_177 = tpu.sem_alloc : memref<!tpu.dma_semaphore, #tpu.memory_space<semaphore_mem>>
        %dma_start3A_178 = arith.constant 0 : i32
        %dma_start3A_179 = tpu.memref_slice %arg8[%run_scoped3A_123, %dma_start3A_178] : memref<8x128xi32, #tpu.memory_space<vmem>> -> memref<1x128xi32, #tpu.memory_space<vmem>>
        %dma_start3A_180 = tpu.memref_squeeze %dma_start3A_179 : memref<1x128xi32, #tpu.memory_space<vmem>> -> memref<128xi32, #tpu.memory_space<vmem>>
        %dma_start3A_181 = arith.constant 0 : i32
        %dma_start3A_182 = arith.constant 0 : i32
        %dma_start3A_183 = tpu.memref_slice %arg11[%dma_start3A_181, %dma_start3A_182] : memref<10112x128xf32, #tpu.memory_space<vmem_shared>> -> memref<10112x128xf32, #tpu.memory_space<vmem_shared>>
        tpu.enqueue_indirect_dma source(%arg10 : memref<128x128xf32, #tpu.memory_space<vmem>>) target(%dma_start3A_183 : memref<10112x128xf32, #tpu.memory_space<vmem_shared>>) offsets(%dma_start3A_180 : memref<128xi32, #tpu.memory_space<vmem>>) semaphore(%run_scoped3A_177 : memref<!tpu.dma_semaphore, #tpu.memory_space<semaphore_mem>>) {add = true}
        %dma_wait3A_184 = arith.constant 0 : i32
        %dma_wait3A_185 = tpu.memref_slice %arg8[%run_scoped3A_123, %dma_wait3A_184] : memref<8x128xi32, #tpu.memory_space<vmem>> -> memref<1x128xi32, #tpu.memory_space<vmem>>
        %dma_wait3A_186 = tpu.memref_squeeze %dma_wait3A_185 : memref<1x128xi32, #tpu.memory_space<vmem>> -> memref<128xi32, #tpu.memory_space<vmem>>
        %dma_wait3A_187 = arith.constant 0 : i32
        %dma_wait3A_188 = arith.constant 0 : i32
        %dma_wait3A_189 = tpu.memref_slice %arg11[%dma_wait3A_187, %dma_wait3A_188] : memref<10112x128xf32, #tpu.memory_space<vmem_shared>> -> memref<10112x128xf32, #tpu.memory_space<vmem_shared>>
        tpu.wait_indirect_dma semaphore(%run_scoped3A_177 : memref<!tpu.dma_semaphore, #tpu.memory_space<semaphore_mem>>) src(%arg10 : memref<128x128xf32, #tpu.memory_space<vmem>>) dst(%dma_wait3A_189 : memref<10112x128xf32, #tpu.memory_space<vmem_shared>>)
        tpu.yield
      }) : () -> ()
      %dma_wait3A_124 = arith.constant 4 : i32
      %dma_wait3A_125 = arith.constant 0 : i32
      %dma_wait3A_126 = tpu.memref_slice %arg7[%dma_wait3A_124, %dma_wait3A_125] : memref<8x128xi32, #tpu.memory_space<vmem>> -> memref<1x128xi32, #tpu.memory_space<vmem>>
      %dma_wait3A_127 = tpu.memref_squeeze %dma_wait3A_126 : memref<1x128xi32, #tpu.memory_space<vmem>> -> memref<128xi32, #tpu.memory_space<vmem>>
      %dma_wait3A_128 = arith.constant 0 : i32
      %dma_wait3A_129 = arith.constant 0 : i32
      %dma_wait3A_130 = tpu.memref_slice %arg2[%dma_wait3A_128, %dma_wait3A_129] : memref<10000x128xf32, #tpu.memory_space<hbm>> -> memref<10000x128xf32, #tpu.memory_space<hbm>>
      tpu.wait_indirect_dma semaphore(%arg12 : memref<!tpu.dma_semaphore, #tpu.memory_space<semaphore_mem>>) src(%dma_wait3A_130 : memref<10000x128xf32, #tpu.memory_space<hbm>>) dst(%arg9 : memref<128x128xf32, #tpu.memory_space<vmem>>)
      %dma_start3A_131 = arith.constant 5 : i32
      %dma_start3A_132 = arith.constant 0 : i32
      %dma_start3A_133 = tpu.memref_slice %arg7[%dma_start3A_131, %dma_start3A_132] : memref<8x128xi32, #tpu.memory_space<vmem>> -> memref<1x128xi32, #tpu.memory_space<vmem>>
      %dma_start3A_134 = tpu.memref_squeeze %dma_start3A_133 : memref<1x128xi32, #tpu.memory_space<vmem>> -> memref<128xi32, #tpu.memory_space<vmem>>
      %dma_start3A_135 = arith.constant 0 : i32
      %dma_start3A_136 = arith.constant 0 : i32
      %dma_start3A_137 = tpu.memref_slice %arg2[%dma_start3A_135, %dma_start3A_136] : memref<10000x128xf32, #tpu.memory_space<hbm>> -> memref<10000x128xf32, #tpu.memory_space<hbm>>
      tpu.enqueue_indirect_dma source(%dma_start3A_137 : memref<10000x128xf32, #tpu.memory_space<hbm>>) target(%arg10 : memref<128x128xf32, #tpu.memory_space<vmem>>) offsets(%dma_start3A_134 : memref<128xi32, #tpu.memory_space<vmem>>) semaphore(%arg13 : memref<!tpu.dma_semaphore, #tpu.memory_space<semaphore_mem>>)
      %run_scoped3A_138 = arith.constant 4 : i32
      "tpu.region"() ({
        %run_scoped3A_177 = tpu.sem_alloc : memref<!tpu.dma_semaphore, #tpu.memory_space<semaphore_mem>>
        %dma_start3A_178 = arith.constant 0 : i32
        %dma_start3A_179 = tpu.memref_slice %arg8[%run_scoped3A_138, %dma_start3A_178] : memref<8x128xi32, #tpu.memory_space<vmem>> -> memref<1x128xi32, #tpu.memory_space<vmem>>
        %dma_start3A_180 = tpu.memref_squeeze %dma_start3A_179 : memref<1x128xi32, #tpu.memory_space<vmem>> -> memref<128xi32, #tpu.memory_space<vmem>>
        %dma_start3A_181 = arith.constant 0 : i32
        %dma_start3A_182 = arith.constant 0 : i32
        %dma_start3A_183 = tpu.memref_slice %arg11[%dma_start3A_181, %dma_start3A_182] : memref<10112x128xf32, #tpu.memory_space<vmem_shared>> -> memref<10112x128xf32, #tpu.memory_space<vmem_shared>>
        tpu.enqueue_indirect_dma source(%arg9 : memref<128x128xf32, #tpu.memory_space<vmem>>) target(%dma_start3A_183 : memref<10112x128xf32, #tpu.memory_space<vmem_shared>>) offsets(%dma_start3A_180 : memref<128xi32, #tpu.memory_space<vmem>>) semaphore(%run_scoped3A_177 : memref<!tpu.dma_semaphore, #tpu.memory_space<semaphore_mem>>) {add = true}
        %dma_wait3A_184 = arith.constant 0 : i32
        %dma_wait3A_185 = tpu.memref_slice %arg8[%run_scoped3A_138, %dma_wait3A_184] : memref<8x128xi32, #tpu.memory_space<vmem>> -> memref<1x128xi32, #tpu.memory_space<vmem>>
        %dma_wait3A_186 = tpu.memref_squeeze %dma_wait3A_185 : memref<1x128xi32, #tpu.memory_space<vmem>> -> memref<128xi32, #tpu.memory_space<vmem>>
        %dma_wait3A_187 = arith.constant 0 : i32
        %dma_wait3A_188 = arith.constant 0 : i32
        %dma_wait3A_189 = tpu.memref_slice %arg11[%dma_wait3A_187, %dma_wait3A_188] : memref<10112x128xf32, #tpu.memory_space<vmem_shared>> -> memref<10112x128xf32, #tpu.memory_space<vmem_shared>>
        tpu.wait_indirect_dma semaphore(%run_scoped3A_177 : memref<!tpu.dma_semaphore, #tpu.memory_space<semaphore_mem>>) src(%arg9 : memref<128x128xf32, #tpu.memory_space<vmem>>) dst(%dma_wait3A_189 : memref<10112x128xf32, #tpu.memory_space<vmem_shared>>)
        tpu.yield
      }) : () -> ()
      %dma_wait3A_139 = arith.constant 5 : i32
      %dma_wait3A_140 = arith.constant 0 : i32
      %dma_wait3A_141 = tpu.memref_slice %arg7[%dma_wait3A_139, %dma_wait3A_140] : memref<8x128xi32, #tpu.memory_space<vmem>> -> memref<1x128xi32, #tpu.memory_space<vmem>>
      %dma_wait3A_142 = tpu.memref_squeeze %dma_wait3A_141 : memref<1x128xi32, #tpu.memory_space<vmem>> -> memref<128xi32, #tpu.memory_space<vmem>>
      %dma_wait3A_143 = arith.constant 0 : i32
      %dma_wait3A_144 = arith.constant 0 : i32
      %dma_wait3A_145 = tpu.memref_slice %arg2[%dma_wait3A_143, %dma_wait3A_144] : memref<10000x128xf32, #tpu.memory_space<hbm>> -> memref<10000x128xf32, #tpu.memory_space<hbm>>
      tpu.wait_indirect_dma semaphore(%arg13 : memref<!tpu.dma_semaphore, #tpu.memory_space<semaphore_mem>>) src(%dma_wait3A_145 : memref<10000x128xf32, #tpu.memory_space<hbm>>) dst(%arg10 : memref<128x128xf32, #tpu.memory_space<vmem>>)
      %dma_start3A_146 = arith.constant 6 : i32
      %dma_start3A_147 = arith.constant 0 : i32
      %dma_start3A_148 = tpu.memref_slice %arg7[%dma_start3A_146, %dma_start3A_147] : memref<8x128xi32, #tpu.memory_space<vmem>> -> memref<1x128xi32, #tpu.memory_space<vmem>>
      %dma_start3A_149 = tpu.memref_squeeze %dma_start3A_148 : memref<1x128xi32, #tpu.memory_space<vmem>> -> memref<128xi32, #tpu.memory_space<vmem>>
      %dma_start3A_150 = arith.constant 0 : i32
      %dma_start3A_151 = arith.constant 0 : i32
      %dma_start3A_152 = tpu.memref_slice %arg2[%dma_start3A_150, %dma_start3A_151] : memref<10000x128xf32, #tpu.memory_space<hbm>> -> memref<10000x128xf32, #tpu.memory_space<hbm>>
      tpu.enqueue_indirect_dma source(%dma_start3A_152 : memref<10000x128xf32, #tpu.memory_space<hbm>>) target(%arg9 : memref<128x128xf32, #tpu.memory_space<vmem>>) offsets(%dma_start3A_149 : memref<128xi32, #tpu.memory_space<vmem>>) semaphore(%arg12 : memref<!tpu.dma_semaphore, #tpu.memory_space<semaphore_mem>>)
      %run_scoped3A_153 = arith.constant 5 : i32
      "tpu.region"() ({
        %run_scoped3A_177 = tpu.sem_alloc : memref<!tpu.dma_semaphore, #tpu.memory_space<semaphore_mem>>
        %dma_start3A_178 = arith.constant 0 : i32
        %dma_start3A_179 = tpu.memref_slice %arg8[%run_scoped3A_153, %dma_start3A_178] : memref<8x128xi32, #tpu.memory_space<vmem>> -> memref<1x128xi32, #tpu.memory_space<vmem>>
        %dma_start3A_180 = tpu.memref_squeeze %dma_start3A_179 : memref<1x128xi32, #tpu.memory_space<vmem>> -> memref<128xi32, #tpu.memory_space<vmem>>
        %dma_start3A_181 = arith.constant 0 : i32
        %dma_start3A_182 = arith.constant 0 : i32
        %dma_start3A_183 = tpu.memref_slice %arg11[%dma_start3A_181, %dma_start3A_182] : memref<10112x128xf32, #tpu.memory_space<vmem_shared>> -> memref<10112x128xf32, #tpu.memory_space<vmem_shared>>
        tpu.enqueue_indirect_dma source(%arg10 : memref<128x128xf32, #tpu.memory_space<vmem>>) target(%dma_start3A_183 : memref<10112x128xf32, #tpu.memory_space<vmem_shared>>) offsets(%dma_start3A_180 : memref<128xi32, #tpu.memory_space<vmem>>) semaphore(%run_scoped3A_177 : memref<!tpu.dma_semaphore, #tpu.memory_space<semaphore_mem>>) {add = true}
        %dma_wait3A_184 = arith.constant 0 : i32
        %dma_wait3A_185 = tpu.memref_slice %arg8[%run_scoped3A_153, %dma_wait3A_184] : memref<8x128xi32, #tpu.memory_space<vmem>> -> memref<1x128xi32, #tpu.memory_space<vmem>>
        %dma_wait3A_186 = tpu.memref_squeeze %dma_wait3A_185 : memref<1x128xi32, #tpu.memory_space<vmem>> -> memref<128xi32, #tpu.memory_space<vmem>>
        %dma_wait3A_187 = arith.constant 0 : i32
        %dma_wait3A_188 = arith.constant 0 : i32
        %dma_wait3A_189 = tpu.memref_slice %arg11[%dma_wait3A_187, %dma_wait3A_188] : memref<10112x128xf32, #tpu.memory_space<vmem_shared>> -> memref<10112x128xf32, #tpu.memory_space<vmem_shared>>
        tpu.wait_indirect_dma semaphore(%run_scoped3A_177 : memref<!tpu.dma_semaphore, #tpu.memory_space<semaphore_mem>>) src(%arg10 : memref<128x128xf32, #tpu.memory_space<vmem>>) dst(%dma_wait3A_189 : memref<10112x128xf32, #tpu.memory_space<vmem_shared>>)
        tpu.yield
      }) : () -> ()
      %dma_wait3A_154 = arith.constant 6 : i32
      %dma_wait3A_155 = arith.constant 0 : i32
      %dma_wait3A_156 = tpu.memref_slice %arg7[%dma_wait3A_154, %dma_wait3A_155] : memref<8x128xi32, #tpu.memory_space<vmem>> -> memref<1x128xi32, #tpu.memory_space<vmem>>
      %dma_wait3A_157 = tpu.memref_squeeze %dma_wait3A_156 : memref<1x128xi32, #tpu.memory_space<vmem>> -> memref<128xi32, #tpu.memory_space<vmem>>
      %dma_wait3A_158 = arith.constant 0 : i32
      %dma_wait3A_159 = arith.constant 0 : i32
      %dma_wait3A_160 = tpu.memref_slice %arg2[%dma_wait3A_158, %dma_wait3A_159] : memref<10000x128xf32, #tpu.memory_space<hbm>> -> memref<10000x128xf32, #tpu.memory_space<hbm>>
      tpu.wait_indirect_dma semaphore(%arg12 : memref<!tpu.dma_semaphore, #tpu.memory_space<semaphore_mem>>) src(%dma_wait3A_160 : memref<10000x128xf32, #tpu.memory_space<hbm>>) dst(%arg9 : memref<128x128xf32, #tpu.memory_space<vmem>>)
      %dma_start3A_161 = arith.constant 7 : i32
      %dma_start3A_162 = arith.constant 0 : i32
      %dma_start3A_163 = tpu.memref_slice %arg7[%dma_start3A_161, %dma_start3A_162] : memref<8x128xi32, #tpu.memory_space<vmem>> -> memref<1x128xi32, #tpu.memory_space<vmem>>
      %dma_start3A_164 = tpu.memref_squeeze %dma_start3A_163 : memref<1x128xi32, #tpu.memory_space<vmem>> -> memref<128xi32, #tpu.memory_space<vmem>>
      %dma_start3A_165 = arith.constant 0 : i32
      %dma_start3A_166 = arith.constant 0 : i32
      %dma_start3A_167 = tpu.memref_slice %arg2[%dma_start3A_165, %dma_start3A_166] : memref<10000x128xf32, #tpu.memory_space<hbm>> -> memref<10000x128xf32, #tpu.memory_space<hbm>>
      tpu.enqueue_indirect_dma source(%dma_start3A_167 : memref<10000x128xf32, #tpu.memory_space<hbm>>) target(%arg10 : memref<128x128xf32, #tpu.memory_space<vmem>>) offsets(%dma_start3A_164 : memref<128xi32, #tpu.memory_space<vmem>>) semaphore(%arg13 : memref<!tpu.dma_semaphore, #tpu.memory_space<semaphore_mem>>)
      %run_scoped3A_168 = arith.constant 6 : i32
      "tpu.region"() ({
        %run_scoped3A_177 = tpu.sem_alloc : memref<!tpu.dma_semaphore, #tpu.memory_space<semaphore_mem>>
        %dma_start3A_178 = arith.constant 0 : i32
        %dma_start3A_179 = tpu.memref_slice %arg8[%run_scoped3A_168, %dma_start3A_178] : memref<8x128xi32, #tpu.memory_space<vmem>> -> memref<1x128xi32, #tpu.memory_space<vmem>>
        %dma_start3A_180 = tpu.memref_squeeze %dma_start3A_179 : memref<1x128xi32, #tpu.memory_space<vmem>> -> memref<128xi32, #tpu.memory_space<vmem>>
        %dma_start3A_181 = arith.constant 0 : i32
        %dma_start3A_182 = arith.constant 0 : i32
        %dma_start3A_183 = tpu.memref_slice %arg11[%dma_start3A_181, %dma_start3A_182] : memref<10112x128xf32, #tpu.memory_space<vmem_shared>> -> memref<10112x128xf32, #tpu.memory_space<vmem_shared>>
        tpu.enqueue_indirect_dma source(%arg9 : memref<128x128xf32, #tpu.memory_space<vmem>>) target(%dma_start3A_183 : memref<10112x128xf32, #tpu.memory_space<vmem_shared>>) offsets(%dma_start3A_180 : memref<128xi32, #tpu.memory_space<vmem>>) semaphore(%run_scoped3A_177 : memref<!tpu.dma_semaphore, #tpu.memory_space<semaphore_mem>>) {add = true}
        %dma_wait3A_184 = arith.constant 0 : i32
        %dma_wait3A_185 = tpu.memref_slice %arg8[%run_scoped3A_168, %dma_wait3A_184] : memref<8x128xi32, #tpu.memory_space<vmem>> -> memref<1x128xi32, #tpu.memory_space<vmem>>
        %dma_wait3A_186 = tpu.memref_squeeze %dma_wait3A_185 : memref<1x128xi32, #tpu.memory_space<vmem>> -> memref<128xi32, #tpu.memory_space<vmem>>
        %dma_wait3A_187 = arith.constant 0 : i32
        %dma_wait3A_188 = arith.constant 0 : i32
        %dma_wait3A_189 = tpu.memref_slice %arg11[%dma_wait3A_187, %dma_wait3A_188] : memref<10112x128xf32, #tpu.memory_space<vmem_shared>> -> memref<10112x128xf32, #tpu.memory_space<vmem_shared>>
        tpu.wait_indirect_dma semaphore(%run_scoped3A_177 : memref<!tpu.dma_semaphore, #tpu.memory_space<semaphore_mem>>) src(%arg9 : memref<128x128xf32, #tpu.memory_space<vmem>>) dst(%dma_wait3A_189 : memref<10112x128xf32, #tpu.memory_space<vmem_shared>>)
        tpu.yield
      }) : () -> ()
      %dma_wait3A_169 = arith.constant 7 : i32
      %dma_wait3A_170 = arith.constant 0 : i32
      %dma_wait3A_171 = tpu.memref_slice %arg7[%dma_wait3A_169, %dma_wait3A_170] : memref<8x128xi32, #tpu.memory_space<vmem>> -> memref<1x128xi32, #tpu.memory_space<vmem>>
      %dma_wait3A_172 = tpu.memref_squeeze %dma_wait3A_171 : memref<1x128xi32, #tpu.memory_space<vmem>> -> memref<128xi32, #tpu.memory_space<vmem>>
      %dma_wait3A_173 = arith.constant 0 : i32
      %dma_wait3A_174 = arith.constant 0 : i32
      %dma_wait3A_175 = tpu.memref_slice %arg2[%dma_wait3A_173, %dma_wait3A_174] : memref<10000x128xf32, #tpu.memory_space<hbm>> -> memref<10000x128xf32, #tpu.memory_space<hbm>>
      tpu.wait_indirect_dma semaphore(%arg13 : memref<!tpu.dma_semaphore, #tpu.memory_space<semaphore_mem>>) src(%dma_wait3A_175 : memref<10000x128xf32, #tpu.memory_space<hbm>>) dst(%arg10 : memref<128x128xf32, #tpu.memory_space<vmem>>)
      %run_scoped3A_176 = arith.constant 7 : i32
      "tpu.region"() ({
        %run_scoped3A_177 = tpu.sem_alloc : memref<!tpu.dma_semaphore, #tpu.memory_space<semaphore_mem>>
        %dma_start3A_178 = arith.constant 0 : i32
        %dma_start3A_179 = tpu.memref_slice %arg8[%run_scoped3A_176, %dma_start3A_178] : memref<8x128xi32, #tpu.memory_space<vmem>> -> memref<1x128xi32, #tpu.memory_space<vmem>>
        %dma_start3A_180 = tpu.memref_squeeze %dma_start3A_179 : memref<1x128xi32, #tpu.memory_space<vmem>> -> memref<128xi32, #tpu.memory_space<vmem>>
        %dma_start3A_181 = arith.constant 0 : i32
        %dma_start3A_182 = arith.constant 0 : i32
        %dma_start3A_183 = tpu.memref_slice %arg11[%dma_start3A_181, %dma_start3A_182] : memref<10112x128xf32, #tpu.memory_space<vmem_shared>> -> memref<10112x128xf32, #tpu.memory_space<vmem_shared>>
        tpu.enqueue_indirect_dma source(%arg10 : memref<128x128xf32, #tpu.memory_space<vmem>>) target(%dma_start3A_183 : memref<10112x128xf32, #tpu.memory_space<vmem_shared>>) offsets(%dma_start3A_180 : memref<128xi32, #tpu.memory_space<vmem>>) semaphore(%run_scoped3A_177 : memref<!tpu.dma_semaphore, #tpu.memory_space<semaphore_mem>>) {add = true}
        %dma_wait3A_184 = arith.constant 0 : i32
        %dma_wait3A_185 = tpu.memref_slice %arg8[%run_scoped3A_176, %dma_wait3A_184] : memref<8x128xi32, #tpu.memory_space<vmem>> -> memref<1x128xi32, #tpu.memory_space<vmem>>
        %dma_wait3A_186 = tpu.memref_squeeze %dma_wait3A_185 : memref<1x128xi32, #tpu.memory_space<vmem>> -> memref<128xi32, #tpu.memory_space<vmem>>
        %dma_wait3A_187 = arith.constant 0 : i32
        %dma_wait3A_188 = arith.constant 0 : i32
        %dma_wait3A_189 = tpu.memref_slice %arg11[%dma_wait3A_187, %dma_wait3A_188] : memref<10112x128xf32, #tpu.memory_space<vmem_shared>> -> memref<10112x128xf32, #tpu.memory_space<vmem_shared>>
        tpu.wait_indirect_dma semaphore(%run_scoped3A_177 : memref<!tpu.dma_semaphore, #tpu.memory_space<semaphore_mem>>) src(%arg10 : memref<128x128xf32, #tpu.memory_space<vmem>>) dst(%dma_wait3A_189 : memref<10112x128xf32, #tpu.memory_space<vmem_shared>>)
        tpu.yield
      }) : () -> ()
    }
    %while3A_32 = arith.constant 1 : i32
    scf.for %while3A_56 = %while3A_30 to %while3A_26 step %while3A_32  : i32 {
      %mul3A_57 = arith.constant 8 : i32
      %mul3A_58 = arith.muli %while3A_56, %mul3A_57 : i32
      %add3A_59 = arith.addi %add3A_18, %mul3A_58 : i32
      "tpu.region"() ({
        %run_scoped3A_177 = tpu.sem_alloc : memref<!tpu.dma_semaphore, #tpu.memory_space<semaphore_mem>>
        %dma_start3A_178 = arith.constant 0 : i32
        %dma_start3A_179 = tpu.memref_slice %arg3[%add3A_59, %dma_start3A_178] : memref<2560x128xi32, #tpu.memory_space<hbm>> -> memref<8x128xi32, #tpu.memory_space<hbm>>
        %dma_start3A_180 = arith.constant 0 : i32
        %dma_start3A_181 = tpu.memref_slice %arg3[%add3A_59, %dma_start3A_180] : memref<2560x128xi32, #tpu.memory_space<hbm>> -> memref<8x128xi32, #tpu.memory_space<hbm>>
        tpu.enqueue_dma source(%dma_start3A_181 : memref<8x128xi32, #tpu.memory_space<hbm>>) target(%arg7 : memref<8x128xi32, #tpu.memory_space<vmem>>) target_semaphore(%run_scoped3A_177 : memref<!tpu.dma_semaphore, #tpu.memory_space<semaphore_mem>>)
        %dma_wait3A_182 = arith.constant 0 : i32
        %dma_wait3A_183 = tpu.memref_slice %arg3[%add3A_59, %dma_wait3A_182] : memref<2560x128xi32, #tpu.memory_space<hbm>> -> memref<8x128xi32, #tpu.memory_space<hbm>>
        %dma_wait3A_184 = arith.constant 0 : i32
        %dma_wait3A_185 = tpu.memref_slice %arg3[%add3A_59, %dma_wait3A_184] : memref<2560x128xi32, #tpu.memory_space<hbm>> -> memref<8x128xi32, #tpu.memory_space<hbm>>
        tpu.wait_dma2 semaphore(%run_scoped3A_177 : memref<!tpu.dma_semaphore, #tpu.memory_space<semaphore_mem>>) src(%dma_wait3A_185 : memref<8x128xi32, #tpu.memory_space<hbm>>) dst(%arg7 : memref<8x128xi32, #tpu.memory_space<vmem>>)
        tpu.yield
      }) : () -> ()
      "tpu.region"() ({
        %run_scoped3A_177 = tpu.sem_alloc : memref<!tpu.dma_semaphore, #tpu.memory_space<semaphore_mem>>
        %dma_start3A_178 = arith.constant 0 : i32
        %dma_start3A_179 = tpu.memref_slice %arg4[%add3A_59, %dma_start3A_178] : memref<2560x128xi32, #tpu.memory_space<hbm>> -> memref<8x128xi32, #tpu.memory_space<hbm>>
        %dma_start3A_180 = arith.constant 0 : i32
        %dma_start3A_181 = tpu.memref_slice %arg4[%add3A_59, %dma_start3A_180] : memref<2560x128xi32, #tpu.memory_space<hbm>> -> memref<8x128xi32, #tpu.memory_space<hbm>>
        tpu.enqueue_dma source(%dma_start3A_181 : memref<8x128xi32, #tpu.memory_space<hbm>>) target(%arg8 : memref<8x128xi32, #tpu.memory_space<vmem>>) target_semaphore(%run_scoped3A_177 : memref<!tpu.dma_semaphore, #tpu.memory_space<semaphore_mem>>)
        %dma_wait3A_182 = arith.constant 0 : i32
        %dma_wait3A_183 = tpu.memref_slice %arg4[%add3A_59, %dma_wait3A_182] : memref<2560x128xi32, #tpu.memory_space<hbm>> -> memref<8x128xi32, #tpu.memory_space<hbm>>
        %dma_wait3A_184 = arith.constant 0 : i32
        %dma_wait3A_185 = tpu.memref_slice %arg4[%add3A_59, %dma_wait3A_184] : memref<2560x128xi32, #tpu.memory_space<hbm>> -> memref<8x128xi32, #tpu.memory_space<hbm>>
        tpu.wait_dma2 semaphore(%run_scoped3A_177 : memref<!tpu.dma_semaphore, #tpu.memory_space<semaphore_mem>>) src(%dma_wait3A_185 : memref<8x128xi32, #tpu.memory_space<hbm>>) dst(%arg8 : memref<8x128xi32, #tpu.memory_space<vmem>>)
        tpu.yield
      }) : () -> ()
      %dma_start3A = arith.constant 0 : i32
      %dma_start3A_60 = arith.constant 0 : i32
      %dma_start3A_61 = tpu.memref_slice %arg7[%dma_start3A, %dma_start3A_60] : memref<8x128xi32, #tpu.memory_space<vmem>> -> memref<1x128xi32, #tpu.memory_space<vmem>>
      %dma_start3A_62 = tpu.memref_squeeze %dma_start3A_61 : memref<1x128xi32, #tpu.memory_space<vmem>> -> memref<128xi32, #tpu.memory_space<vmem>>
      %dma_start3A_63 = arith.constant 0 : i32
      %dma_start3A_64 = arith.constant 0 : i32
      %dma_start3A_65 = tpu.memref_slice %arg2[%dma_start3A_63, %dma_start3A_64] : memref<10000x128xf32, #tpu.memory_space<hbm>> -> memref<10000x128xf32, #tpu.memory_space<hbm>>
      tpu.enqueue_indirect_dma source(%dma_start3A_65 : memref<10000x128xf32, #tpu.memory_space<hbm>>) target(%arg9 : memref<128x128xf32, #tpu.memory_space<vmem>>) offsets(%dma_start3A_62 : memref<128xi32, #tpu.memory_space<vmem>>) semaphore(%arg12 : memref<!tpu.dma_semaphore, #tpu.memory_space<semaphore_mem>>)
      %dma_wait3A = arith.constant 0 : i32
      %dma_wait3A_66 = arith.constant 0 : i32
      %dma_wait3A_67 = tpu.memref_slice %arg7[%dma_wait3A, %dma_wait3A_66] : memref<8x128xi32, #tpu.memory_space<vmem>> -> memref<1x128xi32, #tpu.memory_space<vmem>>
      %dma_wait3A_68 = tpu.memref_squeeze %dma_wait3A_67 : memref<1x128xi32, #tpu.memory_space<vmem>> -> memref<128xi32, #tpu.memory_space<vmem>>
      %dma_wait3A_69 = arith.constant 0 : i32
      %dma_wait3A_70 = arith.constant 0 : i32
      %dma_wait3A_71 = tpu.memref_slice %arg2[%dma_wait3A_69, %dma_wait3A_70] : memref<10000x128xf32, #tpu.memory_space<hbm>> -> memref<10000x128xf32, #tpu.memory_space<hbm>>
      tpu.wait_indirect_dma semaphore(%arg12 : memref<!tpu.dma_semaphore, #tpu.memory_space<semaphore_mem>>) src(%dma_wait3A_71 : memref<10000x128xf32, #tpu.memory_space<hbm>>) dst(%arg9 : memref<128x128xf32, #tpu.memory_space<vmem>>)
      %dma_start3A_72 = arith.constant 1 : i32
      %dma_start3A_73 = arith.constant 0 : i32
      %dma_start3A_74 = tpu.memref_slice %arg7[%dma_start3A_72, %dma_start3A_73] : memref<8x128xi32, #tpu.memory_space<vmem>> -> memref<1x128xi32, #tpu.memory_space<vmem>>
      %dma_start3A_75 = tpu.memref_squeeze %dma_start3A_74 : memref<1x128xi32, #tpu.memory_space<vmem>> -> memref<128xi32, #tpu.memory_space<vmem>>
      %dma_start3A_76 = arith.constant 0 : i32
      %dma_start3A_77 = arith.constant 0 : i32
      %dma_start3A_78 = tpu.memref_slice %arg2[%dma_start3A_76, %dma_start3A_77] : memref<10000x128xf32, #tpu.memory_space<hbm>> -> memref<10000x128xf32, #tpu.memory_space<hbm>>
      tpu.enqueue_indirect_dma source(%dma_start3A_78 : memref<10000x128xf32, #tpu.memory_space<hbm>>) target(%arg10 : memref<128x128xf32, #tpu.memory_space<vmem>>) offsets(%dma_start3A_75 : memref<128xi32, #tpu.memory_space<vmem>>) semaphore(%arg13 : memref<!tpu.dma_semaphore, #tpu.memory_space<semaphore_mem>>)
      %run_scoped3A = arith.constant 0 : i32
      "tpu.region"() ({
        %run_scoped3A_177 = tpu.sem_alloc : memref<!tpu.dma_semaphore, #tpu.memory_space<semaphore_mem>>
        %dma_start3A_178 = arith.constant 0 : i32
        %dma_start3A_179 = tpu.memref_slice %arg8[%run_scoped3A, %dma_start3A_178] : memref<8x128xi32, #tpu.memory_space<vmem>> -> memref<1x128xi32, #tpu.memory_space<vmem>>
        %dma_start3A_180 = tpu.memref_squeeze %dma_start3A_179 : memref<1x128xi32, #tpu.memory_space<vmem>> -> memref<128xi32, #tpu.memory_space<vmem>>
        %dma_start3A_181 = arith.constant 0 : i32
        %dma_start3A_182 = arith.constant 0 : i32
        %dma_start3A_183 = tpu.memref_slice %arg11[%dma_start3A_181, %dma_start3A_182] : memref<10112x128xf32, #tpu.memory_space<vmem_shared>> -> memref<10112x128xf32, #tpu.memory_space<vmem_shared>>
        tpu.enqueue_indirect_dma source(%arg9 : memref<128x128xf32, #tpu.memory_space<vmem>>) target(%dma_start3A_183 : memref<10112x128xf32, #tpu.memory_space<vmem_shared>>) offsets(%dma_start3A_180 : memref<128xi32, #tpu.memory_space<vmem>>) semaphore(%run_scoped3A_177 : memref<!tpu.dma_semaphore, #tpu.memory_space<semaphore_mem>>) {add = true}
        %dma_wait3A_184 = arith.constant 0 : i32
        %dma_wait3A_185 = tpu.memref_slice %arg8[%run_scoped3A, %dma_wait3A_184] : memref<8x128xi32, #tpu.memory_space<vmem>> -> memref<1x128xi32, #tpu.memory_space<vmem>>
        %dma_wait3A_186 = tpu.memref_squeeze %dma_wait3A_185 : memref<1x128xi32, #tpu.memory_space<vmem>> -> memref<128xi32, #tpu.memory_space<vmem>>
        %dma_wait3A_187 = arith.constant 0 : i32
        %dma_wait3A_188 = arith.constant 0 : i32
        %dma_wait3A_189 = tpu.memref_slice %arg11[%dma_wait3A_187, %dma_wait3A_188] : memref<10112x128xf32, #tpu.memory_space<vmem_shared>> -> memref<10112x128xf32, #tpu.memory_space<vmem_shared>>
        tpu.wait_indirect_dma semaphore(%run_scoped3A_177 : memref<!tpu.dma_semaphore, #tpu.memory_space<semaphore_mem>>) src(%arg9 : memref<128x128xf32, #tpu.memory_space<vmem>>) dst(%dma_wait3A_189 : memref<10112x128xf32, #tpu.memory_space<vmem_shared>>)
        tpu.yield
      }) : () -> ()
      %dma_wait3A_79 = arith.constant 1 : i32
      %dma_wait3A_80 = arith.constant 0 : i32
      %dma_wait3A_81 = tpu.memref_slice %arg7[%dma_wait3A_79, %dma_wait3A_80] : memref<8x128xi32, #tpu.memory_space<vmem>> -> memref<1x128xi32, #tpu.memory_space<vmem>>
      %dma_wait3A_82 = tpu.memref_squeeze %dma_wait3A_81 : memref<1x128xi32, #tpu.memory_space<vmem>> -> memref<128xi32, #tpu.memory_space<vmem>>
      %dma_wait3A_83 = arith.constant 0 : i32
      %dma_wait3A_84 = arith.constant 0 : i32
      %dma_wait3A_85 = tpu.memref_slice %arg2[%dma_wait3A_83, %dma_wait3A_84] : memref<10000x128xf32, #tpu.memory_space<hbm>> -> memref<10000x128xf32, #tpu.memory_space<hbm>>
      tpu.wait_indirect_dma semaphore(%arg13 : memref<!tpu.dma_semaphore, #tpu.memory_space<semaphore_mem>>) src(%dma_wait3A_85 : memref<10000x128xf32, #tpu.memory_space<hbm>>) dst(%arg10 : memref<128x128xf32, #tpu.memory_space<vmem>>)
      %dma_start3A_86 = arith.constant 2 : i32
      %dma_start3A_87 = arith.constant 0 : i32
      %dma_start3A_88 = tpu.memref_slice %arg7[%dma_start3A_86, %dma_start3A_87] : memref<8x128xi32, #tpu.memory_space<vmem>> -> memref<1x128xi32, #tpu.memory_space<vmem>>
      %dma_start3A_89 = tpu.memref_squeeze %dma_start3A_88 : memref<1x128xi32, #tpu.memory_space<vmem>> -> memref<128xi32, #tpu.memory_space<vmem>>
      %dma_start3A_90 = arith.constant 0 : i32
      %dma_start3A_91 = arith.constant 0 : i32
      %dma_start3A_92 = tpu.memref_slice %arg2[%dma_start3A_90, %dma_start3A_91] : memref<10000x128xf32, #tpu.memory_space<hbm>> -> memref<10000x128xf32, #tpu.memory_space<hbm>>
      tpu.enqueue_indirect_dma source(%dma_start3A_92 : memref<10000x128xf32, #tpu.memory_space<hbm>>) target(%arg9 : memref<128x128xf32, #tpu.memory_space<vmem>>) offsets(%dma_start3A_89 : memref<128xi32, #tpu.memory_space<vmem>>) semaphore(%arg12 : memref<!tpu.dma_semaphore, #tpu.memory_space<semaphore_mem>>)
      %run_scoped3A_93 = arith.constant 1 : i32
      "tpu.region"() ({
        %run_scoped3A_177 = tpu.sem_alloc : memref<!tpu.dma_semaphore, #tpu.memory_space<semaphore_mem>>
        %dma_start3A_178 = arith.constant 0 : i32
        %dma_start3A_179 = tpu.memref_slice %arg8[%run_scoped3A_93, %dma_start3A_178] : memref<8x128xi32, #tpu.memory_space<vmem>> -> memref<1x128xi32, #tpu.memory_space<vmem>>
        %dma_start3A_180 = tpu.memref_squeeze %dma_start3A_179 : memref<1x128xi32, #tpu.memory_space<vmem>> -> memref<128xi32, #tpu.memory_space<vmem>>
        %dma_start3A_181 = arith.constant 0 : i32
        %dma_start3A_182 = arith.constant 0 : i32
        %dma_start3A_183 = tpu.memref_slice %arg11[%dma_start3A_181, %dma_start3A_182] : memref<10112x128xf32, #tpu.memory_space<vmem_shared>> -> memref<10112x128xf32, #tpu.memory_space<vmem_shared>>
        tpu.enqueue_indirect_dma source(%arg10 : memref<128x128xf32, #tpu.memory_space<vmem>>) target(%dma_start3A_183 : memref<10112x128xf32, #tpu.memory_space<vmem_shared>>) offsets(%dma_start3A_180 : memref<128xi32, #tpu.memory_space<vmem>>) semaphore(%run_scoped3A_177 : memref<!tpu.dma_semaphore, #tpu.memory_space<semaphore_mem>>) {add = true}
        %dma_wait3A_184 = arith.constant 0 : i32
        %dma_wait3A_185 = tpu.memref_slice %arg8[%run_scoped3A_93, %dma_wait3A_184] : memref<8x128xi32, #tpu.memory_space<vmem>> -> memref<1x128xi32, #tpu.memory_space<vmem>>
        %dma_wait3A_186 = tpu.memref_squeeze %dma_wait3A_185 : memref<1x128xi32, #tpu.memory_space<vmem>> -> memref<128xi32, #tpu.memory_space<vmem>>
        %dma_wait3A_187 = arith.constant 0 : i32
        %dma_wait3A_188 = arith.constant 0 : i32
        %dma_wait3A_189 = tpu.memref_slice %arg11[%dma_wait3A_187, %dma_wait3A_188] : memref<10112x128xf32, #tpu.memory_space<vmem_shared>> -> memref<10112x128xf32, #tpu.memory_space<vmem_shared>>
        tpu.wait_indirect_dma semaphore(%run_scoped3A_177 : memref<!tpu.dma_semaphore, #tpu.memory_space<semaphore_mem>>) src(%arg10 : memref<128x128xf32, #tpu.memory_space<vmem>>) dst(%dma_wait3A_189 : memref<10112x128xf32, #tpu.memory_space<vmem_shared>>)
        tpu.yield
      }) : () -> ()
      %dma_wait3A_94 = arith.constant 2 : i32
      %dma_wait3A_95 = arith.constant 0 : i32
      %dma_wait3A_96 = tpu.memref_slice %arg7[%dma_wait3A_94, %dma_wait3A_95] : memref<8x128xi32, #tpu.memory_space<vmem>> -> memref<1x128xi32, #tpu.memory_space<vmem>>
      %dma_wait3A_97 = tpu.memref_squeeze %dma_wait3A_96 : memref<1x128xi32, #tpu.memory_space<vmem>> -> memref<128xi32, #tpu.memory_space<vmem>>
      %dma_wait3A_98 = arith.constant 0 : i32
      %dma_wait3A_99 = arith.constant 0 : i32
      %dma_wait3A_100 = tpu.memref_slice %arg2[%dma_wait3A_98, %dma_wait3A_99] : memref<10000x128xf32, #tpu.memory_space<hbm>> -> memref<10000x128xf32, #tpu.memory_space<hbm>>
      tpu.wait_indirect_dma semaphore(%arg12 : memref<!tpu.dma_semaphore, #tpu.memory_space<semaphore_mem>>) src(%dma_wait3A_100 : memref<10000x128xf32, #tpu.memory_space<hbm>>) dst(%arg9 : memref<128x128xf32, #tpu.memory_space<vmem>>)
      %dma_start3A_101 = arith.constant 3 : i32
      %dma_start3A_102 = arith.constant 0 : i32
      %dma_start3A_103 = tpu.memref_slice %arg7[%dma_start3A_101, %dma_start3A_102] : memref<8x128xi32, #tpu.memory_space<vmem>> -> memref<1x128xi32, #tpu.memory_space<vmem>>
      %dma_start3A_104 = tpu.memref_squeeze %dma_start3A_103 : memref<1x128xi32, #tpu.memory_space<vmem>> -> memref<128xi32, #tpu.memory_space<vmem>>
      %dma_start3A_105 = arith.constant 0 : i32
      %dma_start3A_106 = arith.constant 0 : i32
      %dma_start3A_107 = tpu.memref_slice %arg2[%dma_start3A_105, %dma_start3A_106] : memref<10000x128xf32, #tpu.memory_space<hbm>> -> memref<10000x128xf32, #tpu.memory_space<hbm>>
      tpu.enqueue_indirect_dma source(%dma_start3A_107 : memref<10000x128xf32, #tpu.memory_space<hbm>>) target(%arg10 : memref<128x128xf32, #tpu.memory_space<vmem>>) offsets(%dma_start3A_104 : memref<128xi32, #tpu.memory_space<vmem>>) semaphore(%arg13 : memref<!tpu.dma_semaphore, #tpu.memory_space<semaphore_mem>>)
      %run_scoped3A_108 = arith.constant 2 : i32
      "tpu.region"() ({
        %run_scoped3A_177 = tpu.sem_alloc : memref<!tpu.dma_semaphore, #tpu.memory_space<semaphore_mem>>
        %dma_start3A_178 = arith.constant 0 : i32
        %dma_start3A_179 = tpu.memref_slice %arg8[%run_scoped3A_108, %dma_start3A_178] : memref<8x128xi32, #tpu.memory_space<vmem>> -> memref<1x128xi32, #tpu.memory_space<vmem>>
        %dma_start3A_180 = tpu.memref_squeeze %dma_start3A_179 : memref<1x128xi32, #tpu.memory_space<vmem>> -> memref<128xi32, #tpu.memory_space<vmem>>
        %dma_start3A_181 = arith.constant 0 : i32
        %dma_start3A_182 = arith.constant 0 : i32
        %dma_start3A_183 = tpu.memref_slice %arg11[%dma_start3A_181, %dma_start3A_182] : memref<10112x128xf32, #tpu.memory_space<vmem_shared>> -> memref<10112x128xf32, #tpu.memory_space<vmem_shared>>
        tpu.enqueue_indirect_dma source(%arg9 : memref<128x128xf32, #tpu.memory_space<vmem>>) target(%dma_start3A_183 : memref<10112x128xf32, #tpu.memory_space<vmem_shared>>) offsets(%dma_start3A_180 : memref<128xi32, #tpu.memory_space<vmem>>) semaphore(%run_scoped3A_177 : memref<!tpu.dma_semaphore, #tpu.memory_space<semaphore_mem>>) {add = true}
        %dma_wait3A_184 = arith.constant 0 : i32
        %dma_wait3A_185 = tpu.memref_slice %arg8[%run_scoped3A_108, %dma_wait3A_184] : memref<8x128xi32, #tpu.memory_space<vmem>> -> memref<1x128xi32, #tpu.memory_space<vmem>>
        %dma_wait3A_186 = tpu.memref_squeeze %dma_wait3A_185 : memref<1x128xi32, #tpu.memory_space<vmem>> -> memref<128xi32, #tpu.memory_space<vmem>>
        %dma_wait3A_187 = arith.constant 0 : i32
        %dma_wait3A_188 = arith.constant 0 : i32
        %dma_wait3A_189 = tpu.memref_slice %arg11[%dma_wait3A_187, %dma_wait3A_188] : memref<10112x128xf32, #tpu.memory_space<vmem_shared>> -> memref<10112x128xf32, #tpu.memory_space<vmem_shared>>
        tpu.wait_indirect_dma semaphore(%run_scoped3A_177 : memref<!tpu.dma_semaphore, #tpu.memory_space<semaphore_mem>>) src(%arg9 : memref<128x128xf32, #tpu.memory_space<vmem>>) dst(%dma_wait3A_189 : memref<10112x128xf32, #tpu.memory_space<vmem_shared>>)
        tpu.yield
      }) : () -> ()
      %dma_wait3A_109 = arith.constant 3 : i32
      %dma_wait3A_110 = arith.constant 0 : i32
      %dma_wait3A_111 = tpu.memref_slice %arg7[%dma_wait3A_109, %dma_wait3A_110] : memref<8x128xi32, #tpu.memory_space<vmem>> -> memref<1x128xi32, #tpu.memory_space<vmem>>
      %dma_wait3A_112 = tpu.memref_squeeze %dma_wait3A_111 : memref<1x128xi32, #tpu.memory_space<vmem>> -> memref<128xi32, #tpu.memory_space<vmem>>
      %dma_wait3A_113 = arith.constant 0 : i32
      %dma_wait3A_114 = arith.constant 0 : i32
      %dma_wait3A_115 = tpu.memref_slice %arg2[%dma_wait3A_113, %dma_wait3A_114] : memref<10000x128xf32, #tpu.memory_space<hbm>> -> memref<10000x128xf32, #tpu.memory_space<hbm>>
      tpu.wait_indirect_dma semaphore(%arg13 : memref<!tpu.dma_semaphore, #tpu.memory_space<semaphore_mem>>) src(%dma_wait3A_115 : memref<10000x128xf32, #tpu.memory_space<hbm>>) dst(%arg10 : memref<128x128xf32, #tpu.memory_space<vmem>>)
      %dma_start3A_116 = arith.constant 4 : i32
      %dma_start3A_117 = arith.constant 0 : i32
      %dma_start3A_118 = tpu.memref_slice %arg7[%dma_start3A_116, %dma_start3A_117] : memref<8x128xi32, #tpu.memory_space<vmem>> -> memref<1x128xi32, #tpu.memory_space<vmem>>
      %dma_start3A_119 = tpu.memref_squeeze %dma_start3A_118 : memref<1x128xi32, #tpu.memory_space<vmem>> -> memref<128xi32, #tpu.memory_space<vmem>>
      %dma_start3A_120 = arith.constant 0 : i32
      %dma_start3A_121 = arith.constant 0 : i32
      %dma_start3A_122 = tpu.memref_slice %arg2[%dma_start3A_120, %dma_start3A_121] : memref<10000x128xf32, #tpu.memory_space<hbm>> -> memref<10000x128xf32, #tpu.memory_space<hbm>>
      tpu.enqueue_indirect_dma source(%dma_start3A_122 : memref<10000x128xf32, #tpu.memory_space<hbm>>) target(%arg9 : memref<128x128xf32, #tpu.memory_space<vmem>>) offsets(%dma_start3A_119 : memref<128xi32, #tpu.memory_space<vmem>>) semaphore(%arg12 : memref<!tpu.dma_semaphore, #tpu.memory_space<semaphore_mem>>)
      %run_scoped3A_123 = arith.constant 3 : i32
      "tpu.region"() ({
        %run_scoped3A_177 = tpu.sem_alloc : memref<!tpu.dma_semaphore, #tpu.memory_space<semaphore_mem>>
        %dma_start3A_178 = arith.constant 0 : i32
        %dma_start3A_179 = tpu.memref_slice %arg8[%run_scoped3A_123, %dma_start3A_178] : memref<8x128xi32, #tpu.memory_space<vmem>> -> memref<1x128xi32, #tpu.memory_space<vmem>>
        %dma_start3A_180 = tpu.memref_squeeze %dma_start3A_179 : memref<1x128xi32, #tpu.memory_space<vmem>> -> memref<128xi32, #tpu.memory_space<vmem>>
        %dma_start3A_181 = arith.constant 0 : i32
        %dma_start3A_182 = arith.constant 0 : i32
        %dma_start3A_183 = tpu.memref_slice %arg11[%dma_start3A_181, %dma_start3A_182] : memref<10112x128xf32, #tpu.memory_space<vmem_shared>> -> memref<10112x128xf32, #tpu.memory_space<vmem_shared>>
        tpu.enqueue_indirect_dma source(%arg10 : memref<128x128xf32, #tpu.memory_space<vmem>>) target(%dma_start3A_183 : memref<10112x128xf32, #tpu.memory_space<vmem_shared>>) offsets(%dma_start3A_180 : memref<128xi32, #tpu.memory_space<vmem>>) semaphore(%run_scoped3A_177 : memref<!tpu.dma_semaphore, #tpu.memory_space<semaphore_mem>>) {add = true}
        %dma_wait3A_184 = arith.constant 0 : i32
        %dma_wait3A_185 = tpu.memref_slice %arg8[%run_scoped3A_123, %dma_wait3A_184] : memref<8x128xi32, #tpu.memory_space<vmem>> -> memref<1x128xi32, #tpu.memory_space<vmem>>
        %dma_wait3A_186 = tpu.memref_squeeze %dma_wait3A_185 : memref<1x128xi32, #tpu.memory_space<vmem>> -> memref<128xi32, #tpu.memory_space<vmem>>
        %dma_wait3A_187 = arith.constant 0 : i32
        %dma_wait3A_188 = arith.constant 0 : i32
        %dma_wait3A_189 = tpu.memref_slice %arg11[%dma_wait3A_187, %dma_wait3A_188] : memref<10112x128xf32, #tpu.memory_space<vmem_shared>> -> memref<10112x128xf32, #tpu.memory_space<vmem_shared>>
        tpu.wait_indirect_dma semaphore(%run_scoped3A_177 : memref<!tpu.dma_semaphore, #tpu.memory_space<semaphore_mem>>) src(%arg10 : memref<128x128xf32, #tpu.memory_space<vmem>>) dst(%dma_wait3A_189 : memref<10112x128xf32, #tpu.memory_space<vmem_shared>>)
        tpu.yield
      }) : () -> ()
      %dma_wait3A_124 = arith.constant 4 : i32
      %dma_wait3A_125 = arith.constant 0 : i32
      %dma_wait3A_126 = tpu.memref_slice %arg7[%dma_wait3A_124, %dma_wait3A_125] : memref<8x128xi32, #tpu.memory_space<vmem>> -> memref<1x128xi32, #tpu.memory_space<vmem>>
      %dma_wait3A_127 = tpu.memref_squeeze %dma_wait3A_126 : memref<1x128xi32, #tpu.memory_space<vmem>> -> memref<128xi32, #tpu.memory_space<vmem>>
      %dma_wait3A_128 = arith.constant 0 : i32
      %dma_wait3A_129 = arith.constant 0 : i32
      %dma_wait3A_130 = tpu.memref_slice %arg2[%dma_wait3A_128, %dma_wait3A_129] : memref<10000x128xf32, #tpu.memory_space<hbm>> -> memref<10000x128xf32, #tpu.memory_space<hbm>>
      tpu.wait_indirect_dma semaphore(%arg12 : memref<!tpu.dma_semaphore, #tpu.memory_space<semaphore_mem>>) src(%dma_wait3A_130 : memref<10000x128xf32, #tpu.memory_space<hbm>>) dst(%arg9 : memref<128x128xf32, #tpu.memory_space<vmem>>)
      %dma_start3A_131 = arith.constant 5 : i32
      %dma_start3A_132 = arith.constant 0 : i32
      %dma_start3A_133 = tpu.memref_slice %arg7[%dma_start3A_131, %dma_start3A_132] : memref<8x128xi32, #tpu.memory_space<vmem>> -> memref<1x128xi32, #tpu.memory_space<vmem>>
      %dma_start3A_134 = tpu.memref_squeeze %dma_start3A_133 : memref<1x128xi32, #tpu.memory_space<vmem>> -> memref<128xi32, #tpu.memory_space<vmem>>
      %dma_start3A_135 = arith.constant 0 : i32
      %dma_start3A_136 = arith.constant 0 : i32
      %dma_start3A_137 = tpu.memref_slice %arg2[%dma_start3A_135, %dma_start3A_136] : memref<10000x128xf32, #tpu.memory_space<hbm>> -> memref<10000x128xf32, #tpu.memory_space<hbm>>
      tpu.enqueue_indirect_dma source(%dma_start3A_137 : memref<10000x128xf32, #tpu.memory_space<hbm>>) target(%arg10 : memref<128x128xf32, #tpu.memory_space<vmem>>) offsets(%dma_start3A_134 : memref<128xi32, #tpu.memory_space<vmem>>) semaphore(%arg13 : memref<!tpu.dma_semaphore, #tpu.memory_space<semaphore_mem>>)
      %run_scoped3A_138 = arith.constant 4 : i32
      "tpu.region"() ({
        %run_scoped3A_177 = tpu.sem_alloc : memref<!tpu.dma_semaphore, #tpu.memory_space<semaphore_mem>>
        %dma_start3A_178 = arith.constant 0 : i32
        %dma_start3A_179 = tpu.memref_slice %arg8[%run_scoped3A_138, %dma_start3A_178] : memref<8x128xi32, #tpu.memory_space<vmem>> -> memref<1x128xi32, #tpu.memory_space<vmem>>
        %dma_start3A_180 = tpu.memref_squeeze %dma_start3A_179 : memref<1x128xi32, #tpu.memory_space<vmem>> -> memref<128xi32, #tpu.memory_space<vmem>>
        %dma_start3A_181 = arith.constant 0 : i32
        %dma_start3A_182 = arith.constant 0 : i32
        %dma_start3A_183 = tpu.memref_slice %arg11[%dma_start3A_181, %dma_start3A_182] : memref<10112x128xf32, #tpu.memory_space<vmem_shared>> -> memref<10112x128xf32, #tpu.memory_space<vmem_shared>>
        tpu.enqueue_indirect_dma source(%arg9 : memref<128x128xf32, #tpu.memory_space<vmem>>) target(%dma_start3A_183 : memref<10112x128xf32, #tpu.memory_space<vmem_shared>>) offsets(%dma_start3A_180 : memref<128xi32, #tpu.memory_space<vmem>>) semaphore(%run_scoped3A_177 : memref<!tpu.dma_semaphore, #tpu.memory_space<semaphore_mem>>) {add = true}
        %dma_wait3A_184 = arith.constant 0 : i32
        %dma_wait3A_185 = tpu.memref_slice %arg8[%run_scoped3A_138, %dma_wait3A_184] : memref<8x128xi32, #tpu.memory_space<vmem>> -> memref<1x128xi32, #tpu.memory_space<vmem>>
        %dma_wait3A_186 = tpu.memref_squeeze %dma_wait3A_185 : memref<1x128xi32, #tpu.memory_space<vmem>> -> memref<128xi32, #tpu.memory_space<vmem>>
        %dma_wait3A_187 = arith.constant 0 : i32
        %dma_wait3A_188 = arith.constant 0 : i32
        %dma_wait3A_189 = tpu.memref_slice %arg11[%dma_wait3A_187, %dma_wait3A_188] : memref<10112x128xf32, #tpu.memory_space<vmem_shared>> -> memref<10112x128xf32, #tpu.memory_space<vmem_shared>>
        tpu.wait_indirect_dma semaphore(%run_scoped3A_177 : memref<!tpu.dma_semaphore, #tpu.memory_space<semaphore_mem>>) src(%arg9 : memref<128x128xf32, #tpu.memory_space<vmem>>) dst(%dma_wait3A_189 : memref<10112x128xf32, #tpu.memory_space<vmem_shared>>)
        tpu.yield
      }) : () -> ()
      %dma_wait3A_139 = arith.constant 5 : i32
      %dma_wait3A_140 = arith.constant 0 : i32
      %dma_wait3A_141 = tpu.memref_slice %arg7[%dma_wait3A_139, %dma_wait3A_140] : memref<8x128xi32, #tpu.memory_space<vmem>> -> memref<1x128xi32, #tpu.memory_space<vmem>>
      %dma_wait3A_142 = tpu.memref_squeeze %dma_wait3A_141 : memref<1x128xi32, #tpu.memory_space<vmem>> -> memref<128xi32, #tpu.memory_space<vmem>>
      %dma_wait3A_143 = arith.constant 0 : i32
      %dma_wait3A_144 = arith.constant 0 : i32
      %dma_wait3A_145 = tpu.memref_slice %arg2[%dma_wait3A_143, %dma_wait3A_144] : memref<10000x128xf32, #tpu.memory_space<hbm>> -> memref<10000x128xf32, #tpu.memory_space<hbm>>
      tpu.wait_indirect_dma semaphore(%arg13 : memref<!tpu.dma_semaphore, #tpu.memory_space<semaphore_mem>>) src(%dma_wait3A_145 : memref<10000x128xf32, #tpu.memory_space<hbm>>) dst(%arg10 : memref<128x128xf32, #tpu.memory_space<vmem>>)
      %dma_start3A_146 = arith.constant 6 : i32
      %dma_start3A_147 = arith.constant 0 : i32
      %dma_start3A_148 = tpu.memref_slice %arg7[%dma_start3A_146, %dma_start3A_147] : memref<8x128xi32, #tpu.memory_space<vmem>> -> memref<1x128xi32, #tpu.memory_space<vmem>>
      %dma_start3A_149 = tpu.memref_squeeze %dma_start3A_148 : memref<1x128xi32, #tpu.memory_space<vmem>> -> memref<128xi32, #tpu.memory_space<vmem>>
      %dma_start3A_150 = arith.constant 0 : i32
      %dma_start3A_151 = arith.constant 0 : i32
      %dma_start3A_152 = tpu.memref_slice %arg2[%dma_start3A_150, %dma_start3A_151] : memref<10000x128xf32, #tpu.memory_space<hbm>> -> memref<10000x128xf32, #tpu.memory_space<hbm>>
      tpu.enqueue_indirect_dma source(%dma_start3A_152 : memref<10000x128xf32, #tpu.memory_space<hbm>>) target(%arg9 : memref<128x128xf32, #tpu.memory_space<vmem>>) offsets(%dma_start3A_149 : memref<128xi32, #tpu.memory_space<vmem>>) semaphore(%arg12 : memref<!tpu.dma_semaphore, #tpu.memory_space<semaphore_mem>>)
      %run_scoped3A_153 = arith.constant 5 : i32
      "tpu.region"() ({
        %run_scoped3A_177 = tpu.sem_alloc : memref<!tpu.dma_semaphore, #tpu.memory_space<semaphore_mem>>
        %dma_start3A_178 = arith.constant 0 : i32
        %dma_start3A_179 = tpu.memref_slice %arg8[%run_scoped3A_153, %dma_start3A_178] : memref<8x128xi32, #tpu.memory_space<vmem>> -> memref<1x128xi32, #tpu.memory_space<vmem>>
        %dma_start3A_180 = tpu.memref_squeeze %dma_start3A_179 : memref<1x128xi32, #tpu.memory_space<vmem>> -> memref<128xi32, #tpu.memory_space<vmem>>
        %dma_start3A_181 = arith.constant 0 : i32
        %dma_start3A_182 = arith.constant 0 : i32
        %dma_start3A_183 = tpu.memref_slice %arg11[%dma_start3A_181, %dma_start3A_182] : memref<10112x128xf32, #tpu.memory_space<vmem_shared>> -> memref<10112x128xf32, #tpu.memory_space<vmem_shared>>
        tpu.enqueue_indirect_dma source(%arg10 : memref<128x128xf32, #tpu.memory_space<vmem>>) target(%dma_start3A_183 : memref<10112x128xf32, #tpu.memory_space<vmem_shared>>) offsets(%dma_start3A_180 : memref<128xi32, #tpu.memory_space<vmem>>) semaphore(%run_scoped3A_177 : memref<!tpu.dma_semaphore, #tpu.memory_space<semaphore_mem>>) {add = true}
        %dma_wait3A_184 = arith.constant 0 : i32
        %dma_wait3A_185 = tpu.memref_slice %arg8[%run_scoped3A_153, %dma_wait3A_184] : memref<8x128xi32, #tpu.memory_space<vmem>> -> memref<1x128xi32, #tpu.memory_space<vmem>>
        %dma_wait3A_186 = tpu.memref_squeeze %dma_wait3A_185 : memref<1x128xi32, #tpu.memory_space<vmem>> -> memref<128xi32, #tpu.memory_space<vmem>>
        %dma_wait3A_187 = arith.constant 0 : i32
        %dma_wait3A_188 = arith.constant 0 : i32
        %dma_wait3A_189 = tpu.memref_slice %arg11[%dma_wait3A_187, %dma_wait3A_188] : memref<10112x128xf32, #tpu.memory_space<vmem_shared>> -> memref<10112x128xf32, #tpu.memory_space<vmem_shared>>
        tpu.wait_indirect_dma semaphore(%run_scoped3A_177 : memref<!tpu.dma_semaphore, #tpu.memory_space<semaphore_mem>>) src(%arg10 : memref<128x128xf32, #tpu.memory_space<vmem>>) dst(%dma_wait3A_189 : memref<10112x128xf32, #tpu.memory_space<vmem_shared>>)
        tpu.yield
      }) : () -> ()
      %dma_wait3A_154 = arith.constant 6 : i32
      %dma_wait3A_155 = arith.constant 0 : i32
      %dma_wait3A_156 = tpu.memref_slice %arg7[%dma_wait3A_154, %dma_wait3A_155] : memref<8x128xi32, #tpu.memory_space<vmem>> -> memref<1x128xi32, #tpu.memory_space<vmem>>
      %dma_wait3A_157 = tpu.memref_squeeze %dma_wait3A_156 : memref<1x128xi32, #tpu.memory_space<vmem>> -> memref<128xi32, #tpu.memory_space<vmem>>
      %dma_wait3A_158 = arith.constant 0 : i32
      %dma_wait3A_159 = arith.constant 0 : i32
      %dma_wait3A_160 = tpu.memref_slice %arg2[%dma_wait3A_158, %dma_wait3A_159] : memref<10000x128xf32, #tpu.memory_space<hbm>> -> memref<10000x128xf32, #tpu.memory_space<hbm>>
      tpu.wait_indirect_dma semaphore(%arg12 : memref<!tpu.dma_semaphore, #tpu.memory_space<semaphore_mem>>) src(%dma_wait3A_160 : memref<10000x128xf32, #tpu.memory_space<hbm>>) dst(%arg9 : memref<128x128xf32, #tpu.memory_space<vmem>>)
      %dma_start3A_161 = arith.constant 7 : i32
      %dma_start3A_162 = arith.constant 0 : i32
      %dma_start3A_163 = tpu.memref_slice %arg7[%dma_start3A_161, %dma_start3A_162] : memref<8x128xi32, #tpu.memory_space<vmem>> -> memref<1x128xi32, #tpu.memory_space<vmem>>
      %dma_start3A_164 = tpu.memref_squeeze %dma_start3A_163 : memref<1x128xi32, #tpu.memory_space<vmem>> -> memref<128xi32, #tpu.memory_space<vmem>>
      %dma_start3A_165 = arith.constant 0 : i32
      %dma_start3A_166 = arith.constant 0 : i32
      %dma_start3A_167 = tpu.memref_slice %arg2[%dma_start3A_165, %dma_start3A_166] : memref<10000x128xf32, #tpu.memory_space<hbm>> -> memref<10000x128xf32, #tpu.memory_space<hbm>>
      tpu.enqueue_indirect_dma source(%dma_start3A_167 : memref<10000x128xf32, #tpu.memory_space<hbm>>) target(%arg10 : memref<128x128xf32, #tpu.memory_space<vmem>>) offsets(%dma_start3A_164 : memref<128xi32, #tpu.memory_space<vmem>>) semaphore(%arg13 : memref<!tpu.dma_semaphore, #tpu.memory_space<semaphore_mem>>)
      %run_scoped3A_168 = arith.constant 6 : i32
      "tpu.region"() ({
        %run_scoped3A_177 = tpu.sem_alloc : memref<!tpu.dma_semaphore, #tpu.memory_space<semaphore_mem>>
        %dma_start3A_178 = arith.constant 0 : i32
        %dma_start3A_179 = tpu.memref_slice %arg8[%run_scoped3A_168, %dma_start3A_178] : memref<8x128xi32, #tpu.memory_space<vmem>> -> memref<1x128xi32, #tpu.memory_space<vmem>>
        %dma_start3A_180 = tpu.memref_squeeze %dma_start3A_179 : memref<1x128xi32, #tpu.memory_space<vmem>> -> memref<128xi32, #tpu.memory_space<vmem>>
        %dma_start3A_181 = arith.constant 0 : i32
        %dma_start3A_182 = arith.constant 0 : i32
        %dma_start3A_183 = tpu.memref_slice %arg11[%dma_start3A_181, %dma_start3A_182] : memref<10112x128xf32, #tpu.memory_space<vmem_shared>> -> memref<10112x128xf32, #tpu.memory_space<vmem_shared>>
        tpu.enqueue_indirect_dma source(%arg9 : memref<128x128xf32, #tpu.memory_space<vmem>>) target(%dma_start3A_183 : memref<10112x128xf32, #tpu.memory_space<vmem_shared>>) offsets(%dma_start3A_180 : memref<128xi32, #tpu.memory_space<vmem>>) semaphore(%run_scoped3A_177 : memref<!tpu.dma_semaphore, #tpu.memory_space<semaphore_mem>>) {add = true}
        %dma_wait3A_184 = arith.constant 0 : i32
        %dma_wait3A_185 = tpu.memref_slice %arg8[%run_scoped3A_168, %dma_wait3A_184] : memref<8x128xi32, #tpu.memory_space<vmem>> -> memref<1x128xi32, #tpu.memory_space<vmem>>
        %dma_wait3A_186 = tpu.memref_squeeze %dma_wait3A_185 : memref<1x128xi32, #tpu.memory_space<vmem>> -> memref<128xi32, #tpu.memory_space<vmem>>
        %dma_wait3A_187 = arith.constant 0 : i32
        %dma_wait3A_188 = arith.constant 0 : i32
        %dma_wait3A_189 = tpu.memref_slice %arg11[%dma_wait3A_187, %dma_wait3A_188] : memref<10112x128xf32, #tpu.memory_space<vmem_shared>> -> memref<10112x128xf32, #tpu.memory_space<vmem_shared>>
        tpu.wait_indirect_dma semaphore(%run_scoped3A_177 : memref<!tpu.dma_semaphore, #tpu.memory_space<semaphore_mem>>) src(%arg9 : memref<128x128xf32, #tpu.memory_space<vmem>>) dst(%dma_wait3A_189 : memref<10112x128xf32, #tpu.memory_space<vmem_shared>>)
        tpu.yield
      }) : () -> ()
      %dma_wait3A_169 = arith.constant 7 : i32
      %dma_wait3A_170 = arith.constant 0 : i32
      %dma_wait3A_171 = tpu.memref_slice %arg7[%dma_wait3A_169, %dma_wait3A_170] : memref<8x128xi32, #tpu.memory_space<vmem>> -> memref<1x128xi32, #tpu.memory_space<vmem>>
      %dma_wait3A_172 = tpu.memref_squeeze %dma_wait3A_171 : memref<1x128xi32, #tpu.memory_space<vmem>> -> memref<128xi32, #tpu.memory_space<vmem>>
      %dma_wait3A_173 = arith.constant 0 : i32
      %dma_wait3A_174 = arith.constant 0 : i32
      %dma_wait3A_175 = tpu.memref_slice %arg2[%dma_wait3A_173, %dma_wait3A_174] : memref<10000x128xf32, #tpu.memory_space<hbm>> -> memref<10000x128xf32, #tpu.memory_space<hbm>>
      tpu.wait_indirect_dma semaphore(%arg13 : memref<!tpu.dma_semaphore, #tpu.memory_space<semaphore_mem>>) src(%dma_wait3A_175 : memref<10000x128xf32, #tpu.memory_space<hbm>>) dst(%arg10 : memref<128x128xf32, #tpu.memory_space<vmem>>)
      %run_scoped3A_176 = arith.constant 7 : i32
      "tpu.region"() ({
        %run_scoped3A_177 = tpu.sem_alloc : memref<!tpu.dma_semaphore, #tpu.memory_space<semaphore_mem>>
        %dma_start3A_178 = arith.constant 0 : i32
        %dma_start3A_179 = tpu.memref_slice %arg8[%run_scoped3A_176, %dma_start3A_178] : memref<8x128xi32, #tpu.memory_space<vmem>> -> memref<1x128xi32, #tpu.memory_space<vmem>>
        %dma_start3A_180 = tpu.memref_squeeze %dma_start3A_179 : memref<1x128xi32, #tpu.memory_space<vmem>> -> memref<128xi32, #tpu.memory_space<vmem>>
        %dma_start3A_181 = arith.constant 0 : i32
        %dma_start3A_182 = arith.constant 0 : i32
        %dma_start3A_183 = tpu.memref_slice %arg11[%dma_start3A_181, %dma_start3A_182] : memref<10112x128xf32, #tpu.memory_space<vmem_shared>> -> memref<10112x128xf32, #tpu.memory_space<vmem_shared>>
        tpu.enqueue_indirect_dma source(%arg10 : memref<128x128xf32, #tpu.memory_space<vmem>>) target(%dma_start3A_183 : memref<10112x128xf32, #tpu.memory_space<vmem_shared>>) offsets(%dma_start3A_180 : memref<128xi32, #tpu.memory_space<vmem>>) semaphore(%run_scoped3A_177 : memref<!tpu.dma_semaphore, #tpu.memory_space<semaphore_mem>>) {add = true}
        %dma_wait3A_184 = arith.constant 0 : i32
        %dma_wait3A_185 = tpu.memref_slice %arg8[%run_scoped3A_176, %dma_wait3A_184] : memref<8x128xi32, #tpu.memory_space<vmem>> -> memref<1x128xi32, #tpu.memory_space<vmem>>
        %dma_wait3A_186 = tpu.memref_squeeze %dma_wait3A_185 : memref<1x128xi32, #tpu.memory_space<vmem>> -> memref<128xi32, #tpu.memory_space<vmem>>
        %dma_wait3A_187 = arith.constant 0 : i32
        %dma_wait3A_188 = arith.constant 0 : i32
        %dma_wait3A_189 = tpu.memref_slice %arg11[%dma_wait3A_187, %dma_wait3A_188] : memref<10112x128xf32, #tpu.memory_space<vmem_shared>> -> memref<10112x128xf32, #tpu.memory_space<vmem_shared>>
        tpu.wait_indirect_dma semaphore(%run_scoped3A_177 : memref<!tpu.dma_semaphore, #tpu.memory_space<semaphore_mem>>) src(%arg10 : memref<128x128xf32, #tpu.memory_space<vmem>>) dst(%dma_wait3A_189 : memref<10112x128xf32, #tpu.memory_space<vmem_shared>>)
        tpu.yield
      }) : () -> ()
    }
    %barrier3A_33 = arith.constant 0 : index
    tpu.barrier barrier_id(%barrier3A_33)
    %mul3A_34 = arith.constant 632 : i32
    %mul3A_35 = arith.muli %add3A, %mul3A_34 : i32
    %add3A_36 = arith.constant 0 : i32
    %add3A_37 = arith.addi %mul3A_2, %add3A_36 : i32
    "tpu.region"() ({
      %run_scoped3A = tpu.sem_alloc : memref<!tpu.dma_semaphore, #tpu.memory_space<semaphore_mem>>
      %dma_start3A = arith.constant 0 : i32
      %dma_start3A_56 = tpu.memref_slice %arg11[%add3A_37, %dma_start3A] : memref<10112x128xf32, #tpu.memory_space<vmem_shared>> -> memref<128x128xf32, #tpu.memory_space<vmem_shared>>
      %dma_start3A_57 = arith.constant 0 : i32
      %dma_start3A_58 = tpu.memref_slice %arg11[%add3A_37, %dma_start3A_57] : memref<10112x128xf32, #tpu.memory_space<vmem_shared>> -> memref<128x128xf32, #tpu.memory_space<vmem_shared>>
      tpu.enqueue_dma source(%dma_start3A_58 : memref<128x128xf32, #tpu.memory_space<vmem_shared>>) target(%arg9 : memref<128x128xf32, #tpu.memory_space<vmem>>) target_semaphore(%run_scoped3A : memref<!tpu.dma_semaphore, #tpu.memory_space<semaphore_mem>>)
      %dma_wait3A = arith.constant 0 : i32
      %dma_wait3A_59 = tpu.memref_slice %arg11[%add3A_37, %dma_wait3A] : memref<10112x128xf32, #tpu.memory_space<vmem_shared>> -> memref<128x128xf32, #tpu.memory_space<vmem_shared>>
      %dma_wait3A_60 = arith.constant 0 : i32
      %dma_wait3A_61 = tpu.memref_slice %arg11[%add3A_37, %dma_wait3A_60] : memref<10112x128xf32, #tpu.memory_space<vmem_shared>> -> memref<128x128xf32, #tpu.memory_space<vmem_shared>>
      tpu.wait_dma2 semaphore(%run_scoped3A : memref<!tpu.dma_semaphore, #tpu.memory_space<semaphore_mem>>) src(%dma_wait3A_61 : memref<128x128xf32, #tpu.memory_space<vmem_shared>>) dst(%arg9 : memref<128x128xf32, #tpu.memory_space<vmem>>)
      tpu.yield
    }) : () -> ()
    %add3A_38 = arith.constant 0 : i32
    %add3A_39 = arith.addi %mul3A_35, %add3A_38 : i32
    "tpu.region"() ({
      %run_scoped3A = tpu.sem_alloc : memref<!tpu.dma_semaphore, #tpu.memory_space<semaphore_mem>>
      %dma_start3A = arith.constant 0 : i32
      %dma_start3A_56 = tpu.memref_slice %arg6[%add3A_39, %dma_start3A] : memref<20224x128xf32, #tpu.memory_space<hbm>> -> memref<128x128xf32, #tpu.memory_space<hbm>>
      %dma_start3A_57 = arith.constant 0 : i32
      %dma_start3A_58 = tpu.memref_slice %arg6[%add3A_39, %dma_start3A_57] : memref<20224x128xf32, #tpu.memory_space<hbm>> -> memref<128x128xf32, #tpu.memory_space<hbm>>
      tpu.enqueue_dma source(%arg9 : memref<128x128xf32, #tpu.memory_space<vmem>>) target(%dma_start3A_58 : memref<128x128xf32, #tpu.memory_space<hbm>>) target_semaphore(%run_scoped3A : memref<!tpu.dma_semaphore, #tpu.memory_space<semaphore_mem>>)
      %dma_wait3A = arith.constant 0 : i32
      %dma_wait3A_59 = tpu.memref_slice %arg6[%add3A_39, %dma_wait3A] : memref<20224x128xf32, #tpu.memory_space<hbm>> -> memref<128x128xf32, #tpu.memory_space<hbm>>
      %dma_wait3A_60 = arith.constant 0 : i32
      %dma_wait3A_61 = tpu.memref_slice %arg6[%add3A_39, %dma_wait3A_60] : memref<20224x128xf32, #tpu.memory_space<hbm>> -> memref<128x128xf32, #tpu.memory_space<hbm>>
      tpu.wait_dma2 semaphore(%run_scoped3A : memref<!tpu.dma_semaphore, #tpu.memory_space<semaphore_mem>>) src(%arg9 : memref<128x128xf32, #tpu.memory_space<vmem>>) dst(%dma_wait3A_61 : memref<128x128xf32, #tpu.memory_space<hbm>>)
      tpu.yield
    }) : () -> ()
    %add3A_40 = arith.constant 128 : i32
    %add3A_41 = arith.addi %mul3A_2, %add3A_40 : i32
    "tpu.region"() ({
      %run_scoped3A = tpu.sem_alloc : memref<!tpu.dma_semaphore, #tpu.memory_space<semaphore_mem>>
      %dma_start3A = arith.constant 0 : i32
      %dma_start3A_56 = tpu.memref_slice %arg11[%add3A_41, %dma_start3A] : memref<10112x128xf32, #tpu.memory_space<vmem_shared>> -> memref<128x128xf32, #tpu.memory_space<vmem_shared>>
      %dma_start3A_57 = arith.constant 0 : i32
      %dma_start3A_58 = tpu.memref_slice %arg11[%add3A_41, %dma_start3A_57] : memref<10112x128xf32, #tpu.memory_space<vmem_shared>> -> memref<128x128xf32, #tpu.memory_space<vmem_shared>>
      tpu.enqueue_dma source(%dma_start3A_58 : memref<128x128xf32, #tpu.memory_space<vmem_shared>>) target(%arg9 : memref<128x128xf32, #tpu.memory_space<vmem>>) target_semaphore(%run_scoped3A : memref<!tpu.dma_semaphore, #tpu.memory_space<semaphore_mem>>)
      %dma_wait3A = arith.constant 0 : i32
      %dma_wait3A_59 = tpu.memref_slice %arg11[%add3A_41, %dma_wait3A] : memref<10112x128xf32, #tpu.memory_space<vmem_shared>> -> memref<128x128xf32, #tpu.memory_space<vmem_shared>>
      %dma_wait3A_60 = arith.constant 0 : i32
      %dma_wait3A_61 = tpu.memref_slice %arg11[%add3A_41, %dma_wait3A_60] : memref<10112x128xf32, #tpu.memory_space<vmem_shared>> -> memref<128x128xf32, #tpu.memory_space<vmem_shared>>
      tpu.wait_dma2 semaphore(%run_scoped3A : memref<!tpu.dma_semaphore, #tpu.memory_space<semaphore_mem>>) src(%dma_wait3A_61 : memref<128x128xf32, #tpu.memory_space<vmem_shared>>) dst(%arg9 : memref<128x128xf32, #tpu.memory_space<vmem>>)
      tpu.yield
    }) : () -> ()
    %add3A_42 = arith.constant 128 : i32
    %add3A_43 = arith.addi %mul3A_35, %add3A_42 : i32
    "tpu.region"() ({
      %run_scoped3A = tpu.sem_alloc : memref<!tpu.dma_semaphore, #tpu.memory_space<semaphore_mem>>
      %dma_start3A = arith.constant 0 : i32
      %dma_start3A_56 = tpu.memref_slice %arg6[%add3A_43, %dma_start3A] : memref<20224x128xf32, #tpu.memory_space<hbm>> -> memref<128x128xf32, #tpu.memory_space<hbm>>
      %dma_start3A_57 = arith.constant 0 : i32
      %dma_start3A_58 = tpu.memref_slice %arg6[%add3A_43, %dma_start3A_57] : memref<20224x128xf32, #tpu.memory_space<hbm>> -> memref<128x128xf32, #tpu.memory_space<hbm>>
      tpu.enqueue_dma source(%arg9 : memref<128x128xf32, #tpu.memory_space<vmem>>) target(%dma_start3A_58 : memref<128x128xf32, #tpu.memory_space<hbm>>) target_semaphore(%run_scoped3A : memref<!tpu.dma_semaphore, #tpu.memory_space<semaphore_mem>>)
      %dma_wait3A = arith.constant 0 : i32
      %dma_wait3A_59 = tpu.memref_slice %arg6[%add3A_43, %dma_wait3A] : memref<20224x128xf32, #tpu.memory_space<hbm>> -> memref<128x128xf32, #tpu.memory_space<hbm>>
      %dma_wait3A_60 = arith.constant 0 : i32
      %dma_wait3A_61 = tpu.memref_slice %arg6[%add3A_43, %dma_wait3A_60] : memref<20224x128xf32, #tpu.memory_space<hbm>> -> memref<128x128xf32, #tpu.memory_space<hbm>>
      tpu.wait_dma2 semaphore(%run_scoped3A : memref<!tpu.dma_semaphore, #tpu.memory_space<semaphore_mem>>) src(%arg9 : memref<128x128xf32, #tpu.memory_space<vmem>>) dst(%dma_wait3A_61 : memref<128x128xf32, #tpu.memory_space<hbm>>)
      tpu.yield
    }) : () -> ()
    %add3A_44 = arith.constant 256 : i32
    %add3A_45 = arith.addi %mul3A_2, %add3A_44 : i32
    "tpu.region"() ({
      %run_scoped3A = tpu.sem_alloc : memref<!tpu.dma_semaphore, #tpu.memory_space<semaphore_mem>>
      %dma_start3A = arith.constant 0 : i32
      %dma_start3A_56 = tpu.memref_slice %arg11[%add3A_45, %dma_start3A] : memref<10112x128xf32, #tpu.memory_space<vmem_shared>> -> memref<128x128xf32, #tpu.memory_space<vmem_shared>>
      %dma_start3A_57 = arith.constant 0 : i32
      %dma_start3A_58 = tpu.memref_slice %arg11[%add3A_45, %dma_start3A_57] : memref<10112x128xf32, #tpu.memory_space<vmem_shared>> -> memref<128x128xf32, #tpu.memory_space<vmem_shared>>
      tpu.enqueue_dma source(%dma_start3A_58 : memref<128x128xf32, #tpu.memory_space<vmem_shared>>) target(%arg9 : memref<128x128xf32, #tpu.memory_space<vmem>>) target_semaphore(%run_scoped3A : memref<!tpu.dma_semaphore, #tpu.memory_space<semaphore_mem>>)
      %dma_wait3A = arith.constant 0 : i32
      %dma_wait3A_59 = tpu.memref_slice %arg11[%add3A_45, %dma_wait3A] : memref<10112x128xf32, #tpu.memory_space<vmem_shared>> -> memref<128x128xf32, #tpu.memory_space<vmem_shared>>
      %dma_wait3A_60 = arith.constant 0 : i32
      %dma_wait3A_61 = tpu.memref_slice %arg11[%add3A_45, %dma_wait3A_60] : memref<10112x128xf32, #tpu.memory_space<vmem_shared>> -> memref<128x128xf32, #tpu.memory_space<vmem_shared>>
      tpu.wait_dma2 semaphore(%run_scoped3A : memref<!tpu.dma_semaphore, #tpu.memory_space<semaphore_mem>>) src(%dma_wait3A_61 : memref<128x128xf32, #tpu.memory_space<vmem_shared>>) dst(%arg9 : memref<128x128xf32, #tpu.memory_space<vmem>>)
      tpu.yield
    }) : () -> ()
    %add3A_46 = arith.constant 256 : i32
    %add3A_47 = arith.addi %mul3A_35, %add3A_46 : i32
    "tpu.region"() ({
      %run_scoped3A = tpu.sem_alloc : memref<!tpu.dma_semaphore, #tpu.memory_space<semaphore_mem>>
      %dma_start3A = arith.constant 0 : i32
      %dma_start3A_56 = tpu.memref_slice %arg6[%add3A_47, %dma_start3A] : memref<20224x128xf32, #tpu.memory_space<hbm>> -> memref<128x128xf32, #tpu.memory_space<hbm>>
      %dma_start3A_57 = arith.constant 0 : i32
      %dma_start3A_58 = tpu.memref_slice %arg6[%add3A_47, %dma_start3A_57] : memref<20224x128xf32, #tpu.memory_space<hbm>> -> memref<128x128xf32, #tpu.memory_space<hbm>>
      tpu.enqueue_dma source(%arg9 : memref<128x128xf32, #tpu.memory_space<vmem>>) target(%dma_start3A_58 : memref<128x128xf32, #tpu.memory_space<hbm>>) target_semaphore(%run_scoped3A : memref<!tpu.dma_semaphore, #tpu.memory_space<semaphore_mem>>)
      %dma_wait3A = arith.constant 0 : i32
      %dma_wait3A_59 = tpu.memref_slice %arg6[%add3A_47, %dma_wait3A] : memref<20224x128xf32, #tpu.memory_space<hbm>> -> memref<128x128xf32, #tpu.memory_space<hbm>>
      %dma_wait3A_60 = arith.constant 0 : i32
      %dma_wait3A_61 = tpu.memref_slice %arg6[%add3A_47, %dma_wait3A_60] : memref<20224x128xf32, #tpu.memory_space<hbm>> -> memref<128x128xf32, #tpu.memory_space<hbm>>
      tpu.wait_dma2 semaphore(%run_scoped3A : memref<!tpu.dma_semaphore, #tpu.memory_space<semaphore_mem>>) src(%arg9 : memref<128x128xf32, #tpu.memory_space<vmem>>) dst(%dma_wait3A_61 : memref<128x128xf32, #tpu.memory_space<hbm>>)
      tpu.yield
    }) : () -> ()
    %add3A_48 = arith.constant 384 : i32
    %add3A_49 = arith.addi %mul3A_2, %add3A_48 : i32
    "tpu.region"() ({
      %run_scoped3A = tpu.sem_alloc : memref<!tpu.dma_semaphore, #tpu.memory_space<semaphore_mem>>
      %dma_start3A = arith.constant 0 : i32
      %dma_start3A_56 = tpu.memref_slice %arg11[%add3A_49, %dma_start3A] : memref<10112x128xf32, #tpu.memory_space<vmem_shared>> -> memref<128x128xf32, #tpu.memory_space<vmem_shared>>
      %dma_start3A_57 = arith.constant 0 : i32
      %dma_start3A_58 = tpu.memref_slice %arg11[%add3A_49, %dma_start3A_57] : memref<10112x128xf32, #tpu.memory_space<vmem_shared>> -> memref<128x128xf32, #tpu.memory_space<vmem_shared>>
      tpu.enqueue_dma source(%dma_start3A_58 : memref<128x128xf32, #tpu.memory_space<vmem_shared>>) target(%arg9 : memref<128x128xf32, #tpu.memory_space<vmem>>) target_semaphore(%run_scoped3A : memref<!tpu.dma_semaphore, #tpu.memory_space<semaphore_mem>>)
      %dma_wait3A = arith.constant 0 : i32
      %dma_wait3A_59 = tpu.memref_slice %arg11[%add3A_49, %dma_wait3A] : memref<10112x128xf32, #tpu.memory_space<vmem_shared>> -> memref<128x128xf32, #tpu.memory_space<vmem_shared>>
      %dma_wait3A_60 = arith.constant 0 : i32
      %dma_wait3A_61 = tpu.memref_slice %arg11[%add3A_49, %dma_wait3A_60] : memref<10112x128xf32, #tpu.memory_space<vmem_shared>> -> memref<128x128xf32, #tpu.memory_space<vmem_shared>>
      tpu.wait_dma2 semaphore(%run_scoped3A : memref<!tpu.dma_semaphore, #tpu.memory_space<semaphore_mem>>) src(%dma_wait3A_61 : memref<128x128xf32, #tpu.memory_space<vmem_shared>>) dst(%arg9 : memref<128x128xf32, #tpu.memory_space<vmem>>)
      tpu.yield
    }) : () -> ()
    %add3A_50 = arith.constant 384 : i32
    %add3A_51 = arith.addi %mul3A_35, %add3A_50 : i32
    "tpu.region"() ({
      %run_scoped3A = tpu.sem_alloc : memref<!tpu.dma_semaphore, #tpu.memory_space<semaphore_mem>>
      %dma_start3A = arith.constant 0 : i32
      %dma_start3A_56 = tpu.memref_slice %arg6[%add3A_51, %dma_start3A] : memref<20224x128xf32, #tpu.memory_space<hbm>> -> memref<128x128xf32, #tpu.memory_space<hbm>>
      %dma_start3A_57 = arith.constant 0 : i32
      %dma_start3A_58 = tpu.memref_slice %arg6[%add3A_51, %dma_start3A_57] : memref<20224x128xf32, #tpu.memory_space<hbm>> -> memref<128x128xf32, #tpu.memory_space<hbm>>
      tpu.enqueue_dma source(%arg9 : memref<128x128xf32, #tpu.memory_space<vmem>>) target(%dma_start3A_58 : memref<128x128xf32, #tpu.memory_space<hbm>>) target_semaphore(%run_scoped3A : memref<!tpu.dma_semaphore, #tpu.memory_space<semaphore_mem>>)
      %dma_wait3A = arith.constant 0 : i32
      %dma_wait3A_59 = tpu.memref_slice %arg6[%add3A_51, %dma_wait3A] : memref<20224x128xf32, #tpu.memory_space<hbm>> -> memref<128x128xf32, #tpu.memory_space<hbm>>
      %dma_wait3A_60 = arith.constant 0 : i32
      %dma_wait3A_61 = tpu.memref_slice %arg6[%add3A_51, %dma_wait3A_60] : memref<20224x128xf32, #tpu.memory_space<hbm>> -> memref<128x128xf32, #tpu.memory_space<hbm>>
      tpu.wait_dma2 semaphore(%run_scoped3A : memref<!tpu.dma_semaphore, #tpu.memory_space<semaphore_mem>>) src(%arg9 : memref<128x128xf32, #tpu.memory_space<vmem>>) dst(%dma_wait3A_61 : memref<128x128xf32, #tpu.memory_space<hbm>>)
      tpu.yield
    }) : () -> ()
    %add3A_52 = arith.constant 504 : i32
    %add3A_53 = arith.addi %mul3A_2, %add3A_52 : i32
    "tpu.region"() ({
      %run_scoped3A = tpu.sem_alloc : memref<!tpu.dma_semaphore, #tpu.memory_space<semaphore_mem>>
      %dma_start3A = arith.constant 0 : i32
      %dma_start3A_56 = tpu.memref_slice %arg11[%add3A_53, %dma_start3A] : memref<10112x128xf32, #tpu.memory_space<vmem_shared>> -> memref<128x128xf32, #tpu.memory_space<vmem_shared>>
      %dma_start3A_57 = arith.constant 0 : i32
      %dma_start3A_58 = tpu.memref_slice %arg11[%add3A_53, %dma_start3A_57] : memref<10112x128xf32, #tpu.memory_space<vmem_shared>> -> memref<128x128xf32, #tpu.memory_space<vmem_shared>>
      tpu.enqueue_dma source(%dma_start3A_58 : memref<128x128xf32, #tpu.memory_space<vmem_shared>>) target(%arg9 : memref<128x128xf32, #tpu.memory_space<vmem>>) target_semaphore(%run_scoped3A : memref<!tpu.dma_semaphore, #tpu.memory_space<semaphore_mem>>)
      %dma_wait3A = arith.constant 0 : i32
      %dma_wait3A_59 = tpu.memref_slice %arg11[%add3A_53, %dma_wait3A] : memref<10112x128xf32, #tpu.memory_space<vmem_shared>> -> memref<128x128xf32, #tpu.memory_space<vmem_shared>>
      %dma_wait3A_60 = arith.constant 0 : i32
      %dma_wait3A_61 = tpu.memref_slice %arg11[%add3A_53, %dma_wait3A_60] : memref<10112x128xf32, #tpu.memory_space<vmem_shared>> -> memref<128x128xf32, #tpu.memory_space<vmem_shared>>
      tpu.wait_dma2 semaphore(%run_scoped3A : memref<!tpu.dma_semaphore, #tpu.memory_space<semaphore_mem>>) src(%dma_wait3A_61 : memref<128x128xf32, #tpu.memory_space<vmem_shared>>) dst(%arg9 : memref<128x128xf32, #tpu.memory_space<vmem>>)
      tpu.yield
    }) : () -> ()
    %add3A_54 = arith.constant 504 : i32
    %add3A_55 = arith.addi %mul3A_35, %add3A_54 : i32
    "tpu.region"() ({
      %run_scoped3A = tpu.sem_alloc : memref<!tpu.dma_semaphore, #tpu.memory_space<semaphore_mem>>
      %dma_start3A = arith.constant 0 : i32
      %dma_start3A_56 = tpu.memref_slice %arg6[%add3A_55, %dma_start3A] : memref<20224x128xf32, #tpu.memory_space<hbm>> -> memref<128x128xf32, #tpu.memory_space<hbm>>
      %dma_start3A_57 = arith.constant 0 : i32
      %dma_start3A_58 = tpu.memref_slice %arg6[%add3A_55, %dma_start3A_57] : memref<20224x128xf32, #tpu.memory_space<hbm>> -> memref<128x128xf32, #tpu.memory_space<hbm>>
      tpu.enqueue_dma source(%arg9 : memref<128x128xf32, #tpu.memory_space<vmem>>) target(%dma_start3A_58 : memref<128x128xf32, #tpu.memory_space<hbm>>) target_semaphore(%run_scoped3A : memref<!tpu.dma_semaphore, #tpu.memory_space<semaphore_mem>>)
      %dma_wait3A = arith.constant 0 : i32
      %dma_wait3A_59 = tpu.memref_slice %arg6[%add3A_55, %dma_wait3A] : memref<20224x128xf32, #tpu.memory_space<hbm>> -> memref<128x128xf32, #tpu.memory_space<hbm>>
      %dma_wait3A_60 = arith.constant 0 : i32
      %dma_wait3A_61 = tpu.memref_slice %arg6[%add3A_55, %dma_wait3A_60] : memref<20224x128xf32, #tpu.memory_space<hbm>> -> memref<128x128xf32, #tpu.memory_space<hbm>>
      tpu.wait_dma2 semaphore(%run_scoped3A : memref<!tpu.dma_semaphore, #tpu.memory_space<semaphore_mem>>) src(%arg9 : memref<128x128xf32, #tpu.memory_space<vmem>>) dst(%dma_wait3A_61 : memref<128x128xf32, #tpu.memory_space<hbm>>)
      tpu.yield
    }) : () -> ()
    return
  }
}

#map = affine_map<(d0, d1) -> (0, 0)>
module attributes {stable_mosaic.version = 14 : i64} {
  func.func @_sc_deg(%arg0: i32, %arg1: i32, %arg2: memref<128x128xf32, #tpu.memory_space<hbm>>, %arg3: memref<2560x128xi32, #tpu.memory_space<hbm>>, %arg4: memref<128x128xf32, #tpu.memory_space<hbm>>, %arg5: memref<20224x128xf32, #tpu.memory_space<hbm>>, %arg6: memref<8x128xi32, #tpu.memory_space<vmem>>, %arg7: memref<128x128xf32, #tpu.memory_space<vmem>>, %arg8: memref<10112x128xf32, #tpu.memory_space<vmem_shared>>) attributes {dimension_semantics = [#tpu.dimension_semantics<core_parallel>, #tpu.dimension_semantics<subcore_parallel>], iteration_bounds = array<i64: 2, 16>, scalar_prefetch = 0 : i64, scratch_operands = 3 : i64, tpu.core_type = #tpu.core_type<sc_vector_subcore>, window_params = [{transform_indices = #map}, {transform_indices = #map}, {transform_indices = #map}, {transform_indices = #map}]} {
    %mul3A = arith.constant 16 : i32
    %mul3A_0 = arith.muli %arg0, %mul3A : i32
    %add3A = arith.addi %mul3A_0, %arg1 : i32
    %mul3A_1 = arith.constant 632 : i32
    %mul3A_2 = arith.muli %arg1, %mul3A_1 : i32
    "tpu.region"() ({
      %run_scoped3A = tpu.sem_alloc : memref<!tpu.dma_semaphore, #tpu.memory_space<semaphore_mem>>
      tpu.enqueue_dma source(%arg4 : memref<128x128xf32, #tpu.memory_space<hbm>>) target(%arg7 : memref<128x128xf32, #tpu.memory_space<vmem>>) target_semaphore(%run_scoped3A : memref<!tpu.dma_semaphore, #tpu.memory_space<semaphore_mem>>)
      tpu.wait_dma2 semaphore(%run_scoped3A : memref<!tpu.dma_semaphore, #tpu.memory_space<semaphore_mem>>) src(%arg4 : memref<128x128xf32, #tpu.memory_space<hbm>>) dst(%arg7 : memref<128x128xf32, #tpu.memory_space<vmem>>)
      tpu.yield
    }) : () -> ()
    %add3A_3 = arith.constant 0 : i32
    %add3A_4 = arith.addi %mul3A_2, %add3A_3 : i32
    "tpu.region"() ({
      %run_scoped3A = tpu.sem_alloc : memref<!tpu.dma_semaphore, #tpu.memory_space<semaphore_mem>>
      %dma_start3A = arith.constant 0 : i32
      %dma_start3A_41 = tpu.memref_slice %arg8[%add3A_4, %dma_start3A] : memref<10112x128xf32, #tpu.memory_space<vmem_shared>> -> memref<128x128xf32, #tpu.memory_space<vmem_shared>>
      %dma_start3A_42 = arith.constant 0 : i32
      %dma_start3A_43 = tpu.memref_slice %arg8[%add3A_4, %dma_start3A_42] : memref<10112x128xf32, #tpu.memory_space<vmem_shared>> -> memref<128x128xf32, #tpu.memory_space<vmem_shared>>
      tpu.enqueue_dma source(%arg7 : memref<128x128xf32, #tpu.memory_space<vmem>>) target(%dma_start3A_43 : memref<128x128xf32, #tpu.memory_space<vmem_shared>>) target_semaphore(%run_scoped3A : memref<!tpu.dma_semaphore, #tpu.memory_space<semaphore_mem>>)
      %dma_wait3A = arith.constant 0 : i32
      %dma_wait3A_44 = tpu.memref_slice %arg8[%add3A_4, %dma_wait3A] : memref<10112x128xf32, #tpu.memory_space<vmem_shared>> -> memref<128x128xf32, #tpu.memory_space<vmem_shared>>
      %dma_wait3A_45 = arith.constant 0 : i32
      %dma_wait3A_46 = tpu.memref_slice %arg8[%add3A_4, %dma_wait3A_45] : memref<10112x128xf32, #tpu.memory_space<vmem_shared>> -> memref<128x128xf32, #tpu.memory_space<vmem_shared>>
      tpu.wait_dma2 semaphore(%run_scoped3A : memref<!tpu.dma_semaphore, #tpu.memory_space<semaphore_mem>>) src(%arg7 : memref<128x128xf32, #tpu.memory_space<vmem>>) dst(%dma_wait3A_46 : memref<128x128xf32, #tpu.memory_space<vmem_shared>>)
      tpu.yield
    }) : () -> ()
    %add3A_5 = arith.constant 128 : i32
    %add3A_6 = arith.addi %mul3A_2, %add3A_5 : i32
    "tpu.region"() ({
      %run_scoped3A = tpu.sem_alloc : memref<!tpu.dma_semaphore, #tpu.memory_space<semaphore_mem>>
      %dma_start3A = arith.constant 0 : i32
      %dma_start3A_41 = tpu.memref_slice %arg8[%add3A_6, %dma_start3A] : memref<10112x128xf32, #tpu.memory_space<vmem_shared>> -> memref<128x128xf32, #tpu.memory_space<vmem_shared>>
      %dma_start3A_42 = arith.constant 0 : i32
      %dma_start3A_43 = tpu.memref_slice %arg8[%add3A_6, %dma_start3A_42] : memref<10112x128xf32, #tpu.memory_space<vmem_shared>> -> memref<128x128xf32, #tpu.memory_space<vmem_shared>>
      tpu.enqueue_dma source(%arg7 : memref<128x128xf32, #tpu.memory_space<vmem>>) target(%dma_start3A_43 : memref<128x128xf32, #tpu.memory_space<vmem_shared>>) target_semaphore(%run_scoped3A : memref<!tpu.dma_semaphore, #tpu.memory_space<semaphore_mem>>)
      %dma_wait3A = arith.constant 0 : i32
      %dma_wait3A_44 = tpu.memref_slice %arg8[%add3A_6, %dma_wait3A] : memref<10112x128xf32, #tpu.memory_space<vmem_shared>> -> memref<128x128xf32, #tpu.memory_space<vmem_shared>>
      %dma_wait3A_45 = arith.constant 0 : i32
      %dma_wait3A_46 = tpu.memref_slice %arg8[%add3A_6, %dma_wait3A_45] : memref<10112x128xf32, #tpu.memory_space<vmem_shared>> -> memref<128x128xf32, #tpu.memory_space<vmem_shared>>
      tpu.wait_dma2 semaphore(%run_scoped3A : memref<!tpu.dma_semaphore, #tpu.memory_space<semaphore_mem>>) src(%arg7 : memref<128x128xf32, #tpu.memory_space<vmem>>) dst(%dma_wait3A_46 : memref<128x128xf32, #tpu.memory_space<vmem_shared>>)
      tpu.yield
    }) : () -> ()
    %add3A_7 = arith.constant 256 : i32
    %add3A_8 = arith.addi %mul3A_2, %add3A_7 : i32
    "tpu.region"() ({
      %run_scoped3A = tpu.sem_alloc : memref<!tpu.dma_semaphore, #tpu.memory_space<semaphore_mem>>
      %dma_start3A = arith.constant 0 : i32
      %dma_start3A_41 = tpu.memref_slice %arg8[%add3A_8, %dma_start3A] : memref<10112x128xf32, #tpu.memory_space<vmem_shared>> -> memref<128x128xf32, #tpu.memory_space<vmem_shared>>
      %dma_start3A_42 = arith.constant 0 : i32
      %dma_start3A_43 = tpu.memref_slice %arg8[%add3A_8, %dma_start3A_42] : memref<10112x128xf32, #tpu.memory_space<vmem_shared>> -> memref<128x128xf32, #tpu.memory_space<vmem_shared>>
      tpu.enqueue_dma source(%arg7 : memref<128x128xf32, #tpu.memory_space<vmem>>) target(%dma_start3A_43 : memref<128x128xf32, #tpu.memory_space<vmem_shared>>) target_semaphore(%run_scoped3A : memref<!tpu.dma_semaphore, #tpu.memory_space<semaphore_mem>>)
      %dma_wait3A = arith.constant 0 : i32
      %dma_wait3A_44 = tpu.memref_slice %arg8[%add3A_8, %dma_wait3A] : memref<10112x128xf32, #tpu.memory_space<vmem_shared>> -> memref<128x128xf32, #tpu.memory_space<vmem_shared>>
      %dma_wait3A_45 = arith.constant 0 : i32
      %dma_wait3A_46 = tpu.memref_slice %arg8[%add3A_8, %dma_wait3A_45] : memref<10112x128xf32, #tpu.memory_space<vmem_shared>> -> memref<128x128xf32, #tpu.memory_space<vmem_shared>>
      tpu.wait_dma2 semaphore(%run_scoped3A : memref<!tpu.dma_semaphore, #tpu.memory_space<semaphore_mem>>) src(%arg7 : memref<128x128xf32, #tpu.memory_space<vmem>>) dst(%dma_wait3A_46 : memref<128x128xf32, #tpu.memory_space<vmem_shared>>)
      tpu.yield
    }) : () -> ()
    %add3A_9 = arith.constant 384 : i32
    %add3A_10 = arith.addi %mul3A_2, %add3A_9 : i32
    "tpu.region"() ({
      %run_scoped3A = tpu.sem_alloc : memref<!tpu.dma_semaphore, #tpu.memory_space<semaphore_mem>>
      %dma_start3A = arith.constant 0 : i32
      %dma_start3A_41 = tpu.memref_slice %arg8[%add3A_10, %dma_start3A] : memref<10112x128xf32, #tpu.memory_space<vmem_shared>> -> memref<128x128xf32, #tpu.memory_space<vmem_shared>>
      %dma_start3A_42 = arith.constant 0 : i32
      %dma_start3A_43 = tpu.memref_slice %arg8[%add3A_10, %dma_start3A_42] : memref<10112x128xf32, #tpu.memory_space<vmem_shared>> -> memref<128x128xf32, #tpu.memory_space<vmem_shared>>
      tpu.enqueue_dma source(%arg7 : memref<128x128xf32, #tpu.memory_space<vmem>>) target(%dma_start3A_43 : memref<128x128xf32, #tpu.memory_space<vmem_shared>>) target_semaphore(%run_scoped3A : memref<!tpu.dma_semaphore, #tpu.memory_space<semaphore_mem>>)
      %dma_wait3A = arith.constant 0 : i32
      %dma_wait3A_44 = tpu.memref_slice %arg8[%add3A_10, %dma_wait3A] : memref<10112x128xf32, #tpu.memory_space<vmem_shared>> -> memref<128x128xf32, #tpu.memory_space<vmem_shared>>
      %dma_wait3A_45 = arith.constant 0 : i32
      %dma_wait3A_46 = tpu.memref_slice %arg8[%add3A_10, %dma_wait3A_45] : memref<10112x128xf32, #tpu.memory_space<vmem_shared>> -> memref<128x128xf32, #tpu.memory_space<vmem_shared>>
      tpu.wait_dma2 semaphore(%run_scoped3A : memref<!tpu.dma_semaphore, #tpu.memory_space<semaphore_mem>>) src(%arg7 : memref<128x128xf32, #tpu.memory_space<vmem>>) dst(%dma_wait3A_46 : memref<128x128xf32, #tpu.memory_space<vmem_shared>>)
      tpu.yield
    }) : () -> ()
    %add3A_11 = arith.constant 504 : i32
    %add3A_12 = arith.addi %mul3A_2, %add3A_11 : i32
    "tpu.region"() ({
      %run_scoped3A = tpu.sem_alloc : memref<!tpu.dma_semaphore, #tpu.memory_space<semaphore_mem>>
      %dma_start3A = arith.constant 0 : i32
      %dma_start3A_41 = tpu.memref_slice %arg8[%add3A_12, %dma_start3A] : memref<10112x128xf32, #tpu.memory_space<vmem_shared>> -> memref<128x128xf32, #tpu.memory_space<vmem_shared>>
      %dma_start3A_42 = arith.constant 0 : i32
      %dma_start3A_43 = tpu.memref_slice %arg8[%add3A_12, %dma_start3A_42] : memref<10112x128xf32, #tpu.memory_space<vmem_shared>> -> memref<128x128xf32, #tpu.memory_space<vmem_shared>>
      tpu.enqueue_dma source(%arg7 : memref<128x128xf32, #tpu.memory_space<vmem>>) target(%dma_start3A_43 : memref<128x128xf32, #tpu.memory_space<vmem_shared>>) target_semaphore(%run_scoped3A : memref<!tpu.dma_semaphore, #tpu.memory_space<semaphore_mem>>)
      %dma_wait3A = arith.constant 0 : i32
      %dma_wait3A_44 = tpu.memref_slice %arg8[%add3A_12, %dma_wait3A] : memref<10112x128xf32, #tpu.memory_space<vmem_shared>> -> memref<128x128xf32, #tpu.memory_space<vmem_shared>>
      %dma_wait3A_45 = arith.constant 0 : i32
      %dma_wait3A_46 = tpu.memref_slice %arg8[%add3A_12, %dma_wait3A_45] : memref<10112x128xf32, #tpu.memory_space<vmem_shared>> -> memref<128x128xf32, #tpu.memory_space<vmem_shared>>
      tpu.wait_dma2 semaphore(%run_scoped3A : memref<!tpu.dma_semaphore, #tpu.memory_space<semaphore_mem>>) src(%arg7 : memref<128x128xf32, #tpu.memory_space<vmem>>) dst(%dma_wait3A_46 : memref<128x128xf32, #tpu.memory_space<vmem_shared>>)
      tpu.yield
    }) : () -> ()
    %barrier3A = arith.constant 0 : index
    tpu.barrier barrier_id(%barrier3A)
    "tpu.region"() ({
      %run_scoped3A = tpu.sem_alloc : memref<!tpu.dma_semaphore, #tpu.memory_space<semaphore_mem>>
      tpu.enqueue_dma source(%arg2 : memref<128x128xf32, #tpu.memory_space<hbm>>) target(%arg7 : memref<128x128xf32, #tpu.memory_space<vmem>>) target_semaphore(%run_scoped3A : memref<!tpu.dma_semaphore, #tpu.memory_space<semaphore_mem>>)
      tpu.wait_dma2 semaphore(%run_scoped3A : memref<!tpu.dma_semaphore, #tpu.memory_space<semaphore_mem>>) src(%arg2 : memref<128x128xf32, #tpu.memory_space<hbm>>) dst(%arg7 : memref<128x128xf32, #tpu.memory_space<vmem>>)
      tpu.yield
    }) : () -> ()
    %scan3A = arith.constant 0 : i32
    %scan3A_13 = arith.constant 0 : i32
    %scan3A_14 = arith.constant 10 : i32
    %scan3A_15 = arith.addi %scan3A_13, %scan3A_14 : i32
    %scan3A_16 = arith.constant 1 : i32
    scf.for %scan3A_41 = %scan3A_13 to %scan3A_15 step %scan3A_16  : i32 {
      %mul3A_42 = arith.constant 80 : i32
      %mul3A_43 = arith.muli %add3A, %mul3A_42 : i32
      %mul3A_44 = arith.constant 8 : i32
      %mul3A_45 = arith.muli %scan3A_41, %mul3A_44 : i32
      %add3A_46 = arith.addi %mul3A_43, %mul3A_45 : i32
      "tpu.region"() ({
        %run_scoped3A_54 = tpu.sem_alloc : memref<!tpu.dma_semaphore, #tpu.memory_space<semaphore_mem>>
        %dma_start3A = arith.constant 0 : i32
        %dma_start3A_55 = tpu.memref_slice %arg3[%add3A_46, %dma_start3A] : memref<2560x128xi32, #tpu.memory_space<hbm>> -> memref<8x128xi32, #tpu.memory_space<hbm>>
        %dma_start3A_56 = arith.constant 0 : i32
        %dma_start3A_57 = tpu.memref_slice %arg3[%add3A_46, %dma_start3A_56] : memref<2560x128xi32, #tpu.memory_space<hbm>> -> memref<8x128xi32, #tpu.memory_space<hbm>>
        tpu.enqueue_dma source(%dma_start3A_57 : memref<8x128xi32, #tpu.memory_space<hbm>>) target(%arg6 : memref<8x128xi32, #tpu.memory_space<vmem>>) target_semaphore(%run_scoped3A_54 : memref<!tpu.dma_semaphore, #tpu.memory_space<semaphore_mem>>)
        %dma_wait3A = arith.constant 0 : i32
        %dma_wait3A_58 = tpu.memref_slice %arg3[%add3A_46, %dma_wait3A] : memref<2560x128xi32, #tpu.memory_space<hbm>> -> memref<8x128xi32, #tpu.memory_space<hbm>>
        %dma_wait3A_59 = arith.constant 0 : i32
        %dma_wait3A_60 = tpu.memref_slice %arg3[%add3A_46, %dma_wait3A_59] : memref<2560x128xi32, #tpu.memory_space<hbm>> -> memref<8x128xi32, #tpu.memory_space<hbm>>
        tpu.wait_dma2 semaphore(%run_scoped3A_54 : memref<!tpu.dma_semaphore, #tpu.memory_space<semaphore_mem>>) src(%dma_wait3A_60 : memref<8x128xi32, #tpu.memory_space<hbm>>) dst(%arg6 : memref<8x128xi32, #tpu.memory_space<vmem>>)
        tpu.yield
      }) : () -> ()
      %run_scoped3A = arith.constant 0 : i32
      "tpu.region"() ({
        %run_scoped3A_54 = tpu.sem_alloc : memref<!tpu.dma_semaphore, #tpu.memory_space<semaphore_mem>>
        %dma_start3A = arith.constant 0 : i32
        %dma_start3A_55 = tpu.memref_slice %arg6[%run_scoped3A, %dma_start3A] : memref<8x128xi32, #tpu.memory_space<vmem>> -> memref<1x128xi32, #tpu.memory_space<vmem>>
        %dma_start3A_56 = tpu.memref_squeeze %dma_start3A_55 : memref<1x128xi32, #tpu.memory_space<vmem>> -> memref<128xi32, #tpu.memory_space<vmem>>
        %dma_start3A_57 = arith.constant 0 : i32
        %dma_start3A_58 = arith.constant 0 : i32
        %dma_start3A_59 = tpu.memref_slice %arg8[%dma_start3A_57, %dma_start3A_58] : memref<10112x128xf32, #tpu.memory_space<vmem_shared>> -> memref<10112x128xf32, #tpu.memory_space<vmem_shared>>
        tpu.enqueue_indirect_dma source(%arg7 : memref<128x128xf32, #tpu.memory_space<vmem>>) target(%dma_start3A_59 : memref<10112x128xf32, #tpu.memory_space<vmem_shared>>) offsets(%dma_start3A_56 : memref<128xi32, #tpu.memory_space<vmem>>) semaphore(%run_scoped3A_54 : memref<!tpu.dma_semaphore, #tpu.memory_space<semaphore_mem>>) {add = true}
        %dma_wait3A = arith.constant 0 : i32
        %dma_wait3A_60 = tpu.memref_slice %arg6[%run_scoped3A, %dma_wait3A] : memref<8x128xi32, #tpu.memory_space<vmem>> -> memref<1x128xi32, #tpu.memory_space<vmem>>
        %dma_wait3A_61 = tpu.memref_squeeze %dma_wait3A_60 : memref<1x128xi32, #tpu.memory_space<vmem>> -> memref<128xi32, #tpu.memory_space<vmem>>
        %dma_wait3A_62 = arith.constant 0 : i32
        %dma_wait3A_63 = arith.constant 0 : i32
        %dma_wait3A_64 = tpu.memref_slice %arg8[%dma_wait3A_62, %dma_wait3A_63] : memref<10112x128xf32, #tpu.memory_space<vmem_shared>> -> memref<10112x128xf32, #tpu.memory_space<vmem_shared>>
        tpu.wait_indirect_dma semaphore(%run_scoped3A_54 : memref<!tpu.dma_semaphore, #tpu.memory_space<semaphore_mem>>) src(%arg7 : memref<128x128xf32, #tpu.memory_space<vmem>>) dst(%dma_wait3A_64 : memref<10112x128xf32, #tpu.memory_space<vmem_shared>>)
        tpu.yield
      }) : () -> ()
      %run_scoped3A_47 = arith.constant 1 : i32
      "tpu.region"() ({
        %run_scoped3A_54 = tpu.sem_alloc : memref<!tpu.dma_semaphore, #tpu.memory_space<semaphore_mem>>
        %dma_start3A = arith.constant 0 : i32
        %dma_start3A_55 = tpu.memref_slice %arg6[%run_scoped3A_47, %dma_start3A] : memref<8x128xi32, #tpu.memory_space<vmem>> -> memref<1x128xi32, #tpu.memory_space<vmem>>
        %dma_start3A_56 = tpu.memref_squeeze %dma_start3A_55 : memref<1x128xi32, #tpu.memory_space<vmem>> -> memref<128xi32, #tpu.memory_space<vmem>>
        %dma_start3A_57 = arith.constant 0 : i32
        %dma_start3A_58 = arith.constant 0 : i32
        %dma_start3A_59 = tpu.memref_slice %arg8[%dma_start3A_57, %dma_start3A_58] : memref<10112x128xf32, #tpu.memory_space<vmem_shared>> -> memref<10112x128xf32, #tpu.memory_space<vmem_shared>>
        tpu.enqueue_indirect_dma source(%arg7 : memref<128x128xf32, #tpu.memory_space<vmem>>) target(%dma_start3A_59 : memref<10112x128xf32, #tpu.memory_space<vmem_shared>>) offsets(%dma_start3A_56 : memref<128xi32, #tpu.memory_space<vmem>>) semaphore(%run_scoped3A_54 : memref<!tpu.dma_semaphore, #tpu.memory_space<semaphore_mem>>) {add = true}
        %dma_wait3A = arith.constant 0 : i32
        %dma_wait3A_60 = tpu.memref_slice %arg6[%run_scoped3A_47, %dma_wait3A] : memref<8x128xi32, #tpu.memory_space<vmem>> -> memref<1x128xi32, #tpu.memory_space<vmem>>
        %dma_wait3A_61 = tpu.memref_squeeze %dma_wait3A_60 : memref<1x128xi32, #tpu.memory_space<vmem>> -> memref<128xi32, #tpu.memory_space<vmem>>
        %dma_wait3A_62 = arith.constant 0 : i32
        %dma_wait3A_63 = arith.constant 0 : i32
        %dma_wait3A_64 = tpu.memref_slice %arg8[%dma_wait3A_62, %dma_wait3A_63] : memref<10112x128xf32, #tpu.memory_space<vmem_shared>> -> memref<10112x128xf32, #tpu.memory_space<vmem_shared>>
        tpu.wait_indirect_dma semaphore(%run_scoped3A_54 : memref<!tpu.dma_semaphore, #tpu.memory_space<semaphore_mem>>) src(%arg7 : memref<128x128xf32, #tpu.memory_space<vmem>>) dst(%dma_wait3A_64 : memref<10112x128xf32, #tpu.memory_space<vmem_shared>>)
        tpu.yield
      }) : () -> ()
      %run_scoped3A_48 = arith.constant 2 : i32
      "tpu.region"() ({
        %run_scoped3A_54 = tpu.sem_alloc : memref<!tpu.dma_semaphore, #tpu.memory_space<semaphore_mem>>
        %dma_start3A = arith.constant 0 : i32
        %dma_start3A_55 = tpu.memref_slice %arg6[%run_scoped3A_48, %dma_start3A] : memref<8x128xi32, #tpu.memory_space<vmem>> -> memref<1x128xi32, #tpu.memory_space<vmem>>
        %dma_start3A_56 = tpu.memref_squeeze %dma_start3A_55 : memref<1x128xi32, #tpu.memory_space<vmem>> -> memref<128xi32, #tpu.memory_space<vmem>>
        %dma_start3A_57 = arith.constant 0 : i32
        %dma_start3A_58 = arith.constant 0 : i32
        %dma_start3A_59 = tpu.memref_slice %arg8[%dma_start3A_57, %dma_start3A_58] : memref<10112x128xf32, #tpu.memory_space<vmem_shared>> -> memref<10112x128xf32, #tpu.memory_space<vmem_shared>>
        tpu.enqueue_indirect_dma source(%arg7 : memref<128x128xf32, #tpu.memory_space<vmem>>) target(%dma_start3A_59 : memref<10112x128xf32, #tpu.memory_space<vmem_shared>>) offsets(%dma_start3A_56 : memref<128xi32, #tpu.memory_space<vmem>>) semaphore(%run_scoped3A_54 : memref<!tpu.dma_semaphore, #tpu.memory_space<semaphore_mem>>) {add = true}
        %dma_wait3A = arith.constant 0 : i32
        %dma_wait3A_60 = tpu.memref_slice %arg6[%run_scoped3A_48, %dma_wait3A] : memref<8x128xi32, #tpu.memory_space<vmem>> -> memref<1x128xi32, #tpu.memory_space<vmem>>
        %dma_wait3A_61 = tpu.memref_squeeze %dma_wait3A_60 : memref<1x128xi32, #tpu.memory_space<vmem>> -> memref<128xi32, #tpu.memory_space<vmem>>
        %dma_wait3A_62 = arith.constant 0 : i32
        %dma_wait3A_63 = arith.constant 0 : i32
        %dma_wait3A_64 = tpu.memref_slice %arg8[%dma_wait3A_62, %dma_wait3A_63] : memref<10112x128xf32, #tpu.memory_space<vmem_shared>> -> memref<10112x128xf32, #tpu.memory_space<vmem_shared>>
        tpu.wait_indirect_dma semaphore(%run_scoped3A_54 : memref<!tpu.dma_semaphore, #tpu.memory_space<semaphore_mem>>) src(%arg7 : memref<128x128xf32, #tpu.memory_space<vmem>>) dst(%dma_wait3A_64 : memref<10112x128xf32, #tpu.memory_space<vmem_shared>>)
        tpu.yield
      }) : () -> ()
      %run_scoped3A_49 = arith.constant 3 : i32
      "tpu.region"() ({
        %run_scoped3A_54 = tpu.sem_alloc : memref<!tpu.dma_semaphore, #tpu.memory_space<semaphore_mem>>
        %dma_start3A = arith.constant 0 : i32
        %dma_start3A_55 = tpu.memref_slice %arg6[%run_scoped3A_49, %dma_start3A] : memref<8x128xi32, #tpu.memory_space<vmem>> -> memref<1x128xi32, #tpu.memory_space<vmem>>
        %dma_start3A_56 = tpu.memref_squeeze %dma_start3A_55 : memref<1x128xi32, #tpu.memory_space<vmem>> -> memref<128xi32, #tpu.memory_space<vmem>>
        %dma_start3A_57 = arith.constant 0 : i32
        %dma_start3A_58 = arith.constant 0 : i32
        %dma_start3A_59 = tpu.memref_slice %arg8[%dma_start3A_57, %dma_start3A_58] : memref<10112x128xf32, #tpu.memory_space<vmem_shared>> -> memref<10112x128xf32, #tpu.memory_space<vmem_shared>>
        tpu.enqueue_indirect_dma source(%arg7 : memref<128x128xf32, #tpu.memory_space<vmem>>) target(%dma_start3A_59 : memref<10112x128xf32, #tpu.memory_space<vmem_shared>>) offsets(%dma_start3A_56 : memref<128xi32, #tpu.memory_space<vmem>>) semaphore(%run_scoped3A_54 : memref<!tpu.dma_semaphore, #tpu.memory_space<semaphore_mem>>) {add = true}
        %dma_wait3A = arith.constant 0 : i32
        %dma_wait3A_60 = tpu.memref_slice %arg6[%run_scoped3A_49, %dma_wait3A] : memref<8x128xi32, #tpu.memory_space<vmem>> -> memref<1x128xi32, #tpu.memory_space<vmem>>
        %dma_wait3A_61 = tpu.memref_squeeze %dma_wait3A_60 : memref<1x128xi32, #tpu.memory_space<vmem>> -> memref<128xi32, #tpu.memory_space<vmem>>
        %dma_wait3A_62 = arith.constant 0 : i32
        %dma_wait3A_63 = arith.constant 0 : i32
        %dma_wait3A_64 = tpu.memref_slice %arg8[%dma_wait3A_62, %dma_wait3A_63] : memref<10112x128xf32, #tpu.memory_space<vmem_shared>> -> memref<10112x128xf32, #tpu.memory_space<vmem_shared>>
        tpu.wait_indirect_dma semaphore(%run_scoped3A_54 : memref<!tpu.dma_semaphore, #tpu.memory_space<semaphore_mem>>) src(%arg7 : memref<128x128xf32, #tpu.memory_space<vmem>>) dst(%dma_wait3A_64 : memref<10112x128xf32, #tpu.memory_space<vmem_shared>>)
        tpu.yield
      }) : () -> ()
      %run_scoped3A_50 = arith.constant 4 : i32
      "tpu.region"() ({
        %run_scoped3A_54 = tpu.sem_alloc : memref<!tpu.dma_semaphore, #tpu.memory_space<semaphore_mem>>
        %dma_start3A = arith.constant 0 : i32
        %dma_start3A_55 = tpu.memref_slice %arg6[%run_scoped3A_50, %dma_start3A] : memref<8x128xi32, #tpu.memory_space<vmem>> -> memref<1x128xi32, #tpu.memory_space<vmem>>
        %dma_start3A_56 = tpu.memref_squeeze %dma_start3A_55 : memref<1x128xi32, #tpu.memory_space<vmem>> -> memref<128xi32, #tpu.memory_space<vmem>>
        %dma_start3A_57 = arith.constant 0 : i32
        %dma_start3A_58 = arith.constant 0 : i32
        %dma_start3A_59 = tpu.memref_slice %arg8[%dma_start3A_57, %dma_start3A_58] : memref<10112x128xf32, #tpu.memory_space<vmem_shared>> -> memref<10112x128xf32, #tpu.memory_space<vmem_shared>>
        tpu.enqueue_indirect_dma source(%arg7 : memref<128x128xf32, #tpu.memory_space<vmem>>) target(%dma_start3A_59 : memref<10112x128xf32, #tpu.memory_space<vmem_shared>>) offsets(%dma_start3A_56 : memref<128xi32, #tpu.memory_space<vmem>>) semaphore(%run_scoped3A_54 : memref<!tpu.dma_semaphore, #tpu.memory_space<semaphore_mem>>) {add = true}
        %dma_wait3A = arith.constant 0 : i32
        %dma_wait3A_60 = tpu.memref_slice %arg6[%run_scoped3A_50, %dma_wait3A] : memref<8x128xi32, #tpu.memory_space<vmem>> -> memref<1x128xi32, #tpu.memory_space<vmem>>
        %dma_wait3A_61 = tpu.memref_squeeze %dma_wait3A_60 : memref<1x128xi32, #tpu.memory_space<vmem>> -> memref<128xi32, #tpu.memory_space<vmem>>
        %dma_wait3A_62 = arith.constant 0 : i32
        %dma_wait3A_63 = arith.constant 0 : i32
        %dma_wait3A_64 = tpu.memref_slice %arg8[%dma_wait3A_62, %dma_wait3A_63] : memref<10112x128xf32, #tpu.memory_space<vmem_shared>> -> memref<10112x128xf32, #tpu.memory_space<vmem_shared>>
        tpu.wait_indirect_dma semaphore(%run_scoped3A_54 : memref<!tpu.dma_semaphore, #tpu.memory_space<semaphore_mem>>) src(%arg7 : memref<128x128xf32, #tpu.memory_space<vmem>>) dst(%dma_wait3A_64 : memref<10112x128xf32, #tpu.memory_space<vmem_shared>>)
        tpu.yield
      }) : () -> ()
      %run_scoped3A_51 = arith.constant 5 : i32
      "tpu.region"() ({
        %run_scoped3A_54 = tpu.sem_alloc : memref<!tpu.dma_semaphore, #tpu.memory_space<semaphore_mem>>
        %dma_start3A = arith.constant 0 : i32
        %dma_start3A_55 = tpu.memref_slice %arg6[%run_scoped3A_51, %dma_start3A] : memref<8x128xi32, #tpu.memory_space<vmem>> -> memref<1x128xi32, #tpu.memory_space<vmem>>
        %dma_start3A_56 = tpu.memref_squeeze %dma_start3A_55 : memref<1x128xi32, #tpu.memory_space<vmem>> -> memref<128xi32, #tpu.memory_space<vmem>>
        %dma_start3A_57 = arith.constant 0 : i32
        %dma_start3A_58 = arith.constant 0 : i32
        %dma_start3A_59 = tpu.memref_slice %arg8[%dma_start3A_57, %dma_start3A_58] : memref<10112x128xf32, #tpu.memory_space<vmem_shared>> -> memref<10112x128xf32, #tpu.memory_space<vmem_shared>>
        tpu.enqueue_indirect_dma source(%arg7 : memref<128x128xf32, #tpu.memory_space<vmem>>) target(%dma_start3A_59 : memref<10112x128xf32, #tpu.memory_space<vmem_shared>>) offsets(%dma_start3A_56 : memref<128xi32, #tpu.memory_space<vmem>>) semaphore(%run_scoped3A_54 : memref<!tpu.dma_semaphore, #tpu.memory_space<semaphore_mem>>) {add = true}
        %dma_wait3A = arith.constant 0 : i32
        %dma_wait3A_60 = tpu.memref_slice %arg6[%run_scoped3A_51, %dma_wait3A] : memref<8x128xi32, #tpu.memory_space<vmem>> -> memref<1x128xi32, #tpu.memory_space<vmem>>
        %dma_wait3A_61 = tpu.memref_squeeze %dma_wait3A_60 : memref<1x128xi32, #tpu.memory_space<vmem>> -> memref<128xi32, #tpu.memory_space<vmem>>
        %dma_wait3A_62 = arith.constant 0 : i32
        %dma_wait3A_63 = arith.constant 0 : i32
        %dma_wait3A_64 = tpu.memref_slice %arg8[%dma_wait3A_62, %dma_wait3A_63] : memref<10112x128xf32, #tpu.memory_space<vmem_shared>> -> memref<10112x128xf32, #tpu.memory_space<vmem_shared>>
        tpu.wait_indirect_dma semaphore(%run_scoped3A_54 : memref<!tpu.dma_semaphore, #tpu.memory_space<semaphore_mem>>) src(%arg7 : memref<128x128xf32, #tpu.memory_space<vmem>>) dst(%dma_wait3A_64 : memref<10112x128xf32, #tpu.memory_space<vmem_shared>>)
        tpu.yield
      }) : () -> ()
      %run_scoped3A_52 = arith.constant 6 : i32
      "tpu.region"() ({
        %run_scoped3A_54 = tpu.sem_alloc : memref<!tpu.dma_semaphore, #tpu.memory_space<semaphore_mem>>
        %dma_start3A = arith.constant 0 : i32
        %dma_start3A_55 = tpu.memref_slice %arg6[%run_scoped3A_52, %dma_start3A] : memref<8x128xi32, #tpu.memory_space<vmem>> -> memref<1x128xi32, #tpu.memory_space<vmem>>
        %dma_start3A_56 = tpu.memref_squeeze %dma_start3A_55 : memref<1x128xi32, #tpu.memory_space<vmem>> -> memref<128xi32, #tpu.memory_space<vmem>>
        %dma_start3A_57 = arith.constant 0 : i32
        %dma_start3A_58 = arith.constant 0 : i32
        %dma_start3A_59 = tpu.memref_slice %arg8[%dma_start3A_57, %dma_start3A_58] : memref<10112x128xf32, #tpu.memory_space<vmem_shared>> -> memref<10112x128xf32, #tpu.memory_space<vmem_shared>>
        tpu.enqueue_indirect_dma source(%arg7 : memref<128x128xf32, #tpu.memory_space<vmem>>) target(%dma_start3A_59 : memref<10112x128xf32, #tpu.memory_space<vmem_shared>>) offsets(%dma_start3A_56 : memref<128xi32, #tpu.memory_space<vmem>>) semaphore(%run_scoped3A_54 : memref<!tpu.dma_semaphore, #tpu.memory_space<semaphore_mem>>) {add = true}
        %dma_wait3A = arith.constant 0 : i32
        %dma_wait3A_60 = tpu.memref_slice %arg6[%run_scoped3A_52, %dma_wait3A] : memref<8x128xi32, #tpu.memory_space<vmem>> -> memref<1x128xi32, #tpu.memory_space<vmem>>
        %dma_wait3A_61 = tpu.memref_squeeze %dma_wait3A_60 : memref<1x128xi32, #tpu.memory_space<vmem>> -> memref<128xi32, #tpu.memory_space<vmem>>
        %dma_wait3A_62 = arith.constant 0 : i32
        %dma_wait3A_63 = arith.constant 0 : i32
        %dma_wait3A_64 = tpu.memref_slice %arg8[%dma_wait3A_62, %dma_wait3A_63] : memref<10112x128xf32, #tpu.memory_space<vmem_shared>> -> memref<10112x128xf32, #tpu.memory_space<vmem_shared>>
        tpu.wait_indirect_dma semaphore(%run_scoped3A_54 : memref<!tpu.dma_semaphore, #tpu.memory_space<semaphore_mem>>) src(%arg7 : memref<128x128xf32, #tpu.memory_space<vmem>>) dst(%dma_wait3A_64 : memref<10112x128xf32, #tpu.memory_space<vmem_shared>>)
        tpu.yield
      }) : () -> ()
      %run_scoped3A_53 = arith.constant 7 : i32
      "tpu.region"() ({
        %run_scoped3A_54 = tpu.sem_alloc : memref<!tpu.dma_semaphore, #tpu.memory_space<semaphore_mem>>
        %dma_start3A = arith.constant 0 : i32
        %dma_start3A_55 = tpu.memref_slice %arg6[%run_scoped3A_53, %dma_start3A] : memref<8x128xi32, #tpu.memory_space<vmem>> -> memref<1x128xi32, #tpu.memory_space<vmem>>
        %dma_start3A_56 = tpu.memref_squeeze %dma_start3A_55 : memref<1x128xi32, #tpu.memory_space<vmem>> -> memref<128xi32, #tpu.memory_space<vmem>>
        %dma_start3A_57 = arith.constant 0 : i32
        %dma_start3A_58 = arith.constant 0 : i32
        %dma_start3A_59 = tpu.memref_slice %arg8[%dma_start3A_57, %dma_start3A_58] : memref<10112x128xf32, #tpu.memory_space<vmem_shared>> -> memref<10112x128xf32, #tpu.memory_space<vmem_shared>>
        tpu.enqueue_indirect_dma source(%arg7 : memref<128x128xf32, #tpu.memory_space<vmem>>) target(%dma_start3A_59 : memref<10112x128xf32, #tpu.memory_space<vmem_shared>>) offsets(%dma_start3A_56 : memref<128xi32, #tpu.memory_space<vmem>>) semaphore(%run_scoped3A_54 : memref<!tpu.dma_semaphore, #tpu.memory_space<semaphore_mem>>) {add = true}
        %dma_wait3A = arith.constant 0 : i32
        %dma_wait3A_60 = tpu.memref_slice %arg6[%run_scoped3A_53, %dma_wait3A] : memref<8x128xi32, #tpu.memory_space<vmem>> -> memref<1x128xi32, #tpu.memory_space<vmem>>
        %dma_wait3A_61 = tpu.memref_squeeze %dma_wait3A_60 : memref<1x128xi32, #tpu.memory_space<vmem>> -> memref<128xi32, #tpu.memory_space<vmem>>
        %dma_wait3A_62 = arith.constant 0 : i32
        %dma_wait3A_63 = arith.constant 0 : i32
        %dma_wait3A_64 = tpu.memref_slice %arg8[%dma_wait3A_62, %dma_wait3A_63] : memref<10112x128xf32, #tpu.memory_space<vmem_shared>> -> memref<10112x128xf32, #tpu.memory_space<vmem_shared>>
        tpu.wait_indirect_dma semaphore(%run_scoped3A_54 : memref<!tpu.dma_semaphore, #tpu.memory_space<semaphore_mem>>) src(%arg7 : memref<128x128xf32, #tpu.memory_space<vmem>>) dst(%dma_wait3A_64 : memref<10112x128xf32, #tpu.memory_space<vmem_shared>>)
        tpu.yield
      }) : () -> ()
    }
    %scan3A_17 = arith.constant 10 : i32
    %barrier3A_18 = arith.constant 0 : index
    tpu.barrier barrier_id(%barrier3A_18)
    %mul3A_19 = arith.constant 632 : i32
    %mul3A_20 = arith.muli %add3A, %mul3A_19 : i32
    %add3A_21 = arith.constant 0 : i32
    %add3A_22 = arith.addi %mul3A_2, %add3A_21 : i32
    "tpu.region"() ({
      %run_scoped3A = tpu.sem_alloc : memref<!tpu.dma_semaphore, #tpu.memory_space<semaphore_mem>>
      %dma_start3A = arith.constant 0 : i32
      %dma_start3A_41 = tpu.memref_slice %arg8[%add3A_22, %dma_start3A] : memref<10112x128xf32, #tpu.memory_space<vmem_shared>> -> memref<128x128xf32, #tpu.memory_space<vmem_shared>>
      %dma_start3A_42 = arith.constant 0 : i32
      %dma_start3A_43 = tpu.memref_slice %arg8[%add3A_22, %dma_start3A_42] : memref<10112x128xf32, #tpu.memory_space<vmem_shared>> -> memref<128x128xf32, #tpu.memory_space<vmem_shared>>
      tpu.enqueue_dma source(%dma_start3A_43 : memref<128x128xf32, #tpu.memory_space<vmem_shared>>) target(%arg7 : memref<128x128xf32, #tpu.memory_space<vmem>>) target_semaphore(%run_scoped3A : memref<!tpu.dma_semaphore, #tpu.memory_space<semaphore_mem>>)
      %dma_wait3A = arith.constant 0 : i32
      %dma_wait3A_44 = tpu.memref_slice %arg8[%add3A_22, %dma_wait3A] : memref<10112x128xf32, #tpu.memory_space<vmem_shared>> -> memref<128x128xf32, #tpu.memory_space<vmem_shared>>
      %dma_wait3A_45 = arith.constant 0 : i32
      %dma_wait3A_46 = tpu.memref_slice %arg8[%add3A_22, %dma_wait3A_45] : memref<10112x128xf32, #tpu.memory_space<vmem_shared>> -> memref<128x128xf32, #tpu.memory_space<vmem_shared>>
      tpu.wait_dma2 semaphore(%run_scoped3A : memref<!tpu.dma_semaphore, #tpu.memory_space<semaphore_mem>>) src(%dma_wait3A_46 : memref<128x128xf32, #tpu.memory_space<vmem_shared>>) dst(%arg7 : memref<128x128xf32, #tpu.memory_space<vmem>>)
      tpu.yield
    }) : () -> ()
    %add3A_23 = arith.constant 0 : i32
    %add3A_24 = arith.addi %mul3A_20, %add3A_23 : i32
    "tpu.region"() ({
      %run_scoped3A = tpu.sem_alloc : memref<!tpu.dma_semaphore, #tpu.memory_space<semaphore_mem>>
      %dma_start3A = arith.constant 0 : i32
      %dma_start3A_41 = tpu.memref_slice %arg5[%add3A_24, %dma_start3A] : memref<20224x128xf32, #tpu.memory_space<hbm>> -> memref<128x128xf32, #tpu.memory_space<hbm>>
      %dma_start3A_42 = arith.constant 0 : i32
      %dma_start3A_43 = tpu.memref_slice %arg5[%add3A_24, %dma_start3A_42] : memref<20224x128xf32, #tpu.memory_space<hbm>> -> memref<128x128xf32, #tpu.memory_space<hbm>>
      tpu.enqueue_dma source(%arg7 : memref<128x128xf32, #tpu.memory_space<vmem>>) target(%dma_start3A_43 : memref<128x128xf32, #tpu.memory_space<hbm>>) target_semaphore(%run_scoped3A : memref<!tpu.dma_semaphore, #tpu.memory_space<semaphore_mem>>)
      %dma_wait3A = arith.constant 0 : i32
      %dma_wait3A_44 = tpu.memref_slice %arg5[%add3A_24, %dma_wait3A] : memref<20224x128xf32, #tpu.memory_space<hbm>> -> memref<128x128xf32, #tpu.memory_space<hbm>>
      %dma_wait3A_45 = arith.constant 0 : i32
      %dma_wait3A_46 = tpu.memref_slice %arg5[%add3A_24, %dma_wait3A_45] : memref<20224x128xf32, #tpu.memory_space<hbm>> -> memref<128x128xf32, #tpu.memory_space<hbm>>
      tpu.wait_dma2 semaphore(%run_scoped3A : memref<!tpu.dma_semaphore, #tpu.memory_space<semaphore_mem>>) src(%arg7 : memref<128x128xf32, #tpu.memory_space<vmem>>) dst(%dma_wait3A_46 : memref<128x128xf32, #tpu.memory_space<hbm>>)
      tpu.yield
    }) : () -> ()
    %add3A_25 = arith.constant 128 : i32
    %add3A_26 = arith.addi %mul3A_2, %add3A_25 : i32
    "tpu.region"() ({
      %run_scoped3A = tpu.sem_alloc : memref<!tpu.dma_semaphore, #tpu.memory_space<semaphore_mem>>
      %dma_start3A = arith.constant 0 : i32
      %dma_start3A_41 = tpu.memref_slice %arg8[%add3A_26, %dma_start3A] : memref<10112x128xf32, #tpu.memory_space<vmem_shared>> -> memref<128x128xf32, #tpu.memory_space<vmem_shared>>
      %dma_start3A_42 = arith.constant 0 : i32
      %dma_start3A_43 = tpu.memref_slice %arg8[%add3A_26, %dma_start3A_42] : memref<10112x128xf32, #tpu.memory_space<vmem_shared>> -> memref<128x128xf32, #tpu.memory_space<vmem_shared>>
      tpu.enqueue_dma source(%dma_start3A_43 : memref<128x128xf32, #tpu.memory_space<vmem_shared>>) target(%arg7 : memref<128x128xf32, #tpu.memory_space<vmem>>) target_semaphore(%run_scoped3A : memref<!tpu.dma_semaphore, #tpu.memory_space<semaphore_mem>>)
      %dma_wait3A = arith.constant 0 : i32
      %dma_wait3A_44 = tpu.memref_slice %arg8[%add3A_26, %dma_wait3A] : memref<10112x128xf32, #tpu.memory_space<vmem_shared>> -> memref<128x128xf32, #tpu.memory_space<vmem_shared>>
      %dma_wait3A_45 = arith.constant 0 : i32
      %dma_wait3A_46 = tpu.memref_slice %arg8[%add3A_26, %dma_wait3A_45] : memref<10112x128xf32, #tpu.memory_space<vmem_shared>> -> memref<128x128xf32, #tpu.memory_space<vmem_shared>>
      tpu.wait_dma2 semaphore(%run_scoped3A : memref<!tpu.dma_semaphore, #tpu.memory_space<semaphore_mem>>) src(%dma_wait3A_46 : memref<128x128xf32, #tpu.memory_space<vmem_shared>>) dst(%arg7 : memref<128x128xf32, #tpu.memory_space<vmem>>)
      tpu.yield
    }) : () -> ()
    %add3A_27 = arith.constant 128 : i32
    %add3A_28 = arith.addi %mul3A_20, %add3A_27 : i32
    "tpu.region"() ({
      %run_scoped3A = tpu.sem_alloc : memref<!tpu.dma_semaphore, #tpu.memory_space<semaphore_mem>>
      %dma_start3A = arith.constant 0 : i32
      %dma_start3A_41 = tpu.memref_slice %arg5[%add3A_28, %dma_start3A] : memref<20224x128xf32, #tpu.memory_space<hbm>> -> memref<128x128xf32, #tpu.memory_space<hbm>>
      %dma_start3A_42 = arith.constant 0 : i32
      %dma_start3A_43 = tpu.memref_slice %arg5[%add3A_28, %dma_start3A_42] : memref<20224x128xf32, #tpu.memory_space<hbm>> -> memref<128x128xf32, #tpu.memory_space<hbm>>
      tpu.enqueue_dma source(%arg7 : memref<128x128xf32, #tpu.memory_space<vmem>>) target(%dma_start3A_43 : memref<128x128xf32, #tpu.memory_space<hbm>>) target_semaphore(%run_scoped3A : memref<!tpu.dma_semaphore, #tpu.memory_space<semaphore_mem>>)
      %dma_wait3A = arith.constant 0 : i32
      %dma_wait3A_44 = tpu.memref_slice %arg5[%add3A_28, %dma_wait3A] : memref<20224x128xf32, #tpu.memory_space<hbm>> -> memref<128x128xf32, #tpu.memory_space<hbm>>
      %dma_wait3A_45 = arith.constant 0 : i32
      %dma_wait3A_46 = tpu.memref_slice %arg5[%add3A_28, %dma_wait3A_45] : memref<20224x128xf32, #tpu.memory_space<hbm>> -> memref<128x128xf32, #tpu.memory_space<hbm>>
      tpu.wait_dma2 semaphore(%run_scoped3A : memref<!tpu.dma_semaphore, #tpu.memory_space<semaphore_mem>>) src(%arg7 : memref<128x128xf32, #tpu.memory_space<vmem>>) dst(%dma_wait3A_46 : memref<128x128xf32, #tpu.memory_space<hbm>>)
      tpu.yield
    }) : () -> ()
    %add3A_29 = arith.constant 256 : i32
    %add3A_30 = arith.addi %mul3A_2, %add3A_29 : i32
    "tpu.region"() ({
      %run_scoped3A = tpu.sem_alloc : memref<!tpu.dma_semaphore, #tpu.memory_space<semaphore_mem>>
      %dma_start3A = arith.constant 0 : i32
      %dma_start3A_41 = tpu.memref_slice %arg8[%add3A_30, %dma_start3A] : memref<10112x128xf32, #tpu.memory_space<vmem_shared>> -> memref<128x128xf32, #tpu.memory_space<vmem_shared>>
      %dma_start3A_42 = arith.constant 0 : i32
      %dma_start3A_43 = tpu.memref_slice %arg8[%add3A_30, %dma_start3A_42] : memref<10112x128xf32, #tpu.memory_space<vmem_shared>> -> memref<128x128xf32, #tpu.memory_space<vmem_shared>>
      tpu.enqueue_dma source(%dma_start3A_43 : memref<128x128xf32, #tpu.memory_space<vmem_shared>>) target(%arg7 : memref<128x128xf32, #tpu.memory_space<vmem>>) target_semaphore(%run_scoped3A : memref<!tpu.dma_semaphore, #tpu.memory_space<semaphore_mem>>)
      %dma_wait3A = arith.constant 0 : i32
      %dma_wait3A_44 = tpu.memref_slice %arg8[%add3A_30, %dma_wait3A] : memref<10112x128xf32, #tpu.memory_space<vmem_shared>> -> memref<128x128xf32, #tpu.memory_space<vmem_shared>>
      %dma_wait3A_45 = arith.constant 0 : i32
      %dma_wait3A_46 = tpu.memref_slice %arg8[%add3A_30, %dma_wait3A_45] : memref<10112x128xf32, #tpu.memory_space<vmem_shared>> -> memref<128x128xf32, #tpu.memory_space<vmem_shared>>
      tpu.wait_dma2 semaphore(%run_scoped3A : memref<!tpu.dma_semaphore, #tpu.memory_space<semaphore_mem>>) src(%dma_wait3A_46 : memref<128x128xf32, #tpu.memory_space<vmem_shared>>) dst(%arg7 : memref<128x128xf32, #tpu.memory_space<vmem>>)
      tpu.yield
    }) : () -> ()
    %add3A_31 = arith.constant 256 : i32
    %add3A_32 = arith.addi %mul3A_20, %add3A_31 : i32
    "tpu.region"() ({
      %run_scoped3A = tpu.sem_alloc : memref<!tpu.dma_semaphore, #tpu.memory_space<semaphore_mem>>
      %dma_start3A = arith.constant 0 : i32
      %dma_start3A_41 = tpu.memref_slice %arg5[%add3A_32, %dma_start3A] : memref<20224x128xf32, #tpu.memory_space<hbm>> -> memref<128x128xf32, #tpu.memory_space<hbm>>
      %dma_start3A_42 = arith.constant 0 : i32
      %dma_start3A_43 = tpu.memref_slice %arg5[%add3A_32, %dma_start3A_42] : memref<20224x128xf32, #tpu.memory_space<hbm>> -> memref<128x128xf32, #tpu.memory_space<hbm>>
      tpu.enqueue_dma source(%arg7 : memref<128x128xf32, #tpu.memory_space<vmem>>) target(%dma_start3A_43 : memref<128x128xf32, #tpu.memory_space<hbm>>) target_semaphore(%run_scoped3A : memref<!tpu.dma_semaphore, #tpu.memory_space<semaphore_mem>>)
      %dma_wait3A = arith.constant 0 : i32
      %dma_wait3A_44 = tpu.memref_slice %arg5[%add3A_32, %dma_wait3A] : memref<20224x128xf32, #tpu.memory_space<hbm>> -> memref<128x128xf32, #tpu.memory_space<hbm>>
      %dma_wait3A_45 = arith.constant 0 : i32
      %dma_wait3A_46 = tpu.memref_slice %arg5[%add3A_32, %dma_wait3A_45] : memref<20224x128xf32, #tpu.memory_space<hbm>> -> memref<128x128xf32, #tpu.memory_space<hbm>>
      tpu.wait_dma2 semaphore(%run_scoped3A : memref<!tpu.dma_semaphore, #tpu.memory_space<semaphore_mem>>) src(%arg7 : memref<128x128xf32, #tpu.memory_space<vmem>>) dst(%dma_wait3A_46 : memref<128x128xf32, #tpu.memory_space<hbm>>)
      tpu.yield
    }) : () -> ()
    %add3A_33 = arith.constant 384 : i32
    %add3A_34 = arith.addi %mul3A_2, %add3A_33 : i32
    "tpu.region"() ({
      %run_scoped3A = tpu.sem_alloc : memref<!tpu.dma_semaphore, #tpu.memory_space<semaphore_mem>>
      %dma_start3A = arith.constant 0 : i32
      %dma_start3A_41 = tpu.memref_slice %arg8[%add3A_34, %dma_start3A] : memref<10112x128xf32, #tpu.memory_space<vmem_shared>> -> memref<128x128xf32, #tpu.memory_space<vmem_shared>>
      %dma_start3A_42 = arith.constant 0 : i32
      %dma_start3A_43 = tpu.memref_slice %arg8[%add3A_34, %dma_start3A_42] : memref<10112x128xf32, #tpu.memory_space<vmem_shared>> -> memref<128x128xf32, #tpu.memory_space<vmem_shared>>
      tpu.enqueue_dma source(%dma_start3A_43 : memref<128x128xf32, #tpu.memory_space<vmem_shared>>) target(%arg7 : memref<128x128xf32, #tpu.memory_space<vmem>>) target_semaphore(%run_scoped3A : memref<!tpu.dma_semaphore, #tpu.memory_space<semaphore_mem>>)
      %dma_wait3A = arith.constant 0 : i32
      %dma_wait3A_44 = tpu.memref_slice %arg8[%add3A_34, %dma_wait3A] : memref<10112x128xf32, #tpu.memory_space<vmem_shared>> -> memref<128x128xf32, #tpu.memory_space<vmem_shared>>
      %dma_wait3A_45 = arith.constant 0 : i32
      %dma_wait3A_46 = tpu.memref_slice %arg8[%add3A_34, %dma_wait3A_45] : memref<10112x128xf32, #tpu.memory_space<vmem_shared>> -> memref<128x128xf32, #tpu.memory_space<vmem_shared>>
      tpu.wait_dma2 semaphore(%run_scoped3A : memref<!tpu.dma_semaphore, #tpu.memory_space<semaphore_mem>>) src(%dma_wait3A_46 : memref<128x128xf32, #tpu.memory_space<vmem_shared>>) dst(%arg7 : memref<128x128xf32, #tpu.memory_space<vmem>>)
      tpu.yield
    }) : () -> ()
    %add3A_35 = arith.constant 384 : i32
    %add3A_36 = arith.addi %mul3A_20, %add3A_35 : i32
    "tpu.region"() ({
      %run_scoped3A = tpu.sem_alloc : memref<!tpu.dma_semaphore, #tpu.memory_space<semaphore_mem>>
      %dma_start3A = arith.constant 0 : i32
      %dma_start3A_41 = tpu.memref_slice %arg5[%add3A_36, %dma_start3A] : memref<20224x128xf32, #tpu.memory_space<hbm>> -> memref<128x128xf32, #tpu.memory_space<hbm>>
      %dma_start3A_42 = arith.constant 0 : i32
      %dma_start3A_43 = tpu.memref_slice %arg5[%add3A_36, %dma_start3A_42] : memref<20224x128xf32, #tpu.memory_space<hbm>> -> memref<128x128xf32, #tpu.memory_space<hbm>>
      tpu.enqueue_dma source(%arg7 : memref<128x128xf32, #tpu.memory_space<vmem>>) target(%dma_start3A_43 : memref<128x128xf32, #tpu.memory_space<hbm>>) target_semaphore(%run_scoped3A : memref<!tpu.dma_semaphore, #tpu.memory_space<semaphore_mem>>)
      %dma_wait3A = arith.constant 0 : i32
      %dma_wait3A_44 = tpu.memref_slice %arg5[%add3A_36, %dma_wait3A] : memref<20224x128xf32, #tpu.memory_space<hbm>> -> memref<128x128xf32, #tpu.memory_space<hbm>>
      %dma_wait3A_45 = arith.constant 0 : i32
      %dma_wait3A_46 = tpu.memref_slice %arg5[%add3A_36, %dma_wait3A_45] : memref<20224x128xf32, #tpu.memory_space<hbm>> -> memref<128x128xf32, #tpu.memory_space<hbm>>
      tpu.wait_dma2 semaphore(%run_scoped3A : memref<!tpu.dma_semaphore, #tpu.memory_space<semaphore_mem>>) src(%arg7 : memref<128x128xf32, #tpu.memory_space<vmem>>) dst(%dma_wait3A_46 : memref<128x128xf32, #tpu.memory_space<hbm>>)
      tpu.yield
    }) : () -> ()
    %add3A_37 = arith.constant 504 : i32
    %add3A_38 = arith.addi %mul3A_2, %add3A_37 : i32
    "tpu.region"() ({
      %run_scoped3A = tpu.sem_alloc : memref<!tpu.dma_semaphore, #tpu.memory_space<semaphore_mem>>
      %dma_start3A = arith.constant 0 : i32
      %dma_start3A_41 = tpu.memref_slice %arg8[%add3A_38, %dma_start3A] : memref<10112x128xf32, #tpu.memory_space<vmem_shared>> -> memref<128x128xf32, #tpu.memory_space<vmem_shared>>
      %dma_start3A_42 = arith.constant 0 : i32
      %dma_start3A_43 = tpu.memref_slice %arg8[%add3A_38, %dma_start3A_42] : memref<10112x128xf32, #tpu.memory_space<vmem_shared>> -> memref<128x128xf32, #tpu.memory_space<vmem_shared>>
      tpu.enqueue_dma source(%dma_start3A_43 : memref<128x128xf32, #tpu.memory_space<vmem_shared>>) target(%arg7 : memref<128x128xf32, #tpu.memory_space<vmem>>) target_semaphore(%run_scoped3A : memref<!tpu.dma_semaphore, #tpu.memory_space<semaphore_mem>>)
      %dma_wait3A = arith.constant 0 : i32
      %dma_wait3A_44 = tpu.memref_slice %arg8[%add3A_38, %dma_wait3A] : memref<10112x128xf32, #tpu.memory_space<vmem_shared>> -> memref<128x128xf32, #tpu.memory_space<vmem_shared>>
      %dma_wait3A_45 = arith.constant 0 : i32
      %dma_wait3A_46 = tpu.memref_slice %arg8[%add3A_38, %dma_wait3A_45] : memref<10112x128xf32, #tpu.memory_space<vmem_shared>> -> memref<128x128xf32, #tpu.memory_space<vmem_shared>>
      tpu.wait_dma2 semaphore(%run_scoped3A : memref<!tpu.dma_semaphore, #tpu.memory_space<semaphore_mem>>) src(%dma_wait3A_46 : memref<128x128xf32, #tpu.memory_space<vmem_shared>>) dst(%arg7 : memref<128x128xf32, #tpu.memory_space<vmem>>)
      tpu.yield
    }) : () -> ()
    %add3A_39 = arith.constant 504 : i32
    %add3A_40 = arith.addi %mul3A_20, %add3A_39 : i32
    "tpu.region"() ({
      %run_scoped3A = tpu.sem_alloc : memref<!tpu.dma_semaphore, #tpu.memory_space<semaphore_mem>>
      %dma_start3A = arith.constant 0 : i32
      %dma_start3A_41 = tpu.memref_slice %arg5[%add3A_40, %dma_start3A] : memref<20224x128xf32, #tpu.memory_space<hbm>> -> memref<128x128xf32, #tpu.memory_space<hbm>>
      %dma_start3A_42 = arith.constant 0 : i32
      %dma_start3A_43 = tpu.memref_slice %arg5[%add3A_40, %dma_start3A_42] : memref<20224x128xf32, #tpu.memory_space<hbm>> -> memref<128x128xf32, #tpu.memory_space<hbm>>
      tpu.enqueue_dma source(%arg7 : memref<128x128xf32, #tpu.memory_space<vmem>>) target(%dma_start3A_43 : memref<128x128xf32, #tpu.memory_space<hbm>>) target_semaphore(%run_scoped3A : memref<!tpu.dma_semaphore, #tpu.memory_space<semaphore_mem>>)
      %dma_wait3A = arith.constant 0 : i32
      %dma_wait3A_44 = tpu.memref_slice %arg5[%add3A_40, %dma_wait3A] : memref<20224x128xf32, #tpu.memory_space<hbm>> -> memref<128x128xf32, #tpu.memory_space<hbm>>
      %dma_wait3A_45 = arith.constant 0 : i32
      %dma_wait3A_46 = tpu.memref_slice %arg5[%add3A_40, %dma_wait3A_45] : memref<20224x128xf32, #tpu.memory_space<hbm>> -> memref<128x128xf32, #tpu.memory_space<hbm>>
      tpu.wait_dma2 semaphore(%run_scoped3A : memref<!tpu.dma_semaphore, #tpu.memory_space<semaphore_mem>>) src(%arg7 : memref<128x128xf32, #tpu.memory_space<vmem>>) dst(%dma_wait3A_46 : memref<128x128xf32, #tpu.memory_space<hbm>>)
      tpu.yield
    }) : () -> ()
    return
  }
}

#map = affine_map<(d0, d1) -> (0, 0)>
module attributes {stable_mosaic.version = 14 : i64} {
  func.func @agg(%arg0: i32, %arg1: i32, %arg2: memref<10000x128xf32, #tpu.memory_space<hbm>>, %arg3: memref<2560x128xi32, #tpu.memory_space<hbm>>, %arg4: memref<2560x128xi32, #tpu.memory_space<hbm>>, %arg5: memref<128x128xf32, #tpu.memory_space<hbm>>, %arg6: memref<20224x128xf32, #tpu.memory_space<hbm>>, %arg7: memref<8x128xi32, #tpu.memory_space<vmem>>, %arg8: memref<8x128xi32, #tpu.memory_space<vmem>>, %arg9: memref<128x128xf32, #tpu.memory_space<vmem>>, %arg10: memref<128x128xf32, #tpu.memory_space<vmem>>, %arg11: memref<10112x128xf32, #tpu.memory_space<vmem_shared>>, %arg12: memref<!tpu.dma_semaphore, #tpu.memory_space<semaphore_mem>>, %arg13: memref<!tpu.dma_semaphore, #tpu.memory_space<semaphore_mem>>) attributes {dimension_semantics = [#tpu.dimension_semantics<core_parallel>, #tpu.dimension_semantics<subcore_parallel>], iteration_bounds = array<i64: 2, 16>, scalar_prefetch = 0 : i64, scratch_operands = 7 : i64, tpu.core_type = #tpu.core_type<sc_vector_subcore>, window_params = [{transform_indices = #map}, {transform_indices = #map}, {transform_indices = #map}, {transform_indices = #map}, {transform_indices = #map}]} {
    %mul3A = arith.constant 16 : i32
    %mul3A_0 = arith.muli %arg0, %mul3A : i32
    %add3A = arith.addi %mul3A_0, %arg1 : i32
    %mul3A_1 = arith.constant 632 : i32
    %mul3A_2 = arith.muli %arg1, %mul3A_1 : i32
    "tpu.region"() ({
      %run_scoped3A = tpu.sem_alloc : memref<!tpu.dma_semaphore, #tpu.memory_space<semaphore_mem>>
      tpu.enqueue_dma source(%arg5 : memref<128x128xf32, #tpu.memory_space<hbm>>) target(%arg9 : memref<128x128xf32, #tpu.memory_space<vmem>>) target_semaphore(%run_scoped3A : memref<!tpu.dma_semaphore, #tpu.memory_space<semaphore_mem>>)
      tpu.wait_dma2 semaphore(%run_scoped3A : memref<!tpu.dma_semaphore, #tpu.memory_space<semaphore_mem>>) src(%arg5 : memref<128x128xf32, #tpu.memory_space<hbm>>) dst(%arg9 : memref<128x128xf32, #tpu.memory_space<vmem>>)
      tpu.yield
    }) : () -> ()
    %add3A_3 = arith.constant 0 : i32
    %add3A_4 = arith.addi %mul3A_2, %add3A_3 : i32
    "tpu.region"() ({
      %run_scoped3A = tpu.sem_alloc : memref<!tpu.dma_semaphore, #tpu.memory_space<semaphore_mem>>
      %dma_start3A = arith.constant 0 : i32
      %dma_start3A_56 = tpu.memref_slice %arg11[%add3A_4, %dma_start3A] : memref<10112x128xf32, #tpu.memory_space<vmem_shared>> -> memref<128x128xf32, #tpu.memory_space<vmem_shared>>
      %dma_start3A_57 = arith.constant 0 : i32
      %dma_start3A_58 = tpu.memref_slice %arg11[%add3A_4, %dma_start3A_57] : memref<10112x128xf32, #tpu.memory_space<vmem_shared>> -> memref<128x128xf32, #tpu.memory_space<vmem_shared>>
      tpu.enqueue_dma source(%arg9 : memref<128x128xf32, #tpu.memory_space<vmem>>) target(%dma_start3A_58 : memref<128x128xf32, #tpu.memory_space<vmem_shared>>) target_semaphore(%run_scoped3A : memref<!tpu.dma_semaphore, #tpu.memory_space<semaphore_mem>>)
      %dma_wait3A = arith.constant 0 : i32
      %dma_wait3A_59 = tpu.memref_slice %arg11[%add3A_4, %dma_wait3A] : memref<10112x128xf32, #tpu.memory_space<vmem_shared>> -> memref<128x128xf32, #tpu.memory_space<vmem_shared>>
      %dma_wait3A_60 = arith.constant 0 : i32
      %dma_wait3A_61 = tpu.memref_slice %arg11[%add3A_4, %dma_wait3A_60] : memref<10112x128xf32, #tpu.memory_space<vmem_shared>> -> memref<128x128xf32, #tpu.memory_space<vmem_shared>>
      tpu.wait_dma2 semaphore(%run_scoped3A : memref<!tpu.dma_semaphore, #tpu.memory_space<semaphore_mem>>) src(%arg9 : memref<128x128xf32, #tpu.memory_space<vmem>>) dst(%dma_wait3A_61 : memref<128x128xf32, #tpu.memory_space<vmem_shared>>)
      tpu.yield
    }) : () -> ()
    %add3A_5 = arith.constant 128 : i32
    %add3A_6 = arith.addi %mul3A_2, %add3A_5 : i32
    "tpu.region"() ({
      %run_scoped3A = tpu.sem_alloc : memref<!tpu.dma_semaphore, #tpu.memory_space<semaphore_mem>>
      %dma_start3A = arith.constant 0 : i32
      %dma_start3A_56 = tpu.memref_slice %arg11[%add3A_6, %dma_start3A] : memref<10112x128xf32, #tpu.memory_space<vmem_shared>> -> memref<128x128xf32, #tpu.memory_space<vmem_shared>>
      %dma_start3A_57 = arith.constant 0 : i32
      %dma_start3A_58 = tpu.memref_slice %arg11[%add3A_6, %dma_start3A_57] : memref<10112x128xf32, #tpu.memory_space<vmem_shared>> -> memref<128x128xf32, #tpu.memory_space<vmem_shared>>
      tpu.enqueue_dma source(%arg9 : memref<128x128xf32, #tpu.memory_space<vmem>>) target(%dma_start3A_58 : memref<128x128xf32, #tpu.memory_space<vmem_shared>>) target_semaphore(%run_scoped3A : memref<!tpu.dma_semaphore, #tpu.memory_space<semaphore_mem>>)
      %dma_wait3A = arith.constant 0 : i32
      %dma_wait3A_59 = tpu.memref_slice %arg11[%add3A_6, %dma_wait3A] : memref<10112x128xf32, #tpu.memory_space<vmem_shared>> -> memref<128x128xf32, #tpu.memory_space<vmem_shared>>
      %dma_wait3A_60 = arith.constant 0 : i32
      %dma_wait3A_61 = tpu.memref_slice %arg11[%add3A_6, %dma_wait3A_60] : memref<10112x128xf32, #tpu.memory_space<vmem_shared>> -> memref<128x128xf32, #tpu.memory_space<vmem_shared>>
      tpu.wait_dma2 semaphore(%run_scoped3A : memref<!tpu.dma_semaphore, #tpu.memory_space<semaphore_mem>>) src(%arg9 : memref<128x128xf32, #tpu.memory_space<vmem>>) dst(%dma_wait3A_61 : memref<128x128xf32, #tpu.memory_space<vmem_shared>>)
      tpu.yield
    }) : () -> ()
    %add3A_7 = arith.constant 256 : i32
    %add3A_8 = arith.addi %mul3A_2, %add3A_7 : i32
    "tpu.region"() ({
      %run_scoped3A = tpu.sem_alloc : memref<!tpu.dma_semaphore, #tpu.memory_space<semaphore_mem>>
      %dma_start3A = arith.constant 0 : i32
      %dma_start3A_56 = tpu.memref_slice %arg11[%add3A_8, %dma_start3A] : memref<10112x128xf32, #tpu.memory_space<vmem_shared>> -> memref<128x128xf32, #tpu.memory_space<vmem_shared>>
      %dma_start3A_57 = arith.constant 0 : i32
      %dma_start3A_58 = tpu.memref_slice %arg11[%add3A_8, %dma_start3A_57] : memref<10112x128xf32, #tpu.memory_space<vmem_shared>> -> memref<128x128xf32, #tpu.memory_space<vmem_shared>>
      tpu.enqueue_dma source(%arg9 : memref<128x128xf32, #tpu.memory_space<vmem>>) target(%dma_start3A_58 : memref<128x128xf32, #tpu.memory_space<vmem_shared>>) target_semaphore(%run_scoped3A : memref<!tpu.dma_semaphore, #tpu.memory_space<semaphore_mem>>)
      %dma_wait3A = arith.constant 0 : i32
      %dma_wait3A_59 = tpu.memref_slice %arg11[%add3A_8, %dma_wait3A] : memref<10112x128xf32, #tpu.memory_space<vmem_shared>> -> memref<128x128xf32, #tpu.memory_space<vmem_shared>>
      %dma_wait3A_60 = arith.constant 0 : i32
      %dma_wait3A_61 = tpu.memref_slice %arg11[%add3A_8, %dma_wait3A_60] : memref<10112x128xf32, #tpu.memory_space<vmem_shared>> -> memref<128x128xf32, #tpu.memory_space<vmem_shared>>
      tpu.wait_dma2 semaphore(%run_scoped3A : memref<!tpu.dma_semaphore, #tpu.memory_space<semaphore_mem>>) src(%arg9 : memref<128x128xf32, #tpu.memory_space<vmem>>) dst(%dma_wait3A_61 : memref<128x128xf32, #tpu.memory_space<vmem_shared>>)
      tpu.yield
    }) : () -> ()
    %add3A_9 = arith.constant 384 : i32
    %add3A_10 = arith.addi %mul3A_2, %add3A_9 : i32
    "tpu.region"() ({
      %run_scoped3A = tpu.sem_alloc : memref<!tpu.dma_semaphore, #tpu.memory_space<semaphore_mem>>
      %dma_start3A = arith.constant 0 : i32
      %dma_start3A_56 = tpu.memref_slice %arg11[%add3A_10, %dma_start3A] : memref<10112x128xf32, #tpu.memory_space<vmem_shared>> -> memref<128x128xf32, #tpu.memory_space<vmem_shared>>
      %dma_start3A_57 = arith.constant 0 : i32
      %dma_start3A_58 = tpu.memref_slice %arg11[%add3A_10, %dma_start3A_57] : memref<10112x128xf32, #tpu.memory_space<vmem_shared>> -> memref<128x128xf32, #tpu.memory_space<vmem_shared>>
      tpu.enqueue_dma source(%arg9 : memref<128x128xf32, #tpu.memory_space<vmem>>) target(%dma_start3A_58 : memref<128x128xf32, #tpu.memory_space<vmem_shared>>) target_semaphore(%run_scoped3A : memref<!tpu.dma_semaphore, #tpu.memory_space<semaphore_mem>>)
      %dma_wait3A = arith.constant 0 : i32
      %dma_wait3A_59 = tpu.memref_slice %arg11[%add3A_10, %dma_wait3A] : memref<10112x128xf32, #tpu.memory_space<vmem_shared>> -> memref<128x128xf32, #tpu.memory_space<vmem_shared>>
      %dma_wait3A_60 = arith.constant 0 : i32
      %dma_wait3A_61 = tpu.memref_slice %arg11[%add3A_10, %dma_wait3A_60] : memref<10112x128xf32, #tpu.memory_space<vmem_shared>> -> memref<128x128xf32, #tpu.memory_space<vmem_shared>>
      tpu.wait_dma2 semaphore(%run_scoped3A : memref<!tpu.dma_semaphore, #tpu.memory_space<semaphore_mem>>) src(%arg9 : memref<128x128xf32, #tpu.memory_space<vmem>>) dst(%dma_wait3A_61 : memref<128x128xf32, #tpu.memory_space<vmem_shared>>)
      tpu.yield
    }) : () -> ()
    %add3A_11 = arith.constant 504 : i32
    %add3A_12 = arith.addi %mul3A_2, %add3A_11 : i32
    "tpu.region"() ({
      %run_scoped3A = tpu.sem_alloc : memref<!tpu.dma_semaphore, #tpu.memory_space<semaphore_mem>>
      %dma_start3A = arith.constant 0 : i32
      %dma_start3A_56 = tpu.memref_slice %arg11[%add3A_12, %dma_start3A] : memref<10112x128xf32, #tpu.memory_space<vmem_shared>> -> memref<128x128xf32, #tpu.memory_space<vmem_shared>>
      %dma_start3A_57 = arith.constant 0 : i32
      %dma_start3A_58 = tpu.memref_slice %arg11[%add3A_12, %dma_start3A_57] : memref<10112x128xf32, #tpu.memory_space<vmem_shared>> -> memref<128x128xf32, #tpu.memory_space<vmem_shared>>
      tpu.enqueue_dma source(%arg9 : memref<128x128xf32, #tpu.memory_space<vmem>>) target(%dma_start3A_58 : memref<128x128xf32, #tpu.memory_space<vmem_shared>>) target_semaphore(%run_scoped3A : memref<!tpu.dma_semaphore, #tpu.memory_space<semaphore_mem>>)
      %dma_wait3A = arith.constant 0 : i32
      %dma_wait3A_59 = tpu.memref_slice %arg11[%add3A_12, %dma_wait3A] : memref<10112x128xf32, #tpu.memory_space<vmem_shared>> -> memref<128x128xf32, #tpu.memory_space<vmem_shared>>
      %dma_wait3A_60 = arith.constant 0 : i32
      %dma_wait3A_61 = tpu.memref_slice %arg11[%add3A_12, %dma_wait3A_60] : memref<10112x128xf32, #tpu.memory_space<vmem_shared>> -> memref<128x128xf32, #tpu.memory_space<vmem_shared>>
      tpu.wait_dma2 semaphore(%run_scoped3A : memref<!tpu.dma_semaphore, #tpu.memory_space<semaphore_mem>>) src(%arg9 : memref<128x128xf32, #tpu.memory_space<vmem>>) dst(%dma_wait3A_61 : memref<128x128xf32, #tpu.memory_space<vmem_shared>>)
      tpu.yield
    }) : () -> ()
    %barrier3A = arith.constant 0 : index
    tpu.barrier barrier_id(%barrier3A)
    %mul3A_13 = arith.constant 2304 : i32
    %mul3A_14 = arith.muli %arg0, %mul3A_13 : i32
    %eq3A = arith.constant 0 : i32
    %eq3A_15 = arith.cmpi eq, %arg0, %eq3A : i32
    %jit3A = arith.constant 144 : i32
    %jit3A_16 = arith.constant 16 : i32
    %select_n3A = arith.select %eq3A_15, %jit3A, %jit3A_16 : i32
    %mul3A_17 = arith.muli %arg1, %select_n3A : i32
    %add3A_18 = arith.addi %mul3A_14, %mul3A_17 : i32
    %eq3A_19 = arith.constant 0 : i32
    %eq3A_20 = arith.cmpi eq, %arg0, %eq3A_19 : i32
    %jit3A_21 = arith.constant 18 : i32
    %jit3A_22 = arith.constant 2 : i32
    %select_n3A_23 = arith.select %eq3A_20, %jit3A_21, %jit3A_22 : i32
    %while3A = arith.constant 0 : i32
    %while3A_24 = arith.constant 0 : i32
    %while3A_25 = arith.subi %select_n3A_23, %while3A_24 : i32
    %while3A_26 = arith.addi %while3A_24, %while3A_25 : i32
    %while3A_27 = arith.constant 1 : i32
    %while3A_28 = arith.divsi %while3A_25, %while3A_27 : i32
    %while3A_29 = arith.muli %while3A_28, %while3A_27 : i32
    %while3A_30 = arith.addi %while3A_24, %while3A_29 : i32
    %while3A_31 = arith.constant 1 : i32
    scf.for %while3A_56 = %while3A_24 to %while3A_30 step %while3A_31  : i32 {
      %mul3A_57 = arith.constant 8 : i32
      %mul3A_58 = arith.muli %while3A_56, %mul3A_57 : i32
      %add3A_59 = arith.addi %add3A_18, %mul3A_58 : i32
      "tpu.region"() ({
        %run_scoped3A_177 = tpu.sem_alloc : memref<!tpu.dma_semaphore, #tpu.memory_space<semaphore_mem>>
        %dma_start3A_178 = arith.constant 0 : i32
        %dma_start3A_179 = tpu.memref_slice %arg3[%add3A_59, %dma_start3A_178] : memref<2560x128xi32, #tpu.memory_space<hbm>> -> memref<8x128xi32, #tpu.memory_space<hbm>>
        %dma_start3A_180 = arith.constant 0 : i32
        %dma_start3A_181 = tpu.memref_slice %arg3[%add3A_59, %dma_start3A_180] : memref<2560x128xi32, #tpu.memory_space<hbm>> -> memref<8x128xi32, #tpu.memory_space<hbm>>
        tpu.enqueue_dma source(%dma_start3A_181 : memref<8x128xi32, #tpu.memory_space<hbm>>) target(%arg7 : memref<8x128xi32, #tpu.memory_space<vmem>>) target_semaphore(%run_scoped3A_177 : memref<!tpu.dma_semaphore, #tpu.memory_space<semaphore_mem>>)
        %dma_wait3A_182 = arith.constant 0 : i32
        %dma_wait3A_183 = tpu.memref_slice %arg3[%add3A_59, %dma_wait3A_182] : memref<2560x128xi32, #tpu.memory_space<hbm>> -> memref<8x128xi32, #tpu.memory_space<hbm>>
        %dma_wait3A_184 = arith.constant 0 : i32
        %dma_wait3A_185 = tpu.memref_slice %arg3[%add3A_59, %dma_wait3A_184] : memref<2560x128xi32, #tpu.memory_space<hbm>> -> memref<8x128xi32, #tpu.memory_space<hbm>>
        tpu.wait_dma2 semaphore(%run_scoped3A_177 : memref<!tpu.dma_semaphore, #tpu.memory_space<semaphore_mem>>) src(%dma_wait3A_185 : memref<8x128xi32, #tpu.memory_space<hbm>>) dst(%arg7 : memref<8x128xi32, #tpu.memory_space<vmem>>)
        tpu.yield
      }) : () -> ()
      "tpu.region"() ({
        %run_scoped3A_177 = tpu.sem_alloc : memref<!tpu.dma_semaphore, #tpu.memory_space<semaphore_mem>>
        %dma_start3A_178 = arith.constant 0 : i32
        %dma_start3A_179 = tpu.memref_slice %arg4[%add3A_59, %dma_start3A_178] : memref<2560x128xi32, #tpu.memory_space<hbm>> -> memref<8x128xi32, #tpu.memory_space<hbm>>
        %dma_start3A_180 = arith.constant 0 : i32
        %dma_start3A_181 = tpu.memref_slice %arg4[%add3A_59, %dma_start3A_180] : memref<2560x128xi32, #tpu.memory_space<hbm>> -> memref<8x128xi32, #tpu.memory_space<hbm>>
        tpu.enqueue_dma source(%dma_start3A_181 : memref<8x128xi32, #tpu.memory_space<hbm>>) target(%arg8 : memref<8x128xi32, #tpu.memory_space<vmem>>) target_semaphore(%run_scoped3A_177 : memref<!tpu.dma_semaphore, #tpu.memory_space<semaphore_mem>>)
        %dma_wait3A_182 = arith.constant 0 : i32
        %dma_wait3A_183 = tpu.memref_slice %arg4[%add3A_59, %dma_wait3A_182] : memref<2560x128xi32, #tpu.memory_space<hbm>> -> memref<8x128xi32, #tpu.memory_space<hbm>>
        %dma_wait3A_184 = arith.constant 0 : i32
        %dma_wait3A_185 = tpu.memref_slice %arg4[%add3A_59, %dma_wait3A_184] : memref<2560x128xi32, #tpu.memory_space<hbm>> -> memref<8x128xi32, #tpu.memory_space<hbm>>
        tpu.wait_dma2 semaphore(%run_scoped3A_177 : memref<!tpu.dma_semaphore, #tpu.memory_space<semaphore_mem>>) src(%dma_wait3A_185 : memref<8x128xi32, #tpu.memory_space<hbm>>) dst(%arg8 : memref<8x128xi32, #tpu.memory_space<vmem>>)
        tpu.yield
      }) : () -> ()
      %dma_start3A = arith.constant 0 : i32
      %dma_start3A_60 = arith.constant 0 : i32
      %dma_start3A_61 = tpu.memref_slice %arg7[%dma_start3A, %dma_start3A_60] : memref<8x128xi32, #tpu.memory_space<vmem>> -> memref<1x128xi32, #tpu.memory_space<vmem>>
      %dma_start3A_62 = tpu.memref_squeeze %dma_start3A_61 : memref<1x128xi32, #tpu.memory_space<vmem>> -> memref<128xi32, #tpu.memory_space<vmem>>
      %dma_start3A_63 = arith.constant 0 : i32
      %dma_start3A_64 = arith.constant 0 : i32
      %dma_start3A_65 = tpu.memref_slice %arg2[%dma_start3A_63, %dma_start3A_64] : memref<10000x128xf32, #tpu.memory_space<hbm>> -> memref<10000x128xf32, #tpu.memory_space<hbm>>
      tpu.enqueue_indirect_dma source(%dma_start3A_65 : memref<10000x128xf32, #tpu.memory_space<hbm>>) target(%arg9 : memref<128x128xf32, #tpu.memory_space<vmem>>) offsets(%dma_start3A_62 : memref<128xi32, #tpu.memory_space<vmem>>) semaphore(%arg12 : memref<!tpu.dma_semaphore, #tpu.memory_space<semaphore_mem>>)
      %dma_wait3A = arith.constant 0 : i32
      %dma_wait3A_66 = arith.constant 0 : i32
      %dma_wait3A_67 = tpu.memref_slice %arg7[%dma_wait3A, %dma_wait3A_66] : memref<8x128xi32, #tpu.memory_space<vmem>> -> memref<1x128xi32, #tpu.memory_space<vmem>>
      %dma_wait3A_68 = tpu.memref_squeeze %dma_wait3A_67 : memref<1x128xi32, #tpu.memory_space<vmem>> -> memref<128xi32, #tpu.memory_space<vmem>>
      %dma_wait3A_69 = arith.constant 0 : i32
      %dma_wait3A_70 = arith.constant 0 : i32
      %dma_wait3A_71 = tpu.memref_slice %arg2[%dma_wait3A_69, %dma_wait3A_70] : memref<10000x128xf32, #tpu.memory_space<hbm>> -> memref<10000x128xf32, #tpu.memory_space<hbm>>
      tpu.wait_indirect_dma semaphore(%arg12 : memref<!tpu.dma_semaphore, #tpu.memory_space<semaphore_mem>>) src(%dma_wait3A_71 : memref<10000x128xf32, #tpu.memory_space<hbm>>) dst(%arg9 : memref<128x128xf32, #tpu.memory_space<vmem>>)
      %dma_start3A_72 = arith.constant 1 : i32
      %dma_start3A_73 = arith.constant 0 : i32
      %dma_start3A_74 = tpu.memref_slice %arg7[%dma_start3A_72, %dma_start3A_73] : memref<8x128xi32, #tpu.memory_space<vmem>> -> memref<1x128xi32, #tpu.memory_space<vmem>>
      %dma_start3A_75 = tpu.memref_squeeze %dma_start3A_74 : memref<1x128xi32, #tpu.memory_space<vmem>> -> memref<128xi32, #tpu.memory_space<vmem>>
      %dma_start3A_76 = arith.constant 0 : i32
      %dma_start3A_77 = arith.constant 0 : i32
      %dma_start3A_78 = tpu.memref_slice %arg2[%dma_start3A_76, %dma_start3A_77] : memref<10000x128xf32, #tpu.memory_space<hbm>> -> memref<10000x128xf32, #tpu.memory_space<hbm>>
      tpu.enqueue_indirect_dma source(%dma_start3A_78 : memref<10000x128xf32, #tpu.memory_space<hbm>>) target(%arg10 : memref<128x128xf32, #tpu.memory_space<vmem>>) offsets(%dma_start3A_75 : memref<128xi32, #tpu.memory_space<vmem>>) semaphore(%arg13 : memref<!tpu.dma_semaphore, #tpu.memory_space<semaphore_mem>>)
      %run_scoped3A = arith.constant 0 : i32
      "tpu.region"() ({
        %run_scoped3A_177 = tpu.sem_alloc : memref<!tpu.dma_semaphore, #tpu.memory_space<semaphore_mem>>
        %dma_start3A_178 = arith.constant 0 : i32
        %dma_start3A_179 = tpu.memref_slice %arg8[%run_scoped3A, %dma_start3A_178] : memref<8x128xi32, #tpu.memory_space<vmem>> -> memref<1x128xi32, #tpu.memory_space<vmem>>
        %dma_start3A_180 = tpu.memref_squeeze %dma_start3A_179 : memref<1x128xi32, #tpu.memory_space<vmem>> -> memref<128xi32, #tpu.memory_space<vmem>>
        %dma_start3A_181 = arith.constant 0 : i32
        %dma_start3A_182 = arith.constant 0 : i32
        %dma_start3A_183 = tpu.memref_slice %arg11[%dma_start3A_181, %dma_start3A_182] : memref<10112x128xf32, #tpu.memory_space<vmem_shared>> -> memref<10112x128xf32, #tpu.memory_space<vmem_shared>>
        tpu.enqueue_indirect_dma source(%arg9 : memref<128x128xf32, #tpu.memory_space<vmem>>) target(%dma_start3A_183 : memref<10112x128xf32, #tpu.memory_space<vmem_shared>>) offsets(%dma_start3A_180 : memref<128xi32, #tpu.memory_space<vmem>>) semaphore(%run_scoped3A_177 : memref<!tpu.dma_semaphore, #tpu.memory_space<semaphore_mem>>) {add = true}
        %dma_wait3A_184 = arith.constant 0 : i32
        %dma_wait3A_185 = tpu.memref_slice %arg8[%run_scoped3A, %dma_wait3A_184] : memref<8x128xi32, #tpu.memory_space<vmem>> -> memref<1x128xi32, #tpu.memory_space<vmem>>
        %dma_wait3A_186 = tpu.memref_squeeze %dma_wait3A_185 : memref<1x128xi32, #tpu.memory_space<vmem>> -> memref<128xi32, #tpu.memory_space<vmem>>
        %dma_wait3A_187 = arith.constant 0 : i32
        %dma_wait3A_188 = arith.constant 0 : i32
        %dma_wait3A_189 = tpu.memref_slice %arg11[%dma_wait3A_187, %dma_wait3A_188] : memref<10112x128xf32, #tpu.memory_space<vmem_shared>> -> memref<10112x128xf32, #tpu.memory_space<vmem_shared>>
        tpu.wait_indirect_dma semaphore(%run_scoped3A_177 : memref<!tpu.dma_semaphore, #tpu.memory_space<semaphore_mem>>) src(%arg9 : memref<128x128xf32, #tpu.memory_space<vmem>>) dst(%dma_wait3A_189 : memref<10112x128xf32, #tpu.memory_space<vmem_shared>>)
        tpu.yield
      }) : () -> ()
      %dma_wait3A_79 = arith.constant 1 : i32
      %dma_wait3A_80 = arith.constant 0 : i32
      %dma_wait3A_81 = tpu.memref_slice %arg7[%dma_wait3A_79, %dma_wait3A_80] : memref<8x128xi32, #tpu.memory_space<vmem>> -> memref<1x128xi32, #tpu.memory_space<vmem>>
      %dma_wait3A_82 = tpu.memref_squeeze %dma_wait3A_81 : memref<1x128xi32, #tpu.memory_space<vmem>> -> memref<128xi32, #tpu.memory_space<vmem>>
      %dma_wait3A_83 = arith.constant 0 : i32
      %dma_wait3A_84 = arith.constant 0 : i32
      %dma_wait3A_85 = tpu.memref_slice %arg2[%dma_wait3A_83, %dma_wait3A_84] : memref<10000x128xf32, #tpu.memory_space<hbm>> -> memref<10000x128xf32, #tpu.memory_space<hbm>>
      tpu.wait_indirect_dma semaphore(%arg13 : memref<!tpu.dma_semaphore, #tpu.memory_space<semaphore_mem>>) src(%dma_wait3A_85 : memref<10000x128xf32, #tpu.memory_space<hbm>>) dst(%arg10 : memref<128x128xf32, #tpu.memory_space<vmem>>)
      %dma_start3A_86 = arith.constant 2 : i32
      %dma_start3A_87 = arith.constant 0 : i32
      %dma_start3A_88 = tpu.memref_slice %arg7[%dma_start3A_86, %dma_start3A_87] : memref<8x128xi32, #tpu.memory_space<vmem>> -> memref<1x128xi32, #tpu.memory_space<vmem>>
      %dma_start3A_89 = tpu.memref_squeeze %dma_start3A_88 : memref<1x128xi32, #tpu.memory_space<vmem>> -> memref<128xi32, #tpu.memory_space<vmem>>
      %dma_start3A_90 = arith.constant 0 : i32
      %dma_start3A_91 = arith.constant 0 : i32
      %dma_start3A_92 = tpu.memref_slice %arg2[%dma_start3A_90, %dma_start3A_91] : memref<10000x128xf32, #tpu.memory_space<hbm>> -> memref<10000x128xf32, #tpu.memory_space<hbm>>
      tpu.enqueue_indirect_dma source(%dma_start3A_92 : memref<10000x128xf32, #tpu.memory_space<hbm>>) target(%arg9 : memref<128x128xf32, #tpu.memory_space<vmem>>) offsets(%dma_start3A_89 : memref<128xi32, #tpu.memory_space<vmem>>) semaphore(%arg12 : memref<!tpu.dma_semaphore, #tpu.memory_space<semaphore_mem>>)
      %run_scoped3A_93 = arith.constant 1 : i32
      "tpu.region"() ({
        %run_scoped3A_177 = tpu.sem_alloc : memref<!tpu.dma_semaphore, #tpu.memory_space<semaphore_mem>>
        %dma_start3A_178 = arith.constant 0 : i32
        %dma_start3A_179 = tpu.memref_slice %arg8[%run_scoped3A_93, %dma_start3A_178] : memref<8x128xi32, #tpu.memory_space<vmem>> -> memref<1x128xi32, #tpu.memory_space<vmem>>
        %dma_start3A_180 = tpu.memref_squeeze %dma_start3A_179 : memref<1x128xi32, #tpu.memory_space<vmem>> -> memref<128xi32, #tpu.memory_space<vmem>>
        %dma_start3A_181 = arith.constant 0 : i32
        %dma_start3A_182 = arith.constant 0 : i32
        %dma_start3A_183 = tpu.memref_slice %arg11[%dma_start3A_181, %dma_start3A_182] : memref<10112x128xf32, #tpu.memory_space<vmem_shared>> -> memref<10112x128xf32, #tpu.memory_space<vmem_shared>>
        tpu.enqueue_indirect_dma source(%arg10 : memref<128x128xf32, #tpu.memory_space<vmem>>) target(%dma_start3A_183 : memref<10112x128xf32, #tpu.memory_space<vmem_shared>>) offsets(%dma_start3A_180 : memref<128xi32, #tpu.memory_space<vmem>>) semaphore(%run_scoped3A_177 : memref<!tpu.dma_semaphore, #tpu.memory_space<semaphore_mem>>) {add = true}
        %dma_wait3A_184 = arith.constant 0 : i32
        %dma_wait3A_185 = tpu.memref_slice %arg8[%run_scoped3A_93, %dma_wait3A_184] : memref<8x128xi32, #tpu.memory_space<vmem>> -> memref<1x128xi32, #tpu.memory_space<vmem>>
        %dma_wait3A_186 = tpu.memref_squeeze %dma_wait3A_185 : memref<1x128xi32, #tpu.memory_space<vmem>> -> memref<128xi32, #tpu.memory_space<vmem>>
        %dma_wait3A_187 = arith.constant 0 : i32
        %dma_wait3A_188 = arith.constant 0 : i32
        %dma_wait3A_189 = tpu.memref_slice %arg11[%dma_wait3A_187, %dma_wait3A_188] : memref<10112x128xf32, #tpu.memory_space<vmem_shared>> -> memref<10112x128xf32, #tpu.memory_space<vmem_shared>>
        tpu.wait_indirect_dma semaphore(%run_scoped3A_177 : memref<!tpu.dma_semaphore, #tpu.memory_space<semaphore_mem>>) src(%arg10 : memref<128x128xf32, #tpu.memory_space<vmem>>) dst(%dma_wait3A_189 : memref<10112x128xf32, #tpu.memory_space<vmem_shared>>)
        tpu.yield
      }) : () -> ()
      %dma_wait3A_94 = arith.constant 2 : i32
      %dma_wait3A_95 = arith.constant 0 : i32
      %dma_wait3A_96 = tpu.memref_slice %arg7[%dma_wait3A_94, %dma_wait3A_95] : memref<8x128xi32, #tpu.memory_space<vmem>> -> memref<1x128xi32, #tpu.memory_space<vmem>>
      %dma_wait3A_97 = tpu.memref_squeeze %dma_wait3A_96 : memref<1x128xi32, #tpu.memory_space<vmem>> -> memref<128xi32, #tpu.memory_space<vmem>>
      %dma_wait3A_98 = arith.constant 0 : i32
      %dma_wait3A_99 = arith.constant 0 : i32
      %dma_wait3A_100 = tpu.memref_slice %arg2[%dma_wait3A_98, %dma_wait3A_99] : memref<10000x128xf32, #tpu.memory_space<hbm>> -> memref<10000x128xf32, #tpu.memory_space<hbm>>
      tpu.wait_indirect_dma semaphore(%arg12 : memref<!tpu.dma_semaphore, #tpu.memory_space<semaphore_mem>>) src(%dma_wait3A_100 : memref<10000x128xf32, #tpu.memory_space<hbm>>) dst(%arg9 : memref<128x128xf32, #tpu.memory_space<vmem>>)
      %dma_start3A_101 = arith.constant 3 : i32
      %dma_start3A_102 = arith.constant 0 : i32
      %dma_start3A_103 = tpu.memref_slice %arg7[%dma_start3A_101, %dma_start3A_102] : memref<8x128xi32, #tpu.memory_space<vmem>> -> memref<1x128xi32, #tpu.memory_space<vmem>>
      %dma_start3A_104 = tpu.memref_squeeze %dma_start3A_103 : memref<1x128xi32, #tpu.memory_space<vmem>> -> memref<128xi32, #tpu.memory_space<vmem>>
      %dma_start3A_105 = arith.constant 0 : i32
      %dma_start3A_106 = arith.constant 0 : i32
      %dma_start3A_107 = tpu.memref_slice %arg2[%dma_start3A_105, %dma_start3A_106] : memref<10000x128xf32, #tpu.memory_space<hbm>> -> memref<10000x128xf32, #tpu.memory_space<hbm>>
      tpu.enqueue_indirect_dma source(%dma_start3A_107 : memref<10000x128xf32, #tpu.memory_space<hbm>>) target(%arg10 : memref<128x128xf32, #tpu.memory_space<vmem>>) offsets(%dma_start3A_104 : memref<128xi32, #tpu.memory_space<vmem>>) semaphore(%arg13 : memref<!tpu.dma_semaphore, #tpu.memory_space<semaphore_mem>>)
      %run_scoped3A_108 = arith.constant 2 : i32
      "tpu.region"() ({
        %run_scoped3A_177 = tpu.sem_alloc : memref<!tpu.dma_semaphore, #tpu.memory_space<semaphore_mem>>
        %dma_start3A_178 = arith.constant 0 : i32
        %dma_start3A_179 = tpu.memref_slice %arg8[%run_scoped3A_108, %dma_start3A_178] : memref<8x128xi32, #tpu.memory_space<vmem>> -> memref<1x128xi32, #tpu.memory_space<vmem>>
        %dma_start3A_180 = tpu.memref_squeeze %dma_start3A_179 : memref<1x128xi32, #tpu.memory_space<vmem>> -> memref<128xi32, #tpu.memory_space<vmem>>
        %dma_start3A_181 = arith.constant 0 : i32
        %dma_start3A_182 = arith.constant 0 : i32
        %dma_start3A_183 = tpu.memref_slice %arg11[%dma_start3A_181, %dma_start3A_182] : memref<10112x128xf32, #tpu.memory_space<vmem_shared>> -> memref<10112x128xf32, #tpu.memory_space<vmem_shared>>
        tpu.enqueue_indirect_dma source(%arg9 : memref<128x128xf32, #tpu.memory_space<vmem>>) target(%dma_start3A_183 : memref<10112x128xf32, #tpu.memory_space<vmem_shared>>) offsets(%dma_start3A_180 : memref<128xi32, #tpu.memory_space<vmem>>) semaphore(%run_scoped3A_177 : memref<!tpu.dma_semaphore, #tpu.memory_space<semaphore_mem>>) {add = true}
        %dma_wait3A_184 = arith.constant 0 : i32
        %dma_wait3A_185 = tpu.memref_slice %arg8[%run_scoped3A_108, %dma_wait3A_184] : memref<8x128xi32, #tpu.memory_space<vmem>> -> memref<1x128xi32, #tpu.memory_space<vmem>>
        %dma_wait3A_186 = tpu.memref_squeeze %dma_wait3A_185 : memref<1x128xi32, #tpu.memory_space<vmem>> -> memref<128xi32, #tpu.memory_space<vmem>>
        %dma_wait3A_187 = arith.constant 0 : i32
        %dma_wait3A_188 = arith.constant 0 : i32
        %dma_wait3A_189 = tpu.memref_slice %arg11[%dma_wait3A_187, %dma_wait3A_188] : memref<10112x128xf32, #tpu.memory_space<vmem_shared>> -> memref<10112x128xf32, #tpu.memory_space<vmem_shared>>
        tpu.wait_indirect_dma semaphore(%run_scoped3A_177 : memref<!tpu.dma_semaphore, #tpu.memory_space<semaphore_mem>>) src(%arg9 : memref<128x128xf32, #tpu.memory_space<vmem>>) dst(%dma_wait3A_189 : memref<10112x128xf32, #tpu.memory_space<vmem_shared>>)
        tpu.yield
      }) : () -> ()
      %dma_wait3A_109 = arith.constant 3 : i32
      %dma_wait3A_110 = arith.constant 0 : i32
      %dma_wait3A_111 = tpu.memref_slice %arg7[%dma_wait3A_109, %dma_wait3A_110] : memref<8x128xi32, #tpu.memory_space<vmem>> -> memref<1x128xi32, #tpu.memory_space<vmem>>
      %dma_wait3A_112 = tpu.memref_squeeze %dma_wait3A_111 : memref<1x128xi32, #tpu.memory_space<vmem>> -> memref<128xi32, #tpu.memory_space<vmem>>
      %dma_wait3A_113 = arith.constant 0 : i32
      %dma_wait3A_114 = arith.constant 0 : i32
      %dma_wait3A_115 = tpu.memref_slice %arg2[%dma_wait3A_113, %dma_wait3A_114] : memref<10000x128xf32, #tpu.memory_space<hbm>> -> memref<10000x128xf32, #tpu.memory_space<hbm>>
      tpu.wait_indirect_dma semaphore(%arg13 : memref<!tpu.dma_semaphore, #tpu.memory_space<semaphore_mem>>) src(%dma_wait3A_115 : memref<10000x128xf32, #tpu.memory_space<hbm>>) dst(%arg10 : memref<128x128xf32, #tpu.memory_space<vmem>>)
      %dma_start3A_116 = arith.constant 4 : i32
      %dma_start3A_117 = arith.constant 0 : i32
      %dma_start3A_118 = tpu.memref_slice %arg7[%dma_start3A_116, %dma_start3A_117] : memref<8x128xi32, #tpu.memory_space<vmem>> -> memref<1x128xi32, #tpu.memory_space<vmem>>
      %dma_start3A_119 = tpu.memref_squeeze %dma_start3A_118 : memref<1x128xi32, #tpu.memory_space<vmem>> -> memref<128xi32, #tpu.memory_space<vmem>>
      %dma_start3A_120 = arith.constant 0 : i32
      %dma_start3A_121 = arith.constant 0 : i32
      %dma_start3A_122 = tpu.memref_slice %arg2[%dma_start3A_120, %dma_start3A_121] : memref<10000x128xf32, #tpu.memory_space<hbm>> -> memref<10000x128xf32, #tpu.memory_space<hbm>>
      tpu.enqueue_indirect_dma source(%dma_start3A_122 : memref<10000x128xf32, #tpu.memory_space<hbm>>) target(%arg9 : memref<128x128xf32, #tpu.memory_space<vmem>>) offsets(%dma_start3A_119 : memref<128xi32, #tpu.memory_space<vmem>>) semaphore(%arg12 : memref<!tpu.dma_semaphore, #tpu.memory_space<semaphore_mem>>)
      %run_scoped3A_123 = arith.constant 3 : i32
      "tpu.region"() ({
        %run_scoped3A_177 = tpu.sem_alloc : memref<!tpu.dma_semaphore, #tpu.memory_space<semaphore_mem>>
        %dma_start3A_178 = arith.constant 0 : i32
        %dma_start3A_179 = tpu.memref_slice %arg8[%run_scoped3A_123, %dma_start3A_178] : memref<8x128xi32, #tpu.memory_space<vmem>> -> memref<1x128xi32, #tpu.memory_space<vmem>>
        %dma_start3A_180 = tpu.memref_squeeze %dma_start3A_179 : memref<1x128xi32, #tpu.memory_space<vmem>> -> memref<128xi32, #tpu.memory_space<vmem>>
        %dma_start3A_181 = arith.constant 0 : i32
        %dma_start3A_182 = arith.constant 0 : i32
        %dma_start3A_183 = tpu.memref_slice %arg11[%dma_start3A_181, %dma_start3A_182] : memref<10112x128xf32, #tpu.memory_space<vmem_shared>> -> memref<10112x128xf32, #tpu.memory_space<vmem_shared>>
        tpu.enqueue_indirect_dma source(%arg10 : memref<128x128xf32, #tpu.memory_space<vmem>>) target(%dma_start3A_183 : memref<10112x128xf32, #tpu.memory_space<vmem_shared>>) offsets(%dma_start3A_180 : memref<128xi32, #tpu.memory_space<vmem>>) semaphore(%run_scoped3A_177 : memref<!tpu.dma_semaphore, #tpu.memory_space<semaphore_mem>>) {add = true}
        %dma_wait3A_184 = arith.constant 0 : i32
        %dma_wait3A_185 = tpu.memref_slice %arg8[%run_scoped3A_123, %dma_wait3A_184] : memref<8x128xi32, #tpu.memory_space<vmem>> -> memref<1x128xi32, #tpu.memory_space<vmem>>
        %dma_wait3A_186 = tpu.memref_squeeze %dma_wait3A_185 : memref<1x128xi32, #tpu.memory_space<vmem>> -> memref<128xi32, #tpu.memory_space<vmem>>
        %dma_wait3A_187 = arith.constant 0 : i32
        %dma_wait3A_188 = arith.constant 0 : i32
        %dma_wait3A_189 = tpu.memref_slice %arg11[%dma_wait3A_187, %dma_wait3A_188] : memref<10112x128xf32, #tpu.memory_space<vmem_shared>> -> memref<10112x128xf32, #tpu.memory_space<vmem_shared>>
        tpu.wait_indirect_dma semaphore(%run_scoped3A_177 : memref<!tpu.dma_semaphore, #tpu.memory_space<semaphore_mem>>) src(%arg10 : memref<128x128xf32, #tpu.memory_space<vmem>>) dst(%dma_wait3A_189 : memref<10112x128xf32, #tpu.memory_space<vmem_shared>>)
        tpu.yield
      }) : () -> ()
      %dma_wait3A_124 = arith.constant 4 : i32
      %dma_wait3A_125 = arith.constant 0 : i32
      %dma_wait3A_126 = tpu.memref_slice %arg7[%dma_wait3A_124, %dma_wait3A_125] : memref<8x128xi32, #tpu.memory_space<vmem>> -> memref<1x128xi32, #tpu.memory_space<vmem>>
      %dma_wait3A_127 = tpu.memref_squeeze %dma_wait3A_126 : memref<1x128xi32, #tpu.memory_space<vmem>> -> memref<128xi32, #tpu.memory_space<vmem>>
      %dma_wait3A_128 = arith.constant 0 : i32
      %dma_wait3A_129 = arith.constant 0 : i32
      %dma_wait3A_130 = tpu.memref_slice %arg2[%dma_wait3A_128, %dma_wait3A_129] : memref<10000x128xf32, #tpu.memory_space<hbm>> -> memref<10000x128xf32, #tpu.memory_space<hbm>>
      tpu.wait_indirect_dma semaphore(%arg12 : memref<!tpu.dma_semaphore, #tpu.memory_space<semaphore_mem>>) src(%dma_wait3A_130 : memref<10000x128xf32, #tpu.memory_space<hbm>>) dst(%arg9 : memref<128x128xf32, #tpu.memory_space<vmem>>)
      %dma_start3A_131 = arith.constant 5 : i32
      %dma_start3A_132 = arith.constant 0 : i32
      %dma_start3A_133 = tpu.memref_slice %arg7[%dma_start3A_131, %dma_start3A_132] : memref<8x128xi32, #tpu.memory_space<vmem>> -> memref<1x128xi32, #tpu.memory_space<vmem>>
      %dma_start3A_134 = tpu.memref_squeeze %dma_start3A_133 : memref<1x128xi32, #tpu.memory_space<vmem>> -> memref<128xi32, #tpu.memory_space<vmem>>
      %dma_start3A_135 = arith.constant 0 : i32
      %dma_start3A_136 = arith.constant 0 : i32
      %dma_start3A_137 = tpu.memref_slice %arg2[%dma_start3A_135, %dma_start3A_136] : memref<10000x128xf32, #tpu.memory_space<hbm>> -> memref<10000x128xf32, #tpu.memory_space<hbm>>
      tpu.enqueue_indirect_dma source(%dma_start3A_137 : memref<10000x128xf32, #tpu.memory_space<hbm>>) target(%arg10 : memref<128x128xf32, #tpu.memory_space<vmem>>) offsets(%dma_start3A_134 : memref<128xi32, #tpu.memory_space<vmem>>) semaphore(%arg13 : memref<!tpu.dma_semaphore, #tpu.memory_space<semaphore_mem>>)
      %run_scoped3A_138 = arith.constant 4 : i32
      "tpu.region"() ({
        %run_scoped3A_177 = tpu.sem_alloc : memref<!tpu.dma_semaphore, #tpu.memory_space<semaphore_mem>>
        %dma_start3A_178 = arith.constant 0 : i32
        %dma_start3A_179 = tpu.memref_slice %arg8[%run_scoped3A_138, %dma_start3A_178] : memref<8x128xi32, #tpu.memory_space<vmem>> -> memref<1x128xi32, #tpu.memory_space<vmem>>
        %dma_start3A_180 = tpu.memref_squeeze %dma_start3A_179 : memref<1x128xi32, #tpu.memory_space<vmem>> -> memref<128xi32, #tpu.memory_space<vmem>>
        %dma_start3A_181 = arith.constant 0 : i32
        %dma_start3A_182 = arith.constant 0 : i32
        %dma_start3A_183 = tpu.memref_slice %arg11[%dma_start3A_181, %dma_start3A_182] : memref<10112x128xf32, #tpu.memory_space<vmem_shared>> -> memref<10112x128xf32, #tpu.memory_space<vmem_shared>>
        tpu.enqueue_indirect_dma source(%arg9 : memref<128x128xf32, #tpu.memory_space<vmem>>) target(%dma_start3A_183 : memref<10112x128xf32, #tpu.memory_space<vmem_shared>>) offsets(%dma_start3A_180 : memref<128xi32, #tpu.memory_space<vmem>>) semaphore(%run_scoped3A_177 : memref<!tpu.dma_semaphore, #tpu.memory_space<semaphore_mem>>) {add = true}
        %dma_wait3A_184 = arith.constant 0 : i32
        %dma_wait3A_185 = tpu.memref_slice %arg8[%run_scoped3A_138, %dma_wait3A_184] : memref<8x128xi32, #tpu.memory_space<vmem>> -> memref<1x128xi32, #tpu.memory_space<vmem>>
        %dma_wait3A_186 = tpu.memref_squeeze %dma_wait3A_185 : memref<1x128xi32, #tpu.memory_space<vmem>> -> memref<128xi32, #tpu.memory_space<vmem>>
        %dma_wait3A_187 = arith.constant 0 : i32
        %dma_wait3A_188 = arith.constant 0 : i32
        %dma_wait3A_189 = tpu.memref_slice %arg11[%dma_wait3A_187, %dma_wait3A_188] : memref<10112x128xf32, #tpu.memory_space<vmem_shared>> -> memref<10112x128xf32, #tpu.memory_space<vmem_shared>>
        tpu.wait_indirect_dma semaphore(%run_scoped3A_177 : memref<!tpu.dma_semaphore, #tpu.memory_space<semaphore_mem>>) src(%arg9 : memref<128x128xf32, #tpu.memory_space<vmem>>) dst(%dma_wait3A_189 : memref<10112x128xf32, #tpu.memory_space<vmem_shared>>)
        tpu.yield
      }) : () -> ()
      %dma_wait3A_139 = arith.constant 5 : i32
      %dma_wait3A_140 = arith.constant 0 : i32
      %dma_wait3A_141 = tpu.memref_slice %arg7[%dma_wait3A_139, %dma_wait3A_140] : memref<8x128xi32, #tpu.memory_space<vmem>> -> memref<1x128xi32, #tpu.memory_space<vmem>>
      %dma_wait3A_142 = tpu.memref_squeeze %dma_wait3A_141 : memref<1x128xi32, #tpu.memory_space<vmem>> -> memref<128xi32, #tpu.memory_space<vmem>>
      %dma_wait3A_143 = arith.constant 0 : i32
      %dma_wait3A_144 = arith.constant 0 : i32
      %dma_wait3A_145 = tpu.memref_slice %arg2[%dma_wait3A_143, %dma_wait3A_144] : memref<10000x128xf32, #tpu.memory_space<hbm>> -> memref<10000x128xf32, #tpu.memory_space<hbm>>
      tpu.wait_indirect_dma semaphore(%arg13 : memref<!tpu.dma_semaphore, #tpu.memory_space<semaphore_mem>>) src(%dma_wait3A_145 : memref<10000x128xf32, #tpu.memory_space<hbm>>) dst(%arg10 : memref<128x128xf32, #tpu.memory_space<vmem>>)
      %dma_start3A_146 = arith.constant 6 : i32
      %dma_start3A_147 = arith.constant 0 : i32
      %dma_start3A_148 = tpu.memref_slice %arg7[%dma_start3A_146, %dma_start3A_147] : memref<8x128xi32, #tpu.memory_space<vmem>> -> memref<1x128xi32, #tpu.memory_space<vmem>>
      %dma_start3A_149 = tpu.memref_squeeze %dma_start3A_148 : memref<1x128xi32, #tpu.memory_space<vmem>> -> memref<128xi32, #tpu.memory_space<vmem>>
      %dma_start3A_150 = arith.constant 0 : i32
      %dma_start3A_151 = arith.constant 0 : i32
      %dma_start3A_152 = tpu.memref_slice %arg2[%dma_start3A_150, %dma_start3A_151] : memref<10000x128xf32, #tpu.memory_space<hbm>> -> memref<10000x128xf32, #tpu.memory_space<hbm>>
      tpu.enqueue_indirect_dma source(%dma_start3A_152 : memref<10000x128xf32, #tpu.memory_space<hbm>>) target(%arg9 : memref<128x128xf32, #tpu.memory_space<vmem>>) offsets(%dma_start3A_149 : memref<128xi32, #tpu.memory_space<vmem>>) semaphore(%arg12 : memref<!tpu.dma_semaphore, #tpu.memory_space<semaphore_mem>>)
      %run_scoped3A_153 = arith.constant 5 : i32
      "tpu.region"() ({
        %run_scoped3A_177 = tpu.sem_alloc : memref<!tpu.dma_semaphore, #tpu.memory_space<semaphore_mem>>
        %dma_start3A_178 = arith.constant 0 : i32
        %dma_start3A_179 = tpu.memref_slice %arg8[%run_scoped3A_153, %dma_start3A_178] : memref<8x128xi32, #tpu.memory_space<vmem>> -> memref<1x128xi32, #tpu.memory_space<vmem>>
        %dma_start3A_180 = tpu.memref_squeeze %dma_start3A_179 : memref<1x128xi32, #tpu.memory_space<vmem>> -> memref<128xi32, #tpu.memory_space<vmem>>
        %dma_start3A_181 = arith.constant 0 : i32
        %dma_start3A_182 = arith.constant 0 : i32
        %dma_start3A_183 = tpu.memref_slice %arg11[%dma_start3A_181, %dma_start3A_182] : memref<10112x128xf32, #tpu.memory_space<vmem_shared>> -> memref<10112x128xf32, #tpu.memory_space<vmem_shared>>
        tpu.enqueue_indirect_dma source(%arg10 : memref<128x128xf32, #tpu.memory_space<vmem>>) target(%dma_start3A_183 : memref<10112x128xf32, #tpu.memory_space<vmem_shared>>) offsets(%dma_start3A_180 : memref<128xi32, #tpu.memory_space<vmem>>) semaphore(%run_scoped3A_177 : memref<!tpu.dma_semaphore, #tpu.memory_space<semaphore_mem>>) {add = true}
        %dma_wait3A_184 = arith.constant 0 : i32
        %dma_wait3A_185 = tpu.memref_slice %arg8[%run_scoped3A_153, %dma_wait3A_184] : memref<8x128xi32, #tpu.memory_space<vmem>> -> memref<1x128xi32, #tpu.memory_space<vmem>>
        %dma_wait3A_186 = tpu.memref_squeeze %dma_wait3A_185 : memref<1x128xi32, #tpu.memory_space<vmem>> -> memref<128xi32, #tpu.memory_space<vmem>>
        %dma_wait3A_187 = arith.constant 0 : i32
        %dma_wait3A_188 = arith.constant 0 : i32
        %dma_wait3A_189 = tpu.memref_slice %arg11[%dma_wait3A_187, %dma_wait3A_188] : memref<10112x128xf32, #tpu.memory_space<vmem_shared>> -> memref<10112x128xf32, #tpu.memory_space<vmem_shared>>
        tpu.wait_indirect_dma semaphore(%run_scoped3A_177 : memref<!tpu.dma_semaphore, #tpu.memory_space<semaphore_mem>>) src(%arg10 : memref<128x128xf32, #tpu.memory_space<vmem>>) dst(%dma_wait3A_189 : memref<10112x128xf32, #tpu.memory_space<vmem_shared>>)
        tpu.yield
      }) : () -> ()
      %dma_wait3A_154 = arith.constant 6 : i32
      %dma_wait3A_155 = arith.constant 0 : i32
      %dma_wait3A_156 = tpu.memref_slice %arg7[%dma_wait3A_154, %dma_wait3A_155] : memref<8x128xi32, #tpu.memory_space<vmem>> -> memref<1x128xi32, #tpu.memory_space<vmem>>
      %dma_wait3A_157 = tpu.memref_squeeze %dma_wait3A_156 : memref<1x128xi32, #tpu.memory_space<vmem>> -> memref<128xi32, #tpu.memory_space<vmem>>
      %dma_wait3A_158 = arith.constant 0 : i32
      %dma_wait3A_159 = arith.constant 0 : i32
      %dma_wait3A_160 = tpu.memref_slice %arg2[%dma_wait3A_158, %dma_wait3A_159] : memref<10000x128xf32, #tpu.memory_space<hbm>> -> memref<10000x128xf32, #tpu.memory_space<hbm>>
      tpu.wait_indirect_dma semaphore(%arg12 : memref<!tpu.dma_semaphore, #tpu.memory_space<semaphore_mem>>) src(%dma_wait3A_160 : memref<10000x128xf32, #tpu.memory_space<hbm>>) dst(%arg9 : memref<128x128xf32, #tpu.memory_space<vmem>>)
      %dma_start3A_161 = arith.constant 7 : i32
      %dma_start3A_162 = arith.constant 0 : i32
      %dma_start3A_163 = tpu.memref_slice %arg7[%dma_start3A_161, %dma_start3A_162] : memref<8x128xi32, #tpu.memory_space<vmem>> -> memref<1x128xi32, #tpu.memory_space<vmem>>
      %dma_start3A_164 = tpu.memref_squeeze %dma_start3A_163 : memref<1x128xi32, #tpu.memory_space<vmem>> -> memref<128xi32, #tpu.memory_space<vmem>>
      %dma_start3A_165 = arith.constant 0 : i32
      %dma_start3A_166 = arith.constant 0 : i32
      %dma_start3A_167 = tpu.memref_slice %arg2[%dma_start3A_165, %dma_start3A_166] : memref<10000x128xf32, #tpu.memory_space<hbm>> -> memref<10000x128xf32, #tpu.memory_space<hbm>>
      tpu.enqueue_indirect_dma source(%dma_start3A_167 : memref<10000x128xf32, #tpu.memory_space<hbm>>) target(%arg10 : memref<128x128xf32, #tpu.memory_space<vmem>>) offsets(%dma_start3A_164 : memref<128xi32, #tpu.memory_space<vmem>>) semaphore(%arg13 : memref<!tpu.dma_semaphore, #tpu.memory_space<semaphore_mem>>)
      %run_scoped3A_168 = arith.constant 6 : i32
      "tpu.region"() ({
        %run_scoped3A_177 = tpu.sem_alloc : memref<!tpu.dma_semaphore, #tpu.memory_space<semaphore_mem>>
        %dma_start3A_178 = arith.constant 0 : i32
        %dma_start3A_179 = tpu.memref_slice %arg8[%run_scoped3A_168, %dma_start3A_178] : memref<8x128xi32, #tpu.memory_space<vmem>> -> memref<1x128xi32, #tpu.memory_space<vmem>>
        %dma_start3A_180 = tpu.memref_squeeze %dma_start3A_179 : memref<1x128xi32, #tpu.memory_space<vmem>> -> memref<128xi32, #tpu.memory_space<vmem>>
        %dma_start3A_181 = arith.constant 0 : i32
        %dma_start3A_182 = arith.constant 0 : i32
        %dma_start3A_183 = tpu.memref_slice %arg11[%dma_start3A_181, %dma_start3A_182] : memref<10112x128xf32, #tpu.memory_space<vmem_shared>> -> memref<10112x128xf32, #tpu.memory_space<vmem_shared>>
        tpu.enqueue_indirect_dma source(%arg9 : memref<128x128xf32, #tpu.memory_space<vmem>>) target(%dma_start3A_183 : memref<10112x128xf32, #tpu.memory_space<vmem_shared>>) offsets(%dma_start3A_180 : memref<128xi32, #tpu.memory_space<vmem>>) semaphore(%run_scoped3A_177 : memref<!tpu.dma_semaphore, #tpu.memory_space<semaphore_mem>>) {add = true}
        %dma_wait3A_184 = arith.constant 0 : i32
        %dma_wait3A_185 = tpu.memref_slice %arg8[%run_scoped3A_168, %dma_wait3A_184] : memref<8x128xi32, #tpu.memory_space<vmem>> -> memref<1x128xi32, #tpu.memory_space<vmem>>
        %dma_wait3A_186 = tpu.memref_squeeze %dma_wait3A_185 : memref<1x128xi32, #tpu.memory_space<vmem>> -> memref<128xi32, #tpu.memory_space<vmem>>
        %dma_wait3A_187 = arith.constant 0 : i32
        %dma_wait3A_188 = arith.constant 0 : i32
        %dma_wait3A_189 = tpu.memref_slice %arg11[%dma_wait3A_187, %dma_wait3A_188] : memref<10112x128xf32, #tpu.memory_space<vmem_shared>> -> memref<10112x128xf32, #tpu.memory_space<vmem_shared>>
        tpu.wait_indirect_dma semaphore(%run_scoped3A_177 : memref<!tpu.dma_semaphore, #tpu.memory_space<semaphore_mem>>) src(%arg9 : memref<128x128xf32, #tpu.memory_space<vmem>>) dst(%dma_wait3A_189 : memref<10112x128xf32, #tpu.memory_space<vmem_shared>>)
        tpu.yield
      }) : () -> ()
      %dma_wait3A_169 = arith.constant 7 : i32
      %dma_wait3A_170 = arith.constant 0 : i32
      %dma_wait3A_171 = tpu.memref_slice %arg7[%dma_wait3A_169, %dma_wait3A_170] : memref<8x128xi32, #tpu.memory_space<vmem>> -> memref<1x128xi32, #tpu.memory_space<vmem>>
      %dma_wait3A_172 = tpu.memref_squeeze %dma_wait3A_171 : memref<1x128xi32, #tpu.memory_space<vmem>> -> memref<128xi32, #tpu.memory_space<vmem>>
      %dma_wait3A_173 = arith.constant 0 : i32
      %dma_wait3A_174 = arith.constant 0 : i32
      %dma_wait3A_175 = tpu.memref_slice %arg2[%dma_wait3A_173, %dma_wait3A_174] : memref<10000x128xf32, #tpu.memory_space<hbm>> -> memref<10000x128xf32, #tpu.memory_space<hbm>>
      tpu.wait_indirect_dma semaphore(%arg13 : memref<!tpu.dma_semaphore, #tpu.memory_space<semaphore_mem>>) src(%dma_wait3A_175 : memref<10000x128xf32, #tpu.memory_space<hbm>>) dst(%arg10 : memref<128x128xf32, #tpu.memory_space<vmem>>)
      %run_scoped3A_176 = arith.constant 7 : i32
      "tpu.region"() ({
        %run_scoped3A_177 = tpu.sem_alloc : memref<!tpu.dma_semaphore, #tpu.memory_space<semaphore_mem>>
        %dma_start3A_178 = arith.constant 0 : i32
        %dma_start3A_179 = tpu.memref_slice %arg8[%run_scoped3A_176, %dma_start3A_178] : memref<8x128xi32, #tpu.memory_space<vmem>> -> memref<1x128xi32, #tpu.memory_space<vmem>>
        %dma_start3A_180 = tpu.memref_squeeze %dma_start3A_179 : memref<1x128xi32, #tpu.memory_space<vmem>> -> memref<128xi32, #tpu.memory_space<vmem>>
        %dma_start3A_181 = arith.constant 0 : i32
        %dma_start3A_182 = arith.constant 0 : i32
        %dma_start3A_183 = tpu.memref_slice %arg11[%dma_start3A_181, %dma_start3A_182] : memref<10112x128xf32, #tpu.memory_space<vmem_shared>> -> memref<10112x128xf32, #tpu.memory_space<vmem_shared>>
        tpu.enqueue_indirect_dma source(%arg10 : memref<128x128xf32, #tpu.memory_space<vmem>>) target(%dma_start3A_183 : memref<10112x128xf32, #tpu.memory_space<vmem_shared>>) offsets(%dma_start3A_180 : memref<128xi32, #tpu.memory_space<vmem>>) semaphore(%run_scoped3A_177 : memref<!tpu.dma_semaphore, #tpu.memory_space<semaphore_mem>>) {add = true}
        %dma_wait3A_184 = arith.constant 0 : i32
        %dma_wait3A_185 = tpu.memref_slice %arg8[%run_scoped3A_176, %dma_wait3A_184] : memref<8x128xi32, #tpu.memory_space<vmem>> -> memref<1x128xi32, #tpu.memory_space<vmem>>
        %dma_wait3A_186 = tpu.memref_squeeze %dma_wait3A_185 : memref<1x128xi32, #tpu.memory_space<vmem>> -> memref<128xi32, #tpu.memory_space<vmem>>
        %dma_wait3A_187 = arith.constant 0 : i32
        %dma_wait3A_188 = arith.constant 0 : i32
        %dma_wait3A_189 = tpu.memref_slice %arg11[%dma_wait3A_187, %dma_wait3A_188] : memref<10112x128xf32, #tpu.memory_space<vmem_shared>> -> memref<10112x128xf32, #tpu.memory_space<vmem_shared>>
        tpu.wait_indirect_dma semaphore(%run_scoped3A_177 : memref<!tpu.dma_semaphore, #tpu.memory_space<semaphore_mem>>) src(%arg10 : memref<128x128xf32, #tpu.memory_space<vmem>>) dst(%dma_wait3A_189 : memref<10112x128xf32, #tpu.memory_space<vmem_shared>>)
        tpu.yield
      }) : () -> ()
    }
    %while3A_32 = arith.constant 1 : i32
    scf.for %while3A_56 = %while3A_30 to %while3A_26 step %while3A_32  : i32 {
      %mul3A_57 = arith.constant 8 : i32
      %mul3A_58 = arith.muli %while3A_56, %mul3A_57 : i32
      %add3A_59 = arith.addi %add3A_18, %mul3A_58 : i32
      "tpu.region"() ({
        %run_scoped3A_177 = tpu.sem_alloc : memref<!tpu.dma_semaphore, #tpu.memory_space<semaphore_mem>>
        %dma_start3A_178 = arith.constant 0 : i32
        %dma_start3A_179 = tpu.memref_slice %arg3[%add3A_59, %dma_start3A_178] : memref<2560x128xi32, #tpu.memory_space<hbm>> -> memref<8x128xi32, #tpu.memory_space<hbm>>
        %dma_start3A_180 = arith.constant 0 : i32
        %dma_start3A_181 = tpu.memref_slice %arg3[%add3A_59, %dma_start3A_180] : memref<2560x128xi32, #tpu.memory_space<hbm>> -> memref<8x128xi32, #tpu.memory_space<hbm>>
        tpu.enqueue_dma source(%dma_start3A_181 : memref<8x128xi32, #tpu.memory_space<hbm>>) target(%arg7 : memref<8x128xi32, #tpu.memory_space<vmem>>) target_semaphore(%run_scoped3A_177 : memref<!tpu.dma_semaphore, #tpu.memory_space<semaphore_mem>>)
        %dma_wait3A_182 = arith.constant 0 : i32
        %dma_wait3A_183 = tpu.memref_slice %arg3[%add3A_59, %dma_wait3A_182] : memref<2560x128xi32, #tpu.memory_space<hbm>> -> memref<8x128xi32, #tpu.memory_space<hbm>>
        %dma_wait3A_184 = arith.constant 0 : i32
        %dma_wait3A_185 = tpu.memref_slice %arg3[%add3A_59, %dma_wait3A_184] : memref<2560x128xi32, #tpu.memory_space<hbm>> -> memref<8x128xi32, #tpu.memory_space<hbm>>
        tpu.wait_dma2 semaphore(%run_scoped3A_177 : memref<!tpu.dma_semaphore, #tpu.memory_space<semaphore_mem>>) src(%dma_wait3A_185 : memref<8x128xi32, #tpu.memory_space<hbm>>) dst(%arg7 : memref<8x128xi32, #tpu.memory_space<vmem>>)
        tpu.yield
      }) : () -> ()
      "tpu.region"() ({
        %run_scoped3A_177 = tpu.sem_alloc : memref<!tpu.dma_semaphore, #tpu.memory_space<semaphore_mem>>
        %dma_start3A_178 = arith.constant 0 : i32
        %dma_start3A_179 = tpu.memref_slice %arg4[%add3A_59, %dma_start3A_178] : memref<2560x128xi32, #tpu.memory_space<hbm>> -> memref<8x128xi32, #tpu.memory_space<hbm>>
        %dma_start3A_180 = arith.constant 0 : i32
        %dma_start3A_181 = tpu.memref_slice %arg4[%add3A_59, %dma_start3A_180] : memref<2560x128xi32, #tpu.memory_space<hbm>> -> memref<8x128xi32, #tpu.memory_space<hbm>>
        tpu.enqueue_dma source(%dma_start3A_181 : memref<8x128xi32, #tpu.memory_space<hbm>>) target(%arg8 : memref<8x128xi32, #tpu.memory_space<vmem>>) target_semaphore(%run_scoped3A_177 : memref<!tpu.dma_semaphore, #tpu.memory_space<semaphore_mem>>)
        %dma_wait3A_182 = arith.constant 0 : i32
        %dma_wait3A_183 = tpu.memref_slice %arg4[%add3A_59, %dma_wait3A_182] : memref<2560x128xi32, #tpu.memory_space<hbm>> -> memref<8x128xi32, #tpu.memory_space<hbm>>
        %dma_wait3A_184 = arith.constant 0 : i32
        %dma_wait3A_185 = tpu.memref_slice %arg4[%add3A_59, %dma_wait3A_184] : memref<2560x128xi32, #tpu.memory_space<hbm>> -> memref<8x128xi32, #tpu.memory_space<hbm>>
        tpu.wait_dma2 semaphore(%run_scoped3A_177 : memref<!tpu.dma_semaphore, #tpu.memory_space<semaphore_mem>>) src(%dma_wait3A_185 : memref<8x128xi32, #tpu.memory_space<hbm>>) dst(%arg8 : memref<8x128xi32, #tpu.memory_space<vmem>>)
        tpu.yield
      }) : () -> ()
      %dma_start3A = arith.constant 0 : i32
      %dma_start3A_60 = arith.constant 0 : i32
      %dma_start3A_61 = tpu.memref_slice %arg7[%dma_start3A, %dma_start3A_60] : memref<8x128xi32, #tpu.memory_space<vmem>> -> memref<1x128xi32, #tpu.memory_space<vmem>>
      %dma_start3A_62 = tpu.memref_squeeze %dma_start3A_61 : memref<1x128xi32, #tpu.memory_space<vmem>> -> memref<128xi32, #tpu.memory_space<vmem>>
      %dma_start3A_63 = arith.constant 0 : i32
      %dma_start3A_64 = arith.constant 0 : i32
      %dma_start3A_65 = tpu.memref_slice %arg2[%dma_start3A_63, %dma_start3A_64] : memref<10000x128xf32, #tpu.memory_space<hbm>> -> memref<10000x128xf32, #tpu.memory_space<hbm>>
      tpu.enqueue_indirect_dma source(%dma_start3A_65 : memref<10000x128xf32, #tpu.memory_space<hbm>>) target(%arg9 : memref<128x128xf32, #tpu.memory_space<vmem>>) offsets(%dma_start3A_62 : memref<128xi32, #tpu.memory_space<vmem>>) semaphore(%arg12 : memref<!tpu.dma_semaphore, #tpu.memory_space<semaphore_mem>>)
      %dma_wait3A = arith.constant 0 : i32
      %dma_wait3A_66 = arith.constant 0 : i32
      %dma_wait3A_67 = tpu.memref_slice %arg7[%dma_wait3A, %dma_wait3A_66] : memref<8x128xi32, #tpu.memory_space<vmem>> -> memref<1x128xi32, #tpu.memory_space<vmem>>
      %dma_wait3A_68 = tpu.memref_squeeze %dma_wait3A_67 : memref<1x128xi32, #tpu.memory_space<vmem>> -> memref<128xi32, #tpu.memory_space<vmem>>
      %dma_wait3A_69 = arith.constant 0 : i32
      %dma_wait3A_70 = arith.constant 0 : i32
      %dma_wait3A_71 = tpu.memref_slice %arg2[%dma_wait3A_69, %dma_wait3A_70] : memref<10000x128xf32, #tpu.memory_space<hbm>> -> memref<10000x128xf32, #tpu.memory_space<hbm>>
      tpu.wait_indirect_dma semaphore(%arg12 : memref<!tpu.dma_semaphore, #tpu.memory_space<semaphore_mem>>) src(%dma_wait3A_71 : memref<10000x128xf32, #tpu.memory_space<hbm>>) dst(%arg9 : memref<128x128xf32, #tpu.memory_space<vmem>>)
      %dma_start3A_72 = arith.constant 1 : i32
      %dma_start3A_73 = arith.constant 0 : i32
      %dma_start3A_74 = tpu.memref_slice %arg7[%dma_start3A_72, %dma_start3A_73] : memref<8x128xi32, #tpu.memory_space<vmem>> -> memref<1x128xi32, #tpu.memory_space<vmem>>
      %dma_start3A_75 = tpu.memref_squeeze %dma_start3A_74 : memref<1x128xi32, #tpu.memory_space<vmem>> -> memref<128xi32, #tpu.memory_space<vmem>>
      %dma_start3A_76 = arith.constant 0 : i32
      %dma_start3A_77 = arith.constant 0 : i32
      %dma_start3A_78 = tpu.memref_slice %arg2[%dma_start3A_76, %dma_start3A_77] : memref<10000x128xf32, #tpu.memory_space<hbm>> -> memref<10000x128xf32, #tpu.memory_space<hbm>>
      tpu.enqueue_indirect_dma source(%dma_start3A_78 : memref<10000x128xf32, #tpu.memory_space<hbm>>) target(%arg10 : memref<128x128xf32, #tpu.memory_space<vmem>>) offsets(%dma_start3A_75 : memref<128xi32, #tpu.memory_space<vmem>>) semaphore(%arg13 : memref<!tpu.dma_semaphore, #tpu.memory_space<semaphore_mem>>)
      %run_scoped3A = arith.constant 0 : i32
      "tpu.region"() ({
        %run_scoped3A_177 = tpu.sem_alloc : memref<!tpu.dma_semaphore, #tpu.memory_space<semaphore_mem>>
        %dma_start3A_178 = arith.constant 0 : i32
        %dma_start3A_179 = tpu.memref_slice %arg8[%run_scoped3A, %dma_start3A_178] : memref<8x128xi32, #tpu.memory_space<vmem>> -> memref<1x128xi32, #tpu.memory_space<vmem>>
        %dma_start3A_180 = tpu.memref_squeeze %dma_start3A_179 : memref<1x128xi32, #tpu.memory_space<vmem>> -> memref<128xi32, #tpu.memory_space<vmem>>
        %dma_start3A_181 = arith.constant 0 : i32
        %dma_start3A_182 = arith.constant 0 : i32
        %dma_start3A_183 = tpu.memref_slice %arg11[%dma_start3A_181, %dma_start3A_182] : memref<10112x128xf32, #tpu.memory_space<vmem_shared>> -> memref<10112x128xf32, #tpu.memory_space<vmem_shared>>
        tpu.enqueue_indirect_dma source(%arg9 : memref<128x128xf32, #tpu.memory_space<vmem>>) target(%dma_start3A_183 : memref<10112x128xf32, #tpu.memory_space<vmem_shared>>) offsets(%dma_start3A_180 : memref<128xi32, #tpu.memory_space<vmem>>) semaphore(%run_scoped3A_177 : memref<!tpu.dma_semaphore, #tpu.memory_space<semaphore_mem>>) {add = true}
        %dma_wait3A_184 = arith.constant 0 : i32
        %dma_wait3A_185 = tpu.memref_slice %arg8[%run_scoped3A, %dma_wait3A_184] : memref<8x128xi32, #tpu.memory_space<vmem>> -> memref<1x128xi32, #tpu.memory_space<vmem>>
        %dma_wait3A_186 = tpu.memref_squeeze %dma_wait3A_185 : memref<1x128xi32, #tpu.memory_space<vmem>> -> memref<128xi32, #tpu.memory_space<vmem>>
        %dma_wait3A_187 = arith.constant 0 : i32
        %dma_wait3A_188 = arith.constant 0 : i32
        %dma_wait3A_189 = tpu.memref_slice %arg11[%dma_wait3A_187, %dma_wait3A_188] : memref<10112x128xf32, #tpu.memory_space<vmem_shared>> -> memref<10112x128xf32, #tpu.memory_space<vmem_shared>>
        tpu.wait_indirect_dma semaphore(%run_scoped3A_177 : memref<!tpu.dma_semaphore, #tpu.memory_space<semaphore_mem>>) src(%arg9 : memref<128x128xf32, #tpu.memory_space<vmem>>) dst(%dma_wait3A_189 : memref<10112x128xf32, #tpu.memory_space<vmem_shared>>)
        tpu.yield
      }) : () -> ()
      %dma_wait3A_79 = arith.constant 1 : i32
      %dma_wait3A_80 = arith.constant 0 : i32
      %dma_wait3A_81 = tpu.memref_slice %arg7[%dma_wait3A_79, %dma_wait3A_80] : memref<8x128xi32, #tpu.memory_space<vmem>> -> memref<1x128xi32, #tpu.memory_space<vmem>>
      %dma_wait3A_82 = tpu.memref_squeeze %dma_wait3A_81 : memref<1x128xi32, #tpu.memory_space<vmem>> -> memref<128xi32, #tpu.memory_space<vmem>>
      %dma_wait3A_83 = arith.constant 0 : i32
      %dma_wait3A_84 = arith.constant 0 : i32
      %dma_wait3A_85 = tpu.memref_slice %arg2[%dma_wait3A_83, %dma_wait3A_84] : memref<10000x128xf32, #tpu.memory_space<hbm>> -> memref<10000x128xf32, #tpu.memory_space<hbm>>
      tpu.wait_indirect_dma semaphore(%arg13 : memref<!tpu.dma_semaphore, #tpu.memory_space<semaphore_mem>>) src(%dma_wait3A_85 : memref<10000x128xf32, #tpu.memory_space<hbm>>) dst(%arg10 : memref<128x128xf32, #tpu.memory_space<vmem>>)
      %dma_start3A_86 = arith.constant 2 : i32
      %dma_start3A_87 = arith.constant 0 : i32
      %dma_start3A_88 = tpu.memref_slice %arg7[%dma_start3A_86, %dma_start3A_87] : memref<8x128xi32, #tpu.memory_space<vmem>> -> memref<1x128xi32, #tpu.memory_space<vmem>>
      %dma_start3A_89 = tpu.memref_squeeze %dma_start3A_88 : memref<1x128xi32, #tpu.memory_space<vmem>> -> memref<128xi32, #tpu.memory_space<vmem>>
      %dma_start3A_90 = arith.constant 0 : i32
      %dma_start3A_91 = arith.constant 0 : i32
      %dma_start3A_92 = tpu.memref_slice %arg2[%dma_start3A_90, %dma_start3A_91] : memref<10000x128xf32, #tpu.memory_space<hbm>> -> memref<10000x128xf32, #tpu.memory_space<hbm>>
      tpu.enqueue_indirect_dma source(%dma_start3A_92 : memref<10000x128xf32, #tpu.memory_space<hbm>>) target(%arg9 : memref<128x128xf32, #tpu.memory_space<vmem>>) offsets(%dma_start3A_89 : memref<128xi32, #tpu.memory_space<vmem>>) semaphore(%arg12 : memref<!tpu.dma_semaphore, #tpu.memory_space<semaphore_mem>>)
      %run_scoped3A_93 = arith.constant 1 : i32
      "tpu.region"() ({
        %run_scoped3A_177 = tpu.sem_alloc : memref<!tpu.dma_semaphore, #tpu.memory_space<semaphore_mem>>
        %dma_start3A_178 = arith.constant 0 : i32
        %dma_start3A_179 = tpu.memref_slice %arg8[%run_scoped3A_93, %dma_start3A_178] : memref<8x128xi32, #tpu.memory_space<vmem>> -> memref<1x128xi32, #tpu.memory_space<vmem>>
        %dma_start3A_180 = tpu.memref_squeeze %dma_start3A_179 : memref<1x128xi32, #tpu.memory_space<vmem>> -> memref<128xi32, #tpu.memory_space<vmem>>
        %dma_start3A_181 = arith.constant 0 : i32
        %dma_start3A_182 = arith.constant 0 : i32
        %dma_start3A_183 = tpu.memref_slice %arg11[%dma_start3A_181, %dma_start3A_182] : memref<10112x128xf32, #tpu.memory_space<vmem_shared>> -> memref<10112x128xf32, #tpu.memory_space<vmem_shared>>
        tpu.enqueue_indirect_dma source(%arg10 : memref<128x128xf32, #tpu.memory_space<vmem>>) target(%dma_start3A_183 : memref<10112x128xf32, #tpu.memory_space<vmem_shared>>) offsets(%dma_start3A_180 : memref<128xi32, #tpu.memory_space<vmem>>) semaphore(%run_scoped3A_177 : memref<!tpu.dma_semaphore, #tpu.memory_space<semaphore_mem>>) {add = true}
        %dma_wait3A_184 = arith.constant 0 : i32
        %dma_wait3A_185 = tpu.memref_slice %arg8[%run_scoped3A_93, %dma_wait3A_184] : memref<8x128xi32, #tpu.memory_space<vmem>> -> memref<1x128xi32, #tpu.memory_space<vmem>>
        %dma_wait3A_186 = tpu.memref_squeeze %dma_wait3A_185 : memref<1x128xi32, #tpu.memory_space<vmem>> -> memref<128xi32, #tpu.memory_space<vmem>>
        %dma_wait3A_187 = arith.constant 0 : i32
        %dma_wait3A_188 = arith.constant 0 : i32
        %dma_wait3A_189 = tpu.memref_slice %arg11[%dma_wait3A_187, %dma_wait3A_188] : memref<10112x128xf32, #tpu.memory_space<vmem_shared>> -> memref<10112x128xf32, #tpu.memory_space<vmem_shared>>
        tpu.wait_indirect_dma semaphore(%run_scoped3A_177 : memref<!tpu.dma_semaphore, #tpu.memory_space<semaphore_mem>>) src(%arg10 : memref<128x128xf32, #tpu.memory_space<vmem>>) dst(%dma_wait3A_189 : memref<10112x128xf32, #tpu.memory_space<vmem_shared>>)
        tpu.yield
      }) : () -> ()
      %dma_wait3A_94 = arith.constant 2 : i32
      %dma_wait3A_95 = arith.constant 0 : i32
      %dma_wait3A_96 = tpu.memref_slice %arg7[%dma_wait3A_94, %dma_wait3A_95] : memref<8x128xi32, #tpu.memory_space<vmem>> -> memref<1x128xi32, #tpu.memory_space<vmem>>
      %dma_wait3A_97 = tpu.memref_squeeze %dma_wait3A_96 : memref<1x128xi32, #tpu.memory_space<vmem>> -> memref<128xi32, #tpu.memory_space<vmem>>
      %dma_wait3A_98 = arith.constant 0 : i32
      %dma_wait3A_99 = arith.constant 0 : i32
      %dma_wait3A_100 = tpu.memref_slice %arg2[%dma_wait3A_98, %dma_wait3A_99] : memref<10000x128xf32, #tpu.memory_space<hbm>> -> memref<10000x128xf32, #tpu.memory_space<hbm>>
      tpu.wait_indirect_dma semaphore(%arg12 : memref<!tpu.dma_semaphore, #tpu.memory_space<semaphore_mem>>) src(%dma_wait3A_100 : memref<10000x128xf32, #tpu.memory_space<hbm>>) dst(%arg9 : memref<128x128xf32, #tpu.memory_space<vmem>>)
      %dma_start3A_101 = arith.constant 3 : i32
      %dma_start3A_102 = arith.constant 0 : i32
      %dma_start3A_103 = tpu.memref_slice %arg7[%dma_start3A_101, %dma_start3A_102] : memref<8x128xi32, #tpu.memory_space<vmem>> -> memref<1x128xi32, #tpu.memory_space<vmem>>
      %dma_start3A_104 = tpu.memref_squeeze %dma_start3A_103 : memref<1x128xi32, #tpu.memory_space<vmem>> -> memref<128xi32, #tpu.memory_space<vmem>>
      %dma_start3A_105 = arith.constant 0 : i32
      %dma_start3A_106 = arith.constant 0 : i32
      %dma_start3A_107 = tpu.memref_slice %arg2[%dma_start3A_105, %dma_start3A_106] : memref<10000x128xf32, #tpu.memory_space<hbm>> -> memref<10000x128xf32, #tpu.memory_space<hbm>>
      tpu.enqueue_indirect_dma source(%dma_start3A_107 : memref<10000x128xf32, #tpu.memory_space<hbm>>) target(%arg10 : memref<128x128xf32, #tpu.memory_space<vmem>>) offsets(%dma_start3A_104 : memref<128xi32, #tpu.memory_space<vmem>>) semaphore(%arg13 : memref<!tpu.dma_semaphore, #tpu.memory_space<semaphore_mem>>)
      %run_scoped3A_108 = arith.constant 2 : i32
      "tpu.region"() ({
        %run_scoped3A_177 = tpu.sem_alloc : memref<!tpu.dma_semaphore, #tpu.memory_space<semaphore_mem>>
        %dma_start3A_178 = arith.constant 0 : i32
        %dma_start3A_179 = tpu.memref_slice %arg8[%run_scoped3A_108, %dma_start3A_178] : memref<8x128xi32, #tpu.memory_space<vmem>> -> memref<1x128xi32, #tpu.memory_space<vmem>>
        %dma_start3A_180 = tpu.memref_squeeze %dma_start3A_179 : memref<1x128xi32, #tpu.memory_space<vmem>> -> memref<128xi32, #tpu.memory_space<vmem>>
        %dma_start3A_181 = arith.constant 0 : i32
        %dma_start3A_182 = arith.constant 0 : i32
        %dma_start3A_183 = tpu.memref_slice %arg11[%dma_start3A_181, %dma_start3A_182] : memref<10112x128xf32, #tpu.memory_space<vmem_shared>> -> memref<10112x128xf32, #tpu.memory_space<vmem_shared>>
        tpu.enqueue_indirect_dma source(%arg9 : memref<128x128xf32, #tpu.memory_space<vmem>>) target(%dma_start3A_183 : memref<10112x128xf32, #tpu.memory_space<vmem_shared>>) offsets(%dma_start3A_180 : memref<128xi32, #tpu.memory_space<vmem>>) semaphore(%run_scoped3A_177 : memref<!tpu.dma_semaphore, #tpu.memory_space<semaphore_mem>>) {add = true}
        %dma_wait3A_184 = arith.constant 0 : i32
        %dma_wait3A_185 = tpu.memref_slice %arg8[%run_scoped3A_108, %dma_wait3A_184] : memref<8x128xi32, #tpu.memory_space<vmem>> -> memref<1x128xi32, #tpu.memory_space<vmem>>
        %dma_wait3A_186 = tpu.memref_squeeze %dma_wait3A_185 : memref<1x128xi32, #tpu.memory_space<vmem>> -> memref<128xi32, #tpu.memory_space<vmem>>
        %dma_wait3A_187 = arith.constant 0 : i32
        %dma_wait3A_188 = arith.constant 0 : i32
        %dma_wait3A_189 = tpu.memref_slice %arg11[%dma_wait3A_187, %dma_wait3A_188] : memref<10112x128xf32, #tpu.memory_space<vmem_shared>> -> memref<10112x128xf32, #tpu.memory_space<vmem_shared>>
        tpu.wait_indirect_dma semaphore(%run_scoped3A_177 : memref<!tpu.dma_semaphore, #tpu.memory_space<semaphore_mem>>) src(%arg9 : memref<128x128xf32, #tpu.memory_space<vmem>>) dst(%dma_wait3A_189 : memref<10112x128xf32, #tpu.memory_space<vmem_shared>>)
        tpu.yield
      }) : () -> ()
      %dma_wait3A_109 = arith.constant 3 : i32
      %dma_wait3A_110 = arith.constant 0 : i32
      %dma_wait3A_111 = tpu.memref_slice %arg7[%dma_wait3A_109, %dma_wait3A_110] : memref<8x128xi32, #tpu.memory_space<vmem>> -> memref<1x128xi32, #tpu.memory_space<vmem>>
      %dma_wait3A_112 = tpu.memref_squeeze %dma_wait3A_111 : memref<1x128xi32, #tpu.memory_space<vmem>> -> memref<128xi32, #tpu.memory_space<vmem>>
      %dma_wait3A_113 = arith.constant 0 : i32
      %dma_wait3A_114 = arith.constant 0 : i32
      %dma_wait3A_115 = tpu.memref_slice %arg2[%dma_wait3A_113, %dma_wait3A_114] : memref<10000x128xf32, #tpu.memory_space<hbm>> -> memref<10000x128xf32, #tpu.memory_space<hbm>>
      tpu.wait_indirect_dma semaphore(%arg13 : memref<!tpu.dma_semaphore, #tpu.memory_space<semaphore_mem>>) src(%dma_wait3A_115 : memref<10000x128xf32, #tpu.memory_space<hbm>>) dst(%arg10 : memref<128x128xf32, #tpu.memory_space<vmem>>)
      %dma_start3A_116 = arith.constant 4 : i32
      %dma_start3A_117 = arith.constant 0 : i32
      %dma_start3A_118 = tpu.memref_slice %arg7[%dma_start3A_116, %dma_start3A_117] : memref<8x128xi32, #tpu.memory_space<vmem>> -> memref<1x128xi32, #tpu.memory_space<vmem>>
      %dma_start3A_119 = tpu.memref_squeeze %dma_start3A_118 : memref<1x128xi32, #tpu.memory_space<vmem>> -> memref<128xi32, #tpu.memory_space<vmem>>
      %dma_start3A_120 = arith.constant 0 : i32
      %dma_start3A_121 = arith.constant 0 : i32
      %dma_start3A_122 = tpu.memref_slice %arg2[%dma_start3A_120, %dma_start3A_121] : memref<10000x128xf32, #tpu.memory_space<hbm>> -> memref<10000x128xf32, #tpu.memory_space<hbm>>
      tpu.enqueue_indirect_dma source(%dma_start3A_122 : memref<10000x128xf32, #tpu.memory_space<hbm>>) target(%arg9 : memref<128x128xf32, #tpu.memory_space<vmem>>) offsets(%dma_start3A_119 : memref<128xi32, #tpu.memory_space<vmem>>) semaphore(%arg12 : memref<!tpu.dma_semaphore, #tpu.memory_space<semaphore_mem>>)
      %run_scoped3A_123 = arith.constant 3 : i32
      "tpu.region"() ({
        %run_scoped3A_177 = tpu.sem_alloc : memref<!tpu.dma_semaphore, #tpu.memory_space<semaphore_mem>>
        %dma_start3A_178 = arith.constant 0 : i32
        %dma_start3A_179 = tpu.memref_slice %arg8[%run_scoped3A_123, %dma_start3A_178] : memref<8x128xi32, #tpu.memory_space<vmem>> -> memref<1x128xi32, #tpu.memory_space<vmem>>
        %dma_start3A_180 = tpu.memref_squeeze %dma_start3A_179 : memref<1x128xi32, #tpu.memory_space<vmem>> -> memref<128xi32, #tpu.memory_space<vmem>>
        %dma_start3A_181 = arith.constant 0 : i32
        %dma_start3A_182 = arith.constant 0 : i32
        %dma_start3A_183 = tpu.memref_slice %arg11[%dma_start3A_181, %dma_start3A_182] : memref<10112x128xf32, #tpu.memory_space<vmem_shared>> -> memref<10112x128xf32, #tpu.memory_space<vmem_shared>>
        tpu.enqueue_indirect_dma source(%arg10 : memref<128x128xf32, #tpu.memory_space<vmem>>) target(%dma_start3A_183 : memref<10112x128xf32, #tpu.memory_space<vmem_shared>>) offsets(%dma_start3A_180 : memref<128xi32, #tpu.memory_space<vmem>>) semaphore(%run_scoped3A_177 : memref<!tpu.dma_semaphore, #tpu.memory_space<semaphore_mem>>) {add = true}
        %dma_wait3A_184 = arith.constant 0 : i32
        %dma_wait3A_185 = tpu.memref_slice %arg8[%run_scoped3A_123, %dma_wait3A_184] : memref<8x128xi32, #tpu.memory_space<vmem>> -> memref<1x128xi32, #tpu.memory_space<vmem>>
        %dma_wait3A_186 = tpu.memref_squeeze %dma_wait3A_185 : memref<1x128xi32, #tpu.memory_space<vmem>> -> memref<128xi32, #tpu.memory_space<vmem>>
        %dma_wait3A_187 = arith.constant 0 : i32
        %dma_wait3A_188 = arith.constant 0 : i32
        %dma_wait3A_189 = tpu.memref_slice %arg11[%dma_wait3A_187, %dma_wait3A_188] : memref<10112x128xf32, #tpu.memory_space<vmem_shared>> -> memref<10112x128xf32, #tpu.memory_space<vmem_shared>>
        tpu.wait_indirect_dma semaphore(%run_scoped3A_177 : memref<!tpu.dma_semaphore, #tpu.memory_space<semaphore_mem>>) src(%arg10 : memref<128x128xf32, #tpu.memory_space<vmem>>) dst(%dma_wait3A_189 : memref<10112x128xf32, #tpu.memory_space<vmem_shared>>)
        tpu.yield
      }) : () -> ()
      %dma_wait3A_124 = arith.constant 4 : i32
      %dma_wait3A_125 = arith.constant 0 : i32
      %dma_wait3A_126 = tpu.memref_slice %arg7[%dma_wait3A_124, %dma_wait3A_125] : memref<8x128xi32, #tpu.memory_space<vmem>> -> memref<1x128xi32, #tpu.memory_space<vmem>>
      %dma_wait3A_127 = tpu.memref_squeeze %dma_wait3A_126 : memref<1x128xi32, #tpu.memory_space<vmem>> -> memref<128xi32, #tpu.memory_space<vmem>>
      %dma_wait3A_128 = arith.constant 0 : i32
      %dma_wait3A_129 = arith.constant 0 : i32
      %dma_wait3A_130 = tpu.memref_slice %arg2[%dma_wait3A_128, %dma_wait3A_129] : memref<10000x128xf32, #tpu.memory_space<hbm>> -> memref<10000x128xf32, #tpu.memory_space<hbm>>
      tpu.wait_indirect_dma semaphore(%arg12 : memref<!tpu.dma_semaphore, #tpu.memory_space<semaphore_mem>>) src(%dma_wait3A_130 : memref<10000x128xf32, #tpu.memory_space<hbm>>) dst(%arg9 : memref<128x128xf32, #tpu.memory_space<vmem>>)
      %dma_start3A_131 = arith.constant 5 : i32
      %dma_start3A_132 = arith.constant 0 : i32
      %dma_start3A_133 = tpu.memref_slice %arg7[%dma_start3A_131, %dma_start3A_132] : memref<8x128xi32, #tpu.memory_space<vmem>> -> memref<1x128xi32, #tpu.memory_space<vmem>>
      %dma_start3A_134 = tpu.memref_squeeze %dma_start3A_133 : memref<1x128xi32, #tpu.memory_space<vmem>> -> memref<128xi32, #tpu.memory_space<vmem>>
      %dma_start3A_135 = arith.constant 0 : i32
      %dma_start3A_136 = arith.constant 0 : i32
      %dma_start3A_137 = tpu.memref_slice %arg2[%dma_start3A_135, %dma_start3A_136] : memref<10000x128xf32, #tpu.memory_space<hbm>> -> memref<10000x128xf32, #tpu.memory_space<hbm>>
      tpu.enqueue_indirect_dma source(%dma_start3A_137 : memref<10000x128xf32, #tpu.memory_space<hbm>>) target(%arg10 : memref<128x128xf32, #tpu.memory_space<vmem>>) offsets(%dma_start3A_134 : memref<128xi32, #tpu.memory_space<vmem>>) semaphore(%arg13 : memref<!tpu.dma_semaphore, #tpu.memory_space<semaphore_mem>>)
      %run_scoped3A_138 = arith.constant 4 : i32
      "tpu.region"() ({
        %run_scoped3A_177 = tpu.sem_alloc : memref<!tpu.dma_semaphore, #tpu.memory_space<semaphore_mem>>
        %dma_start3A_178 = arith.constant 0 : i32
        %dma_start3A_179 = tpu.memref_slice %arg8[%run_scoped3A_138, %dma_start3A_178] : memref<8x128xi32, #tpu.memory_space<vmem>> -> memref<1x128xi32, #tpu.memory_space<vmem>>
        %dma_start3A_180 = tpu.memref_squeeze %dma_start3A_179 : memref<1x128xi32, #tpu.memory_space<vmem>> -> memref<128xi32, #tpu.memory_space<vmem>>
        %dma_start3A_181 = arith.constant 0 : i32
        %dma_start3A_182 = arith.constant 0 : i32
        %dma_start3A_183 = tpu.memref_slice %arg11[%dma_start3A_181, %dma_start3A_182] : memref<10112x128xf32, #tpu.memory_space<vmem_shared>> -> memref<10112x128xf32, #tpu.memory_space<vmem_shared>>
        tpu.enqueue_indirect_dma source(%arg9 : memref<128x128xf32, #tpu.memory_space<vmem>>) target(%dma_start3A_183 : memref<10112x128xf32, #tpu.memory_space<vmem_shared>>) offsets(%dma_start3A_180 : memref<128xi32, #tpu.memory_space<vmem>>) semaphore(%run_scoped3A_177 : memref<!tpu.dma_semaphore, #tpu.memory_space<semaphore_mem>>) {add = true}
        %dma_wait3A_184 = arith.constant 0 : i32
        %dma_wait3A_185 = tpu.memref_slice %arg8[%run_scoped3A_138, %dma_wait3A_184] : memref<8x128xi32, #tpu.memory_space<vmem>> -> memref<1x128xi32, #tpu.memory_space<vmem>>
        %dma_wait3A_186 = tpu.memref_squeeze %dma_wait3A_185 : memref<1x128xi32, #tpu.memory_space<vmem>> -> memref<128xi32, #tpu.memory_space<vmem>>
        %dma_wait3A_187 = arith.constant 0 : i32
        %dma_wait3A_188 = arith.constant 0 : i32
        %dma_wait3A_189 = tpu.memref_slice %arg11[%dma_wait3A_187, %dma_wait3A_188] : memref<10112x128xf32, #tpu.memory_space<vmem_shared>> -> memref<10112x128xf32, #tpu.memory_space<vmem_shared>>
        tpu.wait_indirect_dma semaphore(%run_scoped3A_177 : memref<!tpu.dma_semaphore, #tpu.memory_space<semaphore_mem>>) src(%arg9 : memref<128x128xf32, #tpu.memory_space<vmem>>) dst(%dma_wait3A_189 : memref<10112x128xf32, #tpu.memory_space<vmem_shared>>)
        tpu.yield
      }) : () -> ()
      %dma_wait3A_139 = arith.constant 5 : i32
      %dma_wait3A_140 = arith.constant 0 : i32
      %dma_wait3A_141 = tpu.memref_slice %arg7[%dma_wait3A_139, %dma_wait3A_140] : memref<8x128xi32, #tpu.memory_space<vmem>> -> memref<1x128xi32, #tpu.memory_space<vmem>>
      %dma_wait3A_142 = tpu.memref_squeeze %dma_wait3A_141 : memref<1x128xi32, #tpu.memory_space<vmem>> -> memref<128xi32, #tpu.memory_space<vmem>>
      %dma_wait3A_143 = arith.constant 0 : i32
      %dma_wait3A_144 = arith.constant 0 : i32
      %dma_wait3A_145 = tpu.memref_slice %arg2[%dma_wait3A_143, %dma_wait3A_144] : memref<10000x128xf32, #tpu.memory_space<hbm>> -> memref<10000x128xf32, #tpu.memory_space<hbm>>
      tpu.wait_indirect_dma semaphore(%arg13 : memref<!tpu.dma_semaphore, #tpu.memory_space<semaphore_mem>>) src(%dma_wait3A_145 : memref<10000x128xf32, #tpu.memory_space<hbm>>) dst(%arg10 : memref<128x128xf32, #tpu.memory_space<vmem>>)
      %dma_start3A_146 = arith.constant 6 : i32
      %dma_start3A_147 = arith.constant 0 : i32
      %dma_start3A_148 = tpu.memref_slice %arg7[%dma_start3A_146, %dma_start3A_147] : memref<8x128xi32, #tpu.memory_space<vmem>> -> memref<1x128xi32, #tpu.memory_space<vmem>>
      %dma_start3A_149 = tpu.memref_squeeze %dma_start3A_148 : memref<1x128xi32, #tpu.memory_space<vmem>> -> memref<128xi32, #tpu.memory_space<vmem>>
      %dma_start3A_150 = arith.constant 0 : i32
      %dma_start3A_151 = arith.constant 0 : i32
      %dma_start3A_152 = tpu.memref_slice %arg2[%dma_start3A_150, %dma_start3A_151] : memref<10000x128xf32, #tpu.memory_space<hbm>> -> memref<10000x128xf32, #tpu.memory_space<hbm>>
      tpu.enqueue_indirect_dma source(%dma_start3A_152 : memref<10000x128xf32, #tpu.memory_space<hbm>>) target(%arg9 : memref<128x128xf32, #tpu.memory_space<vmem>>) offsets(%dma_start3A_149 : memref<128xi32, #tpu.memory_space<vmem>>) semaphore(%arg12 : memref<!tpu.dma_semaphore, #tpu.memory_space<semaphore_mem>>)
      %run_scoped3A_153 = arith.constant 5 : i32
      "tpu.region"() ({
        %run_scoped3A_177 = tpu.sem_alloc : memref<!tpu.dma_semaphore, #tpu.memory_space<semaphore_mem>>
        %dma_start3A_178 = arith.constant 0 : i32
        %dma_start3A_179 = tpu.memref_slice %arg8[%run_scoped3A_153, %dma_start3A_178] : memref<8x128xi32, #tpu.memory_space<vmem>> -> memref<1x128xi32, #tpu.memory_space<vmem>>
        %dma_start3A_180 = tpu.memref_squeeze %dma_start3A_179 : memref<1x128xi32, #tpu.memory_space<vmem>> -> memref<128xi32, #tpu.memory_space<vmem>>
        %dma_start3A_181 = arith.constant 0 : i32
        %dma_start3A_182 = arith.constant 0 : i32
        %dma_start3A_183 = tpu.memref_slice %arg11[%dma_start3A_181, %dma_start3A_182] : memref<10112x128xf32, #tpu.memory_space<vmem_shared>> -> memref<10112x128xf32, #tpu.memory_space<vmem_shared>>
        tpu.enqueue_indirect_dma source(%arg10 : memref<128x128xf32, #tpu.memory_space<vmem>>) target(%dma_start3A_183 : memref<10112x128xf32, #tpu.memory_space<vmem_shared>>) offsets(%dma_start3A_180 : memref<128xi32, #tpu.memory_space<vmem>>) semaphore(%run_scoped3A_177 : memref<!tpu.dma_semaphore, #tpu.memory_space<semaphore_mem>>) {add = true}
        %dma_wait3A_184 = arith.constant 0 : i32
        %dma_wait3A_185 = tpu.memref_slice %arg8[%run_scoped3A_153, %dma_wait3A_184] : memref<8x128xi32, #tpu.memory_space<vmem>> -> memref<1x128xi32, #tpu.memory_space<vmem>>
        %dma_wait3A_186 = tpu.memref_squeeze %dma_wait3A_185 : memref<1x128xi32, #tpu.memory_space<vmem>> -> memref<128xi32, #tpu.memory_space<vmem>>
        %dma_wait3A_187 = arith.constant 0 : i32
        %dma_wait3A_188 = arith.constant 0 : i32
        %dma_wait3A_189 = tpu.memref_slice %arg11[%dma_wait3A_187, %dma_wait3A_188] : memref<10112x128xf32, #tpu.memory_space<vmem_shared>> -> memref<10112x128xf32, #tpu.memory_space<vmem_shared>>
        tpu.wait_indirect_dma semaphore(%run_scoped3A_177 : memref<!tpu.dma_semaphore, #tpu.memory_space<semaphore_mem>>) src(%arg10 : memref<128x128xf32, #tpu.memory_space<vmem>>) dst(%dma_wait3A_189 : memref<10112x128xf32, #tpu.memory_space<vmem_shared>>)
        tpu.yield
      }) : () -> ()
      %dma_wait3A_154 = arith.constant 6 : i32
      %dma_wait3A_155 = arith.constant 0 : i32
      %dma_wait3A_156 = tpu.memref_slice %arg7[%dma_wait3A_154, %dma_wait3A_155] : memref<8x128xi32, #tpu.memory_space<vmem>> -> memref<1x128xi32, #tpu.memory_space<vmem>>
      %dma_wait3A_157 = tpu.memref_squeeze %dma_wait3A_156 : memref<1x128xi32, #tpu.memory_space<vmem>> -> memref<128xi32, #tpu.memory_space<vmem>>
      %dma_wait3A_158 = arith.constant 0 : i32
      %dma_wait3A_159 = arith.constant 0 : i32
      %dma_wait3A_160 = tpu.memref_slice %arg2[%dma_wait3A_158, %dma_wait3A_159] : memref<10000x128xf32, #tpu.memory_space<hbm>> -> memref<10000x128xf32, #tpu.memory_space<hbm>>
      tpu.wait_indirect_dma semaphore(%arg12 : memref<!tpu.dma_semaphore, #tpu.memory_space<semaphore_mem>>) src(%dma_wait3A_160 : memref<10000x128xf32, #tpu.memory_space<hbm>>) dst(%arg9 : memref<128x128xf32, #tpu.memory_space<vmem>>)
      %dma_start3A_161 = arith.constant 7 : i32
      %dma_start3A_162 = arith.constant 0 : i32
      %dma_start3A_163 = tpu.memref_slice %arg7[%dma_start3A_161, %dma_start3A_162] : memref<8x128xi32, #tpu.memory_space<vmem>> -> memref<1x128xi32, #tpu.memory_space<vmem>>
      %dma_start3A_164 = tpu.memref_squeeze %dma_start3A_163 : memref<1x128xi32, #tpu.memory_space<vmem>> -> memref<128xi32, #tpu.memory_space<vmem>>
      %dma_start3A_165 = arith.constant 0 : i32
      %dma_start3A_166 = arith.constant 0 : i32
      %dma_start3A_167 = tpu.memref_slice %arg2[%dma_start3A_165, %dma_start3A_166] : memref<10000x128xf32, #tpu.memory_space<hbm>> -> memref<10000x128xf32, #tpu.memory_space<hbm>>
      tpu.enqueue_indirect_dma source(%dma_start3A_167 : memref<10000x128xf32, #tpu.memory_space<hbm>>) target(%arg10 : memref<128x128xf32, #tpu.memory_space<vmem>>) offsets(%dma_start3A_164 : memref<128xi32, #tpu.memory_space<vmem>>) semaphore(%arg13 : memref<!tpu.dma_semaphore, #tpu.memory_space<semaphore_mem>>)
      %run_scoped3A_168 = arith.constant 6 : i32
      "tpu.region"() ({
        %run_scoped3A_177 = tpu.sem_alloc : memref<!tpu.dma_semaphore, #tpu.memory_space<semaphore_mem>>
        %dma_start3A_178 = arith.constant 0 : i32
        %dma_start3A_179 = tpu.memref_slice %arg8[%run_scoped3A_168, %dma_start3A_178] : memref<8x128xi32, #tpu.memory_space<vmem>> -> memref<1x128xi32, #tpu.memory_space<vmem>>
        %dma_start3A_180 = tpu.memref_squeeze %dma_start3A_179 : memref<1x128xi32, #tpu.memory_space<vmem>> -> memref<128xi32, #tpu.memory_space<vmem>>
        %dma_start3A_181 = arith.constant 0 : i32
        %dma_start3A_182 = arith.constant 0 : i32
        %dma_start3A_183 = tpu.memref_slice %arg11[%dma_start3A_181, %dma_start3A_182] : memref<10112x128xf32, #tpu.memory_space<vmem_shared>> -> memref<10112x128xf32, #tpu.memory_space<vmem_shared>>
        tpu.enqueue_indirect_dma source(%arg9 : memref<128x128xf32, #tpu.memory_space<vmem>>) target(%dma_start3A_183 : memref<10112x128xf32, #tpu.memory_space<vmem_shared>>) offsets(%dma_start3A_180 : memref<128xi32, #tpu.memory_space<vmem>>) semaphore(%run_scoped3A_177 : memref<!tpu.dma_semaphore, #tpu.memory_space<semaphore_mem>>) {add = true}
        %dma_wait3A_184 = arith.constant 0 : i32
        %dma_wait3A_185 = tpu.memref_slice %arg8[%run_scoped3A_168, %dma_wait3A_184] : memref<8x128xi32, #tpu.memory_space<vmem>> -> memref<1x128xi32, #tpu.memory_space<vmem>>
        %dma_wait3A_186 = tpu.memref_squeeze %dma_wait3A_185 : memref<1x128xi32, #tpu.memory_space<vmem>> -> memref<128xi32, #tpu.memory_space<vmem>>
        %dma_wait3A_187 = arith.constant 0 : i32
        %dma_wait3A_188 = arith.constant 0 : i32
        %dma_wait3A_189 = tpu.memref_slice %arg11[%dma_wait3A_187, %dma_wait3A_188] : memref<10112x128xf32, #tpu.memory_space<vmem_shared>> -> memref<10112x128xf32, #tpu.memory_space<vmem_shared>>
        tpu.wait_indirect_dma semaphore(%run_scoped3A_177 : memref<!tpu.dma_semaphore, #tpu.memory_space<semaphore_mem>>) src(%arg9 : memref<128x128xf32, #tpu.memory_space<vmem>>) dst(%dma_wait3A_189 : memref<10112x128xf32, #tpu.memory_space<vmem_shared>>)
        tpu.yield
      }) : () -> ()
      %dma_wait3A_169 = arith.constant 7 : i32
      %dma_wait3A_170 = arith.constant 0 : i32
      %dma_wait3A_171 = tpu.memref_slice %arg7[%dma_wait3A_169, %dma_wait3A_170] : memref<8x128xi32, #tpu.memory_space<vmem>> -> memref<1x128xi32, #tpu.memory_space<vmem>>
      %dma_wait3A_172 = tpu.memref_squeeze %dma_wait3A_171 : memref<1x128xi32, #tpu.memory_space<vmem>> -> memref<128xi32, #tpu.memory_space<vmem>>
      %dma_wait3A_173 = arith.constant 0 : i32
      %dma_wait3A_174 = arith.constant 0 : i32
      %dma_wait3A_175 = tpu.memref_slice %arg2[%dma_wait3A_173, %dma_wait3A_174] : memref<10000x128xf32, #tpu.memory_space<hbm>> -> memref<10000x128xf32, #tpu.memory_space<hbm>>
      tpu.wait_indirect_dma semaphore(%arg13 : memref<!tpu.dma_semaphore, #tpu.memory_space<semaphore_mem>>) src(%dma_wait3A_175 : memref<10000x128xf32, #tpu.memory_space<hbm>>) dst(%arg10 : memref<128x128xf32, #tpu.memory_space<vmem>>)
      %run_scoped3A_176 = arith.constant 7 : i32
      "tpu.region"() ({
        %run_scoped3A_177 = tpu.sem_alloc : memref<!tpu.dma_semaphore, #tpu.memory_space<semaphore_mem>>
        %dma_start3A_178 = arith.constant 0 : i32
        %dma_start3A_179 = tpu.memref_slice %arg8[%run_scoped3A_176, %dma_start3A_178] : memref<8x128xi32, #tpu.memory_space<vmem>> -> memref<1x128xi32, #tpu.memory_space<vmem>>
        %dma_start3A_180 = tpu.memref_squeeze %dma_start3A_179 : memref<1x128xi32, #tpu.memory_space<vmem>> -> memref<128xi32, #tpu.memory_space<vmem>>
        %dma_start3A_181 = arith.constant 0 : i32
        %dma_start3A_182 = arith.constant 0 : i32
        %dma_start3A_183 = tpu.memref_slice %arg11[%dma_start3A_181, %dma_start3A_182] : memref<10112x128xf32, #tpu.memory_space<vmem_shared>> -> memref<10112x128xf32, #tpu.memory_space<vmem_shared>>
        tpu.enqueue_indirect_dma source(%arg10 : memref<128x128xf32, #tpu.memory_space<vmem>>) target(%dma_start3A_183 : memref<10112x128xf32, #tpu.memory_space<vmem_shared>>) offsets(%dma_start3A_180 : memref<128xi32, #tpu.memory_space<vmem>>) semaphore(%run_scoped3A_177 : memref<!tpu.dma_semaphore, #tpu.memory_space<semaphore_mem>>) {add = true}
        %dma_wait3A_184 = arith.constant 0 : i32
        %dma_wait3A_185 = tpu.memref_slice %arg8[%run_scoped3A_176, %dma_wait3A_184] : memref<8x128xi32, #tpu.memory_space<vmem>> -> memref<1x128xi32, #tpu.memory_space<vmem>>
        %dma_wait3A_186 = tpu.memref_squeeze %dma_wait3A_185 : memref<1x128xi32, #tpu.memory_space<vmem>> -> memref<128xi32, #tpu.memory_space<vmem>>
        %dma_wait3A_187 = arith.constant 0 : i32
        %dma_wait3A_188 = arith.constant 0 : i32
        %dma_wait3A_189 = tpu.memref_slice %arg11[%dma_wait3A_187, %dma_wait3A_188] : memref<10112x128xf32, #tpu.memory_space<vmem_shared>> -> memref<10112x128xf32, #tpu.memory_space<vmem_shared>>
        tpu.wait_indirect_dma semaphore(%run_scoped3A_177 : memref<!tpu.dma_semaphore, #tpu.memory_space<semaphore_mem>>) src(%arg10 : memref<128x128xf32, #tpu.memory_space<vmem>>) dst(%dma_wait3A_189 : memref<10112x128xf32, #tpu.memory_space<vmem_shared>>)
        tpu.yield
      }) : () -> ()
    }
    %barrier3A_33 = arith.constant 0 : index
    tpu.barrier barrier_id(%barrier3A_33)
    %mul3A_34 = arith.constant 632 : i32
    %mul3A_35 = arith.muli %add3A, %mul3A_34 : i32
    %add3A_36 = arith.constant 0 : i32
    %add3A_37 = arith.addi %mul3A_2, %add3A_36 : i32
    "tpu.region"() ({
      %run_scoped3A = tpu.sem_alloc : memref<!tpu.dma_semaphore, #tpu.memory_space<semaphore_mem>>
      %dma_start3A = arith.constant 0 : i32
      %dma_start3A_56 = tpu.memref_slice %arg11[%add3A_37, %dma_start3A] : memref<10112x128xf32, #tpu.memory_space<vmem_shared>> -> memref<128x128xf32, #tpu.memory_space<vmem_shared>>
      %dma_start3A_57 = arith.constant 0 : i32
      %dma_start3A_58 = tpu.memref_slice %arg11[%add3A_37, %dma_start3A_57] : memref<10112x128xf32, #tpu.memory_space<vmem_shared>> -> memref<128x128xf32, #tpu.memory_space<vmem_shared>>
      tpu.enqueue_dma source(%dma_start3A_58 : memref<128x128xf32, #tpu.memory_space<vmem_shared>>) target(%arg9 : memref<128x128xf32, #tpu.memory_space<vmem>>) target_semaphore(%run_scoped3A : memref<!tpu.dma_semaphore, #tpu.memory_space<semaphore_mem>>)
      %dma_wait3A = arith.constant 0 : i32
      %dma_wait3A_59 = tpu.memref_slice %arg11[%add3A_37, %dma_wait3A] : memref<10112x128xf32, #tpu.memory_space<vmem_shared>> -> memref<128x128xf32, #tpu.memory_space<vmem_shared>>
      %dma_wait3A_60 = arith.constant 0 : i32
      %dma_wait3A_61 = tpu.memref_slice %arg11[%add3A_37, %dma_wait3A_60] : memref<10112x128xf32, #tpu.memory_space<vmem_shared>> -> memref<128x128xf32, #tpu.memory_space<vmem_shared>>
      tpu.wait_dma2 semaphore(%run_scoped3A : memref<!tpu.dma_semaphore, #tpu.memory_space<semaphore_mem>>) src(%dma_wait3A_61 : memref<128x128xf32, #tpu.memory_space<vmem_shared>>) dst(%arg9 : memref<128x128xf32, #tpu.memory_space<vmem>>)
      tpu.yield
    }) : () -> ()
    %add3A_38 = arith.constant 0 : i32
    %add3A_39 = arith.addi %mul3A_35, %add3A_38 : i32
    "tpu.region"() ({
      %run_scoped3A = tpu.sem_alloc : memref<!tpu.dma_semaphore, #tpu.memory_space<semaphore_mem>>
      %dma_start3A = arith.constant 0 : i32
      %dma_start3A_56 = tpu.memref_slice %arg6[%add3A_39, %dma_start3A] : memref<20224x128xf32, #tpu.memory_space<hbm>> -> memref<128x128xf32, #tpu.memory_space<hbm>>
      %dma_start3A_57 = arith.constant 0 : i32
      %dma_start3A_58 = tpu.memref_slice %arg6[%add3A_39, %dma_start3A_57] : memref<20224x128xf32, #tpu.memory_space<hbm>> -> memref<128x128xf32, #tpu.memory_space<hbm>>
      tpu.enqueue_dma source(%arg9 : memref<128x128xf32, #tpu.memory_space<vmem>>) target(%dma_start3A_58 : memref<128x128xf32, #tpu.memory_space<hbm>>) target_semaphore(%run_scoped3A : memref<!tpu.dma_semaphore, #tpu.memory_space<semaphore_mem>>)
      %dma_wait3A = arith.constant 0 : i32
      %dma_wait3A_59 = tpu.memref_slice %arg6[%add3A_39, %dma_wait3A] : memref<20224x128xf32, #tpu.memory_space<hbm>> -> memref<128x128xf32, #tpu.memory_space<hbm>>
      %dma_wait3A_60 = arith.constant 0 : i32
      %dma_wait3A_61 = tpu.memref_slice %arg6[%add3A_39, %dma_wait3A_60] : memref<20224x128xf32, #tpu.memory_space<hbm>> -> memref<128x128xf32, #tpu.memory_space<hbm>>
      tpu.wait_dma2 semaphore(%run_scoped3A : memref<!tpu.dma_semaphore, #tpu.memory_space<semaphore_mem>>) src(%arg9 : memref<128x128xf32, #tpu.memory_space<vmem>>) dst(%dma_wait3A_61 : memref<128x128xf32, #tpu.memory_space<hbm>>)
      tpu.yield
    }) : () -> ()
    %add3A_40 = arith.constant 128 : i32
    %add3A_41 = arith.addi %mul3A_2, %add3A_40 : i32
    "tpu.region"() ({
      %run_scoped3A = tpu.sem_alloc : memref<!tpu.dma_semaphore, #tpu.memory_space<semaphore_mem>>
      %dma_start3A = arith.constant 0 : i32
      %dma_start3A_56 = tpu.memref_slice %arg11[%add3A_41, %dma_start3A] : memref<10112x128xf32, #tpu.memory_space<vmem_shared>> -> memref<128x128xf32, #tpu.memory_space<vmem_shared>>
      %dma_start3A_57 = arith.constant 0 : i32
      %dma_start3A_58 = tpu.memref_slice %arg11[%add3A_41, %dma_start3A_57] : memref<10112x128xf32, #tpu.memory_space<vmem_shared>> -> memref<128x128xf32, #tpu.memory_space<vmem_shared>>
      tpu.enqueue_dma source(%dma_start3A_58 : memref<128x128xf32, #tpu.memory_space<vmem_shared>>) target(%arg9 : memref<128x128xf32, #tpu.memory_space<vmem>>) target_semaphore(%run_scoped3A : memref<!tpu.dma_semaphore, #tpu.memory_space<semaphore_mem>>)
      %dma_wait3A = arith.constant 0 : i32
      %dma_wait3A_59 = tpu.memref_slice %arg11[%add3A_41, %dma_wait3A] : memref<10112x128xf32, #tpu.memory_space<vmem_shared>> -> memref<128x128xf32, #tpu.memory_space<vmem_shared>>
      %dma_wait3A_60 = arith.constant 0 : i32
      %dma_wait3A_61 = tpu.memref_slice %arg11[%add3A_41, %dma_wait3A_60] : memref<10112x128xf32, #tpu.memory_space<vmem_shared>> -> memref<128x128xf32, #tpu.memory_space<vmem_shared>>
      tpu.wait_dma2 semaphore(%run_scoped3A : memref<!tpu.dma_semaphore, #tpu.memory_space<semaphore_mem>>) src(%dma_wait3A_61 : memref<128x128xf32, #tpu.memory_space<vmem_shared>>) dst(%arg9 : memref<128x128xf32, #tpu.memory_space<vmem>>)
      tpu.yield
    }) : () -> ()
    %add3A_42 = arith.constant 128 : i32
    %add3A_43 = arith.addi %mul3A_35, %add3A_42 : i32
    "tpu.region"() ({
      %run_scoped3A = tpu.sem_alloc : memref<!tpu.dma_semaphore, #tpu.memory_space<semaphore_mem>>
      %dma_start3A = arith.constant 0 : i32
      %dma_start3A_56 = tpu.memref_slice %arg6[%add3A_43, %dma_start3A] : memref<20224x128xf32, #tpu.memory_space<hbm>> -> memref<128x128xf32, #tpu.memory_space<hbm>>
      %dma_start3A_57 = arith.constant 0 : i32
      %dma_start3A_58 = tpu.memref_slice %arg6[%add3A_43, %dma_start3A_57] : memref<20224x128xf32, #tpu.memory_space<hbm>> -> memref<128x128xf32, #tpu.memory_space<hbm>>
      tpu.enqueue_dma source(%arg9 : memref<128x128xf32, #tpu.memory_space<vmem>>) target(%dma_start3A_58 : memref<128x128xf32, #tpu.memory_space<hbm>>) target_semaphore(%run_scoped3A : memref<!tpu.dma_semaphore, #tpu.memory_space<semaphore_mem>>)
      %dma_wait3A = arith.constant 0 : i32
      %dma_wait3A_59 = tpu.memref_slice %arg6[%add3A_43, %dma_wait3A] : memref<20224x128xf32, #tpu.memory_space<hbm>> -> memref<128x128xf32, #tpu.memory_space<hbm>>
      %dma_wait3A_60 = arith.constant 0 : i32
      %dma_wait3A_61 = tpu.memref_slice %arg6[%add3A_43, %dma_wait3A_60] : memref<20224x128xf32, #tpu.memory_space<hbm>> -> memref<128x128xf32, #tpu.memory_space<hbm>>
      tpu.wait_dma2 semaphore(%run_scoped3A : memref<!tpu.dma_semaphore, #tpu.memory_space<semaphore_mem>>) src(%arg9 : memref<128x128xf32, #tpu.memory_space<vmem>>) dst(%dma_wait3A_61 : memref<128x128xf32, #tpu.memory_space<hbm>>)
      tpu.yield
    }) : () -> ()
    %add3A_44 = arith.constant 256 : i32
    %add3A_45 = arith.addi %mul3A_2, %add3A_44 : i32
    "tpu.region"() ({
      %run_scoped3A = tpu.sem_alloc : memref<!tpu.dma_semaphore, #tpu.memory_space<semaphore_mem>>
      %dma_start3A = arith.constant 0 : i32
      %dma_start3A_56 = tpu.memref_slice %arg11[%add3A_45, %dma_start3A] : memref<10112x128xf32, #tpu.memory_space<vmem_shared>> -> memref<128x128xf32, #tpu.memory_space<vmem_shared>>
      %dma_start3A_57 = arith.constant 0 : i32
      %dma_start3A_58 = tpu.memref_slice %arg11[%add3A_45, %dma_start3A_57] : memref<10112x128xf32, #tpu.memory_space<vmem_shared>> -> memref<128x128xf32, #tpu.memory_space<vmem_shared>>
      tpu.enqueue_dma source(%dma_start3A_58 : memref<128x128xf32, #tpu.memory_space<vmem_shared>>) target(%arg9 : memref<128x128xf32, #tpu.memory_space<vmem>>) target_semaphore(%run_scoped3A : memref<!tpu.dma_semaphore, #tpu.memory_space<semaphore_mem>>)
      %dma_wait3A = arith.constant 0 : i32
      %dma_wait3A_59 = tpu.memref_slice %arg11[%add3A_45, %dma_wait3A] : memref<10112x128xf32, #tpu.memory_space<vmem_shared>> -> memref<128x128xf32, #tpu.memory_space<vmem_shared>>
      %dma_wait3A_60 = arith.constant 0 : i32
      %dma_wait3A_61 = tpu.memref_slice %arg11[%add3A_45, %dma_wait3A_60] : memref<10112x128xf32, #tpu.memory_space<vmem_shared>> -> memref<128x128xf32, #tpu.memory_space<vmem_shared>>
      tpu.wait_dma2 semaphore(%run_scoped3A : memref<!tpu.dma_semaphore, #tpu.memory_space<semaphore_mem>>) src(%dma_wait3A_61 : memref<128x128xf32, #tpu.memory_space<vmem_shared>>) dst(%arg9 : memref<128x128xf32, #tpu.memory_space<vmem>>)
      tpu.yield
    }) : () -> ()
    %add3A_46 = arith.constant 256 : i32
    %add3A_47 = arith.addi %mul3A_35, %add3A_46 : i32
    "tpu.region"() ({
      %run_scoped3A = tpu.sem_alloc : memref<!tpu.dma_semaphore, #tpu.memory_space<semaphore_mem>>
      %dma_start3A = arith.constant 0 : i32
      %dma_start3A_56 = tpu.memref_slice %arg6[%add3A_47, %dma_start3A] : memref<20224x128xf32, #tpu.memory_space<hbm>> -> memref<128x128xf32, #tpu.memory_space<hbm>>
      %dma_start3A_57 = arith.constant 0 : i32
      %dma_start3A_58 = tpu.memref_slice %arg6[%add3A_47, %dma_start3A_57] : memref<20224x128xf32, #tpu.memory_space<hbm>> -> memref<128x128xf32, #tpu.memory_space<hbm>>
      tpu.enqueue_dma source(%arg9 : memref<128x128xf32, #tpu.memory_space<vmem>>) target(%dma_start3A_58 : memref<128x128xf32, #tpu.memory_space<hbm>>) target_semaphore(%run_scoped3A : memref<!tpu.dma_semaphore, #tpu.memory_space<semaphore_mem>>)
      %dma_wait3A = arith.constant 0 : i32
      %dma_wait3A_59 = tpu.memref_slice %arg6[%add3A_47, %dma_wait3A] : memref<20224x128xf32, #tpu.memory_space<hbm>> -> memref<128x128xf32, #tpu.memory_space<hbm>>
      %dma_wait3A_60 = arith.constant 0 : i32
      %dma_wait3A_61 = tpu.memref_slice %arg6[%add3A_47, %dma_wait3A_60] : memref<20224x128xf32, #tpu.memory_space<hbm>> -> memref<128x128xf32, #tpu.memory_space<hbm>>
      tpu.wait_dma2 semaphore(%run_scoped3A : memref<!tpu.dma_semaphore, #tpu.memory_space<semaphore_mem>>) src(%arg9 : memref<128x128xf32, #tpu.memory_space<vmem>>) dst(%dma_wait3A_61 : memref<128x128xf32, #tpu.memory_space<hbm>>)
      tpu.yield
    }) : () -> ()
    %add3A_48 = arith.constant 384 : i32
    %add3A_49 = arith.addi %mul3A_2, %add3A_48 : i32
    "tpu.region"() ({
      %run_scoped3A = tpu.sem_alloc : memref<!tpu.dma_semaphore, #tpu.memory_space<semaphore_mem>>
      %dma_start3A = arith.constant 0 : i32
      %dma_start3A_56 = tpu.memref_slice %arg11[%add3A_49, %dma_start3A] : memref<10112x128xf32, #tpu.memory_space<vmem_shared>> -> memref<128x128xf32, #tpu.memory_space<vmem_shared>>
      %dma_start3A_57 = arith.constant 0 : i32
      %dma_start3A_58 = tpu.memref_slice %arg11[%add3A_49, %dma_start3A_57] : memref<10112x128xf32, #tpu.memory_space<vmem_shared>> -> memref<128x128xf32, #tpu.memory_space<vmem_shared>>
      tpu.enqueue_dma source(%dma_start3A_58 : memref<128x128xf32, #tpu.memory_space<vmem_shared>>) target(%arg9 : memref<128x128xf32, #tpu.memory_space<vmem>>) target_semaphore(%run_scoped3A : memref<!tpu.dma_semaphore, #tpu.memory_space<semaphore_mem>>)
      %dma_wait3A = arith.constant 0 : i32
      %dma_wait3A_59 = tpu.memref_slice %arg11[%add3A_49, %dma_wait3A] : memref<10112x128xf32, #tpu.memory_space<vmem_shared>> -> memref<128x128xf32, #tpu.memory_space<vmem_shared>>
      %dma_wait3A_60 = arith.constant 0 : i32
      %dma_wait3A_61 = tpu.memref_slice %arg11[%add3A_49, %dma_wait3A_60] : memref<10112x128xf32, #tpu.memory_space<vmem_shared>> -> memref<128x128xf32, #tpu.memory_space<vmem_shared>>
      tpu.wait_dma2 semaphore(%run_scoped3A : memref<!tpu.dma_semaphore, #tpu.memory_space<semaphore_mem>>) src(%dma_wait3A_61 : memref<128x128xf32, #tpu.memory_space<vmem_shared>>) dst(%arg9 : memref<128x128xf32, #tpu.memory_space<vmem>>)
      tpu.yield
    }) : () -> ()
    %add3A_50 = arith.constant 384 : i32
    %add3A_51 = arith.addi %mul3A_35, %add3A_50 : i32
    "tpu.region"() ({
      %run_scoped3A = tpu.sem_alloc : memref<!tpu.dma_semaphore, #tpu.memory_space<semaphore_mem>>
      %dma_start3A = arith.constant 0 : i32
      %dma_start3A_56 = tpu.memref_slice %arg6[%add3A_51, %dma_start3A] : memref<20224x128xf32, #tpu.memory_space<hbm>> -> memref<128x128xf32, #tpu.memory_space<hbm>>
      %dma_start3A_57 = arith.constant 0 : i32
      %dma_start3A_58 = tpu.memref_slice %arg6[%add3A_51, %dma_start3A_57] : memref<20224x128xf32, #tpu.memory_space<hbm>> -> memref<128x128xf32, #tpu.memory_space<hbm>>
      tpu.enqueue_dma source(%arg9 : memref<128x128xf32, #tpu.memory_space<vmem>>) target(%dma_start3A_58 : memref<128x128xf32, #tpu.memory_space<hbm>>) target_semaphore(%run_scoped3A : memref<!tpu.dma_semaphore, #tpu.memory_space<semaphore_mem>>)
      %dma_wait3A = arith.constant 0 : i32
      %dma_wait3A_59 = tpu.memref_slice %arg6[%add3A_51, %dma_wait3A] : memref<20224x128xf32, #tpu.memory_space<hbm>> -> memref<128x128xf32, #tpu.memory_space<hbm>>
      %dma_wait3A_60 = arith.constant 0 : i32
      %dma_wait3A_61 = tpu.memref_slice %arg6[%add3A_51, %dma_wait3A_60] : memref<20224x128xf32, #tpu.memory_space<hbm>> -> memref<128x128xf32, #tpu.memory_space<hbm>>
      tpu.wait_dma2 semaphore(%run_scoped3A : memref<!tpu.dma_semaphore, #tpu.memory_space<semaphore_mem>>) src(%arg9 : memref<128x128xf32, #tpu.memory_space<vmem>>) dst(%dma_wait3A_61 : memref<128x128xf32, #tpu.memory_space<hbm>>)
      tpu.yield
    }) : () -> ()
    %add3A_52 = arith.constant 504 : i32
    %add3A_53 = arith.addi %mul3A_2, %add3A_52 : i32
    "tpu.region"() ({
      %run_scoped3A = tpu.sem_alloc : memref<!tpu.dma_semaphore, #tpu.memory_space<semaphore_mem>>
      %dma_start3A = arith.constant 0 : i32
      %dma_start3A_56 = tpu.memref_slice %arg11[%add3A_53, %dma_start3A] : memref<10112x128xf32, #tpu.memory_space<vmem_shared>> -> memref<128x128xf32, #tpu.memory_space<vmem_shared>>
      %dma_start3A_57 = arith.constant 0 : i32
      %dma_start3A_58 = tpu.memref_slice %arg11[%add3A_53, %dma_start3A_57] : memref<10112x128xf32, #tpu.memory_space<vmem_shared>> -> memref<128x128xf32, #tpu.memory_space<vmem_shared>>
      tpu.enqueue_dma source(%dma_start3A_58 : memref<128x128xf32, #tpu.memory_space<vmem_shared>>) target(%arg9 : memref<128x128xf32, #tpu.memory_space<vmem>>) target_semaphore(%run_scoped3A : memref<!tpu.dma_semaphore, #tpu.memory_space<semaphore_mem>>)
      %dma_wait3A = arith.constant 0 : i32
      %dma_wait3A_59 = tpu.memref_slice %arg11[%add3A_53, %dma_wait3A] : memref<10112x128xf32, #tpu.memory_space<vmem_shared>> -> memref<128x128xf32, #tpu.memory_space<vmem_shared>>
      %dma_wait3A_60 = arith.constant 0 : i32
      %dma_wait3A_61 = tpu.memref_slice %arg11[%add3A_53, %dma_wait3A_60] : memref<10112x128xf32, #tpu.memory_space<vmem_shared>> -> memref<128x128xf32, #tpu.memory_space<vmem_shared>>
      tpu.wait_dma2 semaphore(%run_scoped3A : memref<!tpu.dma_semaphore, #tpu.memory_space<semaphore_mem>>) src(%dma_wait3A_61 : memref<128x128xf32, #tpu.memory_space<vmem_shared>>) dst(%arg9 : memref<128x128xf32, #tpu.memory_space<vmem>>)
      tpu.yield
    }) : () -> ()
    %add3A_54 = arith.constant 504 : i32
    %add3A_55 = arith.addi %mul3A_35, %add3A_54 : i32
    "tpu.region"() ({
      %run_scoped3A = tpu.sem_alloc : memref<!tpu.dma_semaphore, #tpu.memory_space<semaphore_mem>>
      %dma_start3A = arith.constant 0 : i32
      %dma_start3A_56 = tpu.memref_slice %arg6[%add3A_55, %dma_start3A] : memref<20224x128xf32, #tpu.memory_space<hbm>> -> memref<128x128xf32, #tpu.memory_space<hbm>>
      %dma_start3A_57 = arith.constant 0 : i32
      %dma_start3A_58 = tpu.memref_slice %arg6[%add3A_55, %dma_start3A_57] : memref<20224x128xf32, #tpu.memory_space<hbm>> -> memref<128x128xf32, #tpu.memory_space<hbm>>
      tpu.enqueue_dma source(%arg9 : memref<128x128xf32, #tpu.memory_space<vmem>>) target(%dma_start3A_58 : memref<128x128xf32, #tpu.memory_space<hbm>>) target_semaphore(%run_scoped3A : memref<!tpu.dma_semaphore, #tpu.memory_space<semaphore_mem>>)
      %dma_wait3A = arith.constant 0 : i32
      %dma_wait3A_59 = tpu.memref_slice %arg6[%add3A_55, %dma_wait3A] : memref<20224x128xf32, #tpu.memory_space<hbm>> -> memref<128x128xf32, #tpu.memory_space<hbm>>
      %dma_wait3A_60 = arith.constant 0 : i32
      %dma_wait3A_61 = tpu.memref_slice %arg6[%add3A_55, %dma_wait3A_60] : memref<20224x128xf32, #tpu.memory_space<hbm>> -> memref<128x128xf32, #tpu.memory_space<hbm>>
      tpu.wait_dma2 semaphore(%run_scoped3A : memref<!tpu.dma_semaphore, #tpu.memory_space<semaphore_mem>>) src(%arg9 : memref<128x128xf32, #tpu.memory_space<vmem>>) dst(%dma_wait3A_61 : memref<128x128xf32, #tpu.memory_space<hbm>>)
      tpu.yield
    }) : () -> ()
    return
  }
}

module attributes {stable_mosaic.version = 14 : i64} {
  func.func @_tc_combine_body(%arg0: i32, %arg1: memref<2x400x128xf32, #tpu.memory_space<vmem>>, %arg2: memref<2x400x16xf32, #tpu.memory_space<vmem>>, %arg3: memref<400x128xf32, #tpu.memory_space<vmem>>, %arg4: memref<128x128xf32, #tpu.memory_space<vmem>>, %arg5: memref<1x128xf32, #tpu.memory_space<vmem>>, %arg6: memref<128x128xf32, #tpu.memory_space<vmem>>, %arg7: memref<400x128xf32, #tpu.memory_space<vmem>>) attributes {dimension_semantics = [#tpu.dimension_semantics<arbitrary>], iteration_bounds = array<i64: 25>, scalar_prefetch = 0 : i64, scratch_operands = 0 : i64, tpu.core_type = #tpu.core_type<tc>, window_params = [{transform_indices = @transform_0, window_bounds = array<i64: 2, 400, 128>}, {transform_indices = @transform_1, window_bounds = array<i64: 2, 400, 16>}, {transform_indices = @transform_2, window_bounds = array<i64: 400, 128>}, {pipeline_mode = #tpu.pipeline_mode<synchronous>, transform_indices = @transform_3, window_bounds = array<i64: 128, 128>}, {pipeline_mode = #tpu.pipeline_mode<synchronous>, transform_indices = @transform_4, window_bounds = array<i64: 1, 128>}, {pipeline_mode = #tpu.pipeline_mode<synchronous>, transform_indices = @transform_5, window_bounds = array<i64: 128, 128>}, {transform_indices = @transform_6, window_bounds = array<i64: 400, 128>}]} {
    %get3A = arith.constant 0 : index
    %get3A_0 = arith.constant 0 : index
    %get3A_1 = arith.constant 0 : index
    %get3A_2 = vector.load %arg1[%get3A, %get3A_0, %get3A_1] : memref<2x400x128xf32, #tpu.memory_space<vmem>>, vector<1x400x128xf32>
    %get3A_3 = vector.shape_cast %get3A_2 : vector<1x400x128xf32> to vector<400x128xf32>
    %get3A_4 = arith.constant 1 : index
    %get3A_5 = arith.constant 0 : index
    %get3A_6 = arith.constant 0 : index
    %get3A_7 = vector.load %arg1[%get3A_4, %get3A_5, %get3A_6] : memref<2x400x128xf32, #tpu.memory_space<vmem>>, vector<1x400x128xf32>
    %get3A_8 = vector.shape_cast %get3A_7 : vector<1x400x128xf32> to vector<400x128xf32>
    %add3A = arith.addf %get3A_3, %get3A_8 : vector<400x128xf32>
    %get3A_9 = arith.constant 0 : index
    %get3A_10 = arith.constant 0 : index
    %get3A_11 = arith.constant 0 : index
    %get3A_12 = vector.load %arg2[%get3A_9, %get3A_10, %get3A_11] : memref<2x400x16xf32, #tpu.memory_space<vmem>>, vector<1x400x16xf32>
    %get3A_13 = vector.shape_cast %get3A_12 : vector<1x400x16xf32> to vector<400x16xf32>
    %slice3A = vector.extract_strided_slice %get3A_13 {offsets = [0, 0], sizes = [400, 1], strides = [1, 1]} : vector<400x16xf32> to vector<400x1xf32>
    %get3A_14 = arith.constant 1 : index
    %get3A_15 = arith.constant 0 : index
    %get3A_16 = arith.constant 0 : index
    %get3A_17 = vector.load %arg2[%get3A_14, %get3A_15, %get3A_16] : memref<2x400x16xf32, #tpu.memory_space<vmem>>, vector<1x400x16xf32>
    %get3A_18 = vector.shape_cast %get3A_17 : vector<1x400x16xf32> to vector<400x16xf32>
    %slice3A_19 = vector.extract_strided_slice %get3A_18 {offsets = [0, 0], sizes = [400, 1], strides = [1, 1]} : vector<400x16xf32> to vector<400x1xf32>
    %add3A_20 = arith.addf %slice3A, %slice3A_19 : vector<400x1xf32>
    %max3A = arith.constant 1.000000e+00 : f32
    %max3A_21 = vector.broadcast %max3A : f32 to vector<400x1xf32>
    %max3A_22 = arith.maximumf %add3A_20, %max3A_21 : vector<400x1xf32>
    %div3A = arith.constant 1.000000e+00 : f32
    %div3A_23 = vector.broadcast %div3A : f32 to vector<400x1xf32>
    %div3A_24 = arith.divf %div3A_23, %max3A_22 : vector<400x1xf32>
    %mul3A = vector.broadcast %div3A_24 : vector<400x1xf32> to vector<400x128xf32>
    %mul3A_25 = arith.mulf %add3A, %mul3A : vector<400x128xf32>
    %get3A_26 = arith.constant 0 : index
    %get3A_27 = arith.constant 0 : index
    %get3A_28 = vector.load %arg4[%get3A_26, %get3A_27] : memref<128x128xf32, #tpu.memory_space<vmem>>, vector<128x128xf32>
    %dot_general3A = arith.constant dense<0.000000e+00> : vector<400x128xf32>
    %dot_general3A_29 = tpu.matmul %mul3A_25, %get3A_28, %dot_general3A {dimension_numbers = #tpu.dot_dimension_numbers<[1], [1], [0], [0], [0, 0, 1, 0], [], []>, transpose_lhs_hint = false} : vector<400x128xf32>, vector<128x128xf32>, vector<400x128xf32> -> vector<400x128xf32>
    %get3A_30 = arith.constant 0 : index
    %get3A_31 = arith.constant 0 : index
    %get3A_32 = vector.load %arg3[%get3A_30, %get3A_31] : memref<400x128xf32, #tpu.memory_space<vmem>>, vector<400x128xf32>
    %get3A_33 = arith.constant 0 : index
    %get3A_34 = arith.constant 0 : index
    %get3A_35 = vector.load %arg6[%get3A_33, %get3A_34] : memref<128x128xf32, #tpu.memory_space<vmem>>, vector<128x128xf32>
    %dot_general3A_36 = arith.constant dense<0.000000e+00> : vector<400x128xf32>
    %dot_general3A_37 = tpu.matmul %get3A_32, %get3A_35, %dot_general3A_36 {dimension_numbers = #tpu.dot_dimension_numbers<[1], [1], [0], [0], [0, 0, 1, 0], [], []>, transpose_lhs_hint = false} : vector<400x128xf32>, vector<128x128xf32>, vector<400x128xf32> -> vector<400x128xf32>
    %add3A_38 = arith.addf %dot_general3A_29, %dot_general3A_37 : vector<400x128xf32>
    %get3A_39 = arith.constant 0 : index
    %get3A_40 = arith.constant 0 : index
    %get3A_41 = vector.load %arg5[%get3A_39, %get3A_40] : memref<1x128xf32, #tpu.memory_space<vmem>>, vector<1x128xf32>
    %add3A_42 = vector.broadcast %get3A_41 : vector<1x128xf32> to vector<400x128xf32>
    %add3A_43 = arith.addf %add3A_38, %add3A_42 : vector<400x128xf32>
    %max3A_44 = arith.constant 0.000000e+00 : f32
    %max3A_45 = vector.broadcast %max3A_44 : f32 to vector<400x128xf32>
    %max3A_46 = arith.maximumf %add3A_43, %max3A_45 : vector<400x128xf32>
    %swap3A = arith.constant 0 : index
    %swap3A_47 = arith.constant 0 : index
    %swap3A_48 = vector.load %arg7[%swap3A, %swap3A_47] : memref<400x128xf32, #tpu.memory_space<vmem>>, vector<400x128xf32>
    tpu.vector_store %arg7[%swap3A, %swap3A_47], %max3A_46 {strides = array<i32>} : memref<400x128xf32, #tpu.memory_space<vmem>>, vector<400x128xf32>,
    return
  }
  func.func @transform_0(%arg0: i32) -> (i32, i32, i32) {
    %c0_i32 = arith.constant 0 : i32
    %c0_i32_0 = arith.constant 0 : i32
    %c0_i32_1 = arith.constant 0 : i32
    return %c0_i32, %arg0, %c0_i32_0 : i32, i32, i32
  }
  func.func @transform_1(%arg0: i32) -> (i32, i32, i32) {
    %c0_i32 = arith.constant 0 : i32
    %c0_i32_0 = arith.constant 0 : i32
    %c0_i32_1 = arith.constant 0 : i32
    return %c0_i32, %arg0, %c0_i32_0 : i32, i32, i32
  }
  func.func @transform_2(%arg0: i32) -> (i32, i32) {
    %c0_i32 = arith.constant 0 : i32
    %c0_i32_0 = arith.constant 0 : i32
    return %arg0, %c0_i32 : i32, i32
  }
  func.func @transform_3(%arg0: i32) -> (i32, i32) {
    %c0_i32 = arith.constant 0 : i32
    %c0_i32_0 = arith.constant 0 : i32
    %c0_i32_1 = arith.constant 0 : i32
    return %c0_i32, %c0_i32_0 : i32, i32
  }
  func.func @transform_4(%arg0: i32) -> (i32, i32) {
    %c0_i32 = arith.constant 0 : i32
    %c0_i32_0 = arith.constant 0 : i32
    %c0_i32_1 = arith.constant 0 : i32
    return %c0_i32, %c0_i32_0 : i32, i32
  }
  func.func @transform_5(%arg0: i32) -> (i32, i32) {
    %c0_i32 = arith.constant 0 : i32
    %c0_i32_0 = arith.constant 0 : i32
    %c0_i32_1 = arith.constant 0 : i32
    return %c0_i32, %c0_i32_0 : i32, i32
  }
  func.func @transform_6(%arg0: i32) -> (i32, i32) {
    %c0_i32 = arith.constant 0 : i32
    %c0_i32_0 = arith.constant 0 : i32
    return %arg0, %c0_i32 : i32, i32
  }
}

module attributes {stable_mosaic.version = 14 : i64} {
  func.func @_tc_combine_fc_body(%arg0: i32, %arg1: memref<2x400x128xf32, #tpu.memory_space<vmem>>, %arg2: memref<2x400x16xf32, #tpu.memory_space<vmem>>, %arg3: memref<400x128xf32, #tpu.memory_space<vmem>>, %arg4: memref<128x128xf32, #tpu.memory_space<vmem>>, %arg5: memref<1x128xf32, #tpu.memory_space<vmem>>, %arg6: memref<128x128xf32, #tpu.memory_space<vmem>>, %arg7: memref<128x128xf32, #tpu.memory_space<vmem>>, %arg8: memref<1x128xf32, #tpu.memory_space<vmem>>, %arg9: memref<400x128xf32, #tpu.memory_space<vmem>>) attributes {dimension_semantics = [#tpu.dimension_semantics<arbitrary>], iteration_bounds = array<i64: 25>, scalar_prefetch = 0 : i64, scratch_operands = 0 : i64, tpu.core_type = #tpu.core_type<tc>, window_params = [{transform_indices = @transform_0, window_bounds = array<i64: 2, 400, 128>}, {transform_indices = @transform_1, window_bounds = array<i64: 2, 400, 16>}, {transform_indices = @transform_2, window_bounds = array<i64: 400, 128>}, {pipeline_mode = #tpu.pipeline_mode<synchronous>, transform_indices = @transform_3, window_bounds = array<i64: 128, 128>}, {pipeline_mode = #tpu.pipeline_mode<synchronous>, transform_indices = @transform_4, window_bounds = array<i64: 1, 128>}, {pipeline_mode = #tpu.pipeline_mode<synchronous>, transform_indices = @transform_5, window_bounds = array<i64: 128, 128>}, {pipeline_mode = #tpu.pipeline_mode<synchronous>, transform_indices = @transform_6, window_bounds = array<i64: 128, 128>}, {pipeline_mode = #tpu.pipeline_mode<synchronous>, transform_indices = @transform_7, window_bounds = array<i64: 1, 128>}, {transform_indices = @transform_8, window_bounds = array<i64: 400, 128>}]} {
    %get3A = arith.constant 0 : index
    %get3A_0 = arith.constant 0 : index
    %get3A_1 = arith.constant 0 : index
    %get3A_2 = vector.load %arg1[%get3A, %get3A_0, %get3A_1] : memref<2x400x128xf32, #tpu.memory_space<vmem>>, vector<1x400x128xf32>
    %get3A_3 = vector.shape_cast %get3A_2 : vector<1x400x128xf32> to vector<400x128xf32>
    %get3A_4 = arith.constant 1 : index
    %get3A_5 = arith.constant 0 : index
    %get3A_6 = arith.constant 0 : index
    %get3A_7 = vector.load %arg1[%get3A_4, %get3A_5, %get3A_6] : memref<2x400x128xf32, #tpu.memory_space<vmem>>, vector<1x400x128xf32>
    %get3A_8 = vector.shape_cast %get3A_7 : vector<1x400x128xf32> to vector<400x128xf32>
    %add3A = arith.addf %get3A_3, %get3A_8 : vector<400x128xf32>
    %get3A_9 = arith.constant 0 : index
    %get3A_10 = arith.constant 0 : index
    %get3A_11 = arith.constant 0 : index
    %get3A_12 = vector.load %arg2[%get3A_9, %get3A_10, %get3A_11] : memref<2x400x16xf32, #tpu.memory_space<vmem>>, vector<1x400x16xf32>
    %get3A_13 = vector.shape_cast %get3A_12 : vector<1x400x16xf32> to vector<400x16xf32>
    %slice3A = vector.extract_strided_slice %get3A_13 {offsets = [0, 0], sizes = [400, 1], strides = [1, 1]} : vector<400x16xf32> to vector<400x1xf32>
    %get3A_14 = arith.constant 1 : index
    %get3A_15 = arith.constant 0 : index
    %get3A_16 = arith.constant 0 : index
    %get3A_17 = vector.load %arg2[%get3A_14, %get3A_15, %get3A_16] : memref<2x400x16xf32, #tpu.memory_space<vmem>>, vector<1x400x16xf32>
    %get3A_18 = vector.shape_cast %get3A_17 : vector<1x400x16xf32> to vector<400x16xf32>
    %slice3A_19 = vector.extract_strided_slice %get3A_18 {offsets = [0, 0], sizes = [400, 1], strides = [1, 1]} : vector<400x16xf32> to vector<400x1xf32>
    %add3A_20 = arith.addf %slice3A, %slice3A_19 : vector<400x1xf32>
    %max3A = arith.constant 1.000000e+00 : f32
    %max3A_21 = vector.broadcast %max3A : f32 to vector<400x1xf32>
    %max3A_22 = arith.maximumf %add3A_20, %max3A_21 : vector<400x1xf32>
    %div3A = arith.constant 1.000000e+00 : f32
    %div3A_23 = vector.broadcast %div3A : f32 to vector<400x1xf32>
    %div3A_24 = arith.divf %div3A_23, %max3A_22 : vector<400x1xf32>
    %mul3A = vector.broadcast %div3A_24 : vector<400x1xf32> to vector<400x128xf32>
    %mul3A_25 = arith.mulf %add3A, %mul3A : vector<400x128xf32>
    %get3A_26 = arith.constant 0 : index
    %get3A_27 = arith.constant 0 : index
    %get3A_28 = vector.load %arg4[%get3A_26, %get3A_27] : memref<128x128xf32, #tpu.memory_space<vmem>>, vector<128x128xf32>
    %dot_general3A = arith.constant dense<0.000000e+00> : vector<400x128xf32>
    %dot_general3A_29 = tpu.matmul %mul3A_25, %get3A_28, %dot_general3A {dimension_numbers = #tpu.dot_dimension_numbers<[1], [1], [0], [0], [0, 0, 1, 0], [], []>, transpose_lhs_hint = false} : vector<400x128xf32>, vector<128x128xf32>, vector<400x128xf32> -> vector<400x128xf32>
    %get3A_30 = arith.constant 0 : index
    %get3A_31 = arith.constant 0 : index
    %get3A_32 = vector.load %arg3[%get3A_30, %get3A_31] : memref<400x128xf32, #tpu.memory_space<vmem>>, vector<400x128xf32>
    %get3A_33 = arith.constant 0 : index
    %get3A_34 = arith.constant 0 : index
    %get3A_35 = vector.load %arg6[%get3A_33, %get3A_34] : memref<128x128xf32, #tpu.memory_space<vmem>>, vector<128x128xf32>
    %dot_general3A_36 = arith.constant dense<0.000000e+00> : vector<400x128xf32>
    %dot_general3A_37 = tpu.matmul %get3A_32, %get3A_35, %dot_general3A_36 {dimension_numbers = #tpu.dot_dimension_numbers<[1], [1], [0], [0], [0, 0, 1, 0], [], []>, transpose_lhs_hint = false} : vector<400x128xf32>, vector<128x128xf32>, vector<400x128xf32> -> vector<400x128xf32>
    %add3A_38 = arith.addf %dot_general3A_29, %dot_general3A_37 : vector<400x128xf32>
    %get3A_39 = arith.constant 0 : index
    %get3A_40 = arith.constant 0 : index
    %get3A_41 = vector.load %arg5[%get3A_39, %get3A_40] : memref<1x128xf32, #tpu.memory_space<vmem>>, vector<1x128xf32>
    %add3A_42 = vector.broadcast %get3A_41 : vector<1x128xf32> to vector<400x128xf32>
    %add3A_43 = arith.addf %add3A_38, %add3A_42 : vector<400x128xf32>
    %max3A_44 = arith.constant 0.000000e+00 : f32
    %max3A_45 = vector.broadcast %max3A_44 : f32 to vector<400x128xf32>
    %max3A_46 = arith.maximumf %add3A_43, %max3A_45 : vector<400x128xf32>
    %get3A_47 = arith.constant 0 : index
    %get3A_48 = arith.constant 0 : index
    %get3A_49 = vector.load %arg7[%get3A_47, %get3A_48] : memref<128x128xf32, #tpu.memory_space<vmem>>, vector<128x128xf32>
    %dot_general3A_50 = arith.constant dense<0.000000e+00> : vector<400x128xf32>
    %dot_general3A_51 = tpu.matmul %max3A_46, %get3A_49, %dot_general3A_50 {dimension_numbers = #tpu.dot_dimension_numbers<[1], [1], [0], [0], [0, 0, 1, 0], [], []>, transpose_lhs_hint = false} : vector<400x128xf32>, vector<128x128xf32>, vector<400x128xf32> -> vector<400x128xf32>
    %get3A_52 = arith.constant 0 : index
    %get3A_53 = arith.constant 0 : index
    %get3A_54 = vector.load %arg8[%get3A_52, %get3A_53] : memref<1x128xf32, #tpu.memory_space<vmem>>, vector<1x128xf32>
    %add3A_55 = vector.broadcast %get3A_54 : vector<1x128xf32> to vector<400x128xf32>
    %add3A_56 = arith.addf %dot_general3A_51, %add3A_55 : vector<400x128xf32>
    %swap3A = arith.constant 0 : index
    %swap3A_57 = arith.constant 0 : index
    %swap3A_58 = vector.load %arg9[%swap3A, %swap3A_57] : memref<400x128xf32, #tpu.memory_space<vmem>>, vector<400x128xf32>
    tpu.vector_store %arg9[%swap3A, %swap3A_57], %add3A_56 {strides = array<i32>} : memref<400x128xf32, #tpu.memory_space<vmem>>, vector<400x128xf32>,
    return
  }
  func.func @transform_0(%arg0: i32) -> (i32, i32, i32) {
    %c0_i32 = arith.constant 0 : i32
    %c0_i32_0 = arith.constant 0 : i32
    %c0_i32_1 = arith.constant 0 : i32
    return %c0_i32, %arg0, %c0_i32_0 : i32, i32, i32
  }
  func.func @transform_1(%arg0: i32) -> (i32, i32, i32) {
    %c0_i32 = arith.constant 0 : i32
    %c0_i32_0 = arith.constant 0 : i32
    %c0_i32_1 = arith.constant 0 : i32
    return %c0_i32, %arg0, %c0_i32_0 : i32, i32, i32
  }
  func.func @transform_2(%arg0: i32) -> (i32, i32) {
    %c0_i32 = arith.constant 0 : i32
    %c0_i32_0 = arith.constant 0 : i32
    return %arg0, %c0_i32 : i32, i32
  }
  func.func @transform_3(%arg0: i32) -> (i32, i32) {
    %c0_i32 = arith.constant 0 : i32
    %c0_i32_0 = arith.constant 0 : i32
    %c0_i32_1 = arith.constant 0 : i32
    return %c0_i32, %c0_i32_0 : i32, i32
  }
  func.func @transform_4(%arg0: i32) -> (i32, i32) {
    %c0_i32 = arith.constant 0 : i32
    %c0_i32_0 = arith.constant 0 : i32
    %c0_i32_1 = arith.constant 0 : i32
    return %c0_i32, %c0_i32_0 : i32, i32
  }
  func.func @transform_5(%arg0: i32) -> (i32, i32) {
    %c0_i32 = arith.constant 0 : i32
    %c0_i32_0 = arith.constant 0 : i32
    %c0_i32_1 = arith.constant 0 : i32
    return %c0_i32, %c0_i32_0 : i32, i32
  }
  func.func @transform_6(%arg0: i32) -> (i32, i32) {
    %c0_i32 = arith.constant 0 : i32
    %c0_i32_0 = arith.constant 0 : i32
    %c0_i32_1 = arith.constant 0 : i32
    return %c0_i32, %c0_i32_0 : i32, i32
  }
  func.func @transform_7(%arg0: i32) -> (i32, i32) {
    %c0_i32 = arith.constant 0 : i32
    %c0_i32_0 = arith.constant 0 : i32
    %c0_i32_1 = arith.constant 0 : i32
    return %c0_i32, %c0_i32_0 : i32, i32
  }
  func.func @transform_8(%arg0: i32) -> (i32, i32) {
    %c0_i32 = arith.constant 0 : i32
    %c0_i32_0 = arith.constant 0 : i32
    return %arg0, %c0_i32 : i32, i32
  }
}

</mosaic_0001>

<sc_bundles>
// kernel: kernel.12.cloned.1.call-start
scs
__scs_entry_jumppad:
0x0: {  	(pc) =	sbr.rel $0x88, $3  }
0x1: {  	(tag) =	ssettag $0x0;
	lr =	simm.s32 $0x1  }
0x2: {  	[smem:$0x3F94] =	sst lr;
	_ =	strace $0xD0000000  }
0x3: {  	_ = 	snop  }
0x4: {  	_ = 	snop  }
0x5: {  	_ = 	snop  }
0x6: {  	_ = 	snop  }
0x7: {  	_ = 	snop  }
__scs_overlays_trampoline_lowered:
0x8: {  	[smem:$0x3FA3] =	sst s0  }
0x9: {  	[smem:$0x3FA4] =	sst s1  }
0xa: {  	[smem:$0x3FA5] =	sst s2  }
0xb: {  	[smem:$0x3FA6] =	sst s3  }
0xc: {  	[smem:$0x3FA7] =	sst s4  }
0xd: {  	[smem:$0x3FA8] =	sst s5  }
0xe: {  	[smem:$0x3FA9] =	sst s6  }
0xf: {  	[smem:$0x3FAA] =	sst s7  }
0x10: {  	[smem:$0x3FAB] =	sst s8  }
0x11: {  	[smem:$0x3FAC] =	sst s9;
	s0 =	simm.s32 @!p0 $0x0  }
0x12: {  	s1 =	sld [smem:$0x3F92];
	s0 =	simm.s32 @p0 $0x1  }
0x13: {  	[smem:$0x3FAD] =	sst s0;
	s0 =	simm.s32 @!p1 $0x0  }
0x14: {  	s2 =	sld [smem:$0x3F91];
	s0 =	simm.s32 @p1 $0x1  }
0x15: {  	[smem:$0x3FAE] =	sst s0;
	s0 =	simm.s32 @!p2 $0x0  }
0x16: {  	s3 =	sld [smem:$0x3FDB];
	s0 =	simm.s32 @p2 $0x1  }
0x17: {  	s4 =	simm.s32 $0x1BF5;
	[smem:$0x3FB0] =	sst s0  }
0x18: {  	s0 =	sld [smem:$0x3F93];
	_ =	swait.ge [sflag:s4], $0x0  }
0x19: {  	s7 =	sld [smem:$0x3F94]  }
0x1a: {  	s8 =	sadd.s32 $0xFFFFE003, lr  }
0x1b: {  	s9 =	sadd.s32 $0xFFFFFEF7, lr;
	s5 =	simm.s32 $0xFFFFFFFF;
	p2 =	slt.u32 s8, $0xFFFFF086  }
0x1c: {  	p1 =	slt.u32 s9, $0xF7A;
	s5 =	simm.s32 @!p2 $0x0  }
0x1d: {  	s5 =	simm.s32 @p1 $0x1;
	p0 =	seq.s32 s7, s2  }
0x1e: {  	s7 =	smul.u32 @!p0 $0xF7A, s2;
	p2 =	seq.s32 @!p0 s5, $0x0  }
0x1f: {  	s9 =	smul.u32 $0xF7A, s1;
	s8 =	simm.s32 @!p0 $0x1BF5;
	p2 =	por !p2, p0  }
0x20: {  	[sflag:s8] =	ssyncset.s32 @!p0 $0xFFFFF086;
	s6 =	sadd.s32 @!p0 s3, s7;
	s7 =	simm.s32 @!p0 $0x108  }
0x21: {  	s3 =	sadd.s32 s3, s9;
	s6 =	sadd.s32 @!p0 $0x88, s6;
	s7 =	simm.s32 @p2 $0x1082  }
0x22: {  	[simem:s7], [sflag:s8] =	dma.local @!p0 [hbm:s6], $0xF7A  }
0x23: {  	s9 =	sor.u32 $0xD0000000, s2;
	s6 =	simm.s32 $0x108;
	_ =	swait.ge @!p0 [sflag:s8], $0x0  }
0x24: {  	s3 =	sadd.s32 $0x88, s3;
	s6 =	simm.s32 @!p1 $0x1082;
	[sflag:s4] =	ssyncset.s32 $0xFFFFF086  }
0x25: {  	[simem:s6], [sflag:s4] =	dma.local [hbm:s3], $0xF7A  }
0x26: {  	[smem:$0x3F94] =	sst s1;
	(tag) =	ssettag s2;
	_ =	strace s9  }
0x27: {  	s1 =	sld [smem:$0x3FA4]  }
0x28: {  	s2 =	sld [smem:$0x3FA5]  }
0x29: {  	s4 =	sld [smem:$0x3FA7]  }
0x2a: {  	p0 =	seq.s32 s5, $0x0;
	s5 =	sld [smem:$0x3FA8]  }
0x2b: {  	s6 =	sld [smem:$0x3FA9]  }
0x2c: {  	s7 =	sld [smem:$0x3FAA]  }
0x2d: {  	s3 =	simm.s32 $0x108;
	s8 =	sld [smem:$0x3FAB]  }
0x2e: {  	s3 =	simm.s32 @!p0 $0x1082;
	s9 =	sld [smem:$0x3FAC]  }
0x2f: {  	lr =	sadd.s32 s0, s3;
	s0 =	sld [smem:$0x3FA3]  }
0x30: {  	s3 =	sld [smem:$0x3FA6]  }
0x31: {  	[smem:$0x3FAF] =	sst s10  }
0x32: {  	s10 =	sld [smem:$0x3FAD];
	_ =	sdelay $0x3  }
0x33: {  	p0 =	seq.s32 s10, $0x1;
	s10 =	sld [smem:$0x3FAF];
	_ =	sdelay $0x3  }
0x34: {  	[smem:$0x3FAF] =	sst s10  }
0x35: {  	s10 =	sld [smem:$0x3FAE];
	_ =	sdelay $0x3  }
0x36: {  	p1 =	seq.s32 s10, $0x1;
	s10 =	sld [smem:$0x3FAF];
	_ =	sdelay $0x3  }
0x37: {  	[smem:$0x3FAF] =	sst s10  }
0x38: {  	s10 =	sld [smem:$0x3FB0]  }
0x39: {  	_ = 	snop;
	(pc) =	sbr.ind lr, $3  }
0x3a: {  	_ = 	snop  }
0x3b: {  	_ = 	snop  }
0x3c: {  	p2 =	seq.s32 s10, $0x1;
	s10 =	sld [smem:$0x3FAF]  }
0x3d: {  	_ =	shalt  }
0x3e: {  	_ =	shalt  }
0x3f: {  	_ =	shalt  }
0x40: {  	_ =	shalt  }
0x41: {  	_ =	shalt  }
0x42: {  	_ =	shalt  }
0x43: {  	_ =	shalt  }
0x44: {  	_ =	shalt  }
0x45: {  	_ =	shalt  }
0x46: {  	_ =	shalt  }
0x47: {  	_ =	shalt  }
0x48: {  	_ =	shalt  }
0x49: {  	_ =	shalt  }
0x4a: {  	_ =	shalt  }
0x4b: {  	_ =	shalt  }
0x4c: {  	_ =	shalt  }
0x4d: {  	_ =	shalt  }
0x4e: {  	_ =	shalt  }
0x4f: {  	_ =	shalt  }
0x50: {  	_ =	shalt  }
0x51: {  	_ =	shalt  }
0x52: {  	_ =	shalt  }
0x53: {  	_ =	shalt  }
0x54: {  	_ =	shalt  }
0x55: {  	_ =	shalt  }
0x56: {  	_ =	shalt  }
0x57: {  	_ =	shalt  }
0x58: {  	_ =	shalt  }
0x59: {  	_ =	shalt  }
0x5a: {  	_ =	shalt  }
0x5b: {  	_ =	shalt  }
0x5c: {  	_ =	shalt  }
0x5d: {  	_ =	shalt  }
0x5e: {  	_ =	shalt  }
0x5f: {  	_ =	shalt  }
0x60: {  	_ =	shalt  }
0x61: {  	_ =	shalt  }
0x62: {  	_ =	shalt  }
0x63: {  	_ =	shalt  }
0x64: {  	_ =	shalt  }
0x65: {  	_ =	shalt  }
0x66: {  	_ =	shalt  }
0x67: {  	_ =	shalt  }
0x68: {  	_ =	shalt  }
0x69: {  	_ =	shalt  }
0x6a: {  	_ =	shalt  }
0x6b: {  	_ =	shalt  }
0x6c: {  	_ =	shalt  }
0x6d: {  	_ =	shalt  }
0x6e: {  	_ =	shalt  }
0x6f: {  	_ =	shalt  }
0x70: {  	_ =	shalt  }
0x71: {  	_ =	shalt  }
0x72: {  	_ =	shalt  }
0x73: {  	_ =	shalt  }
0x74: {  	_ =	shalt  }
0x75: {  	_ =	shalt  }
0x76: {  	_ =	shalt  }
0x77: {  	_ =	shalt  }
0x78: {  	_ =	shalt  }
0x79: {  	_ =	shalt  }
0x7a: {  	_ =	shalt  }
0x7b: {  	_ =	shalt  }
0x7c: {  	_ =	shalt  }
0x7d: {  	_ =	shalt  }
0x7e: {  	_ =	shalt  }
0x7f: {  	_ =	shalt  }
0x80: {  	_ =	shalt  }
0x81: {  	_ =	shalt  }
0x82: {  	_ =	shalt  }
0x83: {  	_ =	shalt  }
0x84: {  	_ =	shalt  }
0x85: {  	_ =	shalt  }
0x86: {  	_ =	shalt  }
0x87: {  	_ =	shalt  }
.Lfunc_end0:
.L_simem_size_0:
called_computation.1_lowered:
.L_overlay_start_0:
0x88: {  	s2 =	sld [smem:$0x3FD9]  }
0x89: {  	s3 =	sld [smem:$0x3FFE];
	_ =	sdelay $0x1  }
0x8a: {  	s1 =	srdreg.scid  }
0x8b: {  	s0 =	sand.u32 $0x1, s1  }
0x8c: {  	s17 =	sshll.u32 s0, $0xA;
	s2 =	sadd.s32 s3, s2  }
0x8d: {  	s2 =	sadd.s32 s2, s17  }
0x8e: {  	[smem:$0x3FBB] =	sst s2  }
0x8f: {  	_ = 	snop  }
0x90: {  	s2 =	sld [smem:$0x3FC9];
	(tm) =	ssettm $0x1  }
0x91: {  	s18 =	sld [smem:$0x3FFB];
	_ =	sdelay $0x3  }
0x92: {  	_ =	strace s18  }
0x93: {  	s3 =	sld [smem:$0x3FFC];
	_ =	sdelay $0x3  }
0x94: {  	_ =	strace s3  }
0x95: {  	s3 =	sld [smem:$0x3FFD];
	_ =	sdelay $0x3  }
0x96: {  	_ =	strace s3  }
0x97: {  	_ =	strace $0x8FFFFFFF  }
0x98: {  	s19 =	sld [smem:$0x3FDB];
	_ =	sdelay $0x1  }
0x99: {  	s4 =	simm.s32 $_scs_section_size  }
0x9a: {  	s5 =	simm.s32 $_size__tile_overlayer_lowered;
	s6 =	simm.s32 $_tile_overlayer_lowered  }
0x9b: {  	s22 =	simm.s32 $0x1BFF;
	s21 =	sshll.u32 s6, $0x1;
	s3 =	sadd.s32 s4, s19  }
0x9c: {  	s7 =	simm.s32 $0x0;
	s20 =	sshll.u32 s5, $0x1;
	s5 =	sadd.s32 s21, s3  }
0x9d: {  	[timem:s7], [sflag:s22] =	dma.local [hbm:s5], s20  }
0x9e: {  	_ =	swait.ge [sflag:s22], s20  }
0x9f: {  	s4 =	ssub.s32 $0x0, s20;
	[sflag:s22] =	ssyncset.done $0x0  }
0xa0: {  	[sflag:s22] =	ssyncadd.s32 s4;
	_ =	sdelay $0x1  }
0xa1: {  	s23 =	simm.s32 $0x1B8B  }
0xa2: {  	_ =	swait.ge [sflag:s23], $0x1  }
0xa3: {  	[sflag:s23] =	ssyncset.done $0x0  }
0xa4: {  	s25 =	simm.s32 $0x1B8E;
	s24 =	sld [smem:$0x3FFE];
	[sflag:s23] =	ssyncadd.s32 $0xFFFFFFFF  }
0xa5: {  	s26 =	simm.s32 $execute0_lowered;
	[smem:$0x3FD2] =	sst s25  }
0xa6: {  	s5 =	sshll.u32 s26, $0x1;
	_ =	strace $0x80000046;
	[dreg:$0x1] =	wrdreg $0xFFFFFFFF  }
0xa7: {  	s28 =	simm.s32 $_size_execute0_lowered;
	s3 =	sadd.s32 s3, s5;
	[dreg:$0x0] =	wrdreg $0x0  }
0xa8: {  	s5 =	sshll.u32 s28, $0x1;
	[dreg:$0x2] =	wrdreg s3  }
0xa9: {  	[dreg:$0x3] =	wrdreg s5  }
0xaa: {  	[dreg:$0x4] =	wrdreg $0xC0  }
0xab: {  	_ =	task [dreg:s7], $0x5FFFF  }
0xac: {  	[dreg:$0x1] =	wrdreg $0xFFFFFFFF  }
0xad: {  	[dreg:$0x0] =	wrdreg $0x60  }
0xae: {  	[dreg:$0x2] =	wrdreg s2  }
0xaf: {  	[dreg:$0x3] =	wrdreg s24  }
0xb0: {  	[dreg:$0x4] =	wrdreg $0x88000  }
0xb1: {  	[dreg:$0x5] =	wrdreg $0xA  }
0xb2: {  	_ =	task.clear_ibuf [dreg:s7], $0x6FFFF;
	_ =	strace $0x90000046  }
0xb3: {  	s29 =	simm.s32 $0xA;
	_ =	strace $0x80000048  }
0xb4: {  	_ =	swait.ge [sflag:s29], $0x1  }
0xb5: {  	[sflag:s29] =	ssyncadd.s32 $0xFFFFFFFF  }
0xb6: {  	_ =	strace $0x90000048  }
0xb7: {  	_ =	sfence  }
0xb8: {  	s30 =	sld [smem:$0x0];
	_ =	sdelay $0x2  }
0xb9: {  	s31 =	sshll.u32 s1, $0xD;
	s1 =	sshrl.u32 s1, $0x2  }
0xba: {  	s3 =	sand.u32 $0x4000, s31;
	s1 =	sadd.s32 s1, s30  }
0xbb: {  	s0 =	sor.u32 s3, s0;
	s1 =	sshll.u32 s1, $0x11  }
0xbc: {  	s0 =	sor.u32 s1, s0  }
0xbd: {  	s0 =	sadd.s32 $0x8F2B, s0  }
0xbe: {  	[sflag:s0] =	ssyncadd.remote.s32 $0x1  }
0xbf: {  	_ =	sfence.sel $0xFFFF  }
0xc0: {  	[dreg:$0x0] =	wrdreg $0xFFFFFFFF;
	(pc) =	sbr.abs _section_cstart, $3  }
0xc1: {  	[dreg:$0x1] =	wrdreg $0xFFFFFFFF  }
0xc2: {  	_ =	task.clear_ibuf [dreg:s7], $0x2FFFF;
	_ =	strace $0x9FFFFFFF  }
0xc3: {  	(tm) =	ssettm $0x7FFFFFFF  }
tec
execute0_lowered:
.L_overlay_start_1:
0x0: {  	(tag) =	ssettag $0x1  }
0x1: {  	s0 =	srdreg.scid;
	s1 =	rddreg [dreg:$0x0]  }
0x2: {  	s8 =	stileid.u32;
	s2 =	simm.s32 $0x90;
	s6 =	rddreg [dreg:$0x1]  }
0x3: {  	s3 =	rddreg [dreg:$0x2];
	s4 =	simm.s32 $0x0;
	s10 =	simm.s32 $0x12  }
0x4: {  	s28 =	simm.s32 $0x100;
	s29 =	simm.s32 $0x480;
	s30 =	simm.s32 $0x180  }
0x5: {  	s31 =	simm.s32 $0x500;
	s12 =	simm.s32 $0x600;
	s13 =	simm.s32 $0x300  }
0x6: {  	s14 =	simm.s32 $0x680;
	s15 =	simm.s32 $0x380;
	s0 =	sand.u32 $0x1, s0  }
0x7: {  	[smem:$0x7FF] =	sst s4;
	s16 =	smul.u32 $0x4F000, s8;
	s7 =	sadd.s32 $0x17600, s6  }
0x8: {  	s17 =	sadd.s32 $0x17E00, s6;
	p0 =	seq.s32 s0, $0x0;
	s5 =	smul.u32 $0x900, s0  }
0x9: {  	_ =	strace $0x80000047;
	s20 =	sshll.u32 s0, $0x4;
	s0 =	ssub.s32 $0x2, s0  }
0xa: {  	[dreg:$0x4] =	wrdreg s7;
	s2 =	simm.s32 @!p0 $0x10;
	s9 =	sshrl.u32 s0, $0x1  }
0xb: {  	s10 =	simm.s32 @!p0 $0x2;
	s2 =	smul.u32 s8, s2;
	s8 =	sor.u32 s8, s20  }
0xc: {  	s0 =	ssub.s32 s0, s9;
	[dreg:$0x6] =	wrdreg s10;
	s21 =	smul.u32 $0x13C00, s8  }
0xd: {  	s20 =	simm.s32 $0x800;
	s8 =	smul.u32 $0x2780, s8;
	s0 =	smax.u32 s0, $0x1  }
0xe: {  	s2 =	sadd.s32 s5, s2;
	s5 =	sshrl.u32 s16, $0x2;
	[dreg:$0xc] =	wrdreg s0  }
0xf: {  	s0 =	simm.s32 $0x580;
	s16 =	simm.s32 $0x700;
	s2 =	sshll.u32 s2, $0x4  }
0x10: {  	s11 =	sadd.s32 s5, s3;
	s5 =	sshrl.u32 s21, $0x3;
	s7 =	sadd.s32 s17, s8  }
0x11: {  	s9 =	sadd.s32 $0xFC00, s11;
	s5 =	sadd.s32 s17, s5;
	[dreg:$0x7] =	wrdreg s7  }
0x12: {  	s21 =	simm.s32 $0x3;
	s22 =	sadd.s32 $0x800, s5;
	[dreg:$0x5] =	wrdreg s9  }
0x13: {  	s2 =	sadd.s32 s2, s6;
	s23 =	sadd.s32 $0x1000, s5;
	[dreg:$0x8] =	wrdreg s22  }
0x14: {  	s18 =	sadd.s32 $0x4000, s11;
	s24 =	sadd.s32 $0x1800, s5;
	[dreg:$0x9] =	wrdreg s23  }
0x15: {  	s19 =	sadd.s32 $0x8000, s11;
	s5 =	sadd.s32 $0x1F80, s5;
	[dreg:$0xa] =	wrdreg s24  }
0x16: {  	s6 =	sadd.s32 $0xC000, s11;
	s25 =	sadd.s32 $0x3600, s2;
	[dreg:$0xb] =	wrdreg s5  }
0x17: {  	s17 =	simm.s32 $0x780;
	s26 =	sadd.s32 $0xD600, s2;
	[dreg:$0xd] =	wrdreg s25  }
0x18: {  	s7 =	simm.s32 $0x0;
	s2 =	simm.s32 $0x200;
	[dreg:$0xe] =	wrdreg s26  }
0x19: {  	s22 =	simm.s32 $0x400;
	s23 =	simm.s32 $0x80;
	s24 =	simm.s32 $0x1  }
0x1a: {  	s25 =	simm.s32 $0x4800;
	s26 =	simm.s32 $0x2;
	s5 =	simm.s32 $0x280  }
.LBB2_1:
0x1b: {  	s8 =	rddreg [dreg:$0x4]  }
0x1c: {  	[tilespmem:s20], [sflag:$0x3] =	stream.linear.gather [hbm4b:s8+s4], $0x4000, $0x38;
	[tilespmem:$0x1C400] =	vst v63  }
0x1d: {  	_ =	swait.ge [sflag:s21], $0x4000  }
0x1e: {  	[sflag:s21] =	ssyncset.done $0x0  }
0x1f: {  	[sflag:s21] =	ssyncadd.s32 $0xFFFFC000  }
0x20: {  	[spmem:s11] =	stream.linear.scatter [tilespmem:s20], [sflag:$0x3], $0x4000, $0x38;
	[tilespmem:$0x1C400] =	vst v63  }
0x21: {  	_ =	swait.ge [sflag:s21], $0x4000  }
0x22: {  	[sflag:s21] =	ssyncset.done $0x0  }
0x23: {  	[sflag:s21] =	ssyncadd.s32 $0xFFFFC000  }
0x24: {  	[spmem:s18] =	stream.linear.scatter [tilespmem:s20], [sflag:$0x3], $0x4000, $0x38;
	[tilespmem:$0x1C400] =	vst v63  }
0x25: {  	_ =	swait.ge [sflag:s21], $0x4000  }
0x26: {  	[sflag:s21] =	ssyncset.done $0x0  }
0x27: {  	[sflag:s21] =	ssyncadd.s32 $0xFFFFC000  }
0x28: {  	[spmem:s19] =	stream.linear.scatter [tilespmem:s20], [sflag:$0x3], $0x4000, $0x38;
	[tilespmem:$0x1C400] =	vst v63  }
0x29: {  	_ =	swait.ge [sflag:s21], $0x4000  }
0x2a: {  	[sflag:s21] =	ssyncset.done $0x0  }
0x2b: {  	[sflag:s21] =	ssyncadd.s32 $0xFFFFC000  }
0x2c: {  	[spmem:s6] =	stream.linear.scatter [tilespmem:s20], [sflag:$0x3], $0x4000, $0x38;
	[tilespmem:$0x1C400] =	vst v63  }
0x2d: {  	_ =	swait.ge [sflag:s21], $0x4000  }
0x2e: {  	[sflag:s21] =	ssyncset.done $0x0  }
0x2f: {  	s8 =	smov.u32 s9;
	[sflag:s21] =	ssyncadd.s32 $0xFFFFC000  }
0x30: {  	[spmem:s8] =	stream.linear.scatter [tilespmem:s20], [sflag:$0x3], $0x4000, $0x38;
	[tilespmem:$0x1C400] =	vst v63  }
0x31: {  	_ =	swait.ge [sflag:s21], $0x4000  }
0x32: {  	[sflag:s21] =	ssyncset.done $0x0  }
0x33: {  	[sflag:s21] =	ssyncadd.s32 $0xFFFFC000  }
0x34: {  	[bflag:$0x0] =	sbarrier.arrive $0xFFFF  }
0x35: {  	s9 =	smov.u32 s19;
	s19 =	rddreg [dreg:$0xe]  }
0x36: {  	[tilespmem:s4], [sflag:$0x3] =	stream.linear.gather [hbm4b:s19+s4], $0x400, $0x38;
	[tilespmem:$0x1C400] =	vst v63  }
0x37: {  	_ =	swait.ge [sflag:s21], $0x400  }
0x38: {  	s10 =	smov.u32 s11;
	[sflag:s21] =	ssyncset.done $0x0  }
0x39: {  	s11 =	smov.u32 s18;
	s18 =	rddreg [dreg:$0xd];
	[sflag:s21] =	ssyncadd.s32 $0xFFFFFC00  }
0x3a: {  	[tilespmem:s22], [sflag:$0x3] =	stream.linear.gather [hbm4b:s18+s4], $0x400, $0x38;
	[tilespmem:$0x1C400] =	vst v63  }
0x3b: {  	_ =	swait.ge [sflag:s21], $0x400  }
0x3c: {  	[sflag:s21] =	ssyncset.done $0x0  }
0x3d: {  	[sflag:s21] =	ssyncadd.s32 $0xFFFFFC00  }
0x3e: {  	[tilespmem:s20], [sflag:$0x1] =	stream.indirect.gather [hbm4b:s1+s23], $0x80, s4, s23, $0xb8;
	[tilespmem:$0x1C400] =	vst v63  }
0x3f: {  	_ =	swait.ge [sflag:s24], $0x4000  }
0x40: {  	[sflag:s24] =	ssyncset.done $0x0  }
0x41: {  	[sflag:s24] =	ssyncadd.s32 $0xFFFFC000  }
0x42: {  	[tilespmem:s25], [sflag:$0x2] =	stream.indirect.gather [hbm4b:s1+s23], $0x80, s23, s23, $0xb8;
	[tilespmem:$0x1C400] =	vst v63  }
0x43: {  	_ = 	snop  }
0x44: {  	[spmem:s3] =	stream.indirect.scatter.add.f32 [tilespmem:s20], [sflag:$0x3], $0x80, s22, s23, $0xb8;
	[tilespmem:$0x1C400] =	vst v63  }
0x45: {  	_ =	swait.ge [sflag:s21], $0x4000  }
0x46: {  	[sflag:s21] =	ssyncset.done $0x0  }
0x47: {  	[sflag:s21] =	ssyncadd.s32 $0xFFFFC000  }
0x48: {  	_ =	swait.ge [sflag:s26], $0x4000  }
0x49: {  	[sflag:s26] =	ssyncset.done $0x0  }
0x4a: {  	[sflag:s26] =	ssyncadd.s32 $0xFFFFC000  }
0x4b: {  	[tilespmem:s20], [sflag:$0x1] =	stream.indirect.gather [hbm4b:s1+s23], $0x80, s28, s23, $0xb8;
	[tilespmem:$0x1C400] =	vst v63  }
0x4c: {  	_ = 	snop  }
0x4d: {  	[spmem:s3] =	stream.indirect.scatter.add.f32 [tilespmem:s25], [sflag:$0x3], $0x80, s29, s23, $0xb8;
	[tilespmem:$0x1C400] =	vst v63  }
0x4e: {  	_ =	swait.ge [sflag:s21], $0x4000  }
0x4f: {  	[sflag:s21] =	ssyncset.done $0x0  }
0x50: {  	[sflag:s21] =	ssyncadd.s32 $0xFFFFC000  }
0x51: {  	_ =	swait.ge [sflag:s24], $0x4000  }
0x52: {  	[sflag:s24] =	ssyncset.done $0x0  }
0x53: {  	[sflag:s24] =	ssyncadd.s32 $0xFFFFC000  }
0x54: {  	[tilespmem:s25], [sflag:$0x2] =	stream.indirect.gather [hbm4b:s1+s23], $0x80, s30, s23, $0xb8;
	[tilespmem:$0x1C400] =	vst v63  }
0x55: {  	_ = 	snop  }
0x56: {  	[spmem:s3] =	stream.indirect.scatter.add.f32 [tilespmem:s20], [sflag:$0x3], $0x80, s31, s23, $0xb8;
	[tilespmem:$0x1C400] =	vst v63  }
0x57: {  	_ =	swait.ge [sflag:s21], $0x4000  }
0x58: {  	[sflag:s21] =	ssyncset.done $0x0  }
0x59: {  	[sflag:s21] =	ssyncadd.s32 $0xFFFFC000  }
0x5a: {  	_ =	swait.ge [sflag:s26], $0x4000  }
0x5b: {  	[sflag:s26] =	ssyncset.done $0x0  }
0x5c: {  	[sflag:s26] =	ssyncadd.s32 $0xFFFFC000  }
0x5d: {  	[tilespmem:s20], [sflag:$0x1] =	stream.indirect.gather [hbm4b:s1+s23], $0x80, s2, s23, $0xb8;
	[tilespmem:$0x1C400] =	vst v63  }
0x5e: {  	_ = 	snop  }
0x5f: {  	[spmem:s3] =	stream.indirect.scatter.add.f32 [tilespmem:s25], [sflag:$0x3], $0x80, s0, s23, $0xb8;
	[tilespmem:$0x1C400] =	vst v63  }
0x60: {  	_ =	swait.ge [sflag:s21], $0x4000  }
0x61: {  	[sflag:s21] =	ssyncset.done $0x0  }
0x62: {  	[sflag:s21] =	ssyncadd.s32 $0xFFFFC000  }
0x63: {  	_ =	swait.ge [sflag:s24], $0x4000  }
0x64: {  	[sflag:s24] =	ssyncset.done $0x0  }
0x65: {  	[sflag:s24] =	ssyncadd.s32 $0xFFFFC000  }
0x66: {  	[tilespmem:s25], [sflag:$0x2] =	stream.indirect.gather [hbm4b:s1+s23], $0x80, s5, s23, $0xb8;
	[tilespmem:$0x1C400] =	vst v63  }
0x67: {  	_ = 	snop  }
0x68: {  	[spmem:s3] =	stream.indirect.scatter.add.f32 [tilespmem:s20], [sflag:$0x3], $0x80, s12, s23, $0xb8;
	[tilespmem:$0x1C400] =	vst v63  }
0x69: {  	_ =	swait.ge [sflag:s21], $0x4000  }
0x6a: {  	[sflag:s21] =	ssyncset.done $0x0  }
0x6b: {  	[sflag:s21] =	ssyncadd.s32 $0xFFFFC000  }
0x6c: {  	_ =	swait.ge [sflag:s26], $0x4000  }
0x6d: {  	[sflag:s26] =	ssyncset.done $0x0  }
0x6e: {  	[sflag:s26] =	ssyncadd.s32 $0xFFFFC000  }
0x6f: {  	[tilespmem:s20], [sflag:$0x1] =	stream.indirect.gather [hbm4b:s1+s23], $0x80, s13, s23, $0xb8;
	[tilespmem:$0x1C400] =	vst v63  }
0x70: {  	_ = 	snop  }
0x71: {  	[spmem:s3] =	stream.indirect.scatter.add.f32 [tilespmem:s25], [sflag:$0x3], $0x80, s14, s23, $0xb8;
	[tilespmem:$0x1C400] =	vst v63  }
0x72: {  	_ =	swait.ge [sflag:s21], $0x4000  }
0x73: {  	[sflag:s21] =	ssyncset.done $0x0  }
0x74: {  	[sflag:s21] =	ssyncadd.s32 $0xFFFFC000  }
0x75: {  	_ =	swait.ge [sflag:s24], $0x4000  }
0x76: {  	[sflag:s24] =	ssyncset.done $0x0  }
0x77: {  	[sflag:s24] =	ssyncadd.s32 $0xFFFFC000  }
0x78: {  	[tilespmem:s25], [sflag:$0x2] =	stream.indirect.gather [hbm4b:s1+s23], $0x80, s15, s23, $0xb8;
	[tilespmem:$0x1C400] =	vst v63  }
0x79: {  	_ = 	snop  }
0x7a: {  	[spmem:s3] =	stream.indirect.scatter.add.f32 [tilespmem:s20], [sflag:$0x3], $0x80, s16, s23, $0xb8;
	[tilespmem:$0x1C400] =	vst v63  }
0x7b: {  	_ =	swait.ge [sflag:s21], $0x4000  }
0x7c: {  	[sflag:s21] =	ssyncset.done $0x0  }
0x7d: {  	[sflag:s21] =	ssyncadd.s32 $0xFFFFC000  }
0x7e: {  	_ =	swait.ge [sflag:s26], $0x4000  }
0x7f: {  	s8 =	rddreg [dreg:$0x6]  }
0x80: {  	p0 =	sne.s32 s8, $0x1  }
.Ltmp0:
0x81: {  	[sflag:s26] =	ssyncset.done $0x0;
	(pc) =	sbr.rel @!p0 .LBB2_3-.Ltmp0, $4  }
0x82: {  	[sflag:s26] =	ssyncadd.s32 $0xFFFFC000  }
0x83: {  	[spmem:s3] =	stream.indirect.scatter.add.f32 [tilespmem:s25], [sflag:$0x3], $0x80, s17, s23, $0xb8;
	[tilespmem:$0x1C400] =	vst v63  }
0x84: {  	_ =	swait.ge [sflag:s21], $0x4000  }
0x85: {  	s8 =	sadd.s32 $0xFFFFFFFF, s8;
	[sflag:s21] =	ssyncset.done $0x0  }
.LBB2_2:
0x86: {  	[sflag:s21] =	ssyncadd.s32 $0xFFFFC000;
	s18 =	sadd.s32 $0x80, s18;
	s19 =	sadd.s32 $0x80, s19  }
0x87: {  	[tilespmem:s4], [sflag:$0x3] =	stream.linear.gather [hbm4b:s19+s4], $0x400, $0x38;
	[tilespmem:$0x1C400] =	vst v63  }
0x88: {  	p0 =	sne.s32 s8, $0x1;
	s8 =	sadd.s32 $0xFFFFFFFF, s8;
	_ =	swait.ge [sflag:s21], $0x400  }
0x89: {  	[sflag:s21] =	ssyncset.done $0x0  }
0x8a: {  	[sflag:s21] =	ssyncadd.s32 $0xFFFFFC00  }
0x8b: {  	[tilespmem:s22], [sflag:$0x3] =	stream.linear.gather [hbm4b:s18+s4], $0x400, $0x38;
	[tilespmem:$0x1C400] =	vst v63  }
0x8c: {  	_ =	swait.ge [sflag:s21], $0x400  }
0x8d: {  	[sflag:s21] =	ssyncset.done $0x0  }
0x8e: {  	[sflag:s21] =	ssyncadd.s32 $0xFFFFFC00  }
0x8f: {  	[tilespmem:s20], [sflag:$0x1] =	stream.indirect.gather [hbm4b:s1+s23], $0x80, s4, s23, $0xb8;
	[tilespmem:$0x1C400] =	vst v63  }
0x90: {  	_ =	swait.ge [sflag:s24], $0x4000  }
0x91: {  	[sflag:s24] =	ssyncset.done $0x0  }
0x92: {  	[sflag:s24] =	ssyncadd.s32 $0xFFFFC000  }
0x93: {  	[tilespmem:s25], [sflag:$0x2] =	stream.indirect.gather [hbm4b:s1+s23], $0x80, s23, s23, $0xb8;
	[tilespmem:$0x1C400] =	vst v63  }
0x94: {  	_ = 	snop  }
0x95: {  	[spmem:s3] =	stream.indirect.scatter.add.f32 [tilespmem:s20], [sflag:$0x3], $0x80, s22, s23, $0xb8;
	[tilespmem:$0x1C400] =	vst v63  }
0x96: {  	_ =	swait.ge [sflag:s21], $0x4000  }
0x97: {  	[sflag:s21] =	ssyncset.done $0x0  }
0x98: {  	[sflag:s21] =	ssyncadd.s32 $0xFFFFC000  }
0x99: {  	_ =	swait.ge [sflag:s26], $0x4000  }
0x9a: {  	[sflag:s26] =	ssyncset.done $0x0  }
0x9b: {  	[sflag:s26] =	ssyncadd.s32 $0xFFFFC000  }
0x9c: {  	[tilespmem:s20], [sflag:$0x1] =	stream.indirect.gather [hbm4b:s1+s23], $0x80, s28, s23, $0xb8;
	[tilespmem:$0x1C400] =	vst v63  }
0x9d: {  	_ = 	snop  }
0x9e: {  	[spmem:s3] =	stream.indirect.scatter.add.f32 [tilespmem:s25], [sflag:$0x3], $0x80, s29, s23, $0xb8;
	[tilespmem:$0x1C400] =	vst v63  }
0x9f: {  	_ =	swait.ge [sflag:s21], $0x4000  }
0xa0: {  	[sflag:s21] =	ssyncset.done $0x0  }
0xa1: {  	[sflag:s21] =	ssyncadd.s32 $0xFFFFC000  }
0xa2: {  	_ =	swait.ge [sflag:s24], $0x4000  }
0xa3: {  	[sflag:s24] =	ssyncset.done $0x0  }
0xa4: {  	[sflag:s24] =	ssyncadd.s32 $0xFFFFC000  }
0xa5: {  	[tilespmem:s25], [sflag:$0x2] =	stream.indirect.gather [hbm4b:s1+s23], $0x80, s30, s23, $0xb8;
	[tilespmem:$0x1C400] =	vst v63  }
0xa6: {  	_ = 	snop  }
0xa7: {  	[spmem:s3] =	stream.indirect.scatter.add.f32 [tilespmem:s20], [sflag:$0x3], $0x80, s31, s23, $0xb8;
	[tilespmem:$0x1C400] =	vst v63  }
0xa8: {  	_ =	swait.ge [sflag:s21], $0x4000  }
0xa9: {  	[sflag:s21] =	ssyncset.done $0x0  }
0xaa: {  	[sflag:s21] =	ssyncadd.s32 $0xFFFFC000  }
0xab: {  	_ =	swait.ge [sflag:s26], $0x4000  }
0xac: {  	[sflag:s26] =	ssyncset.done $0x0  }
0xad: {  	[sflag:s26] =	ssyncadd.s32 $0xFFFFC000  }
0xae: {  	[tilespmem:s20], [sflag:$0x1] =	stream.indirect.gather [hbm4b:s1+s23], $0x80, s2, s23, $0xb8;
	[tilespmem:$0x1C400] =	vst v63  }
0xaf: {  	_ = 	snop  }
0xb0: {  	[spmem:s3] =	stream.indirect.scatter.add.f32 [tilespmem:s25], [sflag:$0x3], $0x80, s0, s23, $0xb8;
	[tilespmem:$0x1C400] =	vst v63  }
0xb1: {  	_ =	swait.ge [sflag:s21], $0x4000  }
0xb2: {  	[sflag:s21] =	ssyncset.done $0x0  }
0xb3: {  	[sflag:s21] =	ssyncadd.s32 $0xFFFFC000  }
0xb4: {  	_ =	swait.ge [sflag:s24], $0x4000  }
0xb5: {  	[sflag:s24] =	ssyncset.done $0x0  }
0xb6: {  	[sflag:s24] =	ssyncadd.s32 $0xFFFFC000  }
0xb7: {  	[tilespmem:s25], [sflag:$0x2] =	stream.indirect.gather [hbm4b:s1+s23], $0x80, s5, s23, $0xb8;
	[tilespmem:$0x1C400] =	vst v63  }
0xb8: {  	_ = 	snop  }
0xb9: {  	[spmem:s3] =	stream.indirect.scatter.add.f32 [tilespmem:s20], [sflag:$0x3], $0x80, s12, s23, $0xb8;
	[tilespmem:$0x1C400] =	vst v63  }
0xba: {  	_ =	swait.ge [sflag:s21], $0x4000  }
0xbb: {  	[sflag:s21] =	ssyncset.done $0x0  }
0xbc: {  	[sflag:s21] =	ssyncadd.s32 $0xFFFFC000  }
0xbd: {  	_ =	swait.ge [sflag:s26], $0x4000  }
0xbe: {  	[sflag:s26] =	ssyncset.done $0x0  }
0xbf: {  	[sflag:s26] =	ssyncadd.s32 $0xFFFFC000  }
0xc0: {  	[tilespmem:s20], [sflag:$0x1] =	stream.indirect.gather [hbm4b:s1+s23], $0x80, s13, s23, $0xb8;
	[tilespmem:$0x1C400] =	vst v63  }
0xc1: {  	_ = 	snop  }
0xc2: {  	[spmem:s3] =	stream.indirect.scatter.add.f32 [tilespmem:s25], [sflag:$0x3], $0x80, s14, s23, $0xb8;
	[tilespmem:$0x1C400] =	vst v63  }
0xc3: {  	_ =	swait.ge [sflag:s21], $0x4000  }
0xc4: {  	[sflag:s21] =	ssyncset.done $0x0  }
0xc5: {  	[sflag:s21] =	ssyncadd.s32 $0xFFFFC000  }
0xc6: {  	_ =	swait.ge [sflag:s24], $0x4000  }
0xc7: {  	[sflag:s24] =	ssyncset.done $0x0  }
0xc8: {  	[sflag:s24] =	ssyncadd.s32 $0xFFFFC000  }
0xc9: {  	[tilespmem:s25], [sflag:$0x2] =	stream.indirect.gather [hbm4b:s1+s23], $0x80, s15, s23, $0xb8;
	[tilespmem:$0x1C400] =	vst v63  }
0xca: {  	_ = 	snop  }
0xcb: {  	[spmem:s3] =	stream.indirect.scatter.add.f32 [tilespmem:s20], [sflag:$0x3], $0x80, s16, s23, $0xb8;
	[tilespmem:$0x1C400] =	vst v63  }
0xcc: {  	_ =	swait.ge [sflag:s21], $0x4000  }
0xcd: {  	[sflag:s21] =	ssyncset.done $0x0  }
0xce: {  	[sflag:s21] =	ssyncadd.s32 $0xFFFFC000  }
0xcf: {  	_ =	swait.ge [sflag:s26], $0x4000  }
.Ltmp1:
0xd0: {  	[sflag:s26] =	ssyncset.done $0x0;
	(pc) =	sbr.rel @p0 .LBB2_2-.Ltmp1, $4  }
0xd1: {  	[sflag:s26] =	ssyncadd.s32 $0xFFFFC000  }
0xd2: {  	[spmem:s3] =	stream.indirect.scatter.add.f32 [tilespmem:s25], [sflag:$0x3], $0x80, s17, s23, $0xb8;
	[tilespmem:$0x1C400] =	vst v63  }
0xd3: {  	_ =	swait.ge [sflag:s21], $0x4000  }
0xd4: {  	[sflag:s21] =	ssyncset.done $0x0  }
.LBB2_3:
0xd5: {  	[sflag:s21] =	ssyncadd.s32 $0xFFFFC000  }
0xd6: {  	[bflag:$0x0] =	sbarrier.arrive $0xFFFF  }
0xd7: {  	[tilespmem:s20], [sflag:$0x3] =	stream.linear.gather [spmem:s10], $0x4000, $0x38;
	[tilespmem:$0x1C400] =	vst v63  }
0xd8: {  	_ =	swait.ge [sflag:s21], $0x4000  }
0xd9: {  	[sflag:s21] =	ssyncset.done $0x0  }
0xda: {  	s8 =	rddreg [dreg:$0x7];
	[sflag:s21] =	ssyncadd.s32 $0xFFFFC000  }
0xdb: {  	[hbm4b:s8+s4] =	stream.linear.scatter [tilespmem:s20], [sflag:$0x3], $0x4000, $0x38;
	[tilespmem:$0x1C400] =	vst v63  }
0xdc: {  	_ =	swait.ge [sflag:s21], $0x4000  }
0xdd: {  	[sflag:s21] =	ssyncset.done $0x0  }
0xde: {  	s18 =	smov.u32 s11;
	[sflag:s21] =	ssyncadd.s32 $0xFFFFC000  }
0xdf: {  	[tilespmem:s20], [sflag:$0x3] =	stream.linear.gather [spmem:s18], $0x4000, $0x38;
	[tilespmem:$0x1C400] =	vst v63  }
0xe0: {  	_ =	swait.ge [sflag:s21], $0x4000  }
0xe1: {  	[sflag:s21] =	ssyncset.done $0x0  }
0xe2: {  	s19 =	rddreg [dreg:$0x8];
	[sflag:s21] =	ssyncadd.s32 $0xFFFFC000  }
0xe3: {  	[hbm4b:s19+s4] =	stream.linear.scatter [tilespmem:s20], [sflag:$0x3], $0x4000, $0x38;
	[tilespmem:$0x1C400] =	vst v63  }
0xe4: {  	_ =	swait.ge [sflag:s21], $0x4000  }
0xe5: {  	[sflag:s21] =	ssyncset.done $0x0  }
0xe6: {  	[sflag:s21] =	ssyncadd.s32 $0xFFFFC000  }
0xe7: {  	[tilespmem:s20], [sflag:$0x3] =	stream.linear.gather [spmem:s9], $0x4000, $0x38;
	[tilespmem:$0x1C400] =	vst v63  }
0xe8: {  	_ =	swait.ge [sflag:s21], $0x4000  }
0xe9: {  	[sflag:s21] =	ssyncset.done $0x0  }
0xea: {  	s11 =	smov.u32 s10;
	s10 =	rddreg [dreg:$0x9];
	[sflag:s21] =	ssyncadd.s32 $0xFFFFC000  }
0xeb: {  	[hbm4b:s10+s4] =	stream.linear.scatter [tilespmem:s20], [sflag:$0x3], $0x4000, $0x38;
	[tilespmem:$0x1C400] =	vst v63  }
0xec: {  	_ =	swait.ge [sflag:s21], $0x4000  }
0xed: {  	[sflag:s21] =	ssyncset.done $0x0  }
0xee: {  	[sflag:s21] =	ssyncadd.s32 $0xFFFFC000  }
0xef: {  	[tilespmem:s20], [sflag:$0x3] =	stream.linear.gather [spmem:s6], $0x4000, $0x38;
	[tilespmem:$0x1C400] =	vst v63  }
0xf0: {  	_ =	swait.ge [sflag:s21], $0x4000  }
0xf1: {  	[sflag:s21] =	ssyncset.done $0x0  }
0xf2: {  	s19 =	smov.u32 s9;
	s9 =	rddreg [dreg:$0xa];
	[sflag:s21] =	ssyncadd.s32 $0xFFFFC000  }
0xf3: {  	[hbm4b:s9+s4] =	stream.linear.scatter [tilespmem:s20], [sflag:$0x3], $0x4000, $0x38;
	[tilespmem:$0x1C400] =	vst v63  }
0xf4: {  	_ =	swait.ge [sflag:s21], $0x4000  }
0xf5: {  	[sflag:s21] =	ssyncset.done $0x0  }
0xf6: {  	s9 =	rddreg [dreg:$0x5];
	[sflag:s21] =	ssyncadd.s32 $0xFFFFC000  }
0xf7: {  	[tilespmem:s20], [sflag:$0x3] =	stream.linear.gather [spmem:s9], $0x4000, $0x38;
	[tilespmem:$0x1C400] =	vst v63  }
0xf8: {  	_ =	swait.ge [sflag:s21], $0x4000  }
0xf9: {  	[sflag:s21] =	ssyncset.done $0x0  }
0xfa: {  	s10 =	rddreg [dreg:$0xb];
	[sflag:s21] =	ssyncadd.s32 $0xFFFFC000  }
0xfb: {  	[hbm4b:s10+s4] =	stream.linear.scatter [tilespmem:s20], [sflag:$0x3], $0x4000, $0x38;
	[tilespmem:$0x1C400] =	vst v63  }
0xfc: {  	_ =	swait.ge [sflag:s21], $0x4000  }
0xfd: {  	s7 =	sadd.s32 $0x1, s7;
	s10 =	rddreg [dreg:$0xc]  }
0xfe: {  	p0 =	sne.s32 s7, s10  }
.Ltmp2:
0xff: {  	_ = 	snop;
	(pc) =	sbr.rel @p0 .LBB2_1-.Ltmp2, $3  }
0x100: {  	_ =	sdelay $0x1  }
0x101: {  	[sflag:s21] =	ssyncset.done $0x0  }
0x102: {  	[sflag:s21] =	ssyncadd.s32 $0xFFFFC000  }
0x103: {  	_ =	sfence.sel $0x180000  }
0x104: {  	[bflag:$0x0] =	sbarrier.arrive $0xFFFF  }
0x105: {  	_ =	strace $0x90000047  }
0x106: {  	s0 =	stileid.u32;
	[bflag:$0x2] =	sbarrier.arrive $0xFFFF  }
0x107: {  	p0 =	sne.s32 s0, $0x0;
	s0 =	rddreg [dreg:$0x3]  }
0x108: {  	s0 =	sadd.s32 @!p0 $0x100000, s0  }
0x109: {  	[sflag:s0] =	ssyncadd.tile.s32 @!p0 $0x1;
	_ =	shalt  }
.Lfunc_end2:
_tile_overlayer_lowered:
.L_overlay_start_2:
0x10a: {  	(tag) =	ssettag $0x2  }
0x10b: {  	s0 =	rddreg [dreg:$0x0];
	s2 =	stileid.u32  }
0x10c: {  	s1 =	rddreg [dreg:$0x1];
	p0 =	sne.s32 s2, $0x0  }
0x10d: {  	s3 =	rddreg [dreg:$0x2];
	[bflag:$0x3] =	sbarrier.arrive $0xFFFF;
	s2 =	simm.s32 @!p0 $0x1C03  }
0x10e: {  	[timem:s3], [sflag:s2] =	dma.local @!p0 [hbm:s0], s1  }
0x10f: {  	s0 =	simm.s32 @!p0 $0x3  }
0x110: {  	_ =	swait.ge @!p0 [sflag:s0], s1  }
0x111: {  	s1 =	ssub.s32 @!p0 $0x0, s1;
	[sflag:s0] =	ssyncset.done @!p0 $0x0  }
0x112: {  	[sflag:s0] =	ssyncadd.s32 @!p0 s1  }
0x113: {  	[bflag:$0x3] =	sbarrier.arrive $0xFFFF  }
0x114: {  	_ =	shalt  }

// kernel: kernel.15.cloned.1.call-start
scs
__scs_entry_jumppad:
0x0: {  	(pc) =	sbr.rel $0x88, $3  }
0x1: {  	(tag) =	ssettag $0x0;
	lr =	simm.s32 $0x1  }
0x2: {  	[smem:$0x3F94] =	sst lr;
	_ =	strace $0xD0000000  }
0x3: {  	_ = 	snop  }
0x4: {  	_ = 	snop  }
0x5: {  	_ = 	snop  }
0x6: {  	_ = 	snop  }
0x7: {  	_ = 	snop  }
__scs_overlays_trampoline_lowered:
0x8: {  	[smem:$0x3FA3] =	sst s0  }
0x9: {  	[smem:$0x3FA4] =	sst s1  }
0xa: {  	[smem:$0x3FA5] =	sst s2  }
0xb: {  	[smem:$0x3FA6] =	sst s3  }
0xc: {  	[smem:$0x3FA7] =	sst s4  }
0xd: {  	[smem:$0x3FA8] =	sst s5  }
0xe: {  	[smem:$0x3FA9] =	sst s6  }
0xf: {  	[smem:$0x3FAA] =	sst s7  }
0x10: {  	[smem:$0x3FAB] =	sst s8  }
0x11: {  	[smem:$0x3FAC] =	sst s9;
	s0 =	simm.s32 @!p0 $0x0  }
0x12: {  	s1 =	sld [smem:$0x3F92];
	s0 =	simm.s32 @p0 $0x1  }
0x13: {  	[smem:$0x3FAD] =	sst s0;
	s0 =	simm.s32 @!p1 $0x0  }
0x14: {  	s2 =	sld [smem:$0x3F91];
	s0 =	simm.s32 @p1 $0x1  }
0x15: {  	[smem:$0x3FAE] =	sst s0;
	s0 =	simm.s32 @!p2 $0x0  }
0x16: {  	s3 =	sld [smem:$0x3FDB];
	s0 =	simm.s32 @p2 $0x1  }
0x17: {  	s4 =	simm.s32 $0x1BF5;
	[smem:$0x3FB0] =	sst s0  }
0x18: {  	s0 =	sld [smem:$0x3F93];
	_ =	swait.ge [sflag:s4], $0x0  }
0x19: {  	s7 =	sld [smem:$0x3F94]  }
0x1a: {  	s8 =	sadd.s32 $0xFFFFE003, lr  }
0x1b: {  	s9 =	sadd.s32 $0xFFFFFEF7, lr;
	s5 =	simm.s32 $0xFFFFFFFF;
	p2 =	slt.u32 s8, $0xFFFFF086  }
0x1c: {  	p1 =	slt.u32 s9, $0xF7A;
	s5 =	simm.s32 @!p2 $0x0  }
0x1d: {  	s5 =	simm.s32 @p1 $0x1;
	p0 =	seq.s32 s7, s2  }
0x1e: {  	s7 =	smul.u32 @!p0 $0xF7A, s2;
	p2 =	seq.s32 @!p0 s5, $0x0  }
0x1f: {  	s9 =	smul.u32 $0xF7A, s1;
	s8 =	simm.s32 @!p0 $0x1BF5;
	p2 =	por !p2, p0  }
0x20: {  	[sflag:s8] =	ssyncset.s32 @!p0 $0xFFFFF086;
	s6 =	sadd.s32 @!p0 s3, s7;
	s7 =	simm.s32 @!p0 $0x108  }
0x21: {  	s3 =	sadd.s32 s3, s9;
	s6 =	sadd.s32 @!p0 $0x88, s6;
	s7 =	simm.s32 @p2 $0x1082  }
0x22: {  	[simem:s7], [sflag:s8] =	dma.local @!p0 [hbm:s6], $0xF7A  }
0x23: {  	s9 =	sor.u32 $0xD0000000, s2;
	s6 =	simm.s32 $0x108;
	_ =	swait.ge @!p0 [sflag:s8], $0x0  }
0x24: {  	s3 =	sadd.s32 $0x88, s3;
	s6 =	simm.s32 @!p1 $0x1082;
	[sflag:s4] =	ssyncset.s32 $0xFFFFF086  }
0x25: {  	[simem:s6], [sflag:s4] =	dma.local [hbm:s3], $0xF7A  }
0x26: {  	[smem:$0x3F94] =	sst s1;
	(tag) =	ssettag s2;
	_ =	strace s9  }
0x27: {  	s1 =	sld [smem:$0x3FA4]  }
0x28: {  	s2 =	sld [smem:$0x3FA5]  }
0x29: {  	s4 =	sld [smem:$0x3FA7]  }
0x2a: {  	p0 =	seq.s32 s5, $0x0;
	s5 =	sld [smem:$0x3FA8]  }
0x2b: {  	s6 =	sld [smem:$0x3FA9]  }
0x2c: {  	s7 =	sld [smem:$0x3FAA]  }
0x2d: {  	s3 =	simm.s32 $0x108;
	s8 =	sld [smem:$0x3FAB]  }
0x2e: {  	s3 =	simm.s32 @!p0 $0x1082;
	s9 =	sld [smem:$0x3FAC]  }
0x2f: {  	lr =	sadd.s32 s0, s3;
	s0 =	sld [smem:$0x3FA3]  }
0x30: {  	s3 =	sld [smem:$0x3FA6]  }
0x31: {  	[smem:$0x3FAF] =	sst s10  }
0x32: {  	s10 =	sld [smem:$0x3FAD];
	_ =	sdelay $0x3  }
0x33: {  	p0 =	seq.s32 s10, $0x1;
	s10 =	sld [smem:$0x3FAF];
	_ =	sdelay $0x3  }
0x34: {  	[smem:$0x3FAF] =	sst s10  }
0x35: {  	s10 =	sld [smem:$0x3FAE];
	_ =	sdelay $0x3  }
0x36: {  	p1 =	seq.s32 s10, $0x1;
	s10 =	sld [smem:$0x3FAF];
	_ =	sdelay $0x3  }
0x37: {  	[smem:$0x3FAF] =	sst s10  }
0x38: {  	s10 =	sld [smem:$0x3FB0]  }
0x39: {  	_ = 	snop;
	(pc) =	sbr.ind lr, $3  }
0x3a: {  	_ = 	snop  }
0x3b: {  	_ = 	snop  }
0x3c: {  	p2 =	seq.s32 s10, $0x1;
	s10 =	sld [smem:$0x3FAF]  }
0x3d: {  	_ =	shalt  }
0x3e: {  	_ =	shalt  }
0x3f: {  	_ =	shalt  }
0x40: {  	_ =	shalt  }
0x41: {  	_ =	shalt  }
0x42: {  	_ =	shalt  }
0x43: {  	_ =	shalt  }
0x44: {  	_ =	shalt  }
0x45: {  	_ =	shalt  }
0x46: {  	_ =	shalt  }
0x47: {  	_ =	shalt  }
0x48: {  	_ =	shalt  }
0x49: {  	_ =	shalt  }
0x4a: {  	_ =	shalt  }
0x4b: {  	_ =	shalt  }
0x4c: {  	_ =	shalt  }
0x4d: {  	_ =	shalt  }
0x4e: {  	_ =	shalt  }
0x4f: {  	_ =	shalt  }
0x50: {  	_ =	shalt  }
0x51: {  	_ =	shalt  }
0x52: {  	_ =	shalt  }
0x53: {  	_ =	shalt  }
0x54: {  	_ =	shalt  }
0x55: {  	_ =	shalt  }
0x56: {  	_ =	shalt  }
0x57: {  	_ =	shalt  }
0x58: {  	_ =	shalt  }
0x59: {  	_ =	shalt  }
0x5a: {  	_ =	shalt  }
0x5b: {  	_ =	shalt  }
0x5c: {  	_ =	shalt  }
0x5d: {  	_ =	shalt  }
0x5e: {  	_ =	shalt  }
0x5f: {  	_ =	shalt  }
0x60: {  	_ =	shalt  }
0x61: {  	_ =	shalt  }
0x62: {  	_ =	shalt  }
0x63: {  	_ =	shalt  }
0x64: {  	_ =	shalt  }
0x65: {  	_ =	shalt  }
0x66: {  	_ =	shalt  }
0x67: {  	_ =	shalt  }
0x68: {  	_ =	shalt  }
0x69: {  	_ =	shalt  }
0x6a: {  	_ =	shalt  }
0x6b: {  	_ =	shalt  }
0x6c: {  	_ =	shalt  }
0x6d: {  	_ =	shalt  }
0x6e: {  	_ =	shalt  }
0x6f: {  	_ =	shalt  }
0x70: {  	_ =	shalt  }
0x71: {  	_ =	shalt  }
0x72: {  	_ =	shalt  }
0x73: {  	_ =	shalt  }
0x74: {  	_ =	shalt  }
0x75: {  	_ =	shalt  }
0x76: {  	_ =	shalt  }
0x77: {  	_ =	shalt  }
0x78: {  	_ =	shalt  }
0x79: {  	_ =	shalt  }
0x7a: {  	_ =	shalt  }
0x7b: {  	_ =	shalt  }
0x7c: {  	_ =	shalt  }
0x7d: {  	_ =	shalt  }
0x7e: {  	_ =	shalt  }
0x7f: {  	_ =	shalt  }
0x80: {  	_ =	shalt  }
0x81: {  	_ =	shalt  }
0x82: {  	_ =	shalt  }
0x83: {  	_ =	shalt  }
0x84: {  	_ =	shalt  }
0x85: {  	_ =	shalt  }
0x86: {  	_ =	shalt  }
0x87: {  	_ =	shalt  }
.Lfunc_end0:
.L_simem_size_0:
called_computation.2_lowered:
.L_overlay_start_0:
0x88: {  	s2 =	sld [smem:$0x3FD9]  }
0x89: {  	s3 =	sld [smem:$0x3FFE];
	_ =	sdelay $0x1  }
0x8a: {  	s1 =	srdreg.scid  }
0x8b: {  	s0 =	sand.u32 $0x1, s1  }
0x8c: {  	s17 =	sshll.u32 s0, $0xA;
	s2 =	sadd.s32 s3, s2  }
0x8d: {  	s2 =	sadd.s32 s2, s17  }
0x8e: {  	[smem:$0x3FBB] =	sst s2  }
0x8f: {  	_ = 	snop  }
0x90: {  	s2 =	sld [smem:$0x3FD0];
	(tm) =	ssettm $0x1  }
0x91: {  	s18 =	sld [smem:$0x3FFB];
	_ =	sdelay $0x3  }
0x92: {  	_ =	strace s18  }
0x93: {  	s3 =	sld [smem:$0x3FFC];
	_ =	sdelay $0x3  }
0x94: {  	_ =	strace s3  }
0x95: {  	s3 =	sld [smem:$0x3FFD];
	_ =	sdelay $0x3  }
0x96: {  	_ =	strace s3  }
0x97: {  	_ =	strace $0x8FFFFFFF  }
0x98: {  	s19 =	sld [smem:$0x3FDB];
	_ =	sdelay $0x1  }
0x99: {  	s4 =	simm.s32 $_scs_section_size  }
0x9a: {  	s5 =	simm.s32 $_size__tile_overlayer_lowered;
	s6 =	simm.s32 $_tile_overlayer_lowered  }
0x9b: {  	s22 =	simm.s32 $0x1BFF;
	s21 =	sshll.u32 s6, $0x1;
	s3 =	sadd.s32 s4, s19  }
0x9c: {  	s7 =	simm.s32 $0x0;
	s20 =	sshll.u32 s5, $0x1;
	s5 =	sadd.s32 s21, s3  }
0x9d: {  	[timem:s7], [sflag:s22] =	dma.local [hbm:s5], s20  }
0x9e: {  	_ =	swait.ge [sflag:s22], s20  }
0x9f: {  	s4 =	ssub.s32 $0x0, s20;
	[sflag:s22] =	ssyncset.done $0x0  }
0xa0: {  	[sflag:s22] =	ssyncadd.s32 s4;
	_ =	sdelay $0x1  }
0xa1: {  	s23 =	simm.s32 $0x1B8B  }
0xa2: {  	_ =	swait.ge [sflag:s23], $0x1  }
0xa3: {  	[sflag:s23] =	ssyncset.done $0x0  }
0xa4: {  	s25 =	simm.s32 $0x1B8E;
	s24 =	sld [smem:$0x3FFE];
	[sflag:s23] =	ssyncadd.s32 $0xFFFFFFFF  }
0xa5: {  	s26 =	simm.s32 $execute0_lowered;
	[smem:$0x3FD2] =	sst s25  }
0xa6: {  	s5 =	sshll.u32 s26, $0x1;
	_ =	strace $0x8000004C;
	[dreg:$0x1] =	wrdreg $0xFFFFFFFF  }
0xa7: {  	s28 =	simm.s32 $_size_execute0_lowered;
	s3 =	sadd.s32 s3, s5;
	[dreg:$0x0] =	wrdreg $0x0  }
0xa8: {  	s5 =	sshll.u32 s28, $0x1;
	[dreg:$0x2] =	wrdreg s3  }
0xa9: {  	[dreg:$0x3] =	wrdreg s5  }
0xaa: {  	[dreg:$0x4] =	wrdreg $0xC0  }
0xab: {  	_ =	task [dreg:s7], $0x5FFFF  }
0xac: {  	[dreg:$0x1] =	wrdreg $0xFFFFFFFF  }
0xad: {  	[dreg:$0x0] =	wrdreg $0x60  }
0xae: {  	[dreg:$0x2] =	wrdreg s2  }
0xaf: {  	[dreg:$0x3] =	wrdreg s24  }
0xb0: {  	[dreg:$0x4] =	wrdreg $0x88000  }
0xb1: {  	[dreg:$0x5] =	wrdreg $0x9  }
0xb2: {  	_ =	task.clear_ibuf [dreg:s7], $0x6FFFF;
	_ =	strace $0x9000004C  }
0xb3: {  	s29 =	simm.s32 $0x9;
	_ =	strace $0x8000004E  }
0xb4: {  	_ =	swait.ge [sflag:s29], $0x1  }
0xb5: {  	[sflag:s29] =	ssyncadd.s32 $0xFFFFFFFF  }
0xb6: {  	_ =	strace $0x9000004E  }
0xb7: {  	_ =	sfence  }
0xb8: {  	s30 =	sld [smem:$0x0];
	_ =	sdelay $0x2  }
0xb9: {  	s31 =	sshll.u32 s1, $0xD;
	s1 =	sshrl.u32 s1, $0x2  }
0xba: {  	s3 =	sand.u32 $0x4000, s31;
	s1 =	sadd.s32 s1, s30  }
0xbb: {  	s0 =	sor.u32 s3, s0;
	s1 =	sshll.u32 s1, $0x11  }
0xbc: {  	s0 =	sor.u32 s1, s0  }
0xbd: {  	s0 =	sadd.s32 $0x8F2B, s0  }
0xbe: {  	[sflag:s0] =	ssyncadd.remote.s32 $0x1  }
0xbf: {  	_ =	sfence.sel $0xFFFF  }
0xc0: {  	[dreg:$0x0] =	wrdreg $0xFFFFFFFF;
	(pc) =	sbr.abs _section_cstart, $3  }
0xc1: {  	[dreg:$0x1] =	wrdreg $0xFFFFFFFF  }
0xc2: {  	_ =	task.clear_ibuf [dreg:s7], $0x2FFFF;
	_ =	strace $0x9FFFFFFF  }
0xc3: {  	(tm) =	ssettm $0x7FFFFFFF  }
tec
execute0_lowered:
.L_overlay_start_1:
0x0: {  	(tag) =	ssettag $0x1  }
0x1: {  	s0 =	srdreg.scid;
	s1 =	rddreg [dreg:$0x0]  }
0x2: {  	s8 =	stileid.u32;
	s2 =	simm.s32 $0x90;
	s6 =	rddreg [dreg:$0x1]  }
0x3: {  	s3 =	rddreg [dreg:$0x2];
	s4 =	simm.s32 $0x0;
	s10 =	simm.s32 $0x12  }
0x4: {  	s28 =	simm.s32 $0x100;
	s29 =	simm.s32 $0x480;
	s30 =	simm.s32 $0x180  }
0x5: {  	s31 =	simm.s32 $0x500;
	s12 =	simm.s32 $0x600;
	s13 =	simm.s32 $0x300  }
0x6: {  	s14 =	simm.s32 $0x680;
	s15 =	simm.s32 $0x380;
	s0 =	sand.u32 $0x1, s0  }
0x7: {  	[smem:$0x7FF] =	sst s4;
	s16 =	smul.u32 $0x4F000, s8;
	s7 =	sadd.s32 $0x17600, s6  }
0x8: {  	s17 =	sadd.s32 $0x17E00, s6;
	p0 =	seq.s32 s0, $0x0;
	s5 =	smul.u32 $0x900, s0  }
0x9: {  	_ =	strace $0x8000004D;
	s20 =	sshll.u32 s0, $0x4;
	s0 =	ssub.s32 $0x2, s0  }
0xa: {  	[dreg:$0x4] =	wrdreg s7;
	s2 =	simm.s32 @!p0 $0x10;
	s9 =	sshrl.u32 s0, $0x1  }
0xb: {  	s10 =	simm.s32 @!p0 $0x2;
	s2 =	smul.u32 s8, s2;
	s8 =	sor.u32 s8, s20  }
0xc: {  	s0 =	ssub.s32 s0, s9;
	[dreg:$0x6] =	wrdreg s10;
	s21 =	smul.u32 $0x13C00, s8  }
0xd: {  	s20 =	simm.s32 $0x800;
	s8 =	smul.u32 $0x2780, s8;
	s0 =	smax.u32 s0, $0x1  }
0xe: {  	s2 =	sadd.s32 s5, s2;
	s5 =	sshrl.u32 s16, $0x2;
	[dreg:$0xc] =	wrdreg s0  }
0xf: {  	s0 =	simm.s32 $0x580;
	s16 =	simm.s32 $0x700;
	s2 =	sshll.u32 s2, $0x4  }
0x10: {  	s11 =	sadd.s32 s5, s3;
	s5 =	sshrl.u32 s21, $0x3;
	s7 =	sadd.s32 s17, s8  }
0x11: {  	s9 =	sadd.s32 $0xFC00, s11;
	s5 =	sadd.s32 s17, s5;
	[dreg:$0x7] =	wrdreg s7  }
0x12: {  	s21 =	simm.s32 $0x3;
	s22 =	sadd.s32 $0x800, s5;
	[dreg:$0x5] =	wrdreg s9  }
0x13: {  	s2 =	sadd.s32 s2, s6;
	s23 =	sadd.s32 $0x1000, s5;
	[dreg:$0x8] =	wrdreg s22  }
0x14: {  	s18 =	sadd.s32 $0x4000, s11;
	s24 =	sadd.s32 $0x1800, s5;
	[dreg:$0x9] =	wrdreg s23  }
0x15: {  	s19 =	sadd.s32 $0x8000, s11;
	s5 =	sadd.s32 $0x1F80, s5;
	[dreg:$0xa] =	wrdreg s24  }
0x16: {  	s6 =	sadd.s32 $0xC000, s11;
	s25 =	sadd.s32 $0x3600, s2;
	[dreg:$0xb] =	wrdreg s5  }
0x17: {  	s17 =	simm.s32 $0x780;
	s26 =	sadd.s32 $0xD600, s2;
	[dreg:$0xd] =	wrdreg s25  }
0x18: {  	s7 =	simm.s32 $0x0;
	s2 =	simm.s32 $0x200;
	[dreg:$0xe] =	wrdreg s26  }
0x19: {  	s22 =	simm.s32 $0x400;
	s23 =	simm.s32 $0x80;
	s24 =	simm.s32 $0x1  }
0x1a: {  	s25 =	simm.s32 $0x4800;
	s26 =	simm.s32 $0x2;
	s5 =	simm.s32 $0x280  }
.LBB2_1:
0x1b: {  	s8 =	rddreg [dreg:$0x4]  }
0x1c: {  	[tilespmem:s20], [sflag:$0x3] =	stream.linear.gather [hbm4b:s8+s4], $0x4000, $0x38;
	[tilespmem:$0x1C400] =	vst v63  }
0x1d: {  	_ =	swait.ge [sflag:s21], $0x4000  }
0x1e: {  	[sflag:s21] =	ssyncset.done $0x0  }
0x1f: {  	[sflag:s21] =	ssyncadd.s32 $0xFFFFC000  }
0x20: {  	[spmem:s11] =	stream.linear.scatter [tilespmem:s20], [sflag:$0x3], $0x4000, $0x38;
	[tilespmem:$0x1C400] =	vst v63  }
0x21: {  	_ =	swait.ge [sflag:s21], $0x4000  }
0x22: {  	[sflag:s21] =	ssyncset.done $0x0  }
0x23: {  	[sflag:s21] =	ssyncadd.s32 $0xFFFFC000  }
0x24: {  	[spmem:s18] =	stream.linear.scatter [tilespmem:s20], [sflag:$0x3], $0x4000, $0x38;
	[tilespmem:$0x1C400] =	vst v63  }
0x25: {  	_ =	swait.ge [sflag:s21], $0x4000  }
0x26: {  	[sflag:s21] =	ssyncset.done $0x0  }
0x27: {  	[sflag:s21] =	ssyncadd.s32 $0xFFFFC000  }
0x28: {  	[spmem:s19] =	stream.linear.scatter [tilespmem:s20], [sflag:$0x3], $0x4000, $0x38;
	[tilespmem:$0x1C400] =	vst v63  }
0x29: {  	_ =	swait.ge [sflag:s21], $0x4000  }
0x2a: {  	[sflag:s21] =	ssyncset.done $0x0  }
0x2b: {  	[sflag:s21] =	ssyncadd.s32 $0xFFFFC000  }
0x2c: {  	[spmem:s6] =	stream.linear.scatter [tilespmem:s20], [sflag:$0x3], $0x4000, $0x38;
	[tilespmem:$0x1C400] =	vst v63  }
0x2d: {  	_ =	swait.ge [sflag:s21], $0x4000  }
0x2e: {  	[sflag:s21] =	ssyncset.done $0x0  }
0x2f: {  	s8 =	smov.u32 s9;
	[sflag:s21] =	ssyncadd.s32 $0xFFFFC000  }
0x30: {  	[spmem:s8] =	stream.linear.scatter [tilespmem:s20], [sflag:$0x3], $0x4000, $0x38;
	[tilespmem:$0x1C400] =	vst v63  }
0x31: {  	_ =	swait.ge [sflag:s21], $0x4000  }
0x32: {  	[sflag:s21] =	ssyncset.done $0x0  }
0x33: {  	[sflag:s21] =	ssyncadd.s32 $0xFFFFC000  }
0x34: {  	[bflag:$0x0] =	sbarrier.arrive $0xFFFF  }
0x35: {  	s9 =	smov.u32 s19;
	s19 =	rddreg [dreg:$0xe]  }
0x36: {  	[tilespmem:s4], [sflag:$0x3] =	stream.linear.gather [hbm4b:s19+s4], $0x400, $0x38;
	[tilespmem:$0x1C400] =	vst v63  }
0x37: {  	_ =	swait.ge [sflag:s21], $0x400  }
0x38: {  	s10 =	smov.u32 s11;
	[sflag:s21] =	ssyncset.done $0x0  }
0x39: {  	s11 =	smov.u32 s18;
	s18 =	rddreg [dreg:$0xd];
	[sflag:s21] =	ssyncadd.s32 $0xFFFFFC00  }
0x3a: {  	[tilespmem:s22], [sflag:$0x3] =	stream.linear.gather [hbm4b:s18+s4], $0x400, $0x38;
	[tilespmem:$0x1C400] =	vst v63  }
0x3b: {  	_ =	swait.ge [sflag:s21], $0x400  }
0x3c: {  	[sflag:s21] =	ssyncset.done $0x0  }
0x3d: {  	[sflag:s21] =	ssyncadd.s32 $0xFFFFFC00  }
0x3e: {  	[tilespmem:s20], [sflag:$0x1] =	stream.indirect.gather [hbm4b:s1+s23], $0x80, s4, s23, $0xb8;
	[tilespmem:$0x1C400] =	vst v63  }
0x3f: {  	_ =	swait.ge [sflag:s24], $0x4000  }
0x40: {  	[sflag:s24] =	ssyncset.done $0x0  }
0x41: {  	[sflag:s24] =	ssyncadd.s32 $0xFFFFC000  }
0x42: {  	[tilespmem:s25], [sflag:$0x2] =	stream.indirect.gather [hbm4b:s1+s23], $0x80, s23, s23, $0xb8;
	[tilespmem:$0x1C400] =	vst v63  }
0x43: {  	_ = 	snop  }
0x44: {  	[spmem:s3] =	stream.indirect.scatter.add.f32 [tilespmem:s20], [sflag:$0x3], $0x80, s22, s23, $0xb8;
	[tilespmem:$0x1C400] =	vst v63  }
0x45: {  	_ =	swait.ge [sflag:s21], $0x4000  }
0x46: {  	[sflag:s21] =	ssyncset.done $0x0  }
0x47: {  	[sflag:s21] =	ssyncadd.s32 $0xFFFFC000  }
0x48: {  	_ =	swait.ge [sflag:s26], $0x4000  }
0x49: {  	[sflag:s26] =	ssyncset.done $0x0  }
0x4a: {  	[sflag:s26] =	ssyncadd.s32 $0xFFFFC000  }
0x4b: {  	[tilespmem:s20], [sflag:$0x1] =	stream.indirect.gather [hbm4b:s1+s23], $0x80, s28, s23, $0xb8;
	[tilespmem:$0x1C400] =	vst v63  }
0x4c: {  	_ = 	snop  }
0x4d: {  	[spmem:s3] =	stream.indirect.scatter.add.f32 [tilespmem:s25], [sflag:$0x3], $0x80, s29, s23, $0xb8;
	[tilespmem:$0x1C400] =	vst v63  }
0x4e: {  	_ =	swait.ge [sflag:s21], $0x4000  }
0x4f: {  	[sflag:s21] =	ssyncset.done $0x0  }
0x50: {  	[sflag:s21] =	ssyncadd.s32 $0xFFFFC000  }
0x51: {  	_ =	swait.ge [sflag:s24], $0x4000  }
0x52: {  	[sflag:s24] =	ssyncset.done $0x0  }
0x53: {  	[sflag:s24] =	ssyncadd.s32 $0xFFFFC000  }
0x54: {  	[tilespmem:s25], [sflag:$0x2] =	stream.indirect.gather [hbm4b:s1+s23], $0x80, s30, s23, $0xb8;
	[tilespmem:$0x1C400] =	vst v63  }
0x55: {  	_ = 	snop  }
0x56: {  	[spmem:s3] =	stream.indirect.scatter.add.f32 [tilespmem:s20], [sflag:$0x3], $0x80, s31, s23, $0xb8;
	[tilespmem:$0x1C400] =	vst v63  }
0x57: {  	_ =	swait.ge [sflag:s21], $0x4000  }
0x58: {  	[sflag:s21] =	ssyncset.done $0x0  }
0x59: {  	[sflag:s21] =	ssyncadd.s32 $0xFFFFC000  }
0x5a: {  	_ =	swait.ge [sflag:s26], $0x4000  }
0x5b: {  	[sflag:s26] =	ssyncset.done $0x0  }
0x5c: {  	[sflag:s26] =	ssyncadd.s32 $0xFFFFC000  }
0x5d: {  	[tilespmem:s20], [sflag:$0x1] =	stream.indirect.gather [hbm4b:s1+s23], $0x80, s2, s23, $0xb8;
	[tilespmem:$0x1C400] =	vst v63  }
0x5e: {  	_ = 	snop  }
0x5f: {  	[spmem:s3] =	stream.indirect.scatter.add.f32 [tilespmem:s25], [sflag:$0x3], $0x80, s0, s23, $0xb8;
	[tilespmem:$0x1C400] =	vst v63  }
0x60: {  	_ =	swait.ge [sflag:s21], $0x4000  }
0x61: {  	[sflag:s21] =	ssyncset.done $0x0  }
0x62: {  	[sflag:s21] =	ssyncadd.s32 $0xFFFFC000  }
0x63: {  	_ =	swait.ge [sflag:s24], $0x4000  }
0x64: {  	[sflag:s24] =	ssyncset.done $0x0  }
0x65: {  	[sflag:s24] =	ssyncadd.s32 $0xFFFFC000  }
0x66: {  	[tilespmem:s25], [sflag:$0x2] =	stream.indirect.gather [hbm4b:s1+s23], $0x80, s5, s23, $0xb8;
	[tilespmem:$0x1C400] =	vst v63  }
0x67: {  	_ = 	snop  }
0x68: {  	[spmem:s3] =	stream.indirect.scatter.add.f32 [tilespmem:s20], [sflag:$0x3], $0x80, s12, s23, $0xb8;
	[tilespmem:$0x1C400] =	vst v63  }
0x69: {  	_ =	swait.ge [sflag:s21], $0x4000  }
0x6a: {  	[sflag:s21] =	ssyncset.done $0x0  }
0x6b: {  	[sflag:s21] =	ssyncadd.s32 $0xFFFFC000  }
0x6c: {  	_ =	swait.ge [sflag:s26], $0x4000  }
0x6d: {  	[sflag:s26] =	ssyncset.done $0x0  }
0x6e: {  	[sflag:s26] =	ssyncadd.s32 $0xFFFFC000  }
0x6f: {  	[tilespmem:s20], [sflag:$0x1] =	stream.indirect.gather [hbm4b:s1+s23], $0x80, s13, s23, $0xb8;
	[tilespmem:$0x1C400] =	vst v63  }
0x70: {  	_ = 	snop  }
0x71: {  	[spmem:s3] =	stream.indirect.scatter.add.f32 [tilespmem:s25], [sflag:$0x3], $0x80, s14, s23, $0xb8;
	[tilespmem:$0x1C400] =	vst v63  }
0x72: {  	_ =	swait.ge [sflag:s21], $0x4000  }
0x73: {  	[sflag:s21] =	ssyncset.done $0x0  }
0x74: {  	[sflag:s21] =	ssyncadd.s32 $0xFFFFC000  }
0x75: {  	_ =	swait.ge [sflag:s24], $0x4000  }
0x76: {  	[sflag:s24] =	ssyncset.done $0x0  }
0x77: {  	[sflag:s24] =	ssyncadd.s32 $0xFFFFC000  }
0x78: {  	[tilespmem:s25], [sflag:$0x2] =	stream.indirect.gather [hbm4b:s1+s23], $0x80, s15, s23, $0xb8;
	[tilespmem:$0x1C400] =	vst v63  }
0x79: {  	_ = 	snop  }
0x7a: {  	[spmem:s3] =	stream.indirect.scatter.add.f32 [tilespmem:s20], [sflag:$0x3], $0x80, s16, s23, $0xb8;
	[tilespmem:$0x1C400] =	vst v63  }
0x7b: {  	_ =	swait.ge [sflag:s21], $0x4000  }
0x7c: {  	[sflag:s21] =	ssyncset.done $0x0  }
0x7d: {  	[sflag:s21] =	ssyncadd.s32 $0xFFFFC000  }
0x7e: {  	_ =	swait.ge [sflag:s26], $0x4000  }
0x7f: {  	s8 =	rddreg [dreg:$0x6]  }
0x80: {  	p0 =	sne.s32 s8, $0x1  }
.Ltmp0:
0x81: {  	[sflag:s26] =	ssyncset.done $0x0;
	(pc) =	sbr.rel @!p0 .LBB2_3-.Ltmp0, $4  }
0x82: {  	[sflag:s26] =	ssyncadd.s32 $0xFFFFC000  }
0x83: {  	[spmem:s3] =	stream.indirect.scatter.add.f32 [tilespmem:s25], [sflag:$0x3], $0x80, s17, s23, $0xb8;
	[tilespmem:$0x1C400] =	vst v63  }
0x84: {  	_ =	swait.ge [sflag:s21], $0x4000  }
0x85: {  	s8 =	sadd.s32 $0xFFFFFFFF, s8;
	[sflag:s21] =	ssyncset.done $0x0  }
.LBB2_2:
0x86: {  	[sflag:s21] =	ssyncadd.s32 $0xFFFFC000;
	s18 =	sadd.s32 $0x80, s18;
	s19 =	sadd.s32 $0x80, s19  }
0x87: {  	[tilespmem:s4], [sflag:$0x3] =	stream.linear.gather [hbm4b:s19+s4], $0x400, $0x38;
	[tilespmem:$0x1C400] =	vst v63  }
0x88: {  	p0 =	sne.s32 s8, $0x1;
	s8 =	sadd.s32 $0xFFFFFFFF, s8;
	_ =	swait.ge [sflag:s21], $0x400  }
0x89: {  	[sflag:s21] =	ssyncset.done $0x0  }
0x8a: {  	[sflag:s21] =	ssyncadd.s32 $0xFFFFFC00  }
0x8b: {  	[tilespmem:s22], [sflag:$0x3] =	stream.linear.gather [hbm4b:s18+s4], $0x400, $0x38;
	[tilespmem:$0x1C400] =	vst v63  }
0x8c: {  	_ =	swait.ge [sflag:s21], $0x400  }
0x8d: {  	[sflag:s21] =	ssyncset.done $0x0  }
0x8e: {  	[sflag:s21] =	ssyncadd.s32 $0xFFFFFC00  }
0x8f: {  	[tilespmem:s20], [sflag:$0x1] =	stream.indirect.gather [hbm4b:s1+s23], $0x80, s4, s23, $0xb8;
	[tilespmem:$0x1C400] =	vst v63  }
0x90: {  	_ =	swait.ge [sflag:s24], $0x4000  }
0x91: {  	[sflag:s24] =	ssyncset.done $0x0  }
0x92: {  	[sflag:s24] =	ssyncadd.s32 $0xFFFFC000  }
0x93: {  	[tilespmem:s25], [sflag:$0x2] =	stream.indirect.gather [hbm4b:s1+s23], $0x80, s23, s23, $0xb8;
	[tilespmem:$0x1C400] =	vst v63  }
0x94: {  	_ = 	snop  }
0x95: {  	[spmem:s3] =	stream.indirect.scatter.add.f32 [tilespmem:s20], [sflag:$0x3], $0x80, s22, s23, $0xb8;
	[tilespmem:$0x1C400] =	vst v63  }
0x96: {  	_ =	swait.ge [sflag:s21], $0x4000  }
0x97: {  	[sflag:s21] =	ssyncset.done $0x0  }
0x98: {  	[sflag:s21] =	ssyncadd.s32 $0xFFFFC000  }
0x99: {  	_ =	swait.ge [sflag:s26], $0x4000  }
0x9a: {  	[sflag:s26] =	ssyncset.done $0x0  }
0x9b: {  	[sflag:s26] =	ssyncadd.s32 $0xFFFFC000  }
0x9c: {  	[tilespmem:s20], [sflag:$0x1] =	stream.indirect.gather [hbm4b:s1+s23], $0x80, s28, s23, $0xb8;
	[tilespmem:$0x1C400] =	vst v63  }
0x9d: {  	_ = 	snop  }
0x9e: {  	[spmem:s3] =	stream.indirect.scatter.add.f32 [tilespmem:s25], [sflag:$0x3], $0x80, s29, s23, $0xb8;
	[tilespmem:$0x1C400] =	vst v63  }
0x9f: {  	_ =	swait.ge [sflag:s21], $0x4000  }
0xa0: {  	[sflag:s21] =	ssyncset.done $0x0  }
0xa1: {  	[sflag:s21] =	ssyncadd.s32 $0xFFFFC000  }
0xa2: {  	_ =	swait.ge [sflag:s24], $0x4000  }
0xa3: {  	[sflag:s24] =	ssyncset.done $0x0  }
0xa4: {  	[sflag:s24] =	ssyncadd.s32 $0xFFFFC000  }
0xa5: {  	[tilespmem:s25], [sflag:$0x2] =	stream.indirect.gather [hbm4b:s1+s23], $0x80, s30, s23, $0xb8;
	[tilespmem:$0x1C400] =	vst v63  }
0xa6: {  	_ = 	snop  }
0xa7: {  	[spmem:s3] =	stream.indirect.scatter.add.f32 [tilespmem:s20], [sflag:$0x3], $0x80, s31, s23, $0xb8;
	[tilespmem:$0x1C400] =	vst v63  }
0xa8: {  	_ =	swait.ge [sflag:s21], $0x4000  }
0xa9: {  	[sflag:s21] =	ssyncset.done $0x0  }
0xaa: {  	[sflag:s21] =	ssyncadd.s32 $0xFFFFC000  }
0xab: {  	_ =	swait.ge [sflag:s26], $0x4000  }
0xac: {  	[sflag:s26] =	ssyncset.done $0x0  }
0xad: {  	[sflag:s26] =	ssyncadd.s32 $0xFFFFC000  }
0xae: {  	[tilespmem:s20], [sflag:$0x1] =	stream.indirect.gather [hbm4b:s1+s23], $0x80, s2, s23, $0xb8;
	[tilespmem:$0x1C400] =	vst v63  }
0xaf: {  	_ = 	snop  }
0xb0: {  	[spmem:s3] =	stream.indirect.scatter.add.f32 [tilespmem:s25], [sflag:$0x3], $0x80, s0, s23, $0xb8;
	[tilespmem:$0x1C400] =	vst v63  }
0xb1: {  	_ =	swait.ge [sflag:s21], $0x4000  }
0xb2: {  	[sflag:s21] =	ssyncset.done $0x0  }
0xb3: {  	[sflag:s21] =	ssyncadd.s32 $0xFFFFC000  }
0xb4: {  	_ =	swait.ge [sflag:s24], $0x4000  }
0xb5: {  	[sflag:s24] =	ssyncset.done $0x0  }
0xb6: {  	[sflag:s24] =	ssyncadd.s32 $0xFFFFC000  }
0xb7: {  	[tilespmem:s25], [sflag:$0x2] =	stream.indirect.gather [hbm4b:s1+s23], $0x80, s5, s23, $0xb8;
	[tilespmem:$0x1C400] =	vst v63  }
0xb8: {  	_ = 	snop  }
0xb9: {  	[spmem:s3] =	stream.indirect.scatter.add.f32 [tilespmem:s20], [sflag:$0x3], $0x80, s12, s23, $0xb8;
	[tilespmem:$0x1C400] =	vst v63  }
0xba: {  	_ =	swait.ge [sflag:s21], $0x4000  }
0xbb: {  	[sflag:s21] =	ssyncset.done $0x0  }
0xbc: {  	[sflag:s21] =	ssyncadd.s32 $0xFFFFC000  }
0xbd: {  	_ =	swait.ge [sflag:s26], $0x4000  }
0xbe: {  	[sflag:s26] =	ssyncset.done $0x0  }
0xbf: {  	[sflag:s26] =	ssyncadd.s32 $0xFFFFC000  }
0xc0: {  	[tilespmem:s20], [sflag:$0x1] =	stream.indirect.gather [hbm4b:s1+s23], $0x80, s13, s23, $0xb8;
	[tilespmem:$0x1C400] =	vst v63  }
0xc1: {  	_ = 	snop  }
0xc2: {  	[spmem:s3] =	stream.indirect.scatter.add.f32 [tilespmem:s25], [sflag:$0x3], $0x80, s14, s23, $0xb8;
	[tilespmem:$0x1C400] =	vst v63  }
0xc3: {  	_ =	swait.ge [sflag:s21], $0x4000  }
0xc4: {  	[sflag:s21] =	ssyncset.done $0x0  }
0xc5: {  	[sflag:s21] =	ssyncadd.s32 $0xFFFFC000  }
0xc6: {  	_ =	swait.ge [sflag:s24], $0x4000  }
0xc7: {  	[sflag:s24] =	ssyncset.done $0x0  }
0xc8: {  	[sflag:s24] =	ssyncadd.s32 $0xFFFFC000  }
0xc9: {  	[tilespmem:s25], [sflag:$0x2] =	stream.indirect.gather [hbm4b:s1+s23], $0x80, s15, s23, $0xb8;
	[tilespmem:$0x1C400] =	vst v63  }
0xca: {  	_ = 	snop  }
0xcb: {  	[spmem:s3] =	stream.indirect.scatter.add.f32 [tilespmem:s20], [sflag:$0x3], $0x80, s16, s23, $0xb8;
	[tilespmem:$0x1C400] =	vst v63  }
0xcc: {  	_ =	swait.ge [sflag:s21], $0x4000  }
0xcd: {  	[sflag:s21] =	ssyncset.done $0x0  }
0xce: {  	[sflag:s21] =	ssyncadd.s32 $0xFFFFC000  }
0xcf: {  	_ =	swait.ge [sflag:s26], $0x4000  }
.Ltmp1:
0xd0: {  	[sflag:s26] =	ssyncset.done $0x0;
	(pc) =	sbr.rel @p0 .LBB2_2-.Ltmp1, $4  }
0xd1: {  	[sflag:s26] =	ssyncadd.s32 $0xFFFFC000  }
0xd2: {  	[spmem:s3] =	stream.indirect.scatter.add.f32 [tilespmem:s25], [sflag:$0x3], $0x80, s17, s23, $0xb8;
	[tilespmem:$0x1C400] =	vst v63  }
0xd3: {  	_ =	swait.ge [sflag:s21], $0x4000  }
0xd4: {  	[sflag:s21] =	ssyncset.done $0x0  }
.LBB2_3:
0xd5: {  	[sflag:s21] =	ssyncadd.s32 $0xFFFFC000  }
0xd6: {  	[bflag:$0x0] =	sbarrier.arrive $0xFFFF  }
0xd7: {  	[tilespmem:s20], [sflag:$0x3] =	stream.linear.gather [spmem:s10], $0x4000, $0x38;
	[tilespmem:$0x1C400] =	vst v63  }
0xd8: {  	_ =	swait.ge [sflag:s21], $0x4000  }
0xd9: {  	[sflag:s21] =	ssyncset.done $0x0  }
0xda: {  	s8 =	rddreg [dreg:$0x7];
	[sflag:s21] =	ssyncadd.s32 $0xFFFFC000  }
0xdb: {  	[hbm4b:s8+s4] =	stream.linear.scatter [tilespmem:s20], [sflag:$0x3], $0x4000, $0x38;
	[tilespmem:$0x1C400] =	vst v63  }
0xdc: {  	_ =	swait.ge [sflag:s21], $0x4000  }
0xdd: {  	[sflag:s21] =	ssyncset.done $0x0  }
0xde: {  	s18 =	smov.u32 s11;
	[sflag:s21] =	ssyncadd.s32 $0xFFFFC000  }
0xdf: {  	[tilespmem:s20], [sflag:$0x3] =	stream.linear.gather [spmem:s18], $0x4000, $0x38;
	[tilespmem:$0x1C400] =	vst v63  }
0xe0: {  	_ =	swait.ge [sflag:s21], $0x4000  }
0xe1: {  	[sflag:s21] =	ssyncset.done $0x0  }
0xe2: {  	s19 =	rddreg [dreg:$0x8];
	[sflag:s21] =	ssyncadd.s32 $0xFFFFC000  }
0xe3: {  	[hbm4b:s19+s4] =	stream.linear.scatter [tilespmem:s20], [sflag:$0x3], $0x4000, $0x38;
	[tilespmem:$0x1C400] =	vst v63  }
0xe4: {  	_ =	swait.ge [sflag:s21], $0x4000  }
0xe5: {  	[sflag:s21] =	ssyncset.done $0x0  }
0xe6: {  	[sflag:s21] =	ssyncadd.s32 $0xFFFFC000  }
0xe7: {  	[tilespmem:s20], [sflag:$0x3] =	stream.linear.gather [spmem:s9], $0x4000, $0x38;
	[tilespmem:$0x1C400] =	vst v63  }
0xe8: {  	_ =	swait.ge [sflag:s21], $0x4000  }
0xe9: {  	[sflag:s21] =	ssyncset.done $0x0  }
0xea: {  	s11 =	smov.u32 s10;
	s10 =	rddreg [dreg:$0x9];
	[sflag:s21] =	ssyncadd.s32 $0xFFFFC000  }
0xeb: {  	[hbm4b:s10+s4] =	stream.linear.scatter [tilespmem:s20], [sflag:$0x3], $0x4000, $0x38;
	[tilespmem:$0x1C400] =	vst v63  }
0xec: {  	_ =	swait.ge [sflag:s21], $0x4000  }
0xed: {  	[sflag:s21] =	ssyncset.done $0x0  }
0xee: {  	[sflag:s21] =	ssyncadd.s32 $0xFFFFC000  }
0xef: {  	[tilespmem:s20], [sflag:$0x3] =	stream.linear.gather [spmem:s6], $0x4000, $0x38;
	[tilespmem:$0x1C400] =	vst v63  }
0xf0: {  	_ =	swait.ge [sflag:s21], $0x4000  }
0xf1: {  	[sflag:s21] =	ssyncset.done $0x0  }
0xf2: {  	s19 =	smov.u32 s9;
	s9 =	rddreg [dreg:$0xa];
	[sflag:s21] =	ssyncadd.s32 $0xFFFFC000  }
0xf3: {  	[hbm4b:s9+s4] =	stream.linear.scatter [tilespmem:s20], [sflag:$0x3], $0x4000, $0x38;
	[tilespmem:$0x1C400] =	vst v63  }
0xf4: {  	_ =	swait.ge [sflag:s21], $0x4000  }
0xf5: {  	[sflag:s21] =	ssyncset.done $0x0  }
0xf6: {  	s9 =	rddreg [dreg:$0x5];
	[sflag:s21] =	ssyncadd.s32 $0xFFFFC000  }
0xf7: {  	[tilespmem:s20], [sflag:$0x3] =	stream.linear.gather [spmem:s9], $0x4000, $0x38;
	[tilespmem:$0x1C400] =	vst v63  }
0xf8: {  	_ =	swait.ge [sflag:s21], $0x4000  }
0xf9: {  	[sflag:s21] =	ssyncset.done $0x0  }
0xfa: {  	s10 =	rddreg [dreg:$0xb];
	[sflag:s21] =	ssyncadd.s32 $0xFFFFC000  }
0xfb: {  	[hbm4b:s10+s4] =	stream.linear.scatter [tilespmem:s20], [sflag:$0x3], $0x4000, $0x38;
	[tilespmem:$0x1C400] =	vst v63  }
0xfc: {  	_ =	swait.ge [sflag:s21], $0x4000  }
0xfd: {  	s7 =	sadd.s32 $0x1, s7;
	s10 =	rddreg [dreg:$0xc]  }
0xfe: {  	p0 =	sne.s32 s7, s10  }
.Ltmp2:
0xff: {  	_ = 	snop;
	(pc) =	sbr.rel @p0 .LBB2_1-.Ltmp2, $3  }
0x100: {  	_ =	sdelay $0x1  }
0x101: {  	[sflag:s21] =	ssyncset.done $0x0  }
0x102: {  	[sflag:s21] =	ssyncadd.s32 $0xFFFFC000  }
0x103: {  	_ =	sfence.sel $0x180000  }
0x104: {  	[bflag:$0x0] =	sbarrier.arrive $0xFFFF  }
0x105: {  	_ =	strace $0x9000004D  }
0x106: {  	s0 =	stileid.u32;
	[bflag:$0x2] =	sbarrier.arrive $0xFFFF  }
0x107: {  	p0 =	sne.s32 s0, $0x0;
	s0 =	rddreg [dreg:$0x3]  }
0x108: {  	s0 =	sadd.s32 @!p0 $0x100000, s0  }
0x109: {  	[sflag:s0] =	ssyncadd.tile.s32 @!p0 $0x1;
	_ =	shalt  }
.Lfunc_end2:
_tile_overlayer_lowered:
.L_overlay_start_2:
0x10a: {  	(tag) =	ssettag $0x2  }
0x10b: {  	s0 =	rddreg [dreg:$0x0];
	s2 =	stileid.u32  }
0x10c: {  	s1 =	rddreg [dreg:$0x1];
	p0 =	sne.s32 s2, $0x0  }
0x10d: {  	s3 =	rddreg [dreg:$0x2];
	[bflag:$0x3] =	sbarrier.arrive $0xFFFF;
	s2 =	simm.s32 @!p0 $0x1C03  }
0x10e: {  	[timem:s3], [sflag:s2] =	dma.local @!p0 [hbm:s0], s1  }
0x10f: {  	s0 =	simm.s32 @!p0 $0x3  }
0x110: {  	_ =	swait.ge @!p0 [sflag:s0], s1  }
0x111: {  	s1 =	ssub.s32 @!p0 $0x0, s1;
	[sflag:s0] =	ssyncset.done @!p0 $0x0  }
0x112: {  	[sflag:s0] =	ssyncadd.s32 @!p0 s1  }
0x113: {  	[bflag:$0x3] =	sbarrier.arrive $0xFFFF  }
0x114: {  	_ =	shalt  }

// kernel: kernel.18.cloned.1.call-start
scs
__scs_entry_jumppad:
0x0: {  	(pc) =	sbr.rel $0x88, $3  }
0x1: {  	(tag) =	ssettag $0x0;
	lr =	simm.s32 $0x1  }
0x2: {  	[smem:$0x3F94] =	sst lr;
	_ =	strace $0xD0000000  }
0x3: {  	_ = 	snop  }
0x4: {  	_ = 	snop  }
0x5: {  	_ = 	snop  }
0x6: {  	_ = 	snop  }
0x7: {  	_ = 	snop  }
__scs_overlays_trampoline_lowered:
0x8: {  	[smem:$0x3FA3] =	sst s0  }
0x9: {  	[smem:$0x3FA4] =	sst s1  }
0xa: {  	[smem:$0x3FA5] =	sst s2  }
0xb: {  	[smem:$0x3FA6] =	sst s3  }
0xc: {  	[smem:$0x3FA7] =	sst s4  }
0xd: {  	[smem:$0x3FA8] =	sst s5  }
0xe: {  	[smem:$0x3FA9] =	sst s6  }
0xf: {  	[smem:$0x3FAA] =	sst s7  }
0x10: {  	[smem:$0x3FAB] =	sst s8  }
0x11: {  	[smem:$0x3FAC] =	sst s9;
	s0 =	simm.s32 @!p0 $0x0  }
0x12: {  	s1 =	sld [smem:$0x3F92];
	s0 =	simm.s32 @p0 $0x1  }
0x13: {  	[smem:$0x3FAD] =	sst s0;
	s0 =	simm.s32 @!p1 $0x0  }
0x14: {  	s2 =	sld [smem:$0x3F91];
	s0 =	simm.s32 @p1 $0x1  }
0x15: {  	[smem:$0x3FAE] =	sst s0;
	s0 =	simm.s32 @!p2 $0x0  }
0x16: {  	s3 =	sld [smem:$0x3FDB];
	s0 =	simm.s32 @p2 $0x1  }
0x17: {  	s4 =	simm.s32 $0x1BF5;
	[smem:$0x3FB0] =	sst s0  }
0x18: {  	s0 =	sld [smem:$0x3F93];
	_ =	swait.ge [sflag:s4], $0x0  }
0x19: {  	s7 =	sld [smem:$0x3F94]  }
0x1a: {  	s8 =	sadd.s32 $0xFFFFE003, lr  }
0x1b: {  	s9 =	sadd.s32 $0xFFFFFEF7, lr;
	s5 =	simm.s32 $0xFFFFFFFF;
	p2 =	slt.u32 s8, $0xFFFFF086  }
0x1c: {  	p1 =	slt.u32 s9, $0xF7A;
	s5 =	simm.s32 @!p2 $0x0  }
0x1d: {  	s5 =	simm.s32 @p1 $0x1;
	p0 =	seq.s32 s7, s2  }
0x1e: {  	s7 =	smul.u32 @!p0 $0xF7A, s2;
	p2 =	seq.s32 @!p0 s5, $0x0  }
0x1f: {  	s9 =	smul.u32 $0xF7A, s1;
	s8 =	simm.s32 @!p0 $0x1BF5;
	p2 =	por !p2, p0  }
0x20: {  	[sflag:s8] =	ssyncset.s32 @!p0 $0xFFFFF086;
	s6 =	sadd.s32 @!p0 s3, s7;
	s7 =	simm.s32 @!p0 $0x108  }
0x21: {  	s3 =	sadd.s32 s3, s9;
	s6 =	sadd.s32 @!p0 $0x88, s6;
	s7 =	simm.s32 @p2 $0x1082  }
0x22: {  	[simem:s7], [sflag:s8] =	dma.local @!p0 [hbm:s6], $0xF7A  }
0x23: {  	s9 =	sor.u32 $0xD0000000, s2;
	s6 =	simm.s32 $0x108;
	_ =	swait.ge @!p0 [sflag:s8], $0x0  }
0x24: {  	s3 =	sadd.s32 $0x88, s3;
	s6 =	simm.s32 @!p1 $0x1082;
	[sflag:s4] =	ssyncset.s32 $0xFFFFF086  }
0x25: {  	[simem:s6], [sflag:s4] =	dma.local [hbm:s3], $0xF7A  }
0x26: {  	[smem:$0x3F94] =	sst s1;
	(tag) =	ssettag s2;
	_ =	strace s9  }
0x27: {  	s1 =	sld [smem:$0x3FA4]  }
0x28: {  	s2 =	sld [smem:$0x3FA5]  }
0x29: {  	s4 =	sld [smem:$0x3FA7]  }
0x2a: {  	p0 =	seq.s32 s5, $0x0;
	s5 =	sld [smem:$0x3FA8]  }
0x2b: {  	s6 =	sld [smem:$0x3FA9]  }
0x2c: {  	s7 =	sld [smem:$0x3FAA]  }
0x2d: {  	s3 =	simm.s32 $0x108;
	s8 =	sld [smem:$0x3FAB]  }
0x2e: {  	s3 =	simm.s32 @!p0 $0x1082;
	s9 =	sld [smem:$0x3FAC]  }
0x2f: {  	lr =	sadd.s32 s0, s3;
	s0 =	sld [smem:$0x3FA3]  }
0x30: {  	s3 =	sld [smem:$0x3FA6]  }
0x31: {  	[smem:$0x3FAF] =	sst s10  }
0x32: {  	s10 =	sld [smem:$0x3FAD];
	_ =	sdelay $0x3  }
0x33: {  	p0 =	seq.s32 s10, $0x1;
	s10 =	sld [smem:$0x3FAF];
	_ =	sdelay $0x3  }
0x34: {  	[smem:$0x3FAF] =	sst s10  }
0x35: {  	s10 =	sld [smem:$0x3FAE];
	_ =	sdelay $0x3  }
0x36: {  	p1 =	seq.s32 s10, $0x1;
	s10 =	sld [smem:$0x3FAF];
	_ =	sdelay $0x3  }
0x37: {  	[smem:$0x3FAF] =	sst s10  }
0x38: {  	s10 =	sld [smem:$0x3FB0]  }
0x39: {  	_ = 	snop;
	(pc) =	sbr.ind lr, $3  }
0x3a: {  	_ = 	snop  }
0x3b: {  	_ = 	snop  }
0x3c: {  	p2 =	seq.s32 s10, $0x1;
	s10 =	sld [smem:$0x3FAF]  }
0x3d: {  	_ =	shalt  }
0x3e: {  	_ =	shalt  }
0x3f: {  	_ =	shalt  }
0x40: {  	_ =	shalt  }
0x41: {  	_ =	shalt  }
0x42: {  	_ =	shalt  }
0x43: {  	_ =	shalt  }
0x44: {  	_ =	shalt  }
0x45: {  	_ =	shalt  }
0x46: {  	_ =	shalt  }
0x47: {  	_ =	shalt  }
0x48: {  	_ =	shalt  }
0x49: {  	_ =	shalt  }
0x4a: {  	_ =	shalt  }
0x4b: {  	_ =	shalt  }
0x4c: {  	_ =	shalt  }
0x4d: {  	_ =	shalt  }
0x4e: {  	_ =	shalt  }
0x4f: {  	_ =	shalt  }
0x50: {  	_ =	shalt  }
0x51: {  	_ =	shalt  }
0x52: {  	_ =	shalt  }
0x53: {  	_ =	shalt  }
0x54: {  	_ =	shalt  }
0x55: {  	_ =	shalt  }
0x56: {  	_ =	shalt  }
0x57: {  	_ =	shalt  }
0x58: {  	_ =	shalt  }
0x59: {  	_ =	shalt  }
0x5a: {  	_ =	shalt  }
0x5b: {  	_ =	shalt  }
0x5c: {  	_ =	shalt  }
0x5d: {  	_ =	shalt  }
0x5e: {  	_ =	shalt  }
0x5f: {  	_ =	shalt  }
0x60: {  	_ =	shalt  }
0x61: {  	_ =	shalt  }
0x62: {  	_ =	shalt  }
0x63: {  	_ =	shalt  }
0x64: {  	_ =	shalt  }
0x65: {  	_ =	shalt  }
0x66: {  	_ =	shalt  }
0x67: {  	_ =	shalt  }
0x68: {  	_ =	shalt  }
0x69: {  	_ =	shalt  }
0x6a: {  	_ =	shalt  }
0x6b: {  	_ =	shalt  }
0x6c: {  	_ =	shalt  }
0x6d: {  	_ =	shalt  }
0x6e: {  	_ =	shalt  }
0x6f: {  	_ =	shalt  }
0x70: {  	_ =	shalt  }
0x71: {  	_ =	shalt  }
0x72: {  	_ =	shalt  }
0x73: {  	_ =	shalt  }
0x74: {  	_ =	shalt  }
0x75: {  	_ =	shalt  }
0x76: {  	_ =	shalt  }
0x77: {  	_ =	shalt  }
0x78: {  	_ =	shalt  }
0x79: {  	_ =	shalt  }
0x7a: {  	_ =	shalt  }
0x7b: {  	_ =	shalt  }
0x7c: {  	_ =	shalt  }
0x7d: {  	_ =	shalt  }
0x7e: {  	_ =	shalt  }
0x7f: {  	_ =	shalt  }
0x80: {  	_ =	shalt  }
0x81: {  	_ =	shalt  }
0x82: {  	_ =	shalt  }
0x83: {  	_ =	shalt  }
0x84: {  	_ =	shalt  }
0x85: {  	_ =	shalt  }
0x86: {  	_ =	shalt  }
0x87: {  	_ =	shalt  }
.Lfunc_end0:
.L_simem_size_0:
called_computation.3_lowered:
.L_overlay_start_0:
0x88: {  	s2 =	sld [smem:$0x3FD9]  }
0x89: {  	s3 =	sld [smem:$0x3FFE];
	_ =	sdelay $0x1  }
0x8a: {  	s1 =	srdreg.scid  }
0x8b: {  	s0 =	sand.u32 $0x1, s1  }
0x8c: {  	s17 =	sshll.u32 s0, $0xA;
	s2 =	sadd.s32 s3, s2  }
0x8d: {  	s2 =	sadd.s32 s2, s17  }
0x8e: {  	[smem:$0x3FBB] =	sst s2  }
0x8f: {  	_ = 	snop  }
0x90: {  	s2 =	sld [smem:$0x3FD0];
	(tm) =	ssettm $0x1  }
0x91: {  	s18 =	sld [smem:$0x3FFB];
	_ =	sdelay $0x3  }
0x92: {  	_ =	strace s18  }
0x93: {  	s3 =	sld [smem:$0x3FFC];
	_ =	sdelay $0x3  }
0x94: {  	_ =	strace s3  }
0x95: {  	s3 =	sld [smem:$0x3FFD];
	_ =	sdelay $0x3  }
0x96: {  	_ =	strace s3  }
0x97: {  	_ =	strace $0x8FFFFFFF  }
0x98: {  	s19 =	sld [smem:$0x3FDB];
	_ =	sdelay $0x1  }
0x99: {  	s4 =	simm.s32 $_scs_section_size  }
0x9a: {  	s5 =	simm.s32 $_size__tile_overlayer_lowered;
	s6 =	simm.s32 $_tile_overlayer_lowered  }
0x9b: {  	s22 =	simm.s32 $0x1BFF;
	s21 =	sshll.u32 s6, $0x1;
	s3 =	sadd.s32 s4, s19  }
0x9c: {  	s7 =	simm.s32 $0x0;
	s20 =	sshll.u32 s5, $0x1;
	s5 =	sadd.s32 s21, s3  }
0x9d: {  	[timem:s7], [sflag:s22] =	dma.local [hbm:s5], s20  }
0x9e: {  	_ =	swait.ge [sflag:s22], s20  }
0x9f: {  	s4 =	ssub.s32 $0x0, s20;
	[sflag:s22] =	ssyncset.done $0x0  }
0xa0: {  	[sflag:s22] =	ssyncadd.s32 s4;
	_ =	sdelay $0x1  }
0xa1: {  	s23 =	simm.s32 $0x1B8B  }
0xa2: {  	_ =	swait.ge [sflag:s23], $0x1  }
0xa3: {  	[sflag:s23] =	ssyncset.done $0x0  }
0xa4: {  	s25 =	simm.s32 $0x1B8E;
	s24 =	sld [smem:$0x3FFE];
	[sflag:s23] =	ssyncadd.s32 $0xFFFFFFFF  }
0xa5: {  	s26 =	simm.s32 $execute0_lowered;
	[smem:$0x3FD2] =	sst s25  }
0xa6: {  	s5 =	sshll.u32 s26, $0x1;
	_ =	strace $0x8000004F;
	[dreg:$0x1] =	wrdreg $0xFFFFFFFF  }
0xa7: {  	s28 =	simm.s32 $_size_execute0_lowered;
	s3 =	sadd.s32 s3, s5;
	[dreg:$0x0] =	wrdreg $0x0  }
0xa8: {  	s5 =	sshll.u32 s28, $0x1;
	[dreg:$0x2] =	wrdreg s3  }
0xa9: {  	[dreg:$0x3] =	wrdreg s5  }
0xaa: {  	[dreg:$0x4] =	wrdreg $0xC0  }
0xab: {  	_ =	task [dreg:s7], $0x5FFFF  }
0xac: {  	[dreg:$0x1] =	wrdreg $0xFFFFFFFF  }
0xad: {  	[dreg:$0x0] =	wrdreg $0x60  }
0xae: {  	[dreg:$0x2] =	wrdreg s2  }
0xaf: {  	[dreg:$0x3] =	wrdreg s24  }
0xb0: {  	[dreg:$0x4] =	wrdreg $0x88000  }
0xb1: {  	[dreg:$0x5] =	wrdreg $0x9  }
0xb2: {  	_ =	task.clear_ibuf [dreg:s7], $0x6FFFF;
	_ =	strace $0x9000004F  }
0xb3: {  	s29 =	simm.s32 $0x9;
	_ =	strace $0x80000051  }
0xb4: {  	_ =	swait.ge [sflag:s29], $0x1  }
0xb5: {  	[sflag:s29] =	ssyncadd.s32 $0xFFFFFFFF  }
0xb6: {  	_ =	strace $0x90000051  }
0xb7: {  	_ =	sfence  }
0xb8: {  	s30 =	sld [smem:$0x0];
	_ =	sdelay $0x2  }
0xb9: {  	s31 =	sshll.u32 s1, $0xD;
	s1 =	sshrl.u32 s1, $0x2  }
0xba: {  	s3 =	sand.u32 $0x4000, s31;
	s1 =	sadd.s32 s1, s30  }
0xbb: {  	s0 =	sor.u32 s3, s0;
	s1 =	sshll.u32 s1, $0x11  }
0xbc: {  	s0 =	sor.u32 s1, s0  }
0xbd: {  	s0 =	sadd.s32 $0x8F2B, s0  }
0xbe: {  	[sflag:s0] =	ssyncadd.remote.s32 $0x1  }
0xbf: {  	_ =	sfence.sel $0xFFFF  }
0xc0: {  	[dreg:$0x0] =	wrdreg $0xFFFFFFFF;
	(pc) =	sbr.abs _section_cstart, $3  }
0xc1: {  	[dreg:$0x1] =	wrdreg $0xFFFFFFFF  }
0xc2: {  	_ =	task.clear_ibuf [dreg:s7], $0x2FFFF;
	_ =	strace $0x9FFFFFFF  }
0xc3: {  	(tm) =	ssettm $0x7FFFFFFF  }
tec
execute0_lowered:
.L_overlay_start_1:
0x0: {  	(tag) =	ssettag $0x1  }
0x1: {  	s0 =	srdreg.scid;
	s1 =	rddreg [dreg:$0x0]  }
0x2: {  	s8 =	stileid.u32;
	s2 =	simm.s32 $0x90;
	s6 =	rddreg [dreg:$0x1]  }
0x3: {  	s3 =	rddreg [dreg:$0x2];
	s4 =	simm.s32 $0x0;
	s10 =	simm.s32 $0x12  }
0x4: {  	s28 =	simm.s32 $0x100;
	s29 =	simm.s32 $0x480;
	s30 =	simm.s32 $0x180  }
0x5: {  	s31 =	simm.s32 $0x500;
	s12 =	simm.s32 $0x600;
	s13 =	simm.s32 $0x300  }
0x6: {  	s14 =	simm.s32 $0x680;
	s15 =	simm.s32 $0x380;
	s0 =	sand.u32 $0x1, s0  }
0x7: {  	[smem:$0x7FF] =	sst s4;
	s16 =	smul.u32 $0x4F000, s8;
	s7 =	sadd.s32 $0x17600, s6  }
0x8: {  	s17 =	sadd.s32 $0x17E00, s6;
	p0 =	seq.s32 s0, $0x0;
	s5 =	smul.u32 $0x900, s0  }
0x9: {  	_ =	strace $0x80000050;
	s20 =	sshll.u32 s0, $0x4;
	s0 =	ssub.s32 $0x2, s0  }
0xa: {  	[dreg:$0x4] =	wrdreg s7;
	s2 =	simm.s32 @!p0 $0x10;
	s9 =	sshrl.u32 s0, $0x1  }
0xb: {  	s10 =	simm.s32 @!p0 $0x2;
	s2 =	smul.u32 s8, s2;
	s8 =	sor.u32 s8, s20  }
0xc: {  	s0 =	ssub.s32 s0, s9;
	[dreg:$0x6] =	wrdreg s10;
	s21 =	smul.u32 $0x13C00, s8  }
0xd: {  	s20 =	simm.s32 $0x800;
	s8 =	smul.u32 $0x2780, s8;
	s0 =	smax.u32 s0, $0x1  }
0xe: {  	s2 =	sadd.s32 s5, s2;
	s5 =	sshrl.u32 s16, $0x2;
	[dreg:$0xc] =	wrdreg s0  }
0xf: {  	s0 =	simm.s32 $0x580;
	s16 =	simm.s32 $0x700;
	s2 =	sshll.u32 s2, $0x4  }
0x10: {  	s11 =	sadd.s32 s5, s3;
	s5 =	sshrl.u32 s21, $0x3;
	s7 =	sadd.s32 s17, s8  }
0x11: {  	s9 =	sadd.s32 $0xFC00, s11;
	s5 =	sadd.s32 s17, s5;
	[dreg:$0x7] =	wrdreg s7  }
0x12: {  	s21 =	simm.s32 $0x3;
	s22 =	sadd.s32 $0x800, s5;
	[dreg:$0x5] =	wrdreg s9  }
0x13: {  	s2 =	sadd.s32 s2, s6;
	s23 =	sadd.s32 $0x1000, s5;
	[dreg:$0x8] =	wrdreg s22  }
0x14: {  	s18 =	sadd.s32 $0x4000, s11;
	s24 =	sadd.s32 $0x1800, s5;
	[dreg:$0x9] =	wrdreg s23  }
0x15: {  	s19 =	sadd.s32 $0x8000, s11;
	s5 =	sadd.s32 $0x1F80, s5;
	[dreg:$0xa] =	wrdreg s24  }
0x16: {  	s6 =	sadd.s32 $0xC000, s11;
	s25 =	sadd.s32 $0x3600, s2;
	[dreg:$0xb] =	wrdreg s5  }
0x17: {  	s17 =	simm.s32 $0x780;
	s26 =	sadd.s32 $0xD600, s2;
	[dreg:$0xd] =	wrdreg s25  }
0x18: {  	s7 =	simm.s32 $0x0;
	s2 =	simm.s32 $0x200;
	[dreg:$0xe] =	wrdreg s26  }
0x19: {  	s22 =	simm.s32 $0x400;
	s23 =	simm.s32 $0x80;
	s24 =	simm.s32 $0x1  }
0x1a: {  	s25 =	simm.s32 $0x4800;
	s26 =	simm.s32 $0x2;
	s5 =	simm.s32 $0x280  }
.LBB2_1:
0x1b: {  	s8 =	rddreg [dreg:$0x4]  }
0x1c: {  	[tilespmem:s20], [sflag:$0x3] =	stream.linear.gather [hbm4b:s8+s4], $0x4000, $0x38;
	[tilespmem:$0x1C400] =	vst v63  }
0x1d: {  	_ =	swait.ge [sflag:s21], $0x4000  }
0x1e: {  	[sflag:s21] =	ssyncset.done $0x0  }
0x1f: {  	[sflag:s21] =	ssyncadd.s32 $0xFFFFC000  }
0x20: {  	[spmem:s11] =	stream.linear.scatter [tilespmem:s20], [sflag:$0x3], $0x4000, $0x38;
	[tilespmem:$0x1C400] =	vst v63  }
0x21: {  	_ =	swait.ge [sflag:s21], $0x4000  }
0x22: {  	[sflag:s21] =	ssyncset.done $0x0  }
0x23: {  	[sflag:s21] =	ssyncadd.s32 $0xFFFFC000  }
0x24: {  	[spmem:s18] =	stream.linear.scatter [tilespmem:s20], [sflag:$0x3], $0x4000, $0x38;
	[tilespmem:$0x1C400] =	vst v63  }
0x25: {  	_ =	swait.ge [sflag:s21], $0x4000  }
0x26: {  	[sflag:s21] =	ssyncset.done $0x0  }
0x27: {  	[sflag:s21] =	ssyncadd.s32 $0xFFFFC000  }
0x28: {  	[spmem:s19] =	stream.linear.scatter [tilespmem:s20], [sflag:$0x3], $0x4000, $0x38;
	[tilespmem:$0x1C400] =	vst v63  }
0x29: {  	_ =	swait.ge [sflag:s21], $0x4000  }
0x2a: {  	[sflag:s21] =	ssyncset.done $0x0  }
0x2b: {  	[sflag:s21] =	ssyncadd.s32 $0xFFFFC000  }
0x2c: {  	[spmem:s6] =	stream.linear.scatter [tilespmem:s20], [sflag:$0x3], $0x4000, $0x38;
	[tilespmem:$0x1C400] =	vst v63  }
0x2d: {  	_ =	swait.ge [sflag:s21], $0x4000  }
0x2e: {  	[sflag:s21] =	ssyncset.done $0x0  }
0x2f: {  	s8 =	smov.u32 s9;
	[sflag:s21] =	ssyncadd.s32 $0xFFFFC000  }
0x30: {  	[spmem:s8] =	stream.linear.scatter [tilespmem:s20], [sflag:$0x3], $0x4000, $0x38;
	[tilespmem:$0x1C400] =	vst v63  }
0x31: {  	_ =	swait.ge [sflag:s21], $0x4000  }
0x32: {  	[sflag:s21] =	ssyncset.done $0x0  }
0x33: {  	[sflag:s21] =	ssyncadd.s32 $0xFFFFC000  }
0x34: {  	[bflag:$0x0] =	sbarrier.arrive $0xFFFF  }
0x35: {  	s9 =	smov.u32 s19;
	s19 =	rddreg [dreg:$0xe]  }
0x36: {  	[tilespmem:s4], [sflag:$0x3] =	stream.linear.gather [hbm4b:s19+s4], $0x400, $0x38;
	[tilespmem:$0x1C400] =	vst v63  }
0x37: {  	_ =	swait.ge [sflag:s21], $0x400  }
0x38: {  	s10 =	smov.u32 s11;
	[sflag:s21] =	ssyncset.done $0x0  }
0x39: {  	s11 =	smov.u32 s18;
	s18 =	rddreg [dreg:$0xd];
	[sflag:s21] =	ssyncadd.s32 $0xFFFFFC00  }
0x3a: {  	[tilespmem:s22], [sflag:$0x3] =	stream.linear.gather [hbm4b:s18+s4], $0x400, $0x38;
	[tilespmem:$0x1C400] =	vst v63  }
0x3b: {  	_ =	swait.ge [sflag:s21], $0x400  }
0x3c: {  	[sflag:s21] =	ssyncset.done $0x0  }
0x3d: {  	[sflag:s21] =	ssyncadd.s32 $0xFFFFFC00  }
0x3e: {  	[tilespmem:s20], [sflag:$0x1] =	stream.indirect.gather [hbm4b:s1+s23], $0x80, s4, s23, $0xb8;
	[tilespmem:$0x1C400] =	vst v63  }
0x3f: {  	_ =	swait.ge [sflag:s24], $0x4000  }
0x40: {  	[sflag:s24] =	ssyncset.done $0x0  }
0x41: {  	[sflag:s24] =	ssyncadd.s32 $0xFFFFC000  }
0x42: {  	[tilespmem:s25], [sflag:$0x2] =	stream.indirect.gather [hbm4b:s1+s23], $0x80, s23, s23, $0xb8;
	[tilespmem:$0x1C400] =	vst v63  }
0x43: {  	_ = 	snop  }
0x44: {  	[spmem:s3] =	stream.indirect.scatter.add.f32 [tilespmem:s20], [sflag:$0x3], $0x80, s22, s23, $0xb8;
	[tilespmem:$0x1C400] =	vst v63  }
0x45: {  	_ =	swait.ge [sflag:s21], $0x4000  }
0x46: {  	[sflag:s21] =	ssyncset.done $0x0  }
0x47: {  	[sflag:s21] =	ssyncadd.s32 $0xFFFFC000  }
0x48: {  	_ =	swait.ge [sflag:s26], $0x4000  }
0x49: {  	[sflag:s26] =	ssyncset.done $0x0  }
0x4a: {  	[sflag:s26] =	ssyncadd.s32 $0xFFFFC000  }
0x4b: {  	[tilespmem:s20], [sflag:$0x1] =	stream.indirect.gather [hbm4b:s1+s23], $0x80, s28, s23, $0xb8;
	[tilespmem:$0x1C400] =	vst v63  }
0x4c: {  	_ = 	snop  }
0x4d: {  	[spmem:s3] =	stream.indirect.scatter.add.f32 [tilespmem:s25], [sflag:$0x3], $0x80, s29, s23, $0xb8;
	[tilespmem:$0x1C400] =	vst v63  }
0x4e: {  	_ =	swait.ge [sflag:s21], $0x4000  }
0x4f: {  	[sflag:s21] =	ssyncset.done $0x0  }
0x50: {  	[sflag:s21] =	ssyncadd.s32 $0xFFFFC000  }
0x51: {  	_ =	swait.ge [sflag:s24], $0x4000  }
0x52: {  	[sflag:s24] =	ssyncset.done $0x0  }
0x53: {  	[sflag:s24] =	ssyncadd.s32 $0xFFFFC000  }
0x54: {  	[tilespmem:s25], [sflag:$0x2] =	stream.indirect.gather [hbm4b:s1+s23], $0x80, s30, s23, $0xb8;
	[tilespmem:$0x1C400] =	vst v63  }
0x55: {  	_ = 	snop  }
0x56: {  	[spmem:s3] =	stream.indirect.scatter.add.f32 [tilespmem:s20], [sflag:$0x3], $0x80, s31, s23, $0xb8;
	[tilespmem:$0x1C400] =	vst v63  }
0x57: {  	_ =	swait.ge [sflag:s21], $0x4000  }
0x58: {  	[sflag:s21] =	ssyncset.done $0x0  }
0x59: {  	[sflag:s21] =	ssyncadd.s32 $0xFFFFC000  }
0x5a: {  	_ =	swait.ge [sflag:s26], $0x4000  }
0x5b: {  	[sflag:s26] =	ssyncset.done $0x0  }
0x5c: {  	[sflag:s26] =	ssyncadd.s32 $0xFFFFC000  }
0x5d: {  	[tilespmem:s20], [sflag:$0x1] =	stream.indirect.gather [hbm4b:s1+s23], $0x80, s2, s23, $0xb8;
	[tilespmem:$0x1C400] =	vst v63  }
0x5e: {  	_ = 	snop  }
0x5f: {  	[spmem:s3] =	stream.indirect.scatter.add.f32 [tilespmem:s25], [sflag:$0x3], $0x80, s0, s23, $0xb8;
	[tilespmem:$0x1C400] =	vst v63  }
0x60: {  	_ =	swait.ge [sflag:s21], $0x4000  }
0x61: {  	[sflag:s21] =	ssyncset.done $0x0  }
0x62: {  	[sflag:s21] =	ssyncadd.s32 $0xFFFFC000  }
0x63: {  	_ =	swait.ge [sflag:s24], $0x4000  }
0x64: {  	[sflag:s24] =	ssyncset.done $0x0  }
0x65: {  	[sflag:s24] =	ssyncadd.s32 $0xFFFFC000  }
0x66: {  	[tilespmem:s25], [sflag:$0x2] =	stream.indirect.gather [hbm4b:s1+s23], $0x80, s5, s23, $0xb8;
	[tilespmem:$0x1C400] =	vst v63  }
0x67: {  	_ = 	snop  }
0x68: {  	[spmem:s3] =	stream.indirect.scatter.add.f32 [tilespmem:s20], [sflag:$0x3], $0x80, s12, s23, $0xb8;
	[tilespmem:$0x1C400] =	vst v63  }
0x69: {  	_ =	swait.ge [sflag:s21], $0x4000  }
0x6a: {  	[sflag:s21] =	ssyncset.done $0x0  }
0x6b: {  	[sflag:s21] =	ssyncadd.s32 $0xFFFFC000  }
0x6c: {  	_ =	swait.ge [sflag:s26], $0x4000  }
0x6d: {  	[sflag:s26] =	ssyncset.done $0x0  }
0x6e: {  	[sflag:s26] =	ssyncadd.s32 $0xFFFFC000  }
0x6f: {  	[tilespmem:s20], [sflag:$0x1] =	stream.indirect.gather [hbm4b:s1+s23], $0x80, s13, s23, $0xb8;
	[tilespmem:$0x1C400] =	vst v63  }
0x70: {  	_ = 	snop  }
0x71: {  	[spmem:s3] =	stream.indirect.scatter.add.f32 [tilespmem:s25], [sflag:$0x3], $0x80, s14, s23, $0xb8;
	[tilespmem:$0x1C400] =	vst v63  }
0x72: {  	_ =	swait.ge [sflag:s21], $0x4000  }
0x73: {  	[sflag:s21] =	ssyncset.done $0x0  }
0x74: {  	[sflag:s21] =	ssyncadd.s32 $0xFFFFC000  }
0x75: {  	_ =	swait.ge [sflag:s24], $0x4000  }
0x76: {  	[sflag:s24] =	ssyncset.done $0x0  }
0x77: {  	[sflag:s24] =	ssyncadd.s32 $0xFFFFC000  }
0x78: {  	[tilespmem:s25], [sflag:$0x2] =	stream.indirect.gather [hbm4b:s1+s23], $0x80, s15, s23, $0xb8;
	[tilespmem:$0x1C400] =	vst v63  }
0x79: {  	_ = 	snop  }
0x7a: {  	[spmem:s3] =	stream.indirect.scatter.add.f32 [tilespmem:s20], [sflag:$0x3], $0x80, s16, s23, $0xb8;
	[tilespmem:$0x1C400] =	vst v63  }
0x7b: {  	_ =	swait.ge [sflag:s21], $0x4000  }
0x7c: {  	[sflag:s21] =	ssyncset.done $0x0  }
0x7d: {  	[sflag:s21] =	ssyncadd.s32 $0xFFFFC000  }
0x7e: {  	_ =	swait.ge [sflag:s26], $0x4000  }
0x7f: {  	s8 =	rddreg [dreg:$0x6]  }
0x80: {  	p0 =	sne.s32 s8, $0x1  }
.Ltmp0:
0x81: {  	[sflag:s26] =	ssyncset.done $0x0;
	(pc) =	sbr.rel @!p0 .LBB2_3-.Ltmp0, $4  }
0x82: {  	[sflag:s26] =	ssyncadd.s32 $0xFFFFC000  }
0x83: {  	[spmem:s3] =	stream.indirect.scatter.add.f32 [tilespmem:s25], [sflag:$0x3], $0x80, s17, s23, $0xb8;
	[tilespmem:$0x1C400] =	vst v63  }
0x84: {  	_ =	swait.ge [sflag:s21], $0x4000  }
0x85: {  	s8 =	sadd.s32 $0xFFFFFFFF, s8;
	[sflag:s21] =	ssyncset.done $0x0  }
.LBB2_2:
0x86: {  	[sflag:s21] =	ssyncadd.s32 $0xFFFFC000;
	s18 =	sadd.s32 $0x80, s18;
	s19 =	sadd.s32 $0x80, s19  }
0x87: {  	[tilespmem:s4], [sflag:$0x3] =	stream.linear.gather [hbm4b:s19+s4], $0x400, $0x38;
	[tilespmem:$0x1C400] =	vst v63  }
0x88: {  	p0 =	sne.s32 s8, $0x1;
	s8 =	sadd.s32 $0xFFFFFFFF, s8;
	_ =	swait.ge [sflag:s21], $0x400  }
0x89: {  	[sflag:s21] =	ssyncset.done $0x0  }
0x8a: {  	[sflag:s21] =	ssyncadd.s32 $0xFFFFFC00  }
0x8b: {  	[tilespmem:s22], [sflag:$0x3] =	stream.linear.gather [hbm4b:s18+s4], $0x400, $0x38;
	[tilespmem:$0x1C400] =	vst v63  }
0x8c: {  	_ =	swait.ge [sflag:s21], $0x400  }
0x8d: {  	[sflag:s21] =	ssyncset.done $0x0  }
0x8e: {  	[sflag:s21] =	ssyncadd.s32 $0xFFFFFC00  }
0x8f: {  	[tilespmem:s20], [sflag:$0x1] =	stream.indirect.gather [hbm4b:s1+s23], $0x80, s4, s23, $0xb8;
	[tilespmem:$0x1C400] =	vst v63  }
0x90: {  	_ =	swait.ge [sflag:s24], $0x4000  }
0x91: {  	[sflag:s24] =	ssyncset.done $0x0  }
0x92: {  	[sflag:s24] =	ssyncadd.s32 $0xFFFFC000  }
0x93: {  	[tilespmem:s25], [sflag:$0x2] =	stream.indirect.gather [hbm4b:s1+s23], $0x80, s23, s23, $0xb8;
	[tilespmem:$0x1C400] =	vst v63  }
0x94: {  	_ = 	snop  }
0x95: {  	[spmem:s3] =	stream.indirect.scatter.add.f32 [tilespmem:s20], [sflag:$0x3], $0x80, s22, s23, $0xb8;
	[tilespmem:$0x1C400] =	vst v63  }
0x96: {  	_ =	swait.ge [sflag:s21], $0x4000  }
0x97: {  	[sflag:s21] =	ssyncset.done $0x0  }
0x98: {  	[sflag:s21] =	ssyncadd.s32 $0xFFFFC000  }
0x99: {  	_ =	swait.ge [sflag:s26], $0x4000  }
0x9a: {  	[sflag:s26] =	ssyncset.done $0x0  }
0x9b: {  	[sflag:s26] =	ssyncadd.s32 $0xFFFFC000  }
0x9c: {  	[tilespmem:s20], [sflag:$0x1] =	stream.indirect.gather [hbm4b:s1+s23], $0x80, s28, s23, $0xb8;
	[tilespmem:$0x1C400] =	vst v63  }
0x9d: {  	_ = 	snop  }
0x9e: {  	[spmem:s3] =	stream.indirect.scatter.add.f32 [tilespmem:s25], [sflag:$0x3], $0x80, s29, s23, $0xb8;
	[tilespmem:$0x1C400] =	vst v63  }
0x9f: {  	_ =	swait.ge [sflag:s21], $0x4000  }
0xa0: {  	[sflag:s21] =	ssyncset.done $0x0  }
0xa1: {  	[sflag:s21] =	ssyncadd.s32 $0xFFFFC000  }
0xa2: {  	_ =	swait.ge [sflag:s24], $0x4000  }
0xa3: {  	[sflag:s24] =	ssyncset.done $0x0  }
0xa4: {  	[sflag:s24] =	ssyncadd.s32 $0xFFFFC000  }
0xa5: {  	[tilespmem:s25], [sflag:$0x2] =	stream.indirect.gather [hbm4b:s1+s23], $0x80, s30, s23, $0xb8;
	[tilespmem:$0x1C400] =	vst v63  }
0xa6: {  	_ = 	snop  }
0xa7: {  	[spmem:s3] =	stream.indirect.scatter.add.f32 [tilespmem:s20], [sflag:$0x3], $0x80, s31, s23, $0xb8;
	[tilespmem:$0x1C400] =	vst v63  }
0xa8: {  	_ =	swait.ge [sflag:s21], $0x4000  }
0xa9: {  	[sflag:s21] =	ssyncset.done $0x0  }
0xaa: {  	[sflag:s21] =	ssyncadd.s32 $0xFFFFC000  }
0xab: {  	_ =	swait.ge [sflag:s26], $0x4000  }
0xac: {  	[sflag:s26] =	ssyncset.done $0x0  }
0xad: {  	[sflag:s26] =	ssyncadd.s32 $0xFFFFC000  }
0xae: {  	[tilespmem:s20], [sflag:$0x1] =	stream.indirect.gather [hbm4b:s1+s23], $0x80, s2, s23, $0xb8;
	[tilespmem:$0x1C400] =	vst v63  }
0xaf: {  	_ = 	snop  }
0xb0: {  	[spmem:s3] =	stream.indirect.scatter.add.f32 [tilespmem:s25], [sflag:$0x3], $0x80, s0, s23, $0xb8;
	[tilespmem:$0x1C400] =	vst v63  }
0xb1: {  	_ =	swait.ge [sflag:s21], $0x4000  }
0xb2: {  	[sflag:s21] =	ssyncset.done $0x0  }
0xb3: {  	[sflag:s21] =	ssyncadd.s32 $0xFFFFC000  }
0xb4: {  	_ =	swait.ge [sflag:s24], $0x4000  }
0xb5: {  	[sflag:s24] =	ssyncset.done $0x0  }
0xb6: {  	[sflag:s24] =	ssyncadd.s32 $0xFFFFC000  }
0xb7: {  	[tilespmem:s25], [sflag:$0x2] =	stream.indirect.gather [hbm4b:s1+s23], $0x80, s5, s23, $0xb8;
	[tilespmem:$0x1C400] =	vst v63  }
0xb8: {  	_ = 	snop  }
0xb9: {  	[spmem:s3] =	stream.indirect.scatter.add.f32 [tilespmem:s20], [sflag:$0x3], $0x80, s12, s23, $0xb8;
	[tilespmem:$0x1C400] =	vst v63  }
0xba: {  	_ =	swait.ge [sflag:s21], $0x4000  }
0xbb: {  	[sflag:s21] =	ssyncset.done $0x0  }
0xbc: {  	[sflag:s21] =	ssyncadd.s32 $0xFFFFC000  }
0xbd: {  	_ =	swait.ge [sflag:s26], $0x4000  }
0xbe: {  	[sflag:s26] =	ssyncset.done $0x0  }
0xbf: {  	[sflag:s26] =	ssyncadd.s32 $0xFFFFC000  }
0xc0: {  	[tilespmem:s20], [sflag:$0x1] =	stream.indirect.gather [hbm4b:s1+s23], $0x80, s13, s23, $0xb8;
	[tilespmem:$0x1C400] =	vst v63  }
0xc1: {  	_ = 	snop  }
0xc2: {  	[spmem:s3] =	stream.indirect.scatter.add.f32 [tilespmem:s25], [sflag:$0x3], $0x80, s14, s23, $0xb8;
	[tilespmem:$0x1C400] =	vst v63  }
0xc3: {  	_ =	swait.ge [sflag:s21], $0x4000  }
0xc4: {  	[sflag:s21] =	ssyncset.done $0x0  }
0xc5: {  	[sflag:s21] =	ssyncadd.s32 $0xFFFFC000  }
0xc6: {  	_ =	swait.ge [sflag:s24], $0x4000  }
0xc7: {  	[sflag:s24] =	ssyncset.done $0x0  }
0xc8: {  	[sflag:s24] =	ssyncadd.s32 $0xFFFFC000  }
0xc9: {  	[tilespmem:s25], [sflag:$0x2] =	stream.indirect.gather [hbm4b:s1+s23], $0x80, s15, s23, $0xb8;
	[tilespmem:$0x1C400] =	vst v63  }
0xca: {  	_ = 	snop  }
0xcb: {  	[spmem:s3] =	stream.indirect.scatter.add.f32 [tilespmem:s20], [sflag:$0x3], $0x80, s16, s23, $0xb8;
	[tilespmem:$0x1C400] =	vst v63  }
0xcc: {  	_ =	swait.ge [sflag:s21], $0x4000  }
0xcd: {  	[sflag:s21] =	ssyncset.done $0x0  }
0xce: {  	[sflag:s21] =	ssyncadd.s32 $0xFFFFC000  }
0xcf: {  	_ =	swait.ge [sflag:s26], $0x4000  }
.Ltmp1:
0xd0: {  	[sflag:s26] =	ssyncset.done $0x0;
	(pc) =	sbr.rel @p0 .LBB2_2-.Ltmp1, $4  }
0xd1: {  	[sflag:s26] =	ssyncadd.s32 $0xFFFFC000  }
0xd2: {  	[spmem:s3] =	stream.indirect.scatter.add.f32 [tilespmem:s25], [sflag:$0x3], $0x80, s17, s23, $0xb8;
	[tilespmem:$0x1C400] =	vst v63  }
0xd3: {  	_ =	swait.ge [sflag:s21], $0x4000  }
0xd4: {  	[sflag:s21] =	ssyncset.done $0x0  }
.LBB2_3:
0xd5: {  	[sflag:s21] =	ssyncadd.s32 $0xFFFFC000  }
0xd6: {  	[bflag:$0x0] =	sbarrier.arrive $0xFFFF  }
0xd7: {  	[tilespmem:s20], [sflag:$0x3] =	stream.linear.gather [spmem:s10], $0x4000, $0x38;
	[tilespmem:$0x1C400] =	vst v63  }
0xd8: {  	_ =	swait.ge [sflag:s21], $0x4000  }
0xd9: {  	[sflag:s21] =	ssyncset.done $0x0  }
0xda: {  	s8 =	rddreg [dreg:$0x7];
	[sflag:s21] =	ssyncadd.s32 $0xFFFFC000  }
0xdb: {  	[hbm4b:s8+s4] =	stream.linear.scatter [tilespmem:s20], [sflag:$0x3], $0x4000, $0x38;
	[tilespmem:$0x1C400] =	vst v63  }
0xdc: {  	_ =	swait.ge [sflag:s21], $0x4000  }
0xdd: {  	[sflag:s21] =	ssyncset.done $0x0  }
0xde: {  	s18 =	smov.u32 s11;
	[sflag:s21] =	ssyncadd.s32 $0xFFFFC000  }
0xdf: {  	[tilespmem:s20], [sflag:$0x3] =	stream.linear.gather [spmem:s18], $0x4000, $0x38;
	[tilespmem:$0x1C400] =	vst v63  }
0xe0: {  	_ =	swait.ge [sflag:s21], $0x4000  }
0xe1: {  	[sflag:s21] =	ssyncset.done $0x0  }
0xe2: {  	s19 =	rddreg [dreg:$0x8];
	[sflag:s21] =	ssyncadd.s32 $0xFFFFC000  }
0xe3: {  	[hbm4b:s19+s4] =	stream.linear.scatter [tilespmem:s20], [sflag:$0x3], $0x4000, $0x38;
	[tilespmem:$0x1C400] =	vst v63  }
0xe4: {  	_ =	swait.ge [sflag:s21], $0x4000  }
0xe5: {  	[sflag:s21] =	ssyncset.done $0x0  }
0xe6: {  	[sflag:s21] =	ssyncadd.s32 $0xFFFFC000  }
0xe7: {  	[tilespmem:s20], [sflag:$0x3] =	stream.linear.gather [spmem:s9], $0x4000, $0x38;
	[tilespmem:$0x1C400] =	vst v63  }
0xe8: {  	_ =	swait.ge [sflag:s21], $0x4000  }
0xe9: {  	[sflag:s21] =	ssyncset.done $0x0  }
0xea: {  	s11 =	smov.u32 s10;
	s10 =	rddreg [dreg:$0x9];
	[sflag:s21] =	ssyncadd.s32 $0xFFFFC000  }
0xeb: {  	[hbm4b:s10+s4] =	stream.linear.scatter [tilespmem:s20], [sflag:$0x3], $0x4000, $0x38;
	[tilespmem:$0x1C400] =	vst v63  }
0xec: {  	_ =	swait.ge [sflag:s21], $0x4000  }
0xed: {  	[sflag:s21] =	ssyncset.done $0x0  }
0xee: {  	[sflag:s21] =	ssyncadd.s32 $0xFFFFC000  }
0xef: {  	[tilespmem:s20], [sflag:$0x3] =	stream.linear.gather [spmem:s6], $0x4000, $0x38;
	[tilespmem:$0x1C400] =	vst v63  }
0xf0: {  	_ =	swait.ge [sflag:s21], $0x4000  }
0xf1: {  	[sflag:s21] =	ssyncset.done $0x0  }
0xf2: {  	s19 =	smov.u32 s9;
	s9 =	rddreg [dreg:$0xa];
	[sflag:s21] =	ssyncadd.s32 $0xFFFFC000  }
0xf3: {  	[hbm4b:s9+s4] =	stream.linear.scatter [tilespmem:s20], [sflag:$0x3], $0x4000, $0x38;
	[tilespmem:$0x1C400] =	vst v63  }
0xf4: {  	_ =	swait.ge [sflag:s21], $0x4000  }
0xf5: {  	[sflag:s21] =	ssyncset.done $0x0  }
0xf6: {  	s9 =	rddreg [dreg:$0x5];
	[sflag:s21] =	ssyncadd.s32 $0xFFFFC000  }
0xf7: {  	[tilespmem:s20], [sflag:$0x3] =	stream.linear.gather [spmem:s9], $0x4000, $0x38;
	[tilespmem:$0x1C400] =	vst v63  }
0xf8: {  	_ =	swait.ge [sflag:s21], $0x4000  }
0xf9: {  	[sflag:s21] =	ssyncset.done $0x0  }
0xfa: {  	s10 =	rddreg [dreg:$0xb];
	[sflag:s21] =	ssyncadd.s32 $0xFFFFC000  }
0xfb: {  	[hbm4b:s10+s4] =	stream.linear.scatter [tilespmem:s20], [sflag:$0x3], $0x4000, $0x38;
	[tilespmem:$0x1C400] =	vst v63  }
0xfc: {  	_ =	swait.ge [sflag:s21], $0x4000  }
0xfd: {  	s7 =	sadd.s32 $0x1, s7;
	s10 =	rddreg [dreg:$0xc]  }
0xfe: {  	p0 =	sne.s32 s7, s10  }
.Ltmp2:
0xff: {  	_ = 	snop;
	(pc) =	sbr.rel @p0 .LBB2_1-.Ltmp2, $3  }
0x100: {  	_ =	sdelay $0x1  }
0x101: {  	[sflag:s21] =	ssyncset.done $0x0  }
0x102: {  	[sflag:s21] =	ssyncadd.s32 $0xFFFFC000  }
0x103: {  	_ =	sfence.sel $0x180000  }
0x104: {  	[bflag:$0x0] =	sbarrier.arrive $0xFFFF  }
0x105: {  	_ =	strace $0x90000050  }
0x106: {  	s0 =	stileid.u32;
	[bflag:$0x2] =	sbarrier.arrive $0xFFFF  }
0x107: {  	p0 =	sne.s32 s0, $0x0;
	s0 =	rddreg [dreg:$0x3]  }
0x108: {  	s0 =	sadd.s32 @!p0 $0x100000, s0  }
0x109: {  	[sflag:s0] =	ssyncadd.tile.s32 @!p0 $0x1;
	_ =	shalt  }
.Lfunc_end2:
_tile_overlayer_lowered:
.L_overlay_start_2:
0x10a: {  	(tag) =	ssettag $0x2  }
0x10b: {  	s0 =	rddreg [dreg:$0x0];
	s2 =	stileid.u32  }
0x10c: {  	s1 =	rddreg [dreg:$0x1];
	p0 =	sne.s32 s2, $0x0  }
0x10d: {  	s3 =	rddreg [dreg:$0x2];
	[bflag:$0x3] =	sbarrier.arrive $0xFFFF;
	s2 =	simm.s32 @!p0 $0x1C03  }
0x10e: {  	[timem:s3], [sflag:s2] =	dma.local @!p0 [hbm:s0], s1  }
0x10f: {  	s0 =	simm.s32 @!p0 $0x3  }
0x110: {  	_ =	swait.ge @!p0 [sflag:s0], s1  }
0x111: {  	s1 =	ssub.s32 @!p0 $0x0, s1;
	[sflag:s0] =	ssyncset.done @!p0 $0x0  }
0x112: {  	[sflag:s0] =	ssyncadd.s32 @!p0 s1  }
0x113: {  	[bflag:$0x3] =	sbarrier.arrive $0xFFFF  }
0x114: {  	_ =	shalt  }

// kernel: kernel.9.cloned.1.call-start
scs
__scs_entry_jumppad:
0x0: {  	(pc) =	sbr.rel $0x88, $3  }
0x1: {  	(tag) =	ssettag $0x0;
	lr =	simm.s32 $0x1  }
0x2: {  	[smem:$0x3F94] =	sst lr;
	_ =	strace $0xD0000000  }
0x3: {  	_ = 	snop  }
0x4: {  	_ = 	snop  }
0x5: {  	_ = 	snop  }
0x6: {  	_ = 	snop  }
0x7: {  	_ = 	snop  }
__scs_overlays_trampoline_lowered:
0x8: {  	[smem:$0x3FA3] =	sst s0  }
0x9: {  	[smem:$0x3FA4] =	sst s1  }
0xa: {  	[smem:$0x3FA5] =	sst s2  }
0xb: {  	[smem:$0x3FA6] =	sst s3  }
0xc: {  	[smem:$0x3FA7] =	sst s4  }
0xd: {  	[smem:$0x3FA8] =	sst s5  }
0xe: {  	[smem:$0x3FA9] =	sst s6  }
0xf: {  	[smem:$0x3FAA] =	sst s7  }
0x10: {  	[smem:$0x3FAB] =	sst s8  }
0x11: {  	[smem:$0x3FAC] =	sst s9;
	s0 =	simm.s32 @!p0 $0x0  }
0x12: {  	s1 =	sld [smem:$0x3F92];
	s0 =	simm.s32 @p0 $0x1  }
0x13: {  	[smem:$0x3FAD] =	sst s0;
	s0 =	simm.s32 @!p1 $0x0  }
0x14: {  	s2 =	sld [smem:$0x3F91];
	s0 =	simm.s32 @p1 $0x1  }
0x15: {  	[smem:$0x3FAE] =	sst s0;
	s0 =	simm.s32 @!p2 $0x0  }
0x16: {  	s3 =	sld [smem:$0x3FDB];
	s0 =	simm.s32 @p2 $0x1  }
0x17: {  	s4 =	simm.s32 $0x1BF5;
	[smem:$0x3FB0] =	sst s0  }
0x18: {  	s0 =	sld [smem:$0x3F93];
	_ =	swait.ge [sflag:s4], $0x0  }
0x19: {  	s7 =	sld [smem:$0x3F94]  }
0x1a: {  	s8 =	sadd.s32 $0xFFFFE003, lr  }
0x1b: {  	s9 =	sadd.s32 $0xFFFFFEF7, lr;
	s5 =	simm.s32 $0xFFFFFFFF;
	p2 =	slt.u32 s8, $0xFFFFF086  }
0x1c: {  	p1 =	slt.u32 s9, $0xF7A;
	s5 =	simm.s32 @!p2 $0x0  }
0x1d: {  	s5 =	simm.s32 @p1 $0x1;
	p0 =	seq.s32 s7, s2  }
0x1e: {  	s7 =	smul.u32 @!p0 $0xF7A, s2;
	p2 =	seq.s32 @!p0 s5, $0x0  }
0x1f: {  	s9 =	smul.u32 $0xF7A, s1;
	s8 =	simm.s32 @!p0 $0x1BF5;
	p2 =	por !p2, p0  }
0x20: {  	[sflag:s8] =	ssyncset.s32 @!p0 $0xFFFFF086;
	s6 =	sadd.s32 @!p0 s3, s7;
	s7 =	simm.s32 @!p0 $0x108  }
0x21: {  	s3 =	sadd.s32 s3, s9;
	s6 =	sadd.s32 @!p0 $0x88, s6;
	s7 =	simm.s32 @p2 $0x1082  }
0x22: {  	[simem:s7], [sflag:s8] =	dma.local @!p0 [hbm:s6], $0xF7A  }
0x23: {  	s9 =	sor.u32 $0xD0000000, s2;
	s6 =	simm.s32 $0x108;
	_ =	swait.ge @!p0 [sflag:s8], $0x0  }
0x24: {  	s3 =	sadd.s32 $0x88, s3;
	s6 =	simm.s32 @!p1 $0x1082;
	[sflag:s4] =	ssyncset.s32 $0xFFFFF086  }
0x25: {  	[simem:s6], [sflag:s4] =	dma.local [hbm:s3], $0xF7A  }
0x26: {  	[smem:$0x3F94] =	sst s1;
	(tag) =	ssettag s2;
	_ =	strace s9  }
0x27: {  	s1 =	sld [smem:$0x3FA4]  }
0x28: {  	s2 =	sld [smem:$0x3FA5]  }
0x29: {  	s4 =	sld [smem:$0x3FA7]  }
0x2a: {  	p0 =	seq.s32 s5, $0x0;
	s5 =	sld [smem:$0x3FA8]  }
0x2b: {  	s6 =	sld [smem:$0x3FA9]  }
0x2c: {  	s7 =	sld [smem:$0x3FAA]  }
0x2d: {  	s3 =	simm.s32 $0x108;
	s8 =	sld [smem:$0x3FAB]  }
0x2e: {  	s3 =	simm.s32 @!p0 $0x1082;
	s9 =	sld [smem:$0x3FAC]  }
0x2f: {  	lr =	sadd.s32 s0, s3;
	s0 =	sld [smem:$0x3FA3]  }
0x30: {  	s3 =	sld [smem:$0x3FA6]  }
0x31: {  	[smem:$0x3FAF] =	sst s10  }
0x32: {  	s10 =	sld [smem:$0x3FAD];
	_ =	sdelay $0x3  }
0x33: {  	p0 =	seq.s32 s10, $0x1;
	s10 =	sld [smem:$0x3FAF];
	_ =	sdelay $0x3  }
0x34: {  	[smem:$0x3FAF] =	sst s10  }
0x35: {  	s10 =	sld [smem:$0x3FAE];
	_ =	sdelay $0x3  }
0x36: {  	p1 =	seq.s32 s10, $0x1;
	s10 =	sld [smem:$0x3FAF];
	_ =	sdelay $0x3  }
0x37: {  	[smem:$0x3FAF] =	sst s10  }
0x38: {  	s10 =	sld [smem:$0x3FB0]  }
0x39: {  	_ = 	snop;
	(pc) =	sbr.ind lr, $3  }
0x3a: {  	_ = 	snop  }
0x3b: {  	_ = 	snop  }
0x3c: {  	p2 =	seq.s32 s10, $0x1;
	s10 =	sld [smem:$0x3FAF]  }
0x3d: {  	_ =	shalt  }
0x3e: {  	_ =	shalt  }
0x3f: {  	_ =	shalt  }
0x40: {  	_ =	shalt  }
0x41: {  	_ =	shalt  }
0x42: {  	_ =	shalt  }
0x43: {  	_ =	shalt  }
0x44: {  	_ =	shalt  }
0x45: {  	_ =	shalt  }
0x46: {  	_ =	shalt  }
0x47: {  	_ =	shalt  }
0x48: {  	_ =	shalt  }
0x49: {  	_ =	shalt  }
0x4a: {  	_ =	shalt  }
0x4b: {  	_ =	shalt  }
0x4c: {  	_ =	shalt  }
0x4d: {  	_ =	shalt  }
0x4e: {  	_ =	shalt  }
0x4f: {  	_ =	shalt  }
0x50: {  	_ =	shalt  }
0x51: {  	_ =	shalt  }
0x52: {  	_ =	shalt  }
0x53: {  	_ =	shalt  }
0x54: {  	_ =	shalt  }
0x55: {  	_ =	shalt  }
0x56: {  	_ =	shalt  }
0x57: {  	_ =	shalt  }
0x58: {  	_ =	shalt  }
0x59: {  	_ =	shalt  }
0x5a: {  	_ =	shalt  }
0x5b: {  	_ =	shalt  }
0x5c: {  	_ =	shalt  }
0x5d: {  	_ =	shalt  }
0x5e: {  	_ =	shalt  }
0x5f: {  	_ =	shalt  }
0x60: {  	_ =	shalt  }
0x61: {  	_ =	shalt  }
0x62: {  	_ =	shalt  }
0x63: {  	_ =	shalt  }
0x64: {  	_ =	shalt  }
0x65: {  	_ =	shalt  }
0x66: {  	_ =	shalt  }
0x67: {  	_ =	shalt  }
0x68: {  	_ =	shalt  }
0x69: {  	_ =	shalt  }
0x6a: {  	_ =	shalt  }
0x6b: {  	_ =	shalt  }
0x6c: {  	_ =	shalt  }
0x6d: {  	_ =	shalt  }
0x6e: {  	_ =	shalt  }
0x6f: {  	_ =	shalt  }
0x70: {  	_ =	shalt  }
0x71: {  	_ =	shalt  }
0x72: {  	_ =	shalt  }
0x73: {  	_ =	shalt  }
0x74: {  	_ =	shalt  }
0x75: {  	_ =	shalt  }
0x76: {  	_ =	shalt  }
0x77: {  	_ =	shalt  }
0x78: {  	_ =	shalt  }
0x79: {  	_ =	shalt  }
0x7a: {  	_ =	shalt  }
0x7b: {  	_ =	shalt  }
0x7c: {  	_ =	shalt  }
0x7d: {  	_ =	shalt  }
0x7e: {  	_ =	shalt  }
0x7f: {  	_ =	shalt  }
0x80: {  	_ =	shalt  }
0x81: {  	_ =	shalt  }
0x82: {  	_ =	shalt  }
0x83: {  	_ =	shalt  }
0x84: {  	_ =	shalt  }
0x85: {  	_ =	shalt  }
0x86: {  	_ =	shalt  }
0x87: {  	_ =	shalt  }
.Lfunc_end0:
.L_simem_size_0:
called_computation_lowered:
.L_overlay_start_0:
0x88: {  	s2 =	sld [smem:$0x3FD9]  }
0x89: {  	s3 =	sld [smem:$0x3FFE];
	_ =	sdelay $0x1  }
0x8a: {  	s1 =	srdreg.scid  }
0x8b: {  	s0 =	sand.u32 $0x1, s1  }
0x8c: {  	s17 =	sshll.u32 s0, $0xA;
	s2 =	sadd.s32 s3, s2  }
0x8d: {  	s2 =	sadd.s32 s2, s17  }
0x8e: {  	[smem:$0x3FBB] =	sst s2  }
0x8f: {  	_ = 	snop  }
0x90: {  	s18 =	sld [smem:$0x3FD0];
	(tm) =	ssettm $0x1  }
0x91: {  	s19 =	sld [smem:$0x3FFB];
	_ =	sdelay $0x3  }
0x92: {  	_ =	strace s19  }
0x93: {  	s2 =	sld [smem:$0x3FFC];
	_ =	sdelay $0x3  }
0x94: {  	_ =	strace s2  }
0x95: {  	s2 =	sld [smem:$0x3FFD];
	_ =	sdelay $0x3  }
0x96: {  	_ =	strace s2  }
0x97: {  	_ =	strace $0x8FFFFFFF  }
0x98: {  	s20 =	sld [smem:$0x3FDB];
	_ =	sdelay $0x1  }
0x99: {  	s4 =	simm.s32 $_scs_section_size  }
0x9a: {  	s5 =	simm.s32 $_size__tile_overlayer_lowered;
	s6 =	simm.s32 $_tile_overlayer_lowered  }
0x9b: {  	s7 =	simm.s32 $0x1BFF;
	s21 =	sshll.u32 s6, $0x1;
	s4 =	sadd.s32 s4, s20  }
0x9c: {  	s22 =	simm.s32 $0x0;
	s5 =	sshll.u32 s5, $0x1;
	s6 =	sadd.s32 s21, s4  }
0x9d: {  	[timem:s22], [sflag:s7] =	dma.local [hbm:s6], s5  }
0x9e: {  	_ =	swait.ge [sflag:s7], s5  }
0x9f: {  	s5 =	ssub.s32 $0x0, s5;
	[sflag:s7] =	ssyncset.done $0x0  }
0xa0: {  	[sflag:s7] =	ssyncadd.s32 s5;
	_ =	sdelay $0x1  }
0xa1: {  	s23 =	simm.s32 $0x1B8B  }
0xa2: {  	_ =	swait.ge [sflag:s23], $0x1  }
0xa3: {  	[sflag:s23] =	ssyncset.done $0x0  }
0xa4: {  	[sflag:s23] =	ssyncadd.s32 $0xFFFFFFFF  }
0xa5: {  	s5 =	sld [smem:$0x0]  }
0xa6: {  	s6 =	sand.u32 $0xFFFFFFFE, s1  }
0xa7: {  	p0 =	sne.s32 s1, s6  }
0xa8: {  	s6 =	sshll.u32 @p0 s6, $0xE  }
0xa9: {  	s6 =	sadd.s32 @p0 $0x11B8D, s6;
	s7 =	sshll.u32 @p0 s5, $0x11  }
0xaa: {  	s6 =	sor.u32 @p0 s7, s6  }
0xab: {  	[sflag:s6] =	ssyncadd.remote.s32 @p0 $0x1;
	_ =	sdelay $0x1  }
0xac: {  	s6 =	simm.s32 @p0 $0x1B8D  }
0xad: {  	_ =	swait.eq @p0 [sflag:s6], $0x1  }
0xae: {  	[sflag:s6] =	ssyncadd.s32 @p0 $0xFFFFFFFF  }
0xaf: {  	s7 =	sshll.u32 @!p0 s1, $0xE  }
0xb0: {  	s7 =	sor.u32 @!p0 $0x4000, s7;
	s6 =	simm.s32 @!p0 $0x1B8D  }
0xb1: {  	s5 =	sshll.u32 @!p0 s5, $0x11;
	s7 =	sadd.s32 @!p0 $0x11B8D, s7;
	_ =	swait.eq @!p0 [sflag:s6], $0x1  }
0xb2: {  	s5 =	sor.u32 @!p0 s5, s7;
	[sflag:s6] =	ssyncadd.s32 @!p0 $0xFFFFFFFF  }
0xb3: {  	s25 =	simm.s32 $0x1B8E;
	s24 =	sld [smem:$0x3FFE];
	[sflag:s5] =	ssyncadd.remote.s32 @!p0 $0x1  }
0xb4: {  	s26 =	simm.s32 $execute0_lowered;
	[smem:$0x3FD2] =	sst s25  }
0xb5: {  	s6 =	sshll.u32 s26, $0x1;
	_ =	strace $0x80000049;
	[dreg:$0x1] =	wrdreg $0xFFFFFFFF  }
0xb6: {  	s28 =	simm.s32 $_size_execute0_lowered;
	s4 =	sadd.s32 s4, s6;
	[dreg:$0x0] =	wrdreg $0x0  }
0xb7: {  	s6 =	sshll.u32 s28, $0x1;
	[dreg:$0x2] =	wrdreg s4  }
0xb8: {  	[dreg:$0x3] =	wrdreg s6  }
0xb9: {  	[dreg:$0x4] =	wrdreg $0xC0  }
0xba: {  	_ =	task [dreg:s22], $0x5FFFF  }
0xbb: {  	[dreg:$0x1] =	wrdreg $0xFFFFFFFF  }
0xbc: {  	[dreg:$0x0] =	wrdreg $0x60  }
0xbd: {  	[dreg:$0x2] =	wrdreg s18  }
0xbe: {  	[dreg:$0x3] =	wrdreg s24  }
0xbf: {  	[dreg:$0x4] =	wrdreg $0x44000  }
0xc0: {  	[dreg:$0x5] =	wrdreg $0x9  }
0xc1: {  	_ =	task.clear_ibuf [dreg:s22], $0x6FFFF;
	_ =	strace $0x90000049  }
0xc2: {  	s29 =	simm.s32 $0x9;
	_ =	strace $0x8000004B  }
0xc3: {  	_ =	swait.ge [sflag:s29], $0x1  }
0xc4: {  	[sflag:s29] =	ssyncadd.s32 $0xFFFFFFFF  }
0xc5: {  	_ =	strace $0x9000004B  }
0xc6: {  	_ =	sfence  }
0xc7: {  	s30 =	sld [smem:$0x0];
	_ =	sdelay $0x2  }
0xc8: {  	s31 =	sshll.u32 s1, $0xD;
	s1 =	sshrl.u32 s1, $0x2  }
0xc9: {  	s4 =	sand.u32 $0x4000, s31;
	s1 =	sadd.s32 s1, s30  }
0xca: {  	s0 =	sor.u32 s4, s0;
	s1 =	sshll.u32 s1, $0x11  }
0xcb: {  	s0 =	sor.u32 s1, s0  }
0xcc: {  	s0 =	sadd.s32 $0x8F2B, s0  }
0xcd: {  	[sflag:s0] =	ssyncadd.remote.s32 $0x1  }
0xce: {  	_ =	sfence.sel $0xFFFF  }
0xcf: {  	[dreg:$0x0] =	wrdreg $0xFFFFFFFF;
	(pc) =	sbr.abs _section_cstart, $3  }
0xd0: {  	[dreg:$0x1] =	wrdreg $0xFFFFFFFF  }
0xd1: {  	_ =	task.clear_ibuf [dreg:s22], $0x2FFFF;
	_ =	strace $0x9FFFFFFF  }
0xd2: {  	(tm) =	ssettm $0x7FFFFFFF  }
0xd3: {  	_ =	shalt  }
tec
execute0_lowered:
.L_overlay_start_1:
0x0: {  	(tag) =	ssettag $0x1  }
0x1: {  	s1 =	rddreg [dreg:$0x0]  }
0x2: {  	s6 =	rddreg [dreg:$0x1];
	s0 =	srdreg.scid  }
0x3: {  	s2 =	rddreg [dreg:$0x2];
	s4 =	simm.s32 $0x0;
	s3 =	stileid.u32  }
0x4: {  	s19 =	simm.s32 $0x1;
	s20 =	simm.s32 $0x80;
	s21 =	simm.s32 $0x100  }
0x5: {  	s22 =	simm.s32 $0x180;
	s23 =	simm.s32 $0x200;
	s24 =	simm.s32 $0x280  }
0x6: {  	s25 =	simm.s32 $0x300;
	s26 =	simm.s32 $0x380;
	s8 =	smul.u32 $0x4F000, s3  }
0x7: {  	s28 =	simm.s32 $0x0;
	s7 =	sand.u32 $0x1, s0;
	s18 =	smul.u32 $0x500, s3  }
0x8: {  	[smem:$0x7FF] =	sst s4;
	s11 =	sadd.s32 $0x66E00, s6;
	s5 =	smul.u32 $0x5000, s7  }
0x9: {  	_ =	strace $0x8000004A;
	s29 =	sshll.u32 s7, $0x4;
	s7 =	ssub.s32 $0x2, s7  }
0xa: {  	s10 =	sor.u32 s3, s29;
	s30 =	sshrl.u32 s8, $0x2;
	s31 =	sshrl.u32 s7, $0x1  }
0xb: {  	s16 =	sadd.s32 s5, s6;
	s5 =	sadd.s32 $0x17600, s6;
	s12 =	smul.u32 $0x13C00, s10  }
0xc: {  	s6 =	sadd.s32 s30, s2;
	s17 =	ssub.s32 s7, s31;
	s13 =	smul.u32 $0x2780, s10  }
0xd: {  	s7 =	sadd.s32 $0x4000, s6;
	s8 =	sadd.s32 $0x8000, s6;
	s9 =	sadd.s32 $0xC000, s6  }
0xe: {  	s10 =	sadd.s32 $0xFC00, s6;
	s18 =	sadd.s32 s18, s16;
	s12 =	sshrl.u32 s12, $0x3  }
0xf: {  	s16 =	smax.u32 s17, $0x1;
	s17 =	sadd.s32 $0x3600, s18;
	s15 =	sadd.s32 s11, s12  }
0x10: {  	s18 =	simm.s32 $0x400;
	s11 =	sadd.s32 s11, s13;
	s12 =	sadd.s32 $0x800, s15  }
0x11: {  	s13 =	sadd.s32 $0x1000, s15;
	s14 =	sadd.s32 $0x1800, s15;
	s15 =	sadd.s32 $0x1F80, s15  }
.LBB2_1:
0x12: {  	[tilespmem:s18], [sflag:$0x1] =	stream.linear.gather [hbm4b:s5+s4], $0x4000, $0x38;
	[tilespmem:$0x18000] =	vst v63  }
0x13: {  	_ =	swait.ge [sflag:s19], $0x4000  }
0x14: {  	[sflag:s19] =	ssyncset.done $0x0  }
0x15: {  	[sflag:s19] =	ssyncadd.s32 $0xFFFFC000  }
0x16: {  	[spmem:s6] =	stream.linear.scatter [tilespmem:s18], [sflag:$0x1], $0x4000, $0x38;
	[tilespmem:$0x18000] =	vst v63  }
0x17: {  	_ =	swait.ge [sflag:s19], $0x4000  }
0x18: {  	[sflag:s19] =	ssyncset.done $0x0  }
0x19: {  	[sflag:s19] =	ssyncadd.s32 $0xFFFFC000  }
0x1a: {  	[spmem:s7] =	stream.linear.scatter [tilespmem:s18], [sflag:$0x1], $0x4000, $0x38;
	[tilespmem:$0x18000] =	vst v63  }
0x1b: {  	_ =	swait.ge [sflag:s19], $0x4000  }
0x1c: {  	[sflag:s19] =	ssyncset.done $0x0  }
0x1d: {  	[sflag:s19] =	ssyncadd.s32 $0xFFFFC000  }
0x1e: {  	[spmem:s8] =	stream.linear.scatter [tilespmem:s18], [sflag:$0x1], $0x4000, $0x38;
	[tilespmem:$0x18000] =	vst v63  }
0x1f: {  	_ =	swait.ge [sflag:s19], $0x4000  }
0x20: {  	[sflag:s19] =	ssyncset.done $0x0  }
0x21: {  	[sflag:s19] =	ssyncadd.s32 $0xFFFFC000  }
0x22: {  	[spmem:s9] =	stream.linear.scatter [tilespmem:s18], [sflag:$0x1], $0x4000, $0x38;
	[tilespmem:$0x18000] =	vst v63  }
0x23: {  	_ =	swait.ge [sflag:s19], $0x4000  }
0x24: {  	[sflag:s19] =	ssyncset.done $0x0  }
0x25: {  	[sflag:s19] =	ssyncadd.s32 $0xFFFFC000  }
0x26: {  	[spmem:s10] =	stream.linear.scatter [tilespmem:s18], [sflag:$0x1], $0x4000, $0x38;
	[tilespmem:$0x18000] =	vst v63  }
0x27: {  	_ =	swait.ge [sflag:s19], $0x4000  }
0x28: {  	[sflag:s19] =	ssyncset.done $0x0  }
0x29: {  	[sflag:s19] =	ssyncadd.s32 $0xFFFFC000  }
0x2a: {  	[bflag:$0x0] =	sbarrier.arrive $0xFFFF  }
0x2b: {  	[tilespmem:s18], [sflag:$0x1] =	stream.linear.gather [hbm4b:s1+s4], $0x4000, $0x38;
	[tilespmem:$0x18000] =	vst v63  }
0x2c: {  	_ =	swait.ge [sflag:s19], $0x4000  }
0x2d: {  	[sflag:s19] =	ssyncset.done $0x0  }
0x2e: {  	s29 =	sadd.s32 $0x0, s17;
	[sflag:s19] =	ssyncadd.s32 $0xFFFFC000  }
0x2f: {  	[tilespmem:s4], [sflag:$0x1] =	stream.linear.gather [hbm4b:s29+s4], $0x400, $0x38;
	[tilespmem:$0x18000] =	vst v63  }
0x30: {  	_ =	swait.ge [sflag:s19], $0x400  }
0x31: {  	[sflag:s19] =	ssyncset.done $0x0  }
0x32: {  	[sflag:s19] =	ssyncadd.s32 $0xFFFFFC00  }
0x33: {  	[spmem:s2] =	stream.indirect.scatter.add.f32 [tilespmem:s18], [sflag:$0x1], $0x80, s4, s20, $0xb8;
	[tilespmem:$0x18000] =	vst v63  }
0x34: {  	_ =	swait.ge [sflag:s19], $0x4000  }
0x35: {  	[sflag:s19] =	ssyncset.done $0x0  }
0x36: {  	[sflag:s19] =	ssyncadd.s32 $0xFFFFC000  }
0x37: {  	[spmem:s2] =	stream.indirect.scatter.add.f32 [tilespmem:s18], [sflag:$0x1], $0x80, s20, s20, $0xb8;
	[tilespmem:$0x18000] =	vst v63  }
0x38: {  	_ =	swait.ge [sflag:s19], $0x4000  }
0x39: {  	[sflag:s19] =	ssyncset.done $0x0  }
0x3a: {  	[sflag:s19] =	ssyncadd.s32 $0xFFFFC000  }
0x3b: {  	[spmem:s2] =	stream.indirect.scatter.add.f32 [tilespmem:s18], [sflag:$0x1], $0x80, s21, s20, $0xb8;
	[tilespmem:$0x18000] =	vst v63  }
0x3c: {  	_ =	swait.ge [sflag:s19], $0x4000  }
0x3d: {  	[sflag:s19] =	ssyncset.done $0x0  }
0x3e: {  	[sflag:s19] =	ssyncadd.s32 $0xFFFFC000  }
0x3f: {  	[spmem:s2] =	stream.indirect.scatter.add.f32 [tilespmem:s18], [sflag:$0x1], $0x80, s22, s20, $0xb8;
	[tilespmem:$0x18000] =	vst v63  }
0x40: {  	_ =	swait.ge [sflag:s19], $0x4000  }
0x41: {  	[sflag:s19] =	ssyncset.done $0x0  }
0x42: {  	[sflag:s19] =	ssyncadd.s32 $0xFFFFC000  }
0x43: {  	[spmem:s2] =	stream.indirect.scatter.add.f32 [tilespmem:s18], [sflag:$0x1], $0x80, s23, s20, $0xb8;
	[tilespmem:$0x18000] =	vst v63  }
0x44: {  	_ =	swait.ge [sflag:s19], $0x4000  }
0x45: {  	[sflag:s19] =	ssyncset.done $0x0  }
0x46: {  	[sflag:s19] =	ssyncadd.s32 $0xFFFFC000  }
0x47: {  	[spmem:s2] =	stream.indirect.scatter.add.f32 [tilespmem:s18], [sflag:$0x1], $0x80, s24, s20, $0xb8;
	[tilespmem:$0x18000] =	vst v63  }
0x48: {  	_ =	swait.ge [sflag:s19], $0x4000  }
0x49: {  	[sflag:s19] =	ssyncset.done $0x0  }
0x4a: {  	[sflag:s19] =	ssyncadd.s32 $0xFFFFC000  }
0x4b: {  	[spmem:s2] =	stream.indirect.scatter.add.f32 [tilespmem:s18], [sflag:$0x1], $0x80, s25, s20, $0xb8;
	[tilespmem:$0x18000] =	vst v63  }
0x4c: {  	_ =	swait.ge [sflag:s19], $0x4000  }
0x4d: {  	[sflag:s19] =	ssyncset.done $0x0  }
0x4e: {  	[sflag:s19] =	ssyncadd.s32 $0xFFFFC000  }
0x4f: {  	[spmem:s2] =	stream.indirect.scatter.add.f32 [tilespmem:s18], [sflag:$0x1], $0x80, s26, s20, $0xb8;
	[tilespmem:$0x18000] =	vst v63  }
0x50: {  	_ =	swait.ge [sflag:s19], $0x4000  }
0x51: {  	s31 =	simm.s32 $0x100;
	s29 =	simm.s32 $0x80;
	[sflag:s19] =	ssyncset.done $0x0  }
.LBB2_2:
0x52: {  	s0 =	sadd.s32 s29, s17  }
0x53: {  	[sflag:s19] =	ssyncadd.s32 $0xFFFFC000;
	s29 =	smov.u32 s31;
	s30 =	sadd.s32 $0x80, s31  }
0x54: {  	[tilespmem:s4], [sflag:$0x1] =	stream.linear.gather [hbm4b:s0+s4], $0x400, $0x38;
	[tilespmem:$0x18000] =	vst v63  }
0x55: {  	p0 =	sne.s32 s31, $0x480;
	_ =	swait.ge [sflag:s19], $0x400  }
0x56: {  	[sflag:s19] =	ssyncset.done $0x0  }
0x57: {  	[sflag:s19] =	ssyncadd.s32 $0xFFFFFC00  }
0x58: {  	[spmem:s2] =	stream.indirect.scatter.add.f32 [tilespmem:s18], [sflag:$0x1], $0x80, s4, s20, $0xb8;
	[tilespmem:$0x18000] =	vst v63  }
0x59: {  	_ =	swait.ge [sflag:s19], $0x4000  }
0x5a: {  	[sflag:s19] =	ssyncset.done $0x0  }
0x5b: {  	[sflag:s19] =	ssyncadd.s32 $0xFFFFC000  }
0x5c: {  	[spmem:s2] =	stream.indirect.scatter.add.f32 [tilespmem:s18], [sflag:$0x1], $0x80, s20, s20, $0xb8;
	[tilespmem:$0x18000] =	vst v63  }
0x5d: {  	_ =	swait.ge [sflag:s19], $0x4000  }
0x5e: {  	[sflag:s19] =	ssyncset.done $0x0  }
0x5f: {  	[sflag:s19] =	ssyncadd.s32 $0xFFFFC000  }
0x60: {  	[spmem:s2] =	stream.indirect.scatter.add.f32 [tilespmem:s18], [sflag:$0x1], $0x80, s21, s20, $0xb8;
	[tilespmem:$0x18000] =	vst v63  }
0x61: {  	_ =	swait.ge [sflag:s19], $0x4000  }
0x62: {  	[sflag:s19] =	ssyncset.done $0x0  }
0x63: {  	[sflag:s19] =	ssyncadd.s32 $0xFFFFC000  }
0x64: {  	[spmem:s2] =	stream.indirect.scatter.add.f32 [tilespmem:s18], [sflag:$0x1], $0x80, s22, s20, $0xb8;
	[tilespmem:$0x18000] =	vst v63  }
0x65: {  	_ =	swait.ge [sflag:s19], $0x4000  }
0x66: {  	[sflag:s19] =	ssyncset.done $0x0  }
0x67: {  	[sflag:s19] =	ssyncadd.s32 $0xFFFFC000  }
0x68: {  	[spmem:s2] =	stream.indirect.scatter.add.f32 [tilespmem:s18], [sflag:$0x1], $0x80, s23, s20, $0xb8;
	[tilespmem:$0x18000] =	vst v63  }
0x69: {  	_ =	swait.ge [sflag:s19], $0x4000  }
0x6a: {  	[sflag:s19] =	ssyncset.done $0x0  }
0x6b: {  	[sflag:s19] =	ssyncadd.s32 $0xFFFFC000  }
0x6c: {  	[spmem:s2] =	stream.indirect.scatter.add.f32 [tilespmem:s18], [sflag:$0x1], $0x80, s24, s20, $0xb8;
	[tilespmem:$0x18000] =	vst v63  }
0x6d: {  	_ =	swait.ge [sflag:s19], $0x4000  }
0x6e: {  	[sflag:s19] =	ssyncset.done $0x0  }
0x6f: {  	[sflag:s19] =	ssyncadd.s32 $0xFFFFC000  }
0x70: {  	[spmem:s2] =	stream.indirect.scatter.add.f32 [tilespmem:s18], [sflag:$0x1], $0x80, s25, s20, $0xb8;
	[tilespmem:$0x18000] =	vst v63  }
0x71: {  	_ =	swait.ge [sflag:s19], $0x4000  }
.Ltmp0:
0x72: {  	[sflag:s19] =	ssyncset.done $0x0;
	(pc) =	sbr.rel @p0 .LBB2_2-.Ltmp0, $4  }
0x73: {  	[sflag:s19] =	ssyncadd.s32 $0xFFFFC000  }
0x74: {  	[spmem:s2] =	stream.indirect.scatter.add.f32 [tilespmem:s18], [sflag:$0x1], $0x80, s26, s20, $0xb8;
	[tilespmem:$0x18000] =	vst v63  }
0x75: {  	_ =	swait.ge [sflag:s19], $0x4000  }
0x76: {  	s31 =	smov.u32 s30;
	[sflag:s19] =	ssyncset.done $0x0  }
0x77: {  	s0 =	sadd.s32 s29, s17;
	[sflag:s19] =	ssyncadd.s32 $0xFFFFC000  }
0x78: {  	[tilespmem:s4], [sflag:$0x1] =	stream.linear.gather [hbm4b:s0+s4], $0x400, $0x38;
	[tilespmem:$0x18000] =	vst v63  }
0x79: {  	_ =	swait.ge [sflag:s19], $0x400  }
0x7a: {  	[sflag:s19] =	ssyncset.done $0x0  }
0x7b: {  	[sflag:s19] =	ssyncadd.s32 $0xFFFFFC00  }
0x7c: {  	[spmem:s2] =	stream.indirect.scatter.add.f32 [tilespmem:s18], [sflag:$0x1], $0x80, s4, s20, $0xb8;
	[tilespmem:$0x18000] =	vst v63  }
0x7d: {  	_ =	swait.ge [sflag:s19], $0x4000  }
0x7e: {  	[sflag:s19] =	ssyncset.done $0x0  }
0x7f: {  	[sflag:s19] =	ssyncadd.s32 $0xFFFFC000  }
0x80: {  	[spmem:s2] =	stream.indirect.scatter.add.f32 [tilespmem:s18], [sflag:$0x1], $0x80, s20, s20, $0xb8;
	[tilespmem:$0x18000] =	vst v63  }
0x81: {  	_ =	swait.ge [sflag:s19], $0x4000  }
0x82: {  	[sflag:s19] =	ssyncset.done $0x0  }
0x83: {  	[sflag:s19] =	ssyncadd.s32 $0xFFFFC000  }
0x84: {  	[spmem:s2] =	stream.indirect.scatter.add.f32 [tilespmem:s18], [sflag:$0x1], $0x80, s21, s20, $0xb8;
	[tilespmem:$0x18000] =	vst v63  }
0x85: {  	_ =	swait.ge [sflag:s19], $0x4000  }
0x86: {  	[sflag:s19] =	ssyncset.done $0x0  }
0x87: {  	[sflag:s19] =	ssyncadd.s32 $0xFFFFC000  }
0x88: {  	[spmem:s2] =	stream.indirect.scatter.add.f32 [tilespmem:s18], [sflag:$0x1], $0x80, s22, s20, $0xb8;
	[tilespmem:$0x18000] =	vst v63  }
0x89: {  	_ =	swait.ge [sflag:s19], $0x4000  }
0x8a: {  	[sflag:s19] =	ssyncset.done $0x0  }
0x8b: {  	[sflag:s19] =	ssyncadd.s32 $0xFFFFC000  }
0x8c: {  	[spmem:s2] =	stream.indirect.scatter.add.f32 [tilespmem:s18], [sflag:$0x1], $0x80, s23, s20, $0xb8;
	[tilespmem:$0x18000] =	vst v63  }
0x8d: {  	_ =	swait.ge [sflag:s19], $0x4000  }
0x8e: {  	[sflag:s19] =	ssyncset.done $0x0  }
0x8f: {  	[sflag:s19] =	ssyncadd.s32 $0xFFFFC000  }
0x90: {  	[spmem:s2] =	stream.indirect.scatter.add.f32 [tilespmem:s18], [sflag:$0x1], $0x80, s24, s20, $0xb8;
	[tilespmem:$0x18000] =	vst v63  }
0x91: {  	_ =	swait.ge [sflag:s19], $0x4000  }
0x92: {  	[sflag:s19] =	ssyncset.done $0x0  }
0x93: {  	[sflag:s19] =	ssyncadd.s32 $0xFFFFC000  }
0x94: {  	[spmem:s2] =	stream.indirect.scatter.add.f32 [tilespmem:s18], [sflag:$0x1], $0x80, s25, s20, $0xb8;
	[tilespmem:$0x18000] =	vst v63  }
0x95: {  	_ =	swait.ge [sflag:s19], $0x4000  }
0x96: {  	[sflag:s19] =	ssyncset.done $0x0  }
0x97: {  	[sflag:s19] =	ssyncadd.s32 $0xFFFFC000  }
0x98: {  	[spmem:s2] =	stream.indirect.scatter.add.f32 [tilespmem:s18], [sflag:$0x1], $0x80, s26, s20, $0xb8;
	[tilespmem:$0x18000] =	vst v63  }
0x99: {  	_ =	swait.ge [sflag:s19], $0x4000  }
0x9a: {  	[sflag:s19] =	ssyncset.done $0x0  }
0x9b: {  	[sflag:s19] =	ssyncadd.s32 $0xFFFFC000  }
0x9c: {  	[bflag:$0x0] =	sbarrier.arrive $0xFFFF  }
0x9d: {  	[tilespmem:s18], [sflag:$0x1] =	stream.linear.gather [spmem:s6], $0x4000, $0x38;
	[tilespmem:$0x18000] =	vst v63  }
0x9e: {  	_ =	swait.ge [sflag:s19], $0x4000  }
0x9f: {  	[sflag:s19] =	ssyncset.done $0x0  }
0xa0: {  	[sflag:s19] =	ssyncadd.s32 $0xFFFFC000  }
0xa1: {  	[hbm4b:s11+s4] =	stream.linear.scatter [tilespmem:s18], [sflag:$0x1], $0x4000, $0x38;
	[tilespmem:$0x18000] =	vst v63  }
0xa2: {  	_ =	swait.ge [sflag:s19], $0x4000  }
0xa3: {  	[sflag:s19] =	ssyncset.done $0x0  }
0xa4: {  	[sflag:s19] =	ssyncadd.s32 $0xFFFFC000  }
0xa5: {  	[tilespmem:s18], [sflag:$0x1] =	stream.linear.gather [spmem:s7], $0x4000, $0x38;
	[tilespmem:$0x18000] =	vst v63  }
0xa6: {  	_ =	swait.ge [sflag:s19], $0x4000  }
0xa7: {  	[sflag:s19] =	ssyncset.done $0x0  }
0xa8: {  	[sflag:s19] =	ssyncadd.s32 $0xFFFFC000  }
0xa9: {  	[hbm4b:s12+s4] =	stream.linear.scatter [tilespmem:s18], [sflag:$0x1], $0x4000, $0x38;
	[tilespmem:$0x18000] =	vst v63  }
0xaa: {  	_ =	swait.ge [sflag:s19], $0x4000  }
0xab: {  	[sflag:s19] =	ssyncset.done $0x0  }
0xac: {  	[sflag:s19] =	ssyncadd.s32 $0xFFFFC000  }
0xad: {  	[tilespmem:s18], [sflag:$0x1] =	stream.linear.gather [spmem:s8], $0x4000, $0x38;
	[tilespmem:$0x18000] =	vst v63  }
0xae: {  	_ =	swait.ge [sflag:s19], $0x4000  }
0xaf: {  	[sflag:s19] =	ssyncset.done $0x0  }
0xb0: {  	[sflag:s19] =	ssyncadd.s32 $0xFFFFC000  }
0xb1: {  	[hbm4b:s13+s4] =	stream.linear.scatter [tilespmem:s18], [sflag:$0x1], $0x4000, $0x38;
	[tilespmem:$0x18000] =	vst v63  }
0xb2: {  	_ =	swait.ge [sflag:s19], $0x4000  }
0xb3: {  	[sflag:s19] =	ssyncset.done $0x0  }
0xb4: {  	[sflag:s19] =	ssyncadd.s32 $0xFFFFC000  }
0xb5: {  	[tilespmem:s18], [sflag:$0x1] =	stream.linear.gather [spmem:s9], $0x4000, $0x38;
	[tilespmem:$0x18000] =	vst v63  }
0xb6: {  	_ =	swait.ge [sflag:s19], $0x4000  }
0xb7: {  	[sflag:s19] =	ssyncset.done $0x0  }
0xb8: {  	[sflag:s19] =	ssyncadd.s32 $0xFFFFC000  }
0xb9: {  	[hbm4b:s14+s4] =	stream.linear.scatter [tilespmem:s18], [sflag:$0x1], $0x4000, $0x38;
	[tilespmem:$0x18000] =	vst v63  }
0xba: {  	_ =	swait.ge [sflag:s19], $0x4000  }
0xbb: {  	[sflag:s19] =	ssyncset.done $0x0  }
0xbc: {  	[sflag:s19] =	ssyncadd.s32 $0xFFFFC000  }
0xbd: {  	[tilespmem:s18], [sflag:$0x1] =	stream.linear.gather [spmem:s10], $0x4000, $0x38;
	[tilespmem:$0x18000] =	vst v63  }
0xbe: {  	s28 =	sadd.s32 $0x1, s28;
	_ =	swait.ge [sflag:s19], $0x4000  }
0xbf: {  	p0 =	sne.s32 s28, s16;
	[sflag:s19] =	ssyncset.done $0x0  }
.Ltmp1:
0xc0: {  	[sflag:s19] =	ssyncadd.s32 $0xFFFFC000;
	(pc) =	sbr.rel @p0 .LBB2_1-.Ltmp1, $4  }
0xc1: {  	[hbm4b:s15+s4] =	stream.linear.scatter [tilespmem:s18], [sflag:$0x1], $0x4000, $0x38;
	[tilespmem:$0x18000] =	vst v63  }
0xc2: {  	_ =	swait.ge [sflag:s19], $0x4000  }
0xc3: {  	[sflag:s19] =	ssyncset.done $0x0  }
0xc4: {  	[sflag:s19] =	ssyncadd.s32 $0xFFFFC000  }
0xc5: {  	_ =	sfence.sel $0x180000  }
0xc6: {  	[bflag:$0x0] =	sbarrier.arrive $0xFFFF  }
0xc7: {  	_ =	strace $0x9000004A  }
0xc8: {  	[bflag:$0x2] =	sbarrier.arrive $0xFFFF  }
0xc9: {  	p0 =	sne.s32 s3, $0x0;
	s0 =	rddreg [dreg:$0x3]  }
0xca: {  	s0 =	sadd.s32 @!p0 $0x100000, s0  }
0xcb: {  	[sflag:s0] =	ssyncadd.tile.s32 @!p0 $0x1;
	_ =	shalt  }
.Lfunc_end2:
_tile_overlayer_lowered:
.L_overlay_start_2:
0xcc: {  	(tag) =	ssettag $0x2  }
0xcd: {  	s0 =	rddreg [dreg:$0x0];
	s2 =	stileid.u32  }
0xce: {  	s1 =	rddreg [dreg:$0x1];
	p0 =	sne.s32 s2, $0x0  }
0xcf: {  	s3 =	rddreg [dreg:$0x2];
	[bflag:$0x3] =	sbarrier.arrive $0xFFFF;
	s2 =	simm.s32 @!p0 $0x1C01  }
0xd0: {  	[timem:s3], [sflag:s2] =	dma.local @!p0 [hbm:s0], s1  }
0xd1: {  	s0 =	simm.s32 @!p0 $0x1  }
0xd2: {  	_ =	swait.ge @!p0 [sflag:s0], s1  }
0xd3: {  	s1 =	ssub.s32 @!p0 $0x0, s1;
	[sflag:s0] =	ssyncset.done @!p0 $0x0  }
0xd4: {  	[sflag:s0] =	ssyncadd.s32 @!p0 s1  }
0xd5: {  	[bflag:$0x3] =	sbarrier.arrive $0xFFFF  }
0xd6: {  	_ =	shalt  }

</sc_bundles>
